<compile_context>
chip_gen: v7x
topology: tpu7x:2x2x1
jax: 0.10.2.dev20260603
libtpu: 0.0.44.dev20260713+nightly
codegen_flags: <defaults>
</compile_context>

<pallas_src>
import functools

import jax
import jax.numpy as jnp
from jax import lax
from jax.experimental import pallas as pl
from jax.experimental.pallas import tpu as pltpu
from jax.experimental.pallas import tpu_sc as plsc

MOD_FEAT = 109
OUT_FEATURES = 256
HIDDEN = OUT_FEATURES - MOD_FEAT
N = 128
TW = 160
RT = N // 8
NK = 7


def _make_sc_kernel(B, L, V, NC, NS):
    NW = NC * NS
    b_per_w = B // NW
    CH = b_per_w // N
    assert CH % 2 == 0
    mesh = plsc.VectorSubcoreMesh(core_axis_name="c", subcore_axis_name="s")

    @functools.partial(
        pl.kernel,
        mesh=mesh,
        out_type=jax.ShapeDtypeStruct((L, B // 8, 2, 8, 128), jnp.float32),
        scratch_types=(
            [pltpu.VMEM((N,), jnp.int32) for _ in range(2)]
            + [pltpu.VMEM((N, TW), jnp.float32)]
            + [pltpu.VMEM((RT, 2, 8, 128), jnp.float32) for _ in range(2)]
            + [pltpu.VMEM((MOD_FEAT, N + 1), jnp.float32) for _ in range(2)]
            + [pltpu.VMEM((NK, 16), jnp.int32),
               pltpu.VMEM_SHARED((V, TW), jnp.float32)]
            + [pltpu.SemaphoreType.DMA for _ in range(7)]
        ),
        compiler_params=pltpu.CompilerParams(use_tc_tiling_on_sc=False,
                                             needs_layout_passes=False),
    )
    def sc_k(idx_hbm, mod_hbm, table_hbm, out_hbm,
             idx_v0, idx_v1, gath_v, out_v0, out_v1, mod_v0, mod_v1,
             ridx_v, tab_sh, i_s0, i_s1, m_s0, m_s1, g_s, w_s0, w_s1):
        cid = lax.axis_index("c")
        sid = lax.axis_index("s")
        wid = sid * NC + cid
        bw0 = wid * b_per_w

        idx_v = [idx_v0, idx_v1]
        mod_v = [mod_v0, mod_v1]
        out_v = [out_v0, out_v1]
        i_s = [i_s0, i_s1]
        m_s = [m_s0, m_s1]
        w_s = [w_s0, w_s1]

        @pl.when(sid == 0)
        def _():
            pltpu.sync_copy(table_hbm, tab_sh)
        iota = lax.iota(jnp.int32, 16)
        for k in range(NK):
            ridx_v[k] = iota + min(16 * k, MOD_FEAT - 16)
        plsc.subcore_barrier()

        def copy_table(out_t):
            def f(i, carry):
                for u in range(2):
                    b = i * 2 + u
                    rt = b // 8
                    sl = b % 8
                    row = gath_v.at[b]
                    d0 = out_t.at[rt, 0, sl]
                    for k in range(8):
                        d0[pl.ds(16 * k, 16)] = row[pl.ds(16 * k, 16)]
                    d1 = out_t.at[rt, 1, sl]
                    d1[pl.ds(0, 16)] = row[pl.ds(128, 16)]
                    d1[pl.ds(3, 16)] = row[pl.ds(HIDDEN - 16, 16)]
                return carry
            lax.fori_loop(0, N // 2, f, 0)

        def copy_mod(mod_t, out_t):
            rows = tuple(ridx_v[k] for k in range(NK))

            def f(i, carry):
                for u in range(2):
                    b = i * 2 + u
                    rt = b // 8
                    sl = b % 8
                    cols = jnp.full((16,), b, jnp.int32)
                    d1 = out_t.at[rt, 1, sl]
                    for k in range(NK):
                        vals = plsc.load_gather(mod_t, [carry[k], cols])
                        d1[pl.ds(HIDDEN - 128 + min(16 * k, MOD_FEAT - 16), 16)] = vals
                return carry
            lax.fori_loop(0, N // 2, f, rows)

        def step(l, c):
            si = c % 2
            b0 = bw0 + c * N
            rt0 = b0 // 8
            pltpu.make_async_copy(tab_sh.at[idx_v[si]], gath_v, g_s).wait()
            pltpu.make_async_copy(
                mod_hbm.at[l, :, pl.ds(b0, N)],
                mod_v[si].at[:, pl.ds(0, N)], m_s[si]).wait()

            def wait_write():
                pltpu.make_async_copy(
                    out_v[si], out_hbm.at[l, pl.ds(rt0, RT)], w_s[si]).wait()
            if c >= 2:
                wait_write()
            else:
                pl.when(l >= 1)(wait_write)

            copy_table(out_v[si])

            c1 = c + 1
            l1 = l + c1 // CH

            def issue_gather():
                pltpu.make_async_copy(
                    idx_hbm.at[l1, pl.ds(bw0 + (c1 % CH) * N, N)],
                    idx_v[c1 % 2], i_s[c1 % 2]).wait()
                pltpu.async_copy(tab_sh.at[idx_v[c1 % 2]], gath_v, g_s)
            if c == CH - 1:
                pl.when(l <= L - 2)(issue_gather)
            else:
                issue_gather()

            copy_mod(mod_v[si], out_v[si])
            pltpu.async_copy(out_v[si], out_hbm.at[l, pl.ds(rt0, RT)], w_s[si])

            c2 = c + 2
            l2 = l + c2 // CH

            def prefetch():
                b2 = bw0 + (c2 % CH) * N
                pltpu.async_copy(
                    idx_hbm.at[l2, pl.ds(b2, N)], idx_v[si], i_s[si])
                pltpu.async_copy(
                    mod_hbm.at[l2, :, pl.ds(b2, N)],
                    mod_v[si].at[:, pl.ds(0, N)], m_s[si])
            if c >= CH - 2:
                pl.when(l <= L - 2)(prefetch)
            else:
                prefetch()

        pltpu.async_copy(idx_hbm.at[0, pl.ds(bw0, N)], idx_v0, i_s0)
        pltpu.async_copy(mod_hbm.at[0, :, pl.ds(bw0, N)],
                         mod_v0.at[:, pl.ds(0, N)], m_s0)
        pltpu.async_copy(idx_hbm.at[0, pl.ds(bw0 + N, N)], idx_v1, i_s1)
        pltpu.async_copy(mod_hbm.at[0, :, pl.ds(bw0 + N, N)],
                         mod_v1.at[:, pl.ds(0, N)], m_s1)
        pltpu.make_async_copy(idx_hbm.at[0, pl.ds(bw0, N)], idx_v0, i_s0).wait()
        pltpu.async_copy(tab_sh.at[idx_v0], gath_v, g_s)

        def plane(l, carry):
            for c in range(CH):
                step(l, c)
            return carry

        lax.fori_loop(0, L, plane, 0)
        for c in range(CH - 2, CH):
            pltpu.make_async_copy(
                out_v[c % 2],
                out_hbm.at[L - 1, pl.ds((bw0 + c * N) // 8, RT)],
                w_s[c % 2]).wait()

    return sc_k


def kernel(aa_indices, mod_x, table):
    B, L = aa_indices.shape
    idx_t = jnp.transpose(aa_indices.astype(jnp.int32), (1, 0))
    mod_t = jnp.transpose(mod_x, (1, 2, 0))
    table0 = jnp.zeros((table.shape[0], TW), table.dtype)
    table0 = table0.at[1:, :HIDDEN].set(table[1:])

    info = plsc.get_sparse_core_info()
    sc_k = _make_sc_kernel(B, L, table.shape[0], info.num_cores,
                           info.num_subcores)
    out5 = sc_k(idx_t, mod_t, table0)
    return jnp.transpose(out5, (1, 3, 0, 2, 4)).reshape(B, L, OUT_FEATURES)

# --- scband reference (transcript-rebuilt; emitter-appended) ---
"""Pipeline reference for scband-input-aaembedding-73246372266360 (READ-ONLY COPY).

The authoritative reference and input builder live on the scoring server;
editing this copy changes nothing except your own understanding.
"""

import jax, jax.numpy as jnp
import numpy as np

AA_VOCAB = 27
MOD_FEAT = 109
OUT_FEATURES = 256
HIDDEN = OUT_FEATURES - MOD_FEAT  # 147
B, L = 16384, 50


def setup_inputs(seed: int = 0) -> dict:
    key = jax.random.key(seed)
    k1, k2, k3 = jax.random.split(key, 3)
    aa_indices = jax.random.randint(k1, (B, L), 0, AA_VOCAB, dtype=jnp.int64 if jax.config.jax_enable_x64 else jnp.int32)
    mod_x = jax.random.normal(k2, (B, L, MOD_FEAT), dtype=jnp.float32)
    table = jax.random.normal(k3, (AA_VOCAB, HIDDEN), dtype=jnp.float32) * 0.02
    table = table.at[0].set(0.0)  # padding_idx=0
    return {"aa_indices": aa_indices, "mod_x": mod_x, "table": table}


def reference(aa_indices, mod_x, table):
    # torch.nn.Embedding with padding_idx=0: row 0 forced to zero
    table_eff = table.at[0].set(0.0)
    aa_x = jnp.take(table_eff, aa_indices, axis=0)  # [B, L, HIDDEN]
    return jnp.concatenate((aa_x, mod_x), axis=2)  # [B, L, OUT_FEATURES]

if __name__ == "__main__":
    import jax
    _d = setup_inputs()
    print(jax.jit(kernel)(*tuple(_d.values())))

</pallas_src>

<mosaic_0001>
#map = affine_map<(d0, d1) -> (0, 0)>
#map1 = affine_map<(d0, d1) -> (0, 0, 0)>
#map2 = affine_map<(d0, d1) -> (0, 0, 0, 0, 0)>
module attributes {stable_mosaic.version = 14 : i64} {
  func.func @sc_k(%arg0: i32, %arg1: i32, %arg2: memref<50x16384xi32, #tpu.memory_space<hbm>>, %arg3: memref<50x109x16384xf32, #tpu.memory_space<hbm>>, %arg4: memref<27x160xf32, #tpu.memory_space<hbm>>, %arg5: memref<50x2048x2x8x128xf32, #tpu.memory_space<hbm>>, %arg6: memref<128xi32, #tpu.memory_space<vmem>>, %arg7: memref<128xi32, #tpu.memory_space<vmem>>, %arg8: memref<128x160xf32, #tpu.memory_space<vmem>>, %arg9: memref<16x2x8x128xf32, #tpu.memory_space<vmem>>, %arg10: memref<16x2x8x128xf32, #tpu.memory_space<vmem>>, %arg11: memref<109x129xf32, #tpu.memory_space<vmem>>, %arg12: memref<109x129xf32, #tpu.memory_space<vmem>>, %arg13: memref<7x16xi32, #tpu.memory_space<vmem>>, %arg14: memref<27x160xf32, #tpu.memory_space<vmem_shared>>, %arg15: memref<!tpu.dma_semaphore, #tpu.memory_space<semaphore_mem>>, %arg16: memref<!tpu.dma_semaphore, #tpu.memory_space<semaphore_mem>>, %arg17: memref<!tpu.dma_semaphore, #tpu.memory_space<semaphore_mem>>, %arg18: memref<!tpu.dma_semaphore, #tpu.memory_space<semaphore_mem>>, %arg19: memref<!tpu.dma_semaphore, #tpu.memory_space<semaphore_mem>>, %arg20: memref<!tpu.dma_semaphore, #tpu.memory_space<semaphore_mem>>, %arg21: memref<!tpu.dma_semaphore, #tpu.memory_space<semaphore_mem>>) attributes {dimension_semantics = [#tpu.dimension_semantics<core_parallel>, #tpu.dimension_semantics<subcore_parallel>], iteration_bounds = array<i64: 2, 16>, scalar_prefetch = 0 : i64, scratch_operands = 16 : i64, tpu.core_type = #tpu.core_type<sc_vector_subcore>, window_params = [{transform_indices = #map}, {transform_indices = #map1}, {transform_indices = #map}, {transform_indices = #map2}]} {
    %mul3A = arith.constant 2 : i32
    %mul3A_0 = arith.muli %arg1, %mul3A : i32
    %add3A = arith.addi %mul3A_0, %arg0 : i32
    %mul3A_1 = arith.constant 512 : i32
    %mul3A_2 = arith.muli %add3A, %mul3A_1 : i32
    %eq3A = arith.constant 0 : i32
    %eq3A_3 = arith.cmpi eq, %arg1, %eq3A : i32
    %convert_element_type3A = arith.extui %eq3A_3 : i1 to i32
    %cond3A = arith.constant 0 : i32
    %cond3A_4 = arith.cmpi ne, %convert_element_type3A, %cond3A : i32
    scf.if %cond3A_4 {
      "tpu.region"() ({
        %run_scoped3A = tpu.sem_alloc : memref<!tpu.dma_semaphore, #tpu.memory_space<semaphore_mem>>
        tpu.enqueue_dma source(%arg4 : memref<27x160xf32, #tpu.memory_space<hbm>>) target(%arg14 : memref<27x160xf32, #tpu.memory_space<vmem_shared>>) target_semaphore(%run_scoped3A : memref<!tpu.dma_semaphore, #tpu.memory_space<semaphore_mem>>)
        tpu.wait_dma2 semaphore(%run_scoped3A : memref<!tpu.dma_semaphore, #tpu.memory_space<semaphore_mem>>) src(%arg4 : memref<27x160xf32, #tpu.memory_space<hbm>>) dst(%arg14 : memref<27x160xf32, #tpu.memory_space<vmem_shared>>)
        tpu.yield
      }) : () -> ()
    } else {
    }
    %iota3A = tpu.iota {dimensions = array<i32: 0>} : vector<16xi32>
    %add3A_5 = arith.constant 0 : i32
    %add3A_6 = vector.broadcast %add3A_5 : i32 to vector<16xi32>
    %add3A_7 = arith.addi %iota3A, %add3A_6 : vector<16xi32>
    %swap3A = arith.constant 0 : i32
    %swap3A_8 = arith.index_cast %swap3A : i32 to index
    %swap3A_9 = arith.constant 0 : index
    %swap3A_10 = tpu.vector_load %arg13[%swap3A_8, %swap3A_9] {strides = array<i32>} : memref<7x16xi32, #tpu.memory_space<vmem>>, vector<16xi32>,
    tpu.vector_store %arg13[%swap3A_8, %swap3A_9], %add3A_7 {strides = array<i32>} : memref<7x16xi32, #tpu.memory_space<vmem>>, vector<16xi32>,
    %add3A_11 = arith.constant 16 : i32
    %add3A_12 = vector.broadcast %add3A_11 : i32 to vector<16xi32>
    %add3A_13 = arith.addi %iota3A, %add3A_12 : vector<16xi32>
    %swap3A_14 = arith.constant 1 : i32
    %swap3A_15 = arith.index_cast %swap3A_14 : i32 to index
    %swap3A_16 = arith.constant 0 : index
    %swap3A_17 = tpu.vector_load %arg13[%swap3A_15, %swap3A_16] {strides = array<i32>} : memref<7x16xi32, #tpu.memory_space<vmem>>, vector<16xi32>,
    tpu.vector_store %arg13[%swap3A_15, %swap3A_16], %add3A_13 {strides = array<i32>} : memref<7x16xi32, #tpu.memory_space<vmem>>, vector<16xi32>,
    %add3A_18 = arith.constant 32 : i32
    %add3A_19 = vector.broadcast %add3A_18 : i32 to vector<16xi32>
    %add3A_20 = arith.addi %iota3A, %add3A_19 : vector<16xi32>
    %swap3A_21 = arith.constant 2 : i32
    %swap3A_22 = arith.index_cast %swap3A_21 : i32 to index
    %swap3A_23 = arith.constant 0 : index
    %swap3A_24 = tpu.vector_load %arg13[%swap3A_22, %swap3A_23] {strides = array<i32>} : memref<7x16xi32, #tpu.memory_space<vmem>>, vector<16xi32>,
    tpu.vector_store %arg13[%swap3A_22, %swap3A_23], %add3A_20 {strides = array<i32>} : memref<7x16xi32, #tpu.memory_space<vmem>>, vector<16xi32>,
    %add3A_25 = arith.constant 48 : i32
    %add3A_26 = vector.broadcast %add3A_25 : i32 to vector<16xi32>
    %add3A_27 = arith.addi %iota3A, %add3A_26 : vector<16xi32>
    %swap3A_28 = arith.constant 3 : i32
    %swap3A_29 = arith.index_cast %swap3A_28 : i32 to index
    %swap3A_30 = arith.constant 0 : index
    %swap3A_31 = tpu.vector_load %arg13[%swap3A_29, %swap3A_30] {strides = array<i32>} : memref<7x16xi32, #tpu.memory_space<vmem>>, vector<16xi32>,
    tpu.vector_store %arg13[%swap3A_29, %swap3A_30], %add3A_27 {strides = array<i32>} : memref<7x16xi32, #tpu.memory_space<vmem>>, vector<16xi32>,
    %add3A_32 = arith.constant 64 : i32
    %add3A_33 = vector.broadcast %add3A_32 : i32 to vector<16xi32>
    %add3A_34 = arith.addi %iota3A, %add3A_33 : vector<16xi32>
    %swap3A_35 = arith.constant 4 : i32
    %swap3A_36 = arith.index_cast %swap3A_35 : i32 to index
    %swap3A_37 = arith.constant 0 : index
    %swap3A_38 = tpu.vector_load %arg13[%swap3A_36, %swap3A_37] {strides = array<i32>} : memref<7x16xi32, #tpu.memory_space<vmem>>, vector<16xi32>,
    tpu.vector_store %arg13[%swap3A_36, %swap3A_37], %add3A_34 {strides = array<i32>} : memref<7x16xi32, #tpu.memory_space<vmem>>, vector<16xi32>,
    %add3A_39 = arith.constant 80 : i32
    %add3A_40 = vector.broadcast %add3A_39 : i32 to vector<16xi32>
    %add3A_41 = arith.addi %iota3A, %add3A_40 : vector<16xi32>
    %swap3A_42 = arith.constant 5 : i32
    %swap3A_43 = arith.index_cast %swap3A_42 : i32 to index
    %swap3A_44 = arith.constant 0 : index
    %swap3A_45 = tpu.vector_load %arg13[%swap3A_43, %swap3A_44] {strides = array<i32>} : memref<7x16xi32, #tpu.memory_space<vmem>>, vector<16xi32>,
    tpu.vector_store %arg13[%swap3A_43, %swap3A_44], %add3A_41 {strides = array<i32>} : memref<7x16xi32, #tpu.memory_space<vmem>>, vector<16xi32>,
    %add3A_46 = arith.constant 93 : i32
    %add3A_47 = vector.broadcast %add3A_46 : i32 to vector<16xi32>
    %add3A_48 = arith.addi %iota3A, %add3A_47 : vector<16xi32>
    %swap3A_49 = arith.constant 6 : i32
    %swap3A_50 = arith.index_cast %swap3A_49 : i32 to index
    %swap3A_51 = arith.constant 0 : index
    %swap3A_52 = tpu.vector_load %arg13[%swap3A_50, %swap3A_51] {strides = array<i32>} : memref<7x16xi32, #tpu.memory_space<vmem>>, vector<16xi32>,
    tpu.vector_store %arg13[%swap3A_50, %swap3A_51], %add3A_48 {strides = array<i32>} : memref<7x16xi32, #tpu.memory_space<vmem>>, vector<16xi32>,
    %barrier3A = arith.constant 0 : index
    tpu.barrier barrier_id(%barrier3A)
    %dma_start3A = arith.constant 0 : i32
    %dma_start3A_53 = tpu.memref_slice %arg2[%dma_start3A, %mul3A_2] : memref<50x16384xi32, #tpu.memory_space<hbm>> -> memref<1x128xi32, #tpu.memory_space<hbm>>
    %dma_start3A_54 = tpu.memref_squeeze %dma_start3A_53 : memref<1x128xi32, #tpu.memory_space<hbm>> -> memref<128xi32, #tpu.memory_space<hbm>>
    %dma_start3A_55 = tpu.memref_slice %arg2[%dma_start3A, %mul3A_2] : memref<50x16384xi32, #tpu.memory_space<hbm>> -> memref<1x128xi32, #tpu.memory_space<hbm>>
    %dma_start3A_56 = tpu.memref_squeeze %dma_start3A_55 : memref<1x128xi32, #tpu.memory_space<hbm>> -> memref<128xi32, #tpu.memory_space<hbm>>
    tpu.enqueue_dma source(%dma_start3A_56 : memref<128xi32, #tpu.memory_space<hbm>>) target(%arg6 : memref<128xi32, #tpu.memory_space<vmem>>) target_semaphore(%arg15 : memref<!tpu.dma_semaphore, #tpu.memory_space<semaphore_mem>>)
    %dma_start3A_57 = arith.constant 0 : i32
    %dma_start3A_58 = arith.constant 0 : i32
    %dma_start3A_59 = arith.constant 0 : i32
    %dma_start3A_60 = tpu.memref_slice %arg11[%dma_start3A_58, %dma_start3A_59] : memref<109x129xf32, #tpu.memory_space<vmem>> -> memref<109x128xf32, #tpu.memory_space<vmem>>
    %dma_start3A_61 = arith.constant 0 : i32
    %dma_start3A_62 = tpu.memref_slice %arg3[%dma_start3A_57, %dma_start3A_61, %mul3A_2] : memref<50x109x16384xf32, #tpu.memory_space<hbm>> -> memref<1x109x128xf32, #tpu.memory_space<hbm>>
    %dma_start3A_63 = tpu.memref_squeeze %dma_start3A_62 : memref<1x109x128xf32, #tpu.memory_space<hbm>> -> memref<109x128xf32, #tpu.memory_space<hbm>>
    %dma_start3A_64 = arith.constant 0 : i32
    %dma_start3A_65 = arith.constant 0 : i32
    %dma_start3A_66 = tpu.memref_slice %arg11[%dma_start3A_64, %dma_start3A_65] : memref<109x129xf32, #tpu.memory_space<vmem>> -> memref<109x128xf32, #tpu.memory_space<vmem>>
    %dma_start3A_67 = arith.constant 0 : i32
    %dma_start3A_68 = tpu.memref_slice %arg3[%dma_start3A_57, %dma_start3A_67, %mul3A_2] : memref<50x109x16384xf32, #tpu.memory_space<hbm>> -> memref<1x109x128xf32, #tpu.memory_space<hbm>>
    %dma_start3A_69 = tpu.memref_squeeze %dma_start3A_68 : memref<1x109x128xf32, #tpu.memory_space<hbm>> -> memref<109x128xf32, #tpu.memory_space<hbm>>
    tpu.enqueue_dma source(%dma_start3A_69 : memref<109x128xf32, #tpu.memory_space<hbm>>) target(%dma_start3A_66 : memref<109x128xf32, #tpu.memory_space<vmem>>) target_semaphore(%arg17 : memref<!tpu.dma_semaphore, #tpu.memory_space<semaphore_mem>>)
    %add3A_70 = arith.constant 128 : i32
    %add3A_71 = arith.addi %mul3A_2, %add3A_70 : i32
    %dma_start3A_72 = arith.constant 0 : i32
    %dma_start3A_73 = tpu.memref_slice %arg2[%dma_start3A_72, %add3A_71] : memref<50x16384xi32, #tpu.memory_space<hbm>> -> memref<1x128xi32, #tpu.memory_space<hbm>>
    %dma_start3A_74 = tpu.memref_squeeze %dma_start3A_73 : memref<1x128xi32, #tpu.memory_space<hbm>> -> memref<128xi32, #tpu.memory_space<hbm>>
    %dma_start3A_75 = tpu.memref_slice %arg2[%dma_start3A_72, %add3A_71] : memref<50x16384xi32, #tpu.memory_space<hbm>> -> memref<1x128xi32, #tpu.memory_space<hbm>>
    %dma_start3A_76 = tpu.memref_squeeze %dma_start3A_75 : memref<1x128xi32, #tpu.memory_space<hbm>> -> memref<128xi32, #tpu.memory_space<hbm>>
    tpu.enqueue_dma source(%dma_start3A_76 : memref<128xi32, #tpu.memory_space<hbm>>) target(%arg7 : memref<128xi32, #tpu.memory_space<vmem>>) target_semaphore(%arg16 : memref<!tpu.dma_semaphore, #tpu.memory_space<semaphore_mem>>)
    %add3A_77 = arith.constant 128 : i32
    %add3A_78 = arith.addi %mul3A_2, %add3A_77 : i32
    %dma_start3A_79 = arith.constant 0 : i32
    %dma_start3A_80 = arith.constant 0 : i32
    %dma_start3A_81 = arith.constant 0 : i32
    %dma_start3A_82 = tpu.memref_slice %arg12[%dma_start3A_80, %dma_start3A_81] : memref<109x129xf32, #tpu.memory_space<vmem>> -> memref<109x128xf32, #tpu.memory_space<vmem>>
    %dma_start3A_83 = arith.constant 0 : i32
    %dma_start3A_84 = tpu.memref_slice %arg3[%dma_start3A_79, %dma_start3A_83, %add3A_78] : memref<50x109x16384xf32, #tpu.memory_space<hbm>> -> memref<1x109x128xf32, #tpu.memory_space<hbm>>
    %dma_start3A_85 = tpu.memref_squeeze %dma_start3A_84 : memref<1x109x128xf32, #tpu.memory_space<hbm>> -> memref<109x128xf32, #tpu.memory_space<hbm>>
    %dma_start3A_86 = arith.constant 0 : i32
    %dma_start3A_87 = arith.constant 0 : i32
    %dma_start3A_88 = tpu.memref_slice %arg12[%dma_start3A_86, %dma_start3A_87] : memref<109x129xf32, #tpu.memory_space<vmem>> -> memref<109x128xf32, #tpu.memory_space<vmem>>
    %dma_start3A_89 = arith.constant 0 : i32
    %dma_start3A_90 = tpu.memref_slice %arg3[%dma_start3A_79, %dma_start3A_89, %add3A_78] : memref<50x109x16384xf32, #tpu.memory_space<hbm>> -> memref<1x109x128xf32, #tpu.memory_space<hbm>>
    %dma_start3A_91 = tpu.memref_squeeze %dma_start3A_90 : memref<1x109x128xf32, #tpu.memory_space<hbm>> -> memref<109x128xf32, #tpu.memory_space<hbm>>
    tpu.enqueue_dma source(%dma_start3A_91 : memref<109x128xf32, #tpu.memory_space<hbm>>) target(%dma_start3A_88 : memref<109x128xf32, #tpu.memory_space<vmem>>) target_semaphore(%arg18 : memref<!tpu.dma_semaphore, #tpu.memory_space<semaphore_mem>>)
    %dma_wait3A = arith.constant 0 : i32
    %dma_wait3A_92 = tpu.memref_slice %arg2[%dma_wait3A, %mul3A_2] : memref<50x16384xi32, #tpu.memory_space<hbm>> -> memref<1x128xi32, #tpu.memory_space<hbm>>
    %dma_wait3A_93 = tpu.memref_squeeze %dma_wait3A_92 : memref<1x128xi32, #tpu.memory_space<hbm>> -> memref<128xi32, #tpu.memory_space<hbm>>
    %dma_wait3A_94 = tpu.memref_slice %arg2[%dma_wait3A, %mul3A_2] : memref<50x16384xi32, #tpu.memory_space<hbm>> -> memref<1x128xi32, #tpu.memory_space<hbm>>
    %dma_wait3A_95 = tpu.memref_squeeze %dma_wait3A_94 : memref<1x128xi32, #tpu.memory_space<hbm>> -> memref<128xi32, #tpu.memory_space<hbm>>
    tpu.wait_dma2 semaphore(%arg15 : memref<!tpu.dma_semaphore, #tpu.memory_space<semaphore_mem>>) src(%dma_wait3A_95 : memref<128xi32, #tpu.memory_space<hbm>>) dst(%arg6 : memref<128xi32, #tpu.memory_space<vmem>>)
    %dma_start3A_96 = arith.constant 0 : i32
    %dma_start3A_97 = arith.constant 0 : i32
    %dma_start3A_98 = tpu.memref_slice %arg14[%dma_start3A_96, %dma_start3A_97] : memref<27x160xf32, #tpu.memory_space<vmem_shared>> -> memref<27x160xf32, #tpu.memory_space<vmem_shared>>
    tpu.enqueue_indirect_dma source(%dma_start3A_98 : memref<27x160xf32, #tpu.memory_space<vmem_shared>>) target(%arg8 : memref<128x160xf32, #tpu.memory_space<vmem>>) offsets(%arg6 : memref<128xi32, #tpu.memory_space<vmem>>) semaphore(%arg19 : memref<!tpu.dma_semaphore, #tpu.memory_space<semaphore_mem>>)
    %scan3A = arith.constant 0 : i32
    %scan3A_99 = arith.constant 0 : i32
    %scan3A_100 = arith.constant 50 : i32
    %scan3A_101 = arith.addi %scan3A_99, %scan3A_100 : i32
    %scan3A_102 = arith.constant 1 : i32
    scf.for %scan3A_170 = %scan3A_99 to %scan3A_101 step %scan3A_102  : i32 {
      %add3A_171 = arith.constant 0 : i32
      %add3A_172 = arith.addi %mul3A_2, %add3A_171 : i32
      %jit3A_173 = arith.constant 8 : i32
      %div3A_174 = arith.divsi %add3A_172, %jit3A_173 : i32
      %sign3A_175 = arith.constant 0 : i32
      %sign3A_176 = arith.cmpi sgt, %add3A_172, %sign3A_175 : i32
      %sign3A_177 = arith.extui %sign3A_176 : i1 to i32
      %sign3A_178 = arith.constant 0 : i32
      %sign3A_179 = arith.cmpi slt, %add3A_172, %sign3A_178 : i32
      %sign3A_180 = arith.extui %sign3A_179 : i1 to i32
      %sign3A_181 = arith.subi %sign3A_177, %sign3A_180 : i32
      %sign3A_182 = arith.constant 0 : i32
      %sign3A_183 = arith.cmpi sgt, %jit3A_173, %sign3A_182 : i32
      %sign3A_184 = arith.extui %sign3A_183 : i1 to i32
      %sign3A_185 = arith.constant 0 : i32
      %sign3A_186 = arith.cmpi slt, %jit3A_173, %sign3A_185 : i32
      %sign3A_187 = arith.extui %sign3A_186 : i1 to i32
      %sign3A_188 = arith.subi %sign3A_184, %sign3A_187 : i32
      %ne3A_189 = arith.cmpi ne, %sign3A_181, %sign3A_188 : i32
      %rem3A_190 = arith.remsi %add3A_172, %jit3A_173 : i32
      %ne3A_191 = arith.constant 0 : i32
      %ne3A_192 = arith.cmpi ne, %rem3A_190, %ne3A_191 : i32
      %and3A_193 = arith.andi %ne3A_189, %ne3A_192 : i1
      %sub3A_194 = arith.constant 1 : i32
      %sub3A_195 = arith.subi %div3A_174, %sub3A_194 : i32
      %select_n3A_196 = arith.select %and3A_193, %sub3A_195, %div3A_174 : i32
      %dma_wait3A_197 = arith.constant 0 : i32
      %dma_wait3A_198 = arith.constant 0 : i32
      %dma_wait3A_199 = tpu.memref_slice %arg14[%dma_wait3A_197, %dma_wait3A_198] : memref<27x160xf32, #tpu.memory_space<vmem_shared>> -> memref<27x160xf32, #tpu.memory_space<vmem_shared>>
      tpu.wait_indirect_dma semaphore(%arg19 : memref<!tpu.dma_semaphore, #tpu.memory_space<semaphore_mem>>) src(%dma_wait3A_199 : memref<27x160xf32, #tpu.memory_space<vmem_shared>>) dst(%arg8 : memref<128x160xf32, #tpu.memory_space<vmem>>)
      %dma_wait3A_200 = arith.constant 0 : i32
      %dma_wait3A_201 = arith.constant 0 : i32
      %dma_wait3A_202 = tpu.memref_slice %arg11[%dma_wait3A_200, %dma_wait3A_201] : memref<109x129xf32, #tpu.memory_space<vmem>> -> memref<109x128xf32, #tpu.memory_space<vmem>>
      %dma_wait3A_203 = arith.constant 0 : i32
      %dma_wait3A_204 = tpu.memref_slice %arg3[%scan3A_170, %dma_wait3A_203, %add3A_172] : memref<50x109x16384xf32, #tpu.memory_space<hbm>> -> memref<1x109x128xf32, #tpu.memory_space<hbm>>
      %dma_wait3A_205 = tpu.memref_squeeze %dma_wait3A_204 : memref<1x109x128xf32, #tpu.memory_space<hbm>> -> memref<109x128xf32, #tpu.memory_space<hbm>>
      %dma_wait3A_206 = arith.constant 0 : i32
      %dma_wait3A_207 = arith.constant 0 : i32
      %dma_wait3A_208 = tpu.memref_slice %arg11[%dma_wait3A_206, %dma_wait3A_207] : memref<109x129xf32, #tpu.memory_space<vmem>> -> memref<109x128xf32, #tpu.memory_space<vmem>>
      %dma_wait3A_209 = arith.constant 0 : i32
      %dma_wait3A_210 = tpu.memref_slice %arg3[%scan3A_170, %dma_wait3A_209, %add3A_172] : memref<50x109x16384xf32, #tpu.memory_space<hbm>> -> memref<1x109x128xf32, #tpu.memory_space<hbm>>
      %dma_wait3A_211 = tpu.memref_squeeze %dma_wait3A_210 : memref<1x109x128xf32, #tpu.memory_space<hbm>> -> memref<109x128xf32, #tpu.memory_space<hbm>>
      tpu.wait_dma2 semaphore(%arg17 : memref<!tpu.dma_semaphore, #tpu.memory_space<semaphore_mem>>) src(%dma_wait3A_211 : memref<109x128xf32, #tpu.memory_space<hbm>>) dst(%dma_wait3A_208 : memref<109x128xf32, #tpu.memory_space<vmem>>)
      %ge3A = arith.constant 1 : i32
      %ge3A_212 = arith.cmpi sge, %scan3A_170, %ge3A : i32
      %convert_element_type3A_213 = arith.extui %ge3A_212 : i1 to i32
      %cond3A_214 = arith.constant 0 : i32
      %cond3A_215 = arith.cmpi ne, %convert_element_type3A_213, %cond3A_214 : i32
      scf.if %cond3A_215 {
        %dma_wait3A_652 = arith.constant 0 : i32
        %dma_wait3A_653 = arith.constant 0 : i32
        %dma_wait3A_654 = arith.constant 0 : i32
        %dma_wait3A_655 = tpu.memref_slice %arg5[%scan3A_170, %select_n3A_196, %dma_wait3A_652, %dma_wait3A_653, %dma_wait3A_654] : memref<50x2048x2x8x128xf32, #tpu.memory_space<hbm>> -> memref<1x16x2x8x128xf32, #tpu.memory_space<hbm>>
        %dma_wait3A_656 = tpu.memref_squeeze %dma_wait3A_655 : memref<1x16x2x8x128xf32, #tpu.memory_space<hbm>> -> memref<16x2x8x128xf32, #tpu.memory_space<hbm>>
        %dma_wait3A_657 = arith.constant 0 : i32
        %dma_wait3A_658 = arith.constant 0 : i32
        %dma_wait3A_659 = arith.constant 0 : i32
        %dma_wait3A_660 = tpu.memref_slice %arg5[%scan3A_170, %select_n3A_196, %dma_wait3A_657, %dma_wait3A_658, %dma_wait3A_659] : memref<50x2048x2x8x128xf32, #tpu.memory_space<hbm>> -> memref<1x16x2x8x128xf32, #tpu.memory_space<hbm>>
        %dma_wait3A_661 = tpu.memref_squeeze %dma_wait3A_660 : memref<1x16x2x8x128xf32, #tpu.memory_space<hbm>> -> memref<16x2x8x128xf32, #tpu.memory_space<hbm>>
        tpu.wait_dma2 semaphore(%arg20 : memref<!tpu.dma_semaphore, #tpu.memory_space<semaphore_mem>>) src(%arg9 : memref<16x2x8x128xf32, #tpu.memory_space<vmem>>) dst(%dma_wait3A_661 : memref<16x2x8x128xf32, #tpu.memory_space<hbm>>)
      } else {
      }
      %scan3A_216 = arith.constant 0 : i32
      %scan3A_217 = arith.constant 0 : i32
      %scan3A_218 = arith.constant 64 : i32
      %scan3A_219 = arith.addi %scan3A_217, %scan3A_218 : i32
      %scan3A_220 = arith.constant 1 : i32
      scf.for %scan3A_652 = %scan3A_217 to %scan3A_219 step %scan3A_220  : i32 {
        %mul3A_653 = arith.constant 2 : i32
        %mul3A_654 = arith.muli %scan3A_652, %mul3A_653 : i32
        %add3A_655 = arith.constant 0 : i32
        %add3A_656 = arith.addi %mul3A_654, %add3A_655 : i32
        %jit3A_657 = arith.constant 8 : i32
        %div3A_658 = arith.divsi %add3A_656, %jit3A_657 : i32
        %sign3A_659 = arith.constant 0 : i32
        %sign3A_660 = arith.cmpi sgt, %add3A_656, %sign3A_659 : i32
        %sign3A_661 = arith.extui %sign3A_660 : i1 to i32
        %sign3A_662 = arith.constant 0 : i32
        %sign3A_663 = arith.cmpi slt, %add3A_656, %sign3A_662 : i32
        %sign3A_664 = arith.extui %sign3A_663 : i1 to i32
        %sign3A_665 = arith.subi %sign3A_661, %sign3A_664 : i32
        %sign3A_666 = arith.constant 0 : i32
        %sign3A_667 = arith.cmpi sgt, %jit3A_657, %sign3A_666 : i32
        %sign3A_668 = arith.extui %sign3A_667 : i1 to i32
        %sign3A_669 = arith.constant 0 : i32
        %sign3A_670 = arith.cmpi slt, %jit3A_657, %sign3A_669 : i32
        %sign3A_671 = arith.extui %sign3A_670 : i1 to i32
        %sign3A_672 = arith.subi %sign3A_668, %sign3A_671 : i32
        %ne3A_673 = arith.cmpi ne, %sign3A_665, %sign3A_672 : i32
        %rem3A_674 = arith.remsi %add3A_656, %jit3A_657 : i32
        %ne3A_675 = arith.constant 0 : i32
        %ne3A_676 = arith.cmpi ne, %rem3A_674, %ne3A_675 : i32
        %and3A_677 = arith.andi %ne3A_673, %ne3A_676 : i1
        %sub3A_678 = arith.constant 1 : i32
        %sub3A_679 = arith.subi %div3A_658, %sub3A_678 : i32
        %select_n3A_680 = arith.select %and3A_677, %sub3A_679, %div3A_658 : i32
        %jit3A_681 = arith.constant 8 : i32
        %eq3A_682 = arith.constant 0 : i32
        %eq3A_683 = arith.cmpi eq, %jit3A_681, %eq3A_682 : i32
        %jit3A_684 = arith.constant 1 : i32
        %select_n3A_685 = arith.select %eq3A_683, %jit3A_684, %jit3A_681 : i32
        %rem3A_686 = arith.remsi %add3A_656, %select_n3A_685 : i32
        %ne3A_687 = arith.constant 0 : i32
        %ne3A_688 = arith.cmpi ne, %rem3A_686, %ne3A_687 : i32
        %lt3A = arith.constant 0 : i32
        %lt3A_689 = arith.cmpi slt, %rem3A_686, %lt3A : i32
        %lt3A_690 = arith.constant 0 : i32
        %lt3A_691 = arith.cmpi slt, %select_n3A_685, %lt3A_690 : i32
        %ne3A_692 = arith.xori %lt3A_689, %lt3A_691 : i1
        %and3A_693 = arith.andi %ne3A_692, %ne3A_688 : i1
        %add3A_694 = arith.addi %rem3A_686, %select_n3A_685 : i32
        %select_n3A_695 = arith.select %and3A_693, %add3A_694, %rem3A_686 : i32
        %get3A_696 = arith.constant 0 : i32
        %get3A_697 = tpu.memref_slice %arg8[%add3A_656, %get3A_696] : memref<128x160xf32, #tpu.memory_space<vmem>> -> memref<1x160xf32, #tpu.memory_space<vmem>>
        %get3A_698 = tpu.memref_squeeze %get3A_697 : memref<1x160xf32, #tpu.memory_space<vmem>> -> memref<160xf32, #tpu.memory_space<vmem>>
        %get3A_699 = arith.constant 0 : index
        %get3A_700 = tpu.vector_load %get3A_698[%get3A_699] {strides = array<i32>} : memref<160xf32, #tpu.memory_space<vmem>>, vector<16xf32>,
        %swap3A_701 = arith.constant 0 : i32
        %swap3A_702 = arith.constant 0 : i32
        %swap3A_703 = tpu.memref_slice %arg9[%select_n3A_680, %swap3A_701, %select_n3A_695, %swap3A_702] : memref<16x2x8x128xf32, #tpu.memory_space<vmem>> -> memref<1x1x1x128xf32, #tpu.memory_space<vmem>>
        %swap3A_704 = tpu.memref_squeeze %swap3A_703 : memref<1x1x1x128xf32, #tpu.memory_space<vmem>> -> memref<128xf32, #tpu.memory_space<vmem>>
        %swap3A_705 = arith.constant 0 : index
        %swap3A_706 = tpu.vector_load %swap3A_704[%swap3A_705] {strides = array<i32>} : memref<128xf32, #tpu.memory_space<vmem>>, vector<16xf32>,
        tpu.vector_store %swap3A_704[%swap3A_705], %get3A_700 {strides = array<i32>} : memref<128xf32, #tpu.memory_space<vmem>>, vector<16xf32>,
        %get3A_707 = arith.constant 0 : i32
        %get3A_708 = tpu.memref_slice %arg8[%add3A_656, %get3A_707] : memref<128x160xf32, #tpu.memory_space<vmem>> -> memref<1x160xf32, #tpu.memory_space<vmem>>
        %get3A_709 = tpu.memref_squeeze %get3A_708 : memref<1x160xf32, #tpu.memory_space<vmem>> -> memref<160xf32, #tpu.memory_space<vmem>>
        %get3A_710 = arith.constant 16 : index
        %get3A_711 = tpu.vector_load %get3A_709[%get3A_710] {strides = array<i32>} : memref<160xf32, #tpu.memory_space<vmem>>, vector<16xf32>,
        %swap3A_712 = arith.constant 0 : i32
        %swap3A_713 = arith.constant 0 : i32
        %swap3A_714 = tpu.memref_slice %arg9[%select_n3A_680, %swap3A_712, %select_n3A_695, %swap3A_713] : memref<16x2x8x128xf32, #tpu.memory_space<vmem>> -> memref<1x1x1x128xf32, #tpu.memory_space<vmem>>
        %swap3A_715 = tpu.memref_squeeze %swap3A_714 : memref<1x1x1x128xf32, #tpu.memory_space<vmem>> -> memref<128xf32, #tpu.memory_space<vmem>>
        %swap3A_716 = arith.constant 16 : index
        %swap3A_717 = tpu.vector_load %swap3A_715[%swap3A_716] {strides = array<i32>} : memref<128xf32, #tpu.memory_space<vmem>>, vector<16xf32>,
        tpu.vector_store %swap3A_715[%swap3A_716], %get3A_711 {strides = array<i32>} : memref<128xf32, #tpu.memory_space<vmem>>, vector<16xf32>,
        %get3A_718 = arith.constant 0 : i32
        %get3A_719 = tpu.memref_slice %arg8[%add3A_656, %get3A_718] : memref<128x160xf32, #tpu.memory_space<vmem>> -> memref<1x160xf32, #tpu.memory_space<vmem>>
        %get3A_720 = tpu.memref_squeeze %get3A_719 : memref<1x160xf32, #tpu.memory_space<vmem>> -> memref<160xf32, #tpu.memory_space<vmem>>
        %get3A_721 = arith.constant 32 : index
        %get3A_722 = tpu.vector_load %get3A_720[%get3A_721] {strides = array<i32>} : memref<160xf32, #tpu.memory_space<vmem>>, vector<16xf32>,
        %swap3A_723 = arith.constant 0 : i32
        %swap3A_724 = arith.constant 0 : i32
        %swap3A_725 = tpu.memref_slice %arg9[%select_n3A_680, %swap3A_723, %select_n3A_695, %swap3A_724] : memref<16x2x8x128xf32, #tpu.memory_space<vmem>> -> memref<1x1x1x128xf32, #tpu.memory_space<vmem>>
        %swap3A_726 = tpu.memref_squeeze %swap3A_725 : memref<1x1x1x128xf32, #tpu.memory_space<vmem>> -> memref<128xf32, #tpu.memory_space<vmem>>
        %swap3A_727 = arith.constant 32 : index
        %swap3A_728 = tpu.vector_load %swap3A_726[%swap3A_727] {strides = array<i32>} : memref<128xf32, #tpu.memory_space<vmem>>, vector<16xf32>,
        tpu.vector_store %swap3A_726[%swap3A_727], %get3A_722 {strides = array<i32>} : memref<128xf32, #tpu.memory_space<vmem>>, vector<16xf32>,
        %get3A_729 = arith.constant 0 : i32
        %get3A_730 = tpu.memref_slice %arg8[%add3A_656, %get3A_729] : memref<128x160xf32, #tpu.memory_space<vmem>> -> memref<1x160xf32, #tpu.memory_space<vmem>>
        %get3A_731 = tpu.memref_squeeze %get3A_730 : memref<1x160xf32, #tpu.memory_space<vmem>> -> memref<160xf32, #tpu.memory_space<vmem>>
        %get3A_732 = arith.constant 48 : index
        %get3A_733 = tpu.vector_load %get3A_731[%get3A_732] {strides = array<i32>} : memref<160xf32, #tpu.memory_space<vmem>>, vector<16xf32>,
        %swap3A_734 = arith.constant 0 : i32
        %swap3A_735 = arith.constant 0 : i32
        %swap3A_736 = tpu.memref_slice %arg9[%select_n3A_680, %swap3A_734, %select_n3A_695, %swap3A_735] : memref<16x2x8x128xf32, #tpu.memory_space<vmem>> -> memref<1x1x1x128xf32, #tpu.memory_space<vmem>>
        %swap3A_737 = tpu.memref_squeeze %swap3A_736 : memref<1x1x1x128xf32, #tpu.memory_space<vmem>> -> memref<128xf32, #tpu.memory_space<vmem>>
        %swap3A_738 = arith.constant 48 : index
        %swap3A_739 = tpu.vector_load %swap3A_737[%swap3A_738] {strides = array<i32>} : memref<128xf32, #tpu.memory_space<vmem>>, vector<16xf32>,
        tpu.vector_store %swap3A_737[%swap3A_738], %get3A_733 {strides = array<i32>} : memref<128xf32, #tpu.memory_space<vmem>>, vector<16xf32>,
        %get3A_740 = arith.constant 0 : i32
        %get3A_741 = tpu.memref_slice %arg8[%add3A_656, %get3A_740] : memref<128x160xf32, #tpu.memory_space<vmem>> -> memref<1x160xf32, #tpu.memory_space<vmem>>
        %get3A_742 = tpu.memref_squeeze %get3A_741 : memref<1x160xf32, #tpu.memory_space<vmem>> -> memref<160xf32, #tpu.memory_space<vmem>>
        %get3A_743 = arith.constant 64 : index
        %get3A_744 = tpu.vector_load %get3A_742[%get3A_743] {strides = array<i32>} : memref<160xf32, #tpu.memory_space<vmem>>, vector<16xf32>,
        %swap3A_745 = arith.constant 0 : i32
        %swap3A_746 = arith.constant 0 : i32
        %swap3A_747 = tpu.memref_slice %arg9[%select_n3A_680, %swap3A_745, %select_n3A_695, %swap3A_746] : memref<16x2x8x128xf32, #tpu.memory_space<vmem>> -> memref<1x1x1x128xf32, #tpu.memory_space<vmem>>
        %swap3A_748 = tpu.memref_squeeze %swap3A_747 : memref<1x1x1x128xf32, #tpu.memory_space<vmem>> -> memref<128xf32, #tpu.memory_space<vmem>>
        %swap3A_749 = arith.constant 64 : index
        %swap3A_750 = tpu.vector_load %swap3A_748[%swap3A_749] {strides = array<i32>} : memref<128xf32, #tpu.memory_space<vmem>>, vector<16xf32>,
        tpu.vector_store %swap3A_748[%swap3A_749], %get3A_744 {strides = array<i32>} : memref<128xf32, #tpu.memory_space<vmem>>, vector<16xf32>,
        %get3A_751 = arith.constant 0 : i32
        %get3A_752 = tpu.memref_slice %arg8[%add3A_656, %get3A_751] : memref<128x160xf32, #tpu.memory_space<vmem>> -> memref<1x160xf32, #tpu.memory_space<vmem>>
        %get3A_753 = tpu.memref_squeeze %get3A_752 : memref<1x160xf32, #tpu.memory_space<vmem>> -> memref<160xf32, #tpu.memory_space<vmem>>
        %get3A_754 = arith.constant 80 : index
        %get3A_755 = tpu.vector_load %get3A_753[%get3A_754] {strides = array<i32>} : memref<160xf32, #tpu.memory_space<vmem>>, vector<16xf32>,
        %swap3A_756 = arith.constant 0 : i32
        %swap3A_757 = arith.constant 0 : i32
        %swap3A_758 = tpu.memref_slice %arg9[%select_n3A_680, %swap3A_756, %select_n3A_695, %swap3A_757] : memref<16x2x8x128xf32, #tpu.memory_space<vmem>> -> memref<1x1x1x128xf32, #tpu.memory_space<vmem>>
        %swap3A_759 = tpu.memref_squeeze %swap3A_758 : memref<1x1x1x128xf32, #tpu.memory_space<vmem>> -> memref<128xf32, #tpu.memory_space<vmem>>
        %swap3A_760 = arith.constant 80 : index
        %swap3A_761 = tpu.vector_load %swap3A_759[%swap3A_760] {strides = array<i32>} : memref<128xf32, #tpu.memory_space<vmem>>, vector<16xf32>,
        tpu.vector_store %swap3A_759[%swap3A_760], %get3A_755 {strides = array<i32>} : memref<128xf32, #tpu.memory_space<vmem>>, vector<16xf32>,
        %get3A_762 = arith.constant 0 : i32
        %get3A_763 = tpu.memref_slice %arg8[%add3A_656, %get3A_762] : memref<128x160xf32, #tpu.memory_space<vmem>> -> memref<1x160xf32, #tpu.memory_space<vmem>>
        %get3A_764 = tpu.memref_squeeze %get3A_763 : memref<1x160xf32, #tpu.memory_space<vmem>> -> memref<160xf32, #tpu.memory_space<vmem>>
        %get3A_765 = arith.constant 96 : index
        %get3A_766 = tpu.vector_load %get3A_764[%get3A_765] {strides = array<i32>} : memref<160xf32, #tpu.memory_space<vmem>>, vector<16xf32>,
        %swap3A_767 = arith.constant 0 : i32
        %swap3A_768 = arith.constant 0 : i32
        %swap3A_769 = tpu.memref_slice %arg9[%select_n3A_680, %swap3A_767, %select_n3A_695, %swap3A_768] : memref<16x2x8x128xf32, #tpu.memory_space<vmem>> -> memref<1x1x1x128xf32, #tpu.memory_space<vmem>>
        %swap3A_770 = tpu.memref_squeeze %swap3A_769 : memref<1x1x1x128xf32, #tpu.memory_space<vmem>> -> memref<128xf32, #tpu.memory_space<vmem>>
        %swap3A_771 = arith.constant 96 : index
        %swap3A_772 = tpu.vector_load %swap3A_770[%swap3A_771] {strides = array<i32>} : memref<128xf32, #tpu.memory_space<vmem>>, vector<16xf32>,
        tpu.vector_store %swap3A_770[%swap3A_771], %get3A_766 {strides = array<i32>} : memref<128xf32, #tpu.memory_space<vmem>>, vector<16xf32>,
        %get3A_773 = arith.constant 0 : i32
        %get3A_774 = tpu.memref_slice %arg8[%add3A_656, %get3A_773] : memref<128x160xf32, #tpu.memory_space<vmem>> -> memref<1x160xf32, #tpu.memory_space<vmem>>
        %get3A_775 = tpu.memref_squeeze %get3A_774 : memref<1x160xf32, #tpu.memory_space<vmem>> -> memref<160xf32, #tpu.memory_space<vmem>>
        %get3A_776 = arith.constant 112 : index
        %get3A_777 = tpu.vector_load %get3A_775[%get3A_776] {strides = array<i32>} : memref<160xf32, #tpu.memory_space<vmem>>, vector<16xf32>,
        %swap3A_778 = arith.constant 0 : i32
        %swap3A_779 = arith.constant 0 : i32
        %swap3A_780 = tpu.memref_slice %arg9[%select_n3A_680, %swap3A_778, %select_n3A_695, %swap3A_779] : memref<16x2x8x128xf32, #tpu.memory_space<vmem>> -> memref<1x1x1x128xf32, #tpu.memory_space<vmem>>
        %swap3A_781 = tpu.memref_squeeze %swap3A_780 : memref<1x1x1x128xf32, #tpu.memory_space<vmem>> -> memref<128xf32, #tpu.memory_space<vmem>>
        %swap3A_782 = arith.constant 112 : index
        %swap3A_783 = tpu.vector_load %swap3A_781[%swap3A_782] {strides = array<i32>} : memref<128xf32, #tpu.memory_space<vmem>>, vector<16xf32>,
        tpu.vector_store %swap3A_781[%swap3A_782], %get3A_777 {strides = array<i32>} : memref<128xf32, #tpu.memory_space<vmem>>, vector<16xf32>,
        %get3A_784 = arith.constant 0 : i32
        %get3A_785 = tpu.memref_slice %arg8[%add3A_656, %get3A_784] : memref<128x160xf32, #tpu.memory_space<vmem>> -> memref<1x160xf32, #tpu.memory_space<vmem>>
        %get3A_786 = tpu.memref_squeeze %get3A_785 : memref<1x160xf32, #tpu.memory_space<vmem>> -> memref<160xf32, #tpu.memory_space<vmem>>
        %get3A_787 = arith.constant 128 : index
        %get3A_788 = tpu.vector_load %get3A_786[%get3A_787] {strides = array<i32>} : memref<160xf32, #tpu.memory_space<vmem>>, vector<16xf32>,
        %swap3A_789 = arith.constant 1 : i32
        %swap3A_790 = arith.constant 0 : i32
        %swap3A_791 = tpu.memref_slice %arg9[%select_n3A_680, %swap3A_789, %select_n3A_695, %swap3A_790] : memref<16x2x8x128xf32, #tpu.memory_space<vmem>> -> memref<1x1x1x128xf32, #tpu.memory_space<vmem>>
        %swap3A_792 = tpu.memref_squeeze %swap3A_791 : memref<1x1x1x128xf32, #tpu.memory_space<vmem>> -> memref<128xf32, #tpu.memory_space<vmem>>
        %swap3A_793 = arith.constant 0 : index
        %swap3A_794 = tpu.vector_load %swap3A_792[%swap3A_793] {strides = array<i32>} : memref<128xf32, #tpu.memory_space<vmem>>, vector<16xf32>,
        tpu.vector_store %swap3A_792[%swap3A_793], %get3A_788 {strides = array<i32>} : memref<128xf32, #tpu.memory_space<vmem>>, vector<16xf32>,
        %get3A_795 = arith.constant 0 : i32
        %get3A_796 = tpu.memref_slice %arg8[%add3A_656, %get3A_795] : memref<128x160xf32, #tpu.memory_space<vmem>> -> memref<1x160xf32, #tpu.memory_space<vmem>>
        %get3A_797 = tpu.memref_squeeze %get3A_796 : memref<1x160xf32, #tpu.memory_space<vmem>> -> memref<160xf32, #tpu.memory_space<vmem>>
        %get3A_798 = arith.constant 131 : index
        %get3A_799 = tpu.vector_load %get3A_797[%get3A_798] {strides = array<i32>} : memref<160xf32, #tpu.memory_space<vmem>>, vector<16xf32>,
        %swap3A_800 = arith.constant 1 : i32
        %swap3A_801 = arith.constant 0 : i32
        %swap3A_802 = tpu.memref_slice %arg9[%select_n3A_680, %swap3A_800, %select_n3A_695, %swap3A_801] : memref<16x2x8x128xf32, #tpu.memory_space<vmem>> -> memref<1x1x1x128xf32, #tpu.memory_space<vmem>>
        %swap3A_803 = tpu.memref_squeeze %swap3A_802 : memref<1x1x1x128xf32, #tpu.memory_space<vmem>> -> memref<128xf32, #tpu.memory_space<vmem>>
        %swap3A_804 = arith.constant 3 : index
        %swap3A_805 = tpu.vector_load %swap3A_803[%swap3A_804] {strides = array<i32>} : memref<128xf32, #tpu.memory_space<vmem>>, vector<16xf32>,
        tpu.vector_store %swap3A_803[%swap3A_804], %get3A_799 {strides = array<i32>} : memref<128xf32, #tpu.memory_space<vmem>>, vector<16xf32>,
        %mul3A_806 = arith.constant 2 : i32
        %mul3A_807 = arith.muli %scan3A_652, %mul3A_806 : i32
        %add3A_808 = arith.constant 1 : i32
        %add3A_809 = arith.addi %mul3A_807, %add3A_808 : i32
        %jit3A_810 = arith.constant 8 : i32
        %div3A_811 = arith.divsi %add3A_809, %jit3A_810 : i32
        %sign3A_812 = arith.constant 0 : i32
        %sign3A_813 = arith.cmpi sgt, %add3A_809, %sign3A_812 : i32
        %sign3A_814 = arith.extui %sign3A_813 : i1 to i32
        %sign3A_815 = arith.constant 0 : i32
        %sign3A_816 = arith.cmpi slt, %add3A_809, %sign3A_815 : i32
        %sign3A_817 = arith.extui %sign3A_816 : i1 to i32
        %sign3A_818 = arith.subi %sign3A_814, %sign3A_817 : i32
        %sign3A_819 = arith.constant 0 : i32
        %sign3A_820 = arith.cmpi sgt, %jit3A_810, %sign3A_819 : i32
        %sign3A_821 = arith.extui %sign3A_820 : i1 to i32
        %sign3A_822 = arith.constant 0 : i32
        %sign3A_823 = arith.cmpi slt, %jit3A_810, %sign3A_822 : i32
        %sign3A_824 = arith.extui %sign3A_823 : i1 to i32
        %sign3A_825 = arith.subi %sign3A_821, %sign3A_824 : i32
        %ne3A_826 = arith.cmpi ne, %sign3A_818, %sign3A_825 : i32
        %rem3A_827 = arith.remsi %add3A_809, %jit3A_810 : i32
        %ne3A_828 = arith.constant 0 : i32
        %ne3A_829 = arith.cmpi ne, %rem3A_827, %ne3A_828 : i32
        %and3A_830 = arith.andi %ne3A_826, %ne3A_829 : i1
        %sub3A_831 = arith.constant 1 : i32
        %sub3A_832 = arith.subi %div3A_811, %sub3A_831 : i32
        %select_n3A_833 = arith.select %and3A_830, %sub3A_832, %div3A_811 : i32
        %jit3A_834 = arith.constant 8 : i32
        %eq3A_835 = arith.constant 0 : i32
        %eq3A_836 = arith.cmpi eq, %jit3A_834, %eq3A_835 : i32
        %jit3A_837 = arith.constant 1 : i32
        %select_n3A_838 = arith.select %eq3A_836, %jit3A_837, %jit3A_834 : i32
        %rem3A_839 = arith.remsi %add3A_809, %select_n3A_838 : i32
        %ne3A_840 = arith.constant 0 : i32
        %ne3A_841 = arith.cmpi ne, %rem3A_839, %ne3A_840 : i32
        %lt3A_842 = arith.constant 0 : i32
        %lt3A_843 = arith.cmpi slt, %rem3A_839, %lt3A_842 : i32
        %lt3A_844 = arith.constant 0 : i32
        %lt3A_845 = arith.cmpi slt, %select_n3A_838, %lt3A_844 : i32
        %ne3A_846 = arith.xori %lt3A_843, %lt3A_845 : i1
        %and3A_847 = arith.andi %ne3A_846, %ne3A_841 : i1
        %add3A_848 = arith.addi %rem3A_839, %select_n3A_838 : i32
        %select_n3A_849 = arith.select %and3A_847, %add3A_848, %rem3A_839 : i32
        %get3A_850 = arith.constant 0 : i32
        %get3A_851 = tpu.memref_slice %arg8[%add3A_809, %get3A_850] : memref<128x160xf32, #tpu.memory_space<vmem>> -> memref<1x160xf32, #tpu.memory_space<vmem>>
        %get3A_852 = tpu.memref_squeeze %get3A_851 : memref<1x160xf32, #tpu.memory_space<vmem>> -> memref<160xf32, #tpu.memory_space<vmem>>
        %get3A_853 = arith.constant 0 : index
        %get3A_854 = tpu.vector_load %get3A_852[%get3A_853] {strides = array<i32>} : memref<160xf32, #tpu.memory_space<vmem>>, vector<16xf32>,
        %swap3A_855 = arith.constant 0 : i32
        %swap3A_856 = arith.constant 0 : i32
        %swap3A_857 = tpu.memref_slice %arg9[%select_n3A_833, %swap3A_855, %select_n3A_849, %swap3A_856] : memref<16x2x8x128xf32, #tpu.memory_space<vmem>> -> memref<1x1x1x128xf32, #tpu.memory_space<vmem>>
        %swap3A_858 = tpu.memref_squeeze %swap3A_857 : memref<1x1x1x128xf32, #tpu.memory_space<vmem>> -> memref<128xf32, #tpu.memory_space<vmem>>
        %swap3A_859 = arith.constant 0 : index
        %swap3A_860 = tpu.vector_load %swap3A_858[%swap3A_859] {strides = array<i32>} : memref<128xf32, #tpu.memory_space<vmem>>, vector<16xf32>,
        tpu.vector_store %swap3A_858[%swap3A_859], %get3A_854 {strides = array<i32>} : memref<128xf32, #tpu.memory_space<vmem>>, vector<16xf32>,
        %get3A_861 = arith.constant 0 : i32
        %get3A_862 = tpu.memref_slice %arg8[%add3A_809, %get3A_861] : memref<128x160xf32, #tpu.memory_space<vmem>> -> memref<1x160xf32, #tpu.memory_space<vmem>>
        %get3A_863 = tpu.memref_squeeze %get3A_862 : memref<1x160xf32, #tpu.memory_space<vmem>> -> memref<160xf32, #tpu.memory_space<vmem>>
        %get3A_864 = arith.constant 16 : index
        %get3A_865 = tpu.vector_load %get3A_863[%get3A_864] {strides = array<i32>} : memref<160xf32, #tpu.memory_space<vmem>>, vector<16xf32>,
        %swap3A_866 = arith.constant 0 : i32
        %swap3A_867 = arith.constant 0 : i32
        %swap3A_868 = tpu.memref_slice %arg9[%select_n3A_833, %swap3A_866, %select_n3A_849, %swap3A_867] : memref<16x2x8x128xf32, #tpu.memory_space<vmem>> -> memref<1x1x1x128xf32, #tpu.memory_space<vmem>>
        %swap3A_869 = tpu.memref_squeeze %swap3A_868 : memref<1x1x1x128xf32, #tpu.memory_space<vmem>> -> memref<128xf32, #tpu.memory_space<vmem>>
        %swap3A_870 = arith.constant 16 : index
        %swap3A_871 = tpu.vector_load %swap3A_869[%swap3A_870] {strides = array<i32>} : memref<128xf32, #tpu.memory_space<vmem>>, vector<16xf32>,
        tpu.vector_store %swap3A_869[%swap3A_870], %get3A_865 {strides = array<i32>} : memref<128xf32, #tpu.memory_space<vmem>>, vector<16xf32>,
        %get3A_872 = arith.constant 0 : i32
        %get3A_873 = tpu.memref_slice %arg8[%add3A_809, %get3A_872] : memref<128x160xf32, #tpu.memory_space<vmem>> -> memref<1x160xf32, #tpu.memory_space<vmem>>
        %get3A_874 = tpu.memref_squeeze %get3A_873 : memref<1x160xf32, #tpu.memory_space<vmem>> -> memref<160xf32, #tpu.memory_space<vmem>>
        %get3A_875 = arith.constant 32 : index
        %get3A_876 = tpu.vector_load %get3A_874[%get3A_875] {strides = array<i32>} : memref<160xf32, #tpu.memory_space<vmem>>, vector<16xf32>,
        %swap3A_877 = arith.constant 0 : i32
        %swap3A_878 = arith.constant 0 : i32
        %swap3A_879 = tpu.memref_slice %arg9[%select_n3A_833, %swap3A_877, %select_n3A_849, %swap3A_878] : memref<16x2x8x128xf32, #tpu.memory_space<vmem>> -> memref<1x1x1x128xf32, #tpu.memory_space<vmem>>
        %swap3A_880 = tpu.memref_squeeze %swap3A_879 : memref<1x1x1x128xf32, #tpu.memory_space<vmem>> -> memref<128xf32, #tpu.memory_space<vmem>>
        %swap3A_881 = arith.constant 32 : index
        %swap3A_882 = tpu.vector_load %swap3A_880[%swap3A_881] {strides = array<i32>} : memref<128xf32, #tpu.memory_space<vmem>>, vector<16xf32>,
        tpu.vector_store %swap3A_880[%swap3A_881], %get3A_876 {strides = array<i32>} : memref<128xf32, #tpu.memory_space<vmem>>, vector<16xf32>,
        %get3A_883 = arith.constant 0 : i32
        %get3A_884 = tpu.memref_slice %arg8[%add3A_809, %get3A_883] : memref<128x160xf32, #tpu.memory_space<vmem>> -> memref<1x160xf32, #tpu.memory_space<vmem>>
        %get3A_885 = tpu.memref_squeeze %get3A_884 : memref<1x160xf32, #tpu.memory_space<vmem>> -> memref<160xf32, #tpu.memory_space<vmem>>
        %get3A_886 = arith.constant 48 : index
        %get3A_887 = tpu.vector_load %get3A_885[%get3A_886] {strides = array<i32>} : memref<160xf32, #tpu.memory_space<vmem>>, vector<16xf32>,
        %swap3A_888 = arith.constant 0 : i32
        %swap3A_889 = arith.constant 0 : i32
        %swap3A_890 = tpu.memref_slice %arg9[%select_n3A_833, %swap3A_888, %select_n3A_849, %swap3A_889] : memref<16x2x8x128xf32, #tpu.memory_space<vmem>> -> memref<1x1x1x128xf32, #tpu.memory_space<vmem>>
        %swap3A_891 = tpu.memref_squeeze %swap3A_890 : memref<1x1x1x128xf32, #tpu.memory_space<vmem>> -> memref<128xf32, #tpu.memory_space<vmem>>
        %swap3A_892 = arith.constant 48 : index
        %swap3A_893 = tpu.vector_load %swap3A_891[%swap3A_892] {strides = array<i32>} : memref<128xf32, #tpu.memory_space<vmem>>, vector<16xf32>,
        tpu.vector_store %swap3A_891[%swap3A_892], %get3A_887 {strides = array<i32>} : memref<128xf32, #tpu.memory_space<vmem>>, vector<16xf32>,
        %get3A_894 = arith.constant 0 : i32
        %get3A_895 = tpu.memref_slice %arg8[%add3A_809, %get3A_894] : memref<128x160xf32, #tpu.memory_space<vmem>> -> memref<1x160xf32, #tpu.memory_space<vmem>>
        %get3A_896 = tpu.memref_squeeze %get3A_895 : memref<1x160xf32, #tpu.memory_space<vmem>> -> memref<160xf32, #tpu.memory_space<vmem>>
        %get3A_897 = arith.constant 64 : index
        %get3A_898 = tpu.vector_load %get3A_896[%get3A_897] {strides = array<i32>} : memref<160xf32, #tpu.memory_space<vmem>>, vector<16xf32>,
        %swap3A_899 = arith.constant 0 : i32
        %swap3A_900 = arith.constant 0 : i32
        %swap3A_901 = tpu.memref_slice %arg9[%select_n3A_833, %swap3A_899, %select_n3A_849, %swap3A_900] : memref<16x2x8x128xf32, #tpu.memory_space<vmem>> -> memref<1x1x1x128xf32, #tpu.memory_space<vmem>>
        %swap3A_902 = tpu.memref_squeeze %swap3A_901 : memref<1x1x1x128xf32, #tpu.memory_space<vmem>> -> memref<128xf32, #tpu.memory_space<vmem>>
        %swap3A_903 = arith.constant 64 : index
        %swap3A_904 = tpu.vector_load %swap3A_902[%swap3A_903] {strides = array<i32>} : memref<128xf32, #tpu.memory_space<vmem>>, vector<16xf32>,
        tpu.vector_store %swap3A_902[%swap3A_903], %get3A_898 {strides = array<i32>} : memref<128xf32, #tpu.memory_space<vmem>>, vector<16xf32>,
        %get3A_905 = arith.constant 0 : i32
        %get3A_906 = tpu.memref_slice %arg8[%add3A_809, %get3A_905] : memref<128x160xf32, #tpu.memory_space<vmem>> -> memref<1x160xf32, #tpu.memory_space<vmem>>
        %get3A_907 = tpu.memref_squeeze %get3A_906 : memref<1x160xf32, #tpu.memory_space<vmem>> -> memref<160xf32, #tpu.memory_space<vmem>>
        %get3A_908 = arith.constant 80 : index
        %get3A_909 = tpu.vector_load %get3A_907[%get3A_908] {strides = array<i32>} : memref<160xf32, #tpu.memory_space<vmem>>, vector<16xf32>,
        %swap3A_910 = arith.constant 0 : i32
        %swap3A_911 = arith.constant 0 : i32
        %swap3A_912 = tpu.memref_slice %arg9[%select_n3A_833, %swap3A_910, %select_n3A_849, %swap3A_911] : memref<16x2x8x128xf32, #tpu.memory_space<vmem>> -> memref<1x1x1x128xf32, #tpu.memory_space<vmem>>
        %swap3A_913 = tpu.memref_squeeze %swap3A_912 : memref<1x1x1x128xf32, #tpu.memory_space<vmem>> -> memref<128xf32, #tpu.memory_space<vmem>>
        %swap3A_914 = arith.constant 80 : index
        %swap3A_915 = tpu.vector_load %swap3A_913[%swap3A_914] {strides = array<i32>} : memref<128xf32, #tpu.memory_space<vmem>>, vector<16xf32>,
        tpu.vector_store %swap3A_913[%swap3A_914], %get3A_909 {strides = array<i32>} : memref<128xf32, #tpu.memory_space<vmem>>, vector<16xf32>,
        %get3A_916 = arith.constant 0 : i32
        %get3A_917 = tpu.memref_slice %arg8[%add3A_809, %get3A_916] : memref<128x160xf32, #tpu.memory_space<vmem>> -> memref<1x160xf32, #tpu.memory_space<vmem>>
        %get3A_918 = tpu.memref_squeeze %get3A_917 : memref<1x160xf32, #tpu.memory_space<vmem>> -> memref<160xf32, #tpu.memory_space<vmem>>
        %get3A_919 = arith.constant 96 : index
        %get3A_920 = tpu.vector_load %get3A_918[%get3A_919] {strides = array<i32>} : memref<160xf32, #tpu.memory_space<vmem>>, vector<16xf32>,
        %swap3A_921 = arith.constant 0 : i32
        %swap3A_922 = arith.constant 0 : i32
        %swap3A_923 = tpu.memref_slice %arg9[%select_n3A_833, %swap3A_921, %select_n3A_849, %swap3A_922] : memref<16x2x8x128xf32, #tpu.memory_space<vmem>> -> memref<1x1x1x128xf32, #tpu.memory_space<vmem>>
        %swap3A_924 = tpu.memref_squeeze %swap3A_923 : memref<1x1x1x128xf32, #tpu.memory_space<vmem>> -> memref<128xf32, #tpu.memory_space<vmem>>
        %swap3A_925 = arith.constant 96 : index
        %swap3A_926 = tpu.vector_load %swap3A_924[%swap3A_925] {strides = array<i32>} : memref<128xf32, #tpu.memory_space<vmem>>, vector<16xf32>,
        tpu.vector_store %swap3A_924[%swap3A_925], %get3A_920 {strides = array<i32>} : memref<128xf32, #tpu.memory_space<vmem>>, vector<16xf32>,
        %get3A_927 = arith.constant 0 : i32
        %get3A_928 = tpu.memref_slice %arg8[%add3A_809, %get3A_927] : memref<128x160xf32, #tpu.memory_space<vmem>> -> memref<1x160xf32, #tpu.memory_space<vmem>>
        %get3A_929 = tpu.memref_squeeze %get3A_928 : memref<1x160xf32, #tpu.memory_space<vmem>> -> memref<160xf32, #tpu.memory_space<vmem>>
        %get3A_930 = arith.constant 112 : index
        %get3A_931 = tpu.vector_load %get3A_929[%get3A_930] {strides = array<i32>} : memref<160xf32, #tpu.memory_space<vmem>>, vector<16xf32>,
        %swap3A_932 = arith.constant 0 : i32
        %swap3A_933 = arith.constant 0 : i32
        %swap3A_934 = tpu.memref_slice %arg9[%select_n3A_833, %swap3A_932, %select_n3A_849, %swap3A_933] : memref<16x2x8x128xf32, #tpu.memory_space<vmem>> -> memref<1x1x1x128xf32, #tpu.memory_space<vmem>>
        %swap3A_935 = tpu.memref_squeeze %swap3A_934 : memref<1x1x1x128xf32, #tpu.memory_space<vmem>> -> memref<128xf32, #tpu.memory_space<vmem>>
        %swap3A_936 = arith.constant 112 : index
        %swap3A_937 = tpu.vector_load %swap3A_935[%swap3A_936] {strides = array<i32>} : memref<128xf32, #tpu.memory_space<vmem>>, vector<16xf32>,
        tpu.vector_store %swap3A_935[%swap3A_936], %get3A_931 {strides = array<i32>} : memref<128xf32, #tpu.memory_space<vmem>>, vector<16xf32>,
        %get3A_938 = arith.constant 0 : i32
        %get3A_939 = tpu.memref_slice %arg8[%add3A_809, %get3A_938] : memref<128x160xf32, #tpu.memory_space<vmem>> -> memref<1x160xf32, #tpu.memory_space<vmem>>
        %get3A_940 = tpu.memref_squeeze %get3A_939 : memref<1x160xf32, #tpu.memory_space<vmem>> -> memref<160xf32, #tpu.memory_space<vmem>>
        %get3A_941 = arith.constant 128 : index
        %get3A_942 = tpu.vector_load %get3A_940[%get3A_941] {strides = array<i32>} : memref<160xf32, #tpu.memory_space<vmem>>, vector<16xf32>,
        %swap3A_943 = arith.constant 1 : i32
        %swap3A_944 = arith.constant 0 : i32
        %swap3A_945 = tpu.memref_slice %arg9[%select_n3A_833, %swap3A_943, %select_n3A_849, %swap3A_944] : memref<16x2x8x128xf32, #tpu.memory_space<vmem>> -> memref<1x1x1x128xf32, #tpu.memory_space<vmem>>
        %swap3A_946 = tpu.memref_squeeze %swap3A_945 : memref<1x1x1x128xf32, #tpu.memory_space<vmem>> -> memref<128xf32, #tpu.memory_space<vmem>>
        %swap3A_947 = arith.constant 0 : index
        %swap3A_948 = tpu.vector_load %swap3A_946[%swap3A_947] {strides = array<i32>} : memref<128xf32, #tpu.memory_space<vmem>>, vector<16xf32>,
        tpu.vector_store %swap3A_946[%swap3A_947], %get3A_942 {strides = array<i32>} : memref<128xf32, #tpu.memory_space<vmem>>, vector<16xf32>,
        %get3A_949 = arith.constant 0 : i32
        %get3A_950 = tpu.memref_slice %arg8[%add3A_809, %get3A_949] : memref<128x160xf32, #tpu.memory_space<vmem>> -> memref<1x160xf32, #tpu.memory_space<vmem>>
        %get3A_951 = tpu.memref_squeeze %get3A_950 : memref<1x160xf32, #tpu.memory_space<vmem>> -> memref<160xf32, #tpu.memory_space<vmem>>
        %get3A_952 = arith.constant 131 : index
        %get3A_953 = tpu.vector_load %get3A_951[%get3A_952] {strides = array<i32>} : memref<160xf32, #tpu.memory_space<vmem>>, vector<16xf32>,
        %swap3A_954 = arith.constant 1 : i32
        %swap3A_955 = arith.constant 0 : i32
        %swap3A_956 = tpu.memref_slice %arg9[%select_n3A_833, %swap3A_954, %select_n3A_849, %swap3A_955] : memref<16x2x8x128xf32, #tpu.memory_space<vmem>> -> memref<1x1x1x128xf32, #tpu.memory_space<vmem>>
        %swap3A_957 = tpu.memref_squeeze %swap3A_956 : memref<1x1x1x128xf32, #tpu.memory_space<vmem>> -> memref<128xf32, #tpu.memory_space<vmem>>
        %swap3A_958 = arith.constant 3 : index
        %swap3A_959 = tpu.vector_load %swap3A_957[%swap3A_958] {strides = array<i32>} : memref<128xf32, #tpu.memory_space<vmem>>, vector<16xf32>,
        tpu.vector_store %swap3A_957[%swap3A_958], %get3A_953 {strides = array<i32>} : memref<128xf32, #tpu.memory_space<vmem>>, vector<16xf32>,
      }
      %scan3A_221 = arith.constant 64 : i32
      %add3A_222 = arith.constant 0 : i32
      %add3A_223 = arith.addi %scan3A_170, %add3A_222 : i32
      %add3A_224 = arith.constant 128 : i32
      %add3A_225 = arith.addi %mul3A_2, %add3A_224 : i32
      %dma_wait3A_226 = tpu.memref_slice %arg2[%add3A_223, %add3A_225] : memref<50x16384xi32, #tpu.memory_space<hbm>> -> memref<1x128xi32, #tpu.memory_space<hbm>>
      %dma_wait3A_227 = tpu.memref_squeeze %dma_wait3A_226 : memref<1x128xi32, #tpu.memory_space<hbm>> -> memref<128xi32, #tpu.memory_space<hbm>>
      %dma_wait3A_228 = tpu.memref_slice %arg2[%add3A_223, %add3A_225] : memref<50x16384xi32, #tpu.memory_space<hbm>> -> memref<1x128xi32, #tpu.memory_space<hbm>>
      %dma_wait3A_229 = tpu.memref_squeeze %dma_wait3A_228 : memref<1x128xi32, #tpu.memory_space<hbm>> -> memref<128xi32, #tpu.memory_space<hbm>>
      tpu.wait_dma2 semaphore(%arg16 : memref<!tpu.dma_semaphore, #tpu.memory_space<semaphore_mem>>) src(%dma_wait3A_229 : memref<128xi32, #tpu.memory_space<hbm>>) dst(%arg7 : memref<128xi32, #tpu.memory_space<vmem>>)
      %dma_start3A_230 = arith.constant 0 : i32
      %dma_start3A_231 = arith.constant 0 : i32
      %dma_start3A_232 = tpu.memref_slice %arg14[%dma_start3A_230, %dma_start3A_231] : memref<27x160xf32, #tpu.memory_space<vmem_shared>> -> memref<27x160xf32, #tpu.memory_space<vmem_shared>>
      tpu.enqueue_indirect_dma source(%dma_start3A_232 : memref<27x160xf32, #tpu.memory_space<vmem_shared>>) target(%arg8 : memref<128x160xf32, #tpu.memory_space<vmem>>) offsets(%arg7 : memref<128xi32, #tpu.memory_space<vmem>>) semaphore(%arg19 : memref<!tpu.dma_semaphore, #tpu.memory_space<semaphore_mem>>)
      %get3A = arith.constant 0 : i32
      %get3A_233 = arith.index_cast %get3A : i32 to index
      %get3A_234 = arith.constant 0 : index
      %get3A_235 = tpu.vector_load %arg13[%get3A_233, %get3A_234] {strides = array<i32>} : memref<7x16xi32, #tpu.memory_space<vmem>>, vector<16xi32>,
      %get3A_236 = arith.constant 1 : i32
      %get3A_237 = arith.index_cast %get3A_236 : i32 to index
      %get3A_238 = arith.constant 0 : index
      %get3A_239 = tpu.vector_load %arg13[%get3A_237, %get3A_238] {strides = array<i32>} : memref<7x16xi32, #tpu.memory_space<vmem>>, vector<16xi32>,
      %get3A_240 = arith.constant 2 : i32
      %get3A_241 = arith.index_cast %get3A_240 : i32 to index
      %get3A_242 = arith.constant 0 : index
      %get3A_243 = tpu.vector_load %arg13[%get3A_241, %get3A_242] {strides = array<i32>} : memref<7x16xi32, #tpu.memory_space<vmem>>, vector<16xi32>,
      %get3A_244 = arith.constant 3 : i32
      %get3A_245 = arith.index_cast %get3A_244 : i32 to index
      %get3A_246 = arith.constant 0 : index
      %get3A_247 = tpu.vector_load %arg13[%get3A_245, %get3A_246] {strides = array<i32>} : memref<7x16xi32, #tpu.memory_space<vmem>>, vector<16xi32>,
      %get3A_248 = arith.constant 4 : i32
      %get3A_249 = arith.index_cast %get3A_248 : i32 to index
      %get3A_250 = arith.constant 0 : index
      %get3A_251 = tpu.vector_load %arg13[%get3A_249, %get3A_250] {strides = array<i32>} : memref<7x16xi32, #tpu.memory_space<vmem>>, vector<16xi32>,
      %get3A_252 = arith.constant 5 : i32
      %get3A_253 = arith.index_cast %get3A_252 : i32 to index
      %get3A_254 = arith.constant 0 : index
      %get3A_255 = tpu.vector_load %arg13[%get3A_253, %get3A_254] {strides = array<i32>} : memref<7x16xi32, #tpu.memory_space<vmem>>, vector<16xi32>,
      %get3A_256 = arith.constant 6 : i32
      %get3A_257 = arith.index_cast %get3A_256 : i32 to index
      %get3A_258 = arith.constant 0 : index
      %get3A_259 = tpu.vector_load %arg13[%get3A_257, %get3A_258] {strides = array<i32>} : memref<7x16xi32, #tpu.memory_space<vmem>>, vector<16xi32>,
      %scan3A_260 = arith.constant 0 : i32
      %scan3A_261 = arith.constant 64 : i32
      %scan3A_262 = arith.addi %scan3A_260, %scan3A_261 : i32
      %scan3A_263 = arith.constant 1 : i32
      scf.for %scan3A_652 = %scan3A_260 to %scan3A_262 step %scan3A_263  : i32 {
        %mul3A_653 = arith.constant 2 : i32
        %mul3A_654 = arith.muli %scan3A_652, %mul3A_653 : i32
        %add3A_655 = arith.constant 0 : i32
        %add3A_656 = arith.addi %mul3A_654, %add3A_655 : i32
        %jit3A_657 = arith.constant 8 : i32
        %div3A_658 = arith.divsi %add3A_656, %jit3A_657 : i32
        %sign3A_659 = arith.constant 0 : i32
        %sign3A_660 = arith.cmpi sgt, %add3A_656, %sign3A_659 : i32
        %sign3A_661 = arith.extui %sign3A_660 : i1 to i32
        %sign3A_662 = arith.constant 0 : i32
        %sign3A_663 = arith.cmpi slt, %add3A_656, %sign3A_662 : i32
        %sign3A_664 = arith.extui %sign3A_663 : i1 to i32
        %sign3A_665 = arith.subi %sign3A_661, %sign3A_664 : i32
        %sign3A_666 = arith.constant 0 : i32
        %sign3A_667 = arith.cmpi sgt, %jit3A_657, %sign3A_666 : i32
        %sign3A_668 = arith.extui %sign3A_667 : i1 to i32
        %sign3A_669 = arith.constant 0 : i32
        %sign3A_670 = arith.cmpi slt, %jit3A_657, %sign3A_669 : i32
        %sign3A_671 = arith.extui %sign3A_670 : i1 to i32
        %sign3A_672 = arith.subi %sign3A_668, %sign3A_671 : i32
        %ne3A_673 = arith.cmpi ne, %sign3A_665, %sign3A_672 : i32
        %rem3A_674 = arith.remsi %add3A_656, %jit3A_657 : i32
        %ne3A_675 = arith.constant 0 : i32
        %ne3A_676 = arith.cmpi ne, %rem3A_674, %ne3A_675 : i32
        %and3A_677 = arith.andi %ne3A_673, %ne3A_676 : i1
        %sub3A_678 = arith.constant 1 : i32
        %sub3A_679 = arith.subi %div3A_658, %sub3A_678 : i32
        %select_n3A_680 = arith.select %and3A_677, %sub3A_679, %div3A_658 : i32
        %jit3A_681 = arith.constant 8 : i32
        %eq3A_682 = arith.constant 0 : i32
        %eq3A_683 = arith.cmpi eq, %jit3A_681, %eq3A_682 : i32
        %jit3A_684 = arith.constant 1 : i32
        %select_n3A_685 = arith.select %eq3A_683, %jit3A_684, %jit3A_681 : i32
        %rem3A_686 = arith.remsi %add3A_656, %select_n3A_685 : i32
        %ne3A_687 = arith.constant 0 : i32
        %ne3A_688 = arith.cmpi ne, %rem3A_686, %ne3A_687 : i32
        %lt3A = arith.constant 0 : i32
        %lt3A_689 = arith.cmpi slt, %rem3A_686, %lt3A : i32
        %lt3A_690 = arith.constant 0 : i32
        %lt3A_691 = arith.cmpi slt, %select_n3A_685, %lt3A_690 : i32
        %ne3A_692 = arith.xori %lt3A_689, %lt3A_691 : i1
        %and3A_693 = arith.andi %ne3A_692, %ne3A_688 : i1
        %add3A_694 = arith.addi %rem3A_686, %select_n3A_685 : i32
        %select_n3A_695 = arith.select %and3A_693, %add3A_694, %rem3A_686 : i32
        %broadcast_in_dim3A = vector.broadcast %add3A_656 : i32 to vector<16xi32>
        %gather3A = tpu.vector_load_idx %arg11[%get3A_235, %broadcast_in_dim3A] : memref<109x129xf32, #tpu.memory_space<vmem>>[vector<16xi32>, vector<16xi32>], vector<16xf32>,
        %swap3A_696 = arith.constant 1 : i32
        %swap3A_697 = arith.constant 0 : i32
        %swap3A_698 = tpu.memref_slice %arg9[%select_n3A_680, %swap3A_696, %select_n3A_695, %swap3A_697] : memref<16x2x8x128xf32, #tpu.memory_space<vmem>> -> memref<1x1x1x128xf32, #tpu.memory_space<vmem>>
        %swap3A_699 = tpu.memref_squeeze %swap3A_698 : memref<1x1x1x128xf32, #tpu.memory_space<vmem>> -> memref<128xf32, #tpu.memory_space<vmem>>
        %swap3A_700 = arith.constant 19 : index
        %swap3A_701 = tpu.vector_load %swap3A_699[%swap3A_700] {strides = array<i32>} : memref<128xf32, #tpu.memory_space<vmem>>, vector<16xf32>,
        tpu.vector_store %swap3A_699[%swap3A_700], %gather3A {strides = array<i32>} : memref<128xf32, #tpu.memory_space<vmem>>, vector<16xf32>,
        %gather3A_702 = tpu.vector_load_idx %arg11[%get3A_239, %broadcast_in_dim3A] : memref<109x129xf32, #tpu.memory_space<vmem>>[vector<16xi32>, vector<16xi32>], vector<16xf32>,
        %swap3A_703 = arith.constant 1 : i32
        %swap3A_704 = arith.constant 0 : i32
        %swap3A_705 = tpu.memref_slice %arg9[%select_n3A_680, %swap3A_703, %select_n3A_695, %swap3A_704] : memref<16x2x8x128xf32, #tpu.memory_space<vmem>> -> memref<1x1x1x128xf32, #tpu.memory_space<vmem>>
        %swap3A_706 = tpu.memref_squeeze %swap3A_705 : memref<1x1x1x128xf32, #tpu.memory_space<vmem>> -> memref<128xf32, #tpu.memory_space<vmem>>
        %swap3A_707 = arith.constant 35 : index
        %swap3A_708 = tpu.vector_load %swap3A_706[%swap3A_707] {strides = array<i32>} : memref<128xf32, #tpu.memory_space<vmem>>, vector<16xf32>,
        tpu.vector_store %swap3A_706[%swap3A_707], %gather3A_702 {strides = array<i32>} : memref<128xf32, #tpu.memory_space<vmem>>, vector<16xf32>,
        %gather3A_709 = tpu.vector_load_idx %arg11[%get3A_243, %broadcast_in_dim3A] : memref<109x129xf32, #tpu.memory_space<vmem>>[vector<16xi32>, vector<16xi32>], vector<16xf32>,
        %swap3A_710 = arith.constant 1 : i32
        %swap3A_711 = arith.constant 0 : i32
        %swap3A_712 = tpu.memref_slice %arg9[%select_n3A_680, %swap3A_710, %select_n3A_695, %swap3A_711] : memref<16x2x8x128xf32, #tpu.memory_space<vmem>> -> memref<1x1x1x128xf32, #tpu.memory_space<vmem>>
        %swap3A_713 = tpu.memref_squeeze %swap3A_712 : memref<1x1x1x128xf32, #tpu.memory_space<vmem>> -> memref<128xf32, #tpu.memory_space<vmem>>
        %swap3A_714 = arith.constant 51 : index
        %swap3A_715 = tpu.vector_load %swap3A_713[%swap3A_714] {strides = array<i32>} : memref<128xf32, #tpu.memory_space<vmem>>, vector<16xf32>,
        tpu.vector_store %swap3A_713[%swap3A_714], %gather3A_709 {strides = array<i32>} : memref<128xf32, #tpu.memory_space<vmem>>, vector<16xf32>,
        %gather3A_716 = tpu.vector_load_idx %arg11[%get3A_247, %broadcast_in_dim3A] : memref<109x129xf32, #tpu.memory_space<vmem>>[vector<16xi32>, vector<16xi32>], vector<16xf32>,
        %swap3A_717 = arith.constant 1 : i32
        %swap3A_718 = arith.constant 0 : i32
        %swap3A_719 = tpu.memref_slice %arg9[%select_n3A_680, %swap3A_717, %select_n3A_695, %swap3A_718] : memref<16x2x8x128xf32, #tpu.memory_space<vmem>> -> memref<1x1x1x128xf32, #tpu.memory_space<vmem>>
        %swap3A_720 = tpu.memref_squeeze %swap3A_719 : memref<1x1x1x128xf32, #tpu.memory_space<vmem>> -> memref<128xf32, #tpu.memory_space<vmem>>
        %swap3A_721 = arith.constant 67 : index
        %swap3A_722 = tpu.vector_load %swap3A_720[%swap3A_721] {strides = array<i32>} : memref<128xf32, #tpu.memory_space<vmem>>, vector<16xf32>,
        tpu.vector_store %swap3A_720[%swap3A_721], %gather3A_716 {strides = array<i32>} : memref<128xf32, #tpu.memory_space<vmem>>, vector<16xf32>,
        %gather3A_723 = tpu.vector_load_idx %arg11[%get3A_251, %broadcast_in_dim3A] : memref<109x129xf32, #tpu.memory_space<vmem>>[vector<16xi32>, vector<16xi32>], vector<16xf32>,
        %swap3A_724 = arith.constant 1 : i32
        %swap3A_725 = arith.constant 0 : i32
        %swap3A_726 = tpu.memref_slice %arg9[%select_n3A_680, %swap3A_724, %select_n3A_695, %swap3A_725] : memref<16x2x8x128xf32, #tpu.memory_space<vmem>> -> memref<1x1x1x128xf32, #tpu.memory_space<vmem>>
        %swap3A_727 = tpu.memref_squeeze %swap3A_726 : memref<1x1x1x128xf32, #tpu.memory_space<vmem>> -> memref<128xf32, #tpu.memory_space<vmem>>
        %swap3A_728 = arith.constant 83 : index
        %swap3A_729 = tpu.vector_load %swap3A_727[%swap3A_728] {strides = array<i32>} : memref<128xf32, #tpu.memory_space<vmem>>, vector<16xf32>,
        tpu.vector_store %swap3A_727[%swap3A_728], %gather3A_723 {strides = array<i32>} : memref<128xf32, #tpu.memory_space<vmem>>, vector<16xf32>,
        %gather3A_730 = tpu.vector_load_idx %arg11[%get3A_255, %broadcast_in_dim3A] : memref<109x129xf32, #tpu.memory_space<vmem>>[vector<16xi32>, vector<16xi32>], vector<16xf32>,
        %swap3A_731 = arith.constant 1 : i32
        %swap3A_732 = arith.constant 0 : i32
        %swap3A_733 = tpu.memref_slice %arg9[%select_n3A_680, %swap3A_731, %select_n3A_695, %swap3A_732] : memref<16x2x8x128xf32, #tpu.memory_space<vmem>> -> memref<1x1x1x128xf32, #tpu.memory_space<vmem>>
        %swap3A_734 = tpu.memref_squeeze %swap3A_733 : memref<1x1x1x128xf32, #tpu.memory_space<vmem>> -> memref<128xf32, #tpu.memory_space<vmem>>
        %swap3A_735 = arith.constant 99 : index
        %swap3A_736 = tpu.vector_load %swap3A_734[%swap3A_735] {strides = array<i32>} : memref<128xf32, #tpu.memory_space<vmem>>, vector<16xf32>,
        tpu.vector_store %swap3A_734[%swap3A_735], %gather3A_730 {strides = array<i32>} : memref<128xf32, #tpu.memory_space<vmem>>, vector<16xf32>,
        %gather3A_737 = tpu.vector_load_idx %arg11[%get3A_259, %broadcast_in_dim3A] : memref<109x129xf32, #tpu.memory_space<vmem>>[vector<16xi32>, vector<16xi32>], vector<16xf32>,
        %swap3A_738 = arith.constant 1 : i32
        %swap3A_739 = arith.constant 0 : i32
        %swap3A_740 = tpu.memref_slice %arg9[%select_n3A_680, %swap3A_738, %select_n3A_695, %swap3A_739] : memref<16x2x8x128xf32, #tpu.memory_space<vmem>> -> memref<1x1x1x128xf32, #tpu.memory_space<vmem>>
        %swap3A_741 = tpu.memref_squeeze %swap3A_740 : memref<1x1x1x128xf32, #tpu.memory_space<vmem>> -> memref<128xf32, #tpu.memory_space<vmem>>
        %swap3A_742 = arith.constant 112 : index
        %swap3A_743 = tpu.vector_load %swap3A_741[%swap3A_742] {strides = array<i32>} : memref<128xf32, #tpu.memory_space<vmem>>, vector<16xf32>,
        tpu.vector_store %swap3A_741[%swap3A_742], %gather3A_737 {strides = array<i32>} : memref<128xf32, #tpu.memory_space<vmem>>, vector<16xf32>,
        %mul3A_744 = arith.constant 2 : i32
        %mul3A_745 = arith.muli %scan3A_652, %mul3A_744 : i32
        %add3A_746 = arith.constant 1 : i32
        %add3A_747 = arith.addi %mul3A_745, %add3A_746 : i32
        %jit3A_748 = arith.constant 8 : i32
        %div3A_749 = arith.divsi %add3A_747, %jit3A_748 : i32
        %sign3A_750 = arith.constant 0 : i32
        %sign3A_751 = arith.cmpi sgt, %add3A_747, %sign3A_750 : i32
        %sign3A_752 = arith.extui %sign3A_751 : i1 to i32
        %sign3A_753 = arith.constant 0 : i32
        %sign3A_754 = arith.cmpi slt, %add3A_747, %sign3A_753 : i32
        %sign3A_755 = arith.extui %sign3A_754 : i1 to i32
        %sign3A_756 = arith.subi %sign3A_752, %sign3A_755 : i32
        %sign3A_757 = arith.constant 0 : i32
        %sign3A_758 = arith.cmpi sgt, %jit3A_748, %sign3A_757 : i32
        %sign3A_759 = arith.extui %sign3A_758 : i1 to i32
        %sign3A_760 = arith.constant 0 : i32
        %sign3A_761 = arith.cmpi slt, %jit3A_748, %sign3A_760 : i32
        %sign3A_762 = arith.extui %sign3A_761 : i1 to i32
        %sign3A_763 = arith.subi %sign3A_759, %sign3A_762 : i32
        %ne3A_764 = arith.cmpi ne, %sign3A_756, %sign3A_763 : i32
        %rem3A_765 = arith.remsi %add3A_747, %jit3A_748 : i32
        %ne3A_766 = arith.constant 0 : i32
        %ne3A_767 = arith.cmpi ne, %rem3A_765, %ne3A_766 : i32
        %and3A_768 = arith.andi %ne3A_764, %ne3A_767 : i1
        %sub3A_769 = arith.constant 1 : i32
        %sub3A_770 = arith.subi %div3A_749, %sub3A_769 : i32
        %select_n3A_771 = arith.select %and3A_768, %sub3A_770, %div3A_749 : i32
        %jit3A_772 = arith.constant 8 : i32
        %eq3A_773 = arith.constant 0 : i32
        %eq3A_774 = arith.cmpi eq, %jit3A_772, %eq3A_773 : i32
        %jit3A_775 = arith.constant 1 : i32
        %select_n3A_776 = arith.select %eq3A_774, %jit3A_775, %jit3A_772 : i32
        %rem3A_777 = arith.remsi %add3A_747, %select_n3A_776 : i32
        %ne3A_778 = arith.constant 0 : i32
        %ne3A_779 = arith.cmpi ne, %rem3A_777, %ne3A_778 : i32
        %lt3A_780 = arith.constant 0 : i32
        %lt3A_781 = arith.cmpi slt, %rem3A_777, %lt3A_780 : i32
        %lt3A_782 = arith.constant 0 : i32
        %lt3A_783 = arith.cmpi slt, %select_n3A_776, %lt3A_782 : i32
        %ne3A_784 = arith.xori %lt3A_781, %lt3A_783 : i1
        %and3A_785 = arith.andi %ne3A_784, %ne3A_779 : i1
        %add3A_786 = arith.addi %rem3A_777, %select_n3A_776 : i32
        %select_n3A_787 = arith.select %and3A_785, %add3A_786, %rem3A_777 : i32
        %broadcast_in_dim3A_788 = vector.broadcast %add3A_747 : i32 to vector<16xi32>
        %gather3A_789 = tpu.vector_load_idx %arg11[%get3A_235, %broadcast_in_dim3A_788] : memref<109x129xf32, #tpu.memory_space<vmem>>[vector<16xi32>, vector<16xi32>], vector<16xf32>,
        %swap3A_790 = arith.constant 1 : i32
        %swap3A_791 = arith.constant 0 : i32
        %swap3A_792 = tpu.memref_slice %arg9[%select_n3A_771, %swap3A_790, %select_n3A_787, %swap3A_791] : memref<16x2x8x128xf32, #tpu.memory_space<vmem>> -> memref<1x1x1x128xf32, #tpu.memory_space<vmem>>
        %swap3A_793 = tpu.memref_squeeze %swap3A_792 : memref<1x1x1x128xf32, #tpu.memory_space<vmem>> -> memref<128xf32, #tpu.memory_space<vmem>>
        %swap3A_794 = arith.constant 19 : index
        %swap3A_795 = tpu.vector_load %swap3A_793[%swap3A_794] {strides = array<i32>} : memref<128xf32, #tpu.memory_space<vmem>>, vector<16xf32>,
        tpu.vector_store %swap3A_793[%swap3A_794], %gather3A_789 {strides = array<i32>} : memref<128xf32, #tpu.memory_space<vmem>>, vector<16xf32>,
        %gather3A_796 = tpu.vector_load_idx %arg11[%get3A_239, %broadcast_in_dim3A_788] : memref<109x129xf32, #tpu.memory_space<vmem>>[vector<16xi32>, vector<16xi32>], vector<16xf32>,
        %swap3A_797 = arith.constant 1 : i32
        %swap3A_798 = arith.constant 0 : i32
        %swap3A_799 = tpu.memref_slice %arg9[%select_n3A_771, %swap3A_797, %select_n3A_787, %swap3A_798] : memref<16x2x8x128xf32, #tpu.memory_space<vmem>> -> memref<1x1x1x128xf32, #tpu.memory_space<vmem>>
        %swap3A_800 = tpu.memref_squeeze %swap3A_799 : memref<1x1x1x128xf32, #tpu.memory_space<vmem>> -> memref<128xf32, #tpu.memory_space<vmem>>
        %swap3A_801 = arith.constant 35 : index
        %swap3A_802 = tpu.vector_load %swap3A_800[%swap3A_801] {strides = array<i32>} : memref<128xf32, #tpu.memory_space<vmem>>, vector<16xf32>,
        tpu.vector_store %swap3A_800[%swap3A_801], %gather3A_796 {strides = array<i32>} : memref<128xf32, #tpu.memory_space<vmem>>, vector<16xf32>,
        %gather3A_803 = tpu.vector_load_idx %arg11[%get3A_243, %broadcast_in_dim3A_788] : memref<109x129xf32, #tpu.memory_space<vmem>>[vector<16xi32>, vector<16xi32>], vector<16xf32>,
        %swap3A_804 = arith.constant 1 : i32
        %swap3A_805 = arith.constant 0 : i32
        %swap3A_806 = tpu.memref_slice %arg9[%select_n3A_771, %swap3A_804, %select_n3A_787, %swap3A_805] : memref<16x2x8x128xf32, #tpu.memory_space<vmem>> -> memref<1x1x1x128xf32, #tpu.memory_space<vmem>>
        %swap3A_807 = tpu.memref_squeeze %swap3A_806 : memref<1x1x1x128xf32, #tpu.memory_space<vmem>> -> memref<128xf32, #tpu.memory_space<vmem>>
        %swap3A_808 = arith.constant 51 : index
        %swap3A_809 = tpu.vector_load %swap3A_807[%swap3A_808] {strides = array<i32>} : memref<128xf32, #tpu.memory_space<vmem>>, vector<16xf32>,
        tpu.vector_store %swap3A_807[%swap3A_808], %gather3A_803 {strides = array<i32>} : memref<128xf32, #tpu.memory_space<vmem>>, vector<16xf32>,
        %gather3A_810 = tpu.vector_load_idx %arg11[%get3A_247, %broadcast_in_dim3A_788] : memref<109x129xf32, #tpu.memory_space<vmem>>[vector<16xi32>, vector<16xi32>], vector<16xf32>,
        %swap3A_811 = arith.constant 1 : i32
        %swap3A_812 = arith.constant 0 : i32
        %swap3A_813 = tpu.memref_slice %arg9[%select_n3A_771, %swap3A_811, %select_n3A_787, %swap3A_812] : memref<16x2x8x128xf32, #tpu.memory_space<vmem>> -> memref<1x1x1x128xf32, #tpu.memory_space<vmem>>
        %swap3A_814 = tpu.memref_squeeze %swap3A_813 : memref<1x1x1x128xf32, #tpu.memory_space<vmem>> -> memref<128xf32, #tpu.memory_space<vmem>>
        %swap3A_815 = arith.constant 67 : index
        %swap3A_816 = tpu.vector_load %swap3A_814[%swap3A_815] {strides = array<i32>} : memref<128xf32, #tpu.memory_space<vmem>>, vector<16xf32>,
        tpu.vector_store %swap3A_814[%swap3A_815], %gather3A_810 {strides = array<i32>} : memref<128xf32, #tpu.memory_space<vmem>>, vector<16xf32>,
        %gather3A_817 = tpu.vector_load_idx %arg11[%get3A_251, %broadcast_in_dim3A_788] : memref<109x129xf32, #tpu.memory_space<vmem>>[vector<16xi32>, vector<16xi32>], vector<16xf32>,
        %swap3A_818 = arith.constant 1 : i32
        %swap3A_819 = arith.constant 0 : i32
        %swap3A_820 = tpu.memref_slice %arg9[%select_n3A_771, %swap3A_818, %select_n3A_787, %swap3A_819] : memref<16x2x8x128xf32, #tpu.memory_space<vmem>> -> memref<1x1x1x128xf32, #tpu.memory_space<vmem>>
        %swap3A_821 = tpu.memref_squeeze %swap3A_820 : memref<1x1x1x128xf32, #tpu.memory_space<vmem>> -> memref<128xf32, #tpu.memory_space<vmem>>
        %swap3A_822 = arith.constant 83 : index
        %swap3A_823 = tpu.vector_load %swap3A_821[%swap3A_822] {strides = array<i32>} : memref<128xf32, #tpu.memory_space<vmem>>, vector<16xf32>,
        tpu.vector_store %swap3A_821[%swap3A_822], %gather3A_817 {strides = array<i32>} : memref<128xf32, #tpu.memory_space<vmem>>, vector<16xf32>,
        %gather3A_824 = tpu.vector_load_idx %arg11[%get3A_255, %broadcast_in_dim3A_788] : memref<109x129xf32, #tpu.memory_space<vmem>>[vector<16xi32>, vector<16xi32>], vector<16xf32>,
        %swap3A_825 = arith.constant 1 : i32
        %swap3A_826 = arith.constant 0 : i32
        %swap3A_827 = tpu.memref_slice %arg9[%select_n3A_771, %swap3A_825, %select_n3A_787, %swap3A_826] : memref<16x2x8x128xf32, #tpu.memory_space<vmem>> -> memref<1x1x1x128xf32, #tpu.memory_space<vmem>>
        %swap3A_828 = tpu.memref_squeeze %swap3A_827 : memref<1x1x1x128xf32, #tpu.memory_space<vmem>> -> memref<128xf32, #tpu.memory_space<vmem>>
        %swap3A_829 = arith.constant 99 : index
        %swap3A_830 = tpu.vector_load %swap3A_828[%swap3A_829] {strides = array<i32>} : memref<128xf32, #tpu.memory_space<vmem>>, vector<16xf32>,
        tpu.vector_store %swap3A_828[%swap3A_829], %gather3A_824 {strides = array<i32>} : memref<128xf32, #tpu.memory_space<vmem>>, vector<16xf32>,
        %gather3A_831 = tpu.vector_load_idx %arg11[%get3A_259, %broadcast_in_dim3A_788] : memref<109x129xf32, #tpu.memory_space<vmem>>[vector<16xi32>, vector<16xi32>], vector<16xf32>,
        %swap3A_832 = arith.constant 1 : i32
        %swap3A_833 = arith.constant 0 : i32
        %swap3A_834 = tpu.memref_slice %arg9[%select_n3A_771, %swap3A_832, %select_n3A_787, %swap3A_833] : memref<16x2x8x128xf32, #tpu.memory_space<vmem>> -> memref<1x1x1x128xf32, #tpu.memory_space<vmem>>
        %swap3A_835 = tpu.memref_squeeze %swap3A_834 : memref<1x1x1x128xf32, #tpu.memory_space<vmem>> -> memref<128xf32, #tpu.memory_space<vmem>>
        %swap3A_836 = arith.constant 112 : index
        %swap3A_837 = tpu.vector_load %swap3A_835[%swap3A_836] {strides = array<i32>} : memref<128xf32, #tpu.memory_space<vmem>>, vector<16xf32>,
        tpu.vector_store %swap3A_835[%swap3A_836], %gather3A_831 {strides = array<i32>} : memref<128xf32, #tpu.memory_space<vmem>>, vector<16xf32>,
      }
      %scan3A_264 = arith.constant 64 : i32
      %dma_start3A_265 = arith.constant 0 : i32
      %dma_start3A_266 = arith.constant 0 : i32
      %dma_start3A_267 = arith.constant 0 : i32
      %dma_start3A_268 = tpu.memref_slice %arg5[%scan3A_170, %select_n3A_196, %dma_start3A_265, %dma_start3A_266, %dma_start3A_267] : memref<50x2048x2x8x128xf32, #tpu.memory_space<hbm>> -> memref<1x16x2x8x128xf32, #tpu.memory_space<hbm>>
      %dma_start3A_269 = tpu.memref_squeeze %dma_start3A_268 : memref<1x16x2x8x128xf32, #tpu.memory_space<hbm>> -> memref<16x2x8x128xf32, #tpu.memory_space<hbm>>
      %dma_start3A_270 = arith.constant 0 : i32
      %dma_start3A_271 = arith.constant 0 : i32
      %dma_start3A_272 = arith.constant 0 : i32
      %dma_start3A_273 = tpu.memref_slice %arg5[%scan3A_170, %select_n3A_196, %dma_start3A_270, %dma_start3A_271, %dma_start3A_272] : memref<50x2048x2x8x128xf32, #tpu.memory_space<hbm>> -> memref<1x16x2x8x128xf32, #tpu.memory_space<hbm>>
      %dma_start3A_274 = tpu.memref_squeeze %dma_start3A_273 : memref<1x16x2x8x128xf32, #tpu.memory_space<hbm>> -> memref<16x2x8x128xf32, #tpu.memory_space<hbm>>
      tpu.enqueue_dma source(%arg9 : memref<16x2x8x128xf32, #tpu.memory_space<vmem>>) target(%dma_start3A_274 : memref<16x2x8x128xf32, #tpu.memory_space<hbm>>) target_semaphore(%arg20 : memref<!tpu.dma_semaphore, #tpu.memory_space<semaphore_mem>>)
      %add3A_275 = arith.constant 0 : i32
      %add3A_276 = arith.addi %scan3A_170, %add3A_275 : i32
      %add3A_277 = arith.constant 256 : i32
      %add3A_278 = arith.addi %mul3A_2, %add3A_277 : i32
      %dma_start3A_279 = tpu.memref_slice %arg2[%add3A_276, %add3A_278] : memref<50x16384xi32, #tpu.memory_space<hbm>> -> memref<1x128xi32, #tpu.memory_space<hbm>>
      %dma_start3A_280 = tpu.memref_squeeze %dma_start3A_279 : memref<1x128xi32, #tpu.memory_space<hbm>> -> memref<128xi32, #tpu.memory_space<hbm>>
      %dma_start3A_281 = tpu.memref_slice %arg2[%add3A_276, %add3A_278] : memref<50x16384xi32, #tpu.memory_space<hbm>> -> memref<1x128xi32, #tpu.memory_space<hbm>>
      %dma_start3A_282 = tpu.memref_squeeze %dma_start3A_281 : memref<1x128xi32, #tpu.memory_space<hbm>> -> memref<128xi32, #tpu.memory_space<hbm>>
      tpu.enqueue_dma source(%dma_start3A_282 : memref<128xi32, #tpu.memory_space<hbm>>) target(%arg6 : memref<128xi32, #tpu.memory_space<vmem>>) target_semaphore(%arg15 : memref<!tpu.dma_semaphore, #tpu.memory_space<semaphore_mem>>)
      %dma_start3A_283 = arith.constant 0 : i32
      %dma_start3A_284 = arith.constant 0 : i32
      %dma_start3A_285 = tpu.memref_slice %arg11[%dma_start3A_283, %dma_start3A_284] : memref<109x129xf32, #tpu.memory_space<vmem>> -> memref<109x128xf32, #tpu.memory_space<vmem>>
      %dma_start3A_286 = arith.constant 0 : i32
      %dma_start3A_287 = tpu.memref_slice %arg3[%add3A_276, %dma_start3A_286, %add3A_278] : memref<50x109x16384xf32, #tpu.memory_space<hbm>> -> memref<1x109x128xf32, #tpu.memory_space<hbm>>
      %dma_start3A_288 = tpu.memref_squeeze %dma_start3A_287 : memref<1x109x128xf32, #tpu.memory_space<hbm>> -> memref<109x128xf32, #tpu.memory_space<hbm>>
      %dma_start3A_289 = arith.constant 0 : i32
      %dma_start3A_290 = arith.constant 0 : i32
      %dma_start3A_291 = tpu.memref_slice %arg11[%dma_start3A_289, %dma_start3A_290] : memref<109x129xf32, #tpu.memory_space<vmem>> -> memref<109x128xf32, #tpu.memory_space<vmem>>
      %dma_start3A_292 = arith.constant 0 : i32
      %dma_start3A_293 = tpu.memref_slice %arg3[%add3A_276, %dma_start3A_292, %add3A_278] : memref<50x109x16384xf32, #tpu.memory_space<hbm>> -> memref<1x109x128xf32, #tpu.memory_space<hbm>>
      %dma_start3A_294 = tpu.memref_squeeze %dma_start3A_293 : memref<1x109x128xf32, #tpu.memory_space<hbm>> -> memref<109x128xf32, #tpu.memory_space<hbm>>
      tpu.enqueue_dma source(%dma_start3A_294 : memref<109x128xf32, #tpu.memory_space<hbm>>) target(%dma_start3A_291 : memref<109x128xf32, #tpu.memory_space<vmem>>) target_semaphore(%arg17 : memref<!tpu.dma_semaphore, #tpu.memory_space<semaphore_mem>>)
      %add3A_295 = arith.constant 128 : i32
      %add3A_296 = arith.addi %mul3A_2, %add3A_295 : i32
      %jit3A_297 = arith.constant 8 : i32
      %div3A_298 = arith.divsi %add3A_296, %jit3A_297 : i32
      %sign3A_299 = arith.constant 0 : i32
      %sign3A_300 = arith.cmpi sgt, %add3A_296, %sign3A_299 : i32
      %sign3A_301 = arith.extui %sign3A_300 : i1 to i32
      %sign3A_302 = arith.constant 0 : i32
      %sign3A_303 = arith.cmpi slt, %add3A_296, %sign3A_302 : i32
      %sign3A_304 = arith.extui %sign3A_303 : i1 to i32
      %sign3A_305 = arith.subi %sign3A_301, %sign3A_304 : i32
      %sign3A_306 = arith.constant 0 : i32
      %sign3A_307 = arith.cmpi sgt, %jit3A_297, %sign3A_306 : i32
      %sign3A_308 = arith.extui %sign3A_307 : i1 to i32
      %sign3A_309 = arith.constant 0 : i32
      %sign3A_310 = arith.cmpi slt, %jit3A_297, %sign3A_309 : i32
      %sign3A_311 = arith.extui %sign3A_310 : i1 to i32
      %sign3A_312 = arith.subi %sign3A_308, %sign3A_311 : i32
      %ne3A_313 = arith.cmpi ne, %sign3A_305, %sign3A_312 : i32
      %rem3A_314 = arith.remsi %add3A_296, %jit3A_297 : i32
      %ne3A_315 = arith.constant 0 : i32
      %ne3A_316 = arith.cmpi ne, %rem3A_314, %ne3A_315 : i32
      %and3A_317 = arith.andi %ne3A_313, %ne3A_316 : i1
      %sub3A_318 = arith.constant 1 : i32
      %sub3A_319 = arith.subi %div3A_298, %sub3A_318 : i32
      %select_n3A_320 = arith.select %and3A_317, %sub3A_319, %div3A_298 : i32
      %dma_wait3A_321 = arith.constant 0 : i32
      %dma_wait3A_322 = arith.constant 0 : i32
      %dma_wait3A_323 = tpu.memref_slice %arg14[%dma_wait3A_321, %dma_wait3A_322] : memref<27x160xf32, #tpu.memory_space<vmem_shared>> -> memref<27x160xf32, #tpu.memory_space<vmem_shared>>
      tpu.wait_indirect_dma semaphore(%arg19 : memref<!tpu.dma_semaphore, #tpu.memory_space<semaphore_mem>>) src(%dma_wait3A_323 : memref<27x160xf32, #tpu.memory_space<vmem_shared>>) dst(%arg8 : memref<128x160xf32, #tpu.memory_space<vmem>>)
      %dma_wait3A_324 = arith.constant 0 : i32
      %dma_wait3A_325 = arith.constant 0 : i32
      %dma_wait3A_326 = tpu.memref_slice %arg12[%dma_wait3A_324, %dma_wait3A_325] : memref<109x129xf32, #tpu.memory_space<vmem>> -> memref<109x128xf32, #tpu.memory_space<vmem>>
      %dma_wait3A_327 = arith.constant 0 : i32
      %dma_wait3A_328 = tpu.memref_slice %arg3[%scan3A_170, %dma_wait3A_327, %add3A_296] : memref<50x109x16384xf32, #tpu.memory_space<hbm>> -> memref<1x109x128xf32, #tpu.memory_space<hbm>>
      %dma_wait3A_329 = tpu.memref_squeeze %dma_wait3A_328 : memref<1x109x128xf32, #tpu.memory_space<hbm>> -> memref<109x128xf32, #tpu.memory_space<hbm>>
      %dma_wait3A_330 = arith.constant 0 : i32
      %dma_wait3A_331 = arith.constant 0 : i32
      %dma_wait3A_332 = tpu.memref_slice %arg12[%dma_wait3A_330, %dma_wait3A_331] : memref<109x129xf32, #tpu.memory_space<vmem>> -> memref<109x128xf32, #tpu.memory_space<vmem>>
      %dma_wait3A_333 = arith.constant 0 : i32
      %dma_wait3A_334 = tpu.memref_slice %arg3[%scan3A_170, %dma_wait3A_333, %add3A_296] : memref<50x109x16384xf32, #tpu.memory_space<hbm>> -> memref<1x109x128xf32, #tpu.memory_space<hbm>>
      %dma_wait3A_335 = tpu.memref_squeeze %dma_wait3A_334 : memref<1x109x128xf32, #tpu.memory_space<hbm>> -> memref<109x128xf32, #tpu.memory_space<hbm>>
      tpu.wait_dma2 semaphore(%arg18 : memref<!tpu.dma_semaphore, #tpu.memory_space<semaphore_mem>>) src(%dma_wait3A_335 : memref<109x128xf32, #tpu.memory_space<hbm>>) dst(%dma_wait3A_332 : memref<109x128xf32, #tpu.memory_space<vmem>>)
      %ge3A_336 = arith.constant 1 : i32
      %ge3A_337 = arith.cmpi sge, %scan3A_170, %ge3A_336 : i32
      %convert_element_type3A_338 = arith.extui %ge3A_337 : i1 to i32
      %cond3A_339 = arith.constant 0 : i32
      %cond3A_340 = arith.cmpi ne, %convert_element_type3A_338, %cond3A_339 : i32
      scf.if %cond3A_340 {
        %dma_wait3A_652 = arith.constant 0 : i32
        %dma_wait3A_653 = arith.constant 0 : i32
        %dma_wait3A_654 = arith.constant 0 : i32
        %dma_wait3A_655 = tpu.memref_slice %arg5[%scan3A_170, %select_n3A_320, %dma_wait3A_652, %dma_wait3A_653, %dma_wait3A_654] : memref<50x2048x2x8x128xf32, #tpu.memory_space<hbm>> -> memref<1x16x2x8x128xf32, #tpu.memory_space<hbm>>
        %dma_wait3A_656 = tpu.memref_squeeze %dma_wait3A_655 : memref<1x16x2x8x128xf32, #tpu.memory_space<hbm>> -> memref<16x2x8x128xf32, #tpu.memory_space<hbm>>
        %dma_wait3A_657 = arith.constant 0 : i32
        %dma_wait3A_658 = arith.constant 0 : i32
        %dma_wait3A_659 = arith.constant 0 : i32
        %dma_wait3A_660 = tpu.memref_slice %arg5[%scan3A_170, %select_n3A_320, %dma_wait3A_657, %dma_wait3A_658, %dma_wait3A_659] : memref<50x2048x2x8x128xf32, #tpu.memory_space<hbm>> -> memref<1x16x2x8x128xf32, #tpu.memory_space<hbm>>
        %dma_wait3A_661 = tpu.memref_squeeze %dma_wait3A_660 : memref<1x16x2x8x128xf32, #tpu.memory_space<hbm>> -> memref<16x2x8x128xf32, #tpu.memory_space<hbm>>
        tpu.wait_dma2 semaphore(%arg21 : memref<!tpu.dma_semaphore, #tpu.memory_space<semaphore_mem>>) src(%arg10 : memref<16x2x8x128xf32, #tpu.memory_space<vmem>>) dst(%dma_wait3A_661 : memref<16x2x8x128xf32, #tpu.memory_space<hbm>>)
      } else {
      }
      %scan3A_341 = arith.constant 0 : i32
      %scan3A_342 = arith.constant 0 : i32
      %scan3A_343 = arith.constant 64 : i32
      %scan3A_344 = arith.addi %scan3A_342, %scan3A_343 : i32
      %scan3A_345 = arith.constant 1 : i32
      scf.for %scan3A_652 = %scan3A_342 to %scan3A_344 step %scan3A_345  : i32 {
        %mul3A_653 = arith.constant 2 : i32
        %mul3A_654 = arith.muli %scan3A_652, %mul3A_653 : i32
        %add3A_655 = arith.constant 0 : i32
        %add3A_656 = arith.addi %mul3A_654, %add3A_655 : i32
        %jit3A_657 = arith.constant 8 : i32
        %div3A_658 = arith.divsi %add3A_656, %jit3A_657 : i32
        %sign3A_659 = arith.constant 0 : i32
        %sign3A_660 = arith.cmpi sgt, %add3A_656, %sign3A_659 : i32
        %sign3A_661 = arith.extui %sign3A_660 : i1 to i32
        %sign3A_662 = arith.constant 0 : i32
        %sign3A_663 = arith.cmpi slt, %add3A_656, %sign3A_662 : i32
        %sign3A_664 = arith.extui %sign3A_663 : i1 to i32
        %sign3A_665 = arith.subi %sign3A_661, %sign3A_664 : i32
        %sign3A_666 = arith.constant 0 : i32
        %sign3A_667 = arith.cmpi sgt, %jit3A_657, %sign3A_666 : i32
        %sign3A_668 = arith.extui %sign3A_667 : i1 to i32
        %sign3A_669 = arith.constant 0 : i32
        %sign3A_670 = arith.cmpi slt, %jit3A_657, %sign3A_669 : i32
        %sign3A_671 = arith.extui %sign3A_670 : i1 to i32
        %sign3A_672 = arith.subi %sign3A_668, %sign3A_671 : i32
        %ne3A_673 = arith.cmpi ne, %sign3A_665, %sign3A_672 : i32
        %rem3A_674 = arith.remsi %add3A_656, %jit3A_657 : i32
        %ne3A_675 = arith.constant 0 : i32
        %ne3A_676 = arith.cmpi ne, %rem3A_674, %ne3A_675 : i32
        %and3A_677 = arith.andi %ne3A_673, %ne3A_676 : i1
        %sub3A_678 = arith.constant 1 : i32
        %sub3A_679 = arith.subi %div3A_658, %sub3A_678 : i32
        %select_n3A_680 = arith.select %and3A_677, %sub3A_679, %div3A_658 : i32
        %jit3A_681 = arith.constant 8 : i32
        %eq3A_682 = arith.constant 0 : i32
        %eq3A_683 = arith.cmpi eq, %jit3A_681, %eq3A_682 : i32
        %jit3A_684 = arith.constant 1 : i32
        %select_n3A_685 = arith.select %eq3A_683, %jit3A_684, %jit3A_681 : i32
        %rem3A_686 = arith.remsi %add3A_656, %select_n3A_685 : i32
        %ne3A_687 = arith.constant 0 : i32
        %ne3A_688 = arith.cmpi ne, %rem3A_686, %ne3A_687 : i32
        %lt3A = arith.constant 0 : i32
        %lt3A_689 = arith.cmpi slt, %rem3A_686, %lt3A : i32
        %lt3A_690 = arith.constant 0 : i32
        %lt3A_691 = arith.cmpi slt, %select_n3A_685, %lt3A_690 : i32
        %ne3A_692 = arith.xori %lt3A_689, %lt3A_691 : i1
        %and3A_693 = arith.andi %ne3A_692, %ne3A_688 : i1
        %add3A_694 = arith.addi %rem3A_686, %select_n3A_685 : i32
        %select_n3A_695 = arith.select %and3A_693, %add3A_694, %rem3A_686 : i32
        %get3A_696 = arith.constant 0 : i32
        %get3A_697 = tpu.memref_slice %arg8[%add3A_656, %get3A_696] : memref<128x160xf32, #tpu.memory_space<vmem>> -> memref<1x160xf32, #tpu.memory_space<vmem>>
        %get3A_698 = tpu.memref_squeeze %get3A_697 : memref<1x160xf32, #tpu.memory_space<vmem>> -> memref<160xf32, #tpu.memory_space<vmem>>
        %get3A_699 = arith.constant 0 : index
        %get3A_700 = tpu.vector_load %get3A_698[%get3A_699] {strides = array<i32>} : memref<160xf32, #tpu.memory_space<vmem>>, vector<16xf32>,
        %swap3A_701 = arith.constant 0 : i32
        %swap3A_702 = arith.constant 0 : i32
        %swap3A_703 = tpu.memref_slice %arg10[%select_n3A_680, %swap3A_701, %select_n3A_695, %swap3A_702] : memref<16x2x8x128xf32, #tpu.memory_space<vmem>> -> memref<1x1x1x128xf32, #tpu.memory_space<vmem>>
        %swap3A_704 = tpu.memref_squeeze %swap3A_703 : memref<1x1x1x128xf32, #tpu.memory_space<vmem>> -> memref<128xf32, #tpu.memory_space<vmem>>
        %swap3A_705 = arith.constant 0 : index
        %swap3A_706 = tpu.vector_load %swap3A_704[%swap3A_705] {strides = array<i32>} : memref<128xf32, #tpu.memory_space<vmem>>, vector<16xf32>,
        tpu.vector_store %swap3A_704[%swap3A_705], %get3A_700 {strides = array<i32>} : memref<128xf32, #tpu.memory_space<vmem>>, vector<16xf32>,
        %get3A_707 = arith.constant 0 : i32
        %get3A_708 = tpu.memref_slice %arg8[%add3A_656, %get3A_707] : memref<128x160xf32, #tpu.memory_space<vmem>> -> memref<1x160xf32, #tpu.memory_space<vmem>>
        %get3A_709 = tpu.memref_squeeze %get3A_708 : memref<1x160xf32, #tpu.memory_space<vmem>> -> memref<160xf32, #tpu.memory_space<vmem>>
        %get3A_710 = arith.constant 16 : index
        %get3A_711 = tpu.vector_load %get3A_709[%get3A_710] {strides = array<i32>} : memref<160xf32, #tpu.memory_space<vmem>>, vector<16xf32>,
        %swap3A_712 = arith.constant 0 : i32
        %swap3A_713 = arith.constant 0 : i32
        %swap3A_714 = tpu.memref_slice %arg10[%select_n3A_680, %swap3A_712, %select_n3A_695, %swap3A_713] : memref<16x2x8x128xf32, #tpu.memory_space<vmem>> -> memref<1x1x1x128xf32, #tpu.memory_space<vmem>>
        %swap3A_715 = tpu.memref_squeeze %swap3A_714 : memref<1x1x1x128xf32, #tpu.memory_space<vmem>> -> memref<128xf32, #tpu.memory_space<vmem>>
        %swap3A_716 = arith.constant 16 : index
        %swap3A_717 = tpu.vector_load %swap3A_715[%swap3A_716] {strides = array<i32>} : memref<128xf32, #tpu.memory_space<vmem>>, vector<16xf32>,
        tpu.vector_store %swap3A_715[%swap3A_716], %get3A_711 {strides = array<i32>} : memref<128xf32, #tpu.memory_space<vmem>>, vector<16xf32>,
        %get3A_718 = arith.constant 0 : i32
        %get3A_719 = tpu.memref_slice %arg8[%add3A_656, %get3A_718] : memref<128x160xf32, #tpu.memory_space<vmem>> -> memref<1x160xf32, #tpu.memory_space<vmem>>
        %get3A_720 = tpu.memref_squeeze %get3A_719 : memref<1x160xf32, #tpu.memory_space<vmem>> -> memref<160xf32, #tpu.memory_space<vmem>>
        %get3A_721 = arith.constant 32 : index
        %get3A_722 = tpu.vector_load %get3A_720[%get3A_721] {strides = array<i32>} : memref<160xf32, #tpu.memory_space<vmem>>, vector<16xf32>,
        %swap3A_723 = arith.constant 0 : i32
        %swap3A_724 = arith.constant 0 : i32
        %swap3A_725 = tpu.memref_slice %arg10[%select_n3A_680, %swap3A_723, %select_n3A_695, %swap3A_724] : memref<16x2x8x128xf32, #tpu.memory_space<vmem>> -> memref<1x1x1x128xf32, #tpu.memory_space<vmem>>
        %swap3A_726 = tpu.memref_squeeze %swap3A_725 : memref<1x1x1x128xf32, #tpu.memory_space<vmem>> -> memref<128xf32, #tpu.memory_space<vmem>>
        %swap3A_727 = arith.constant 32 : index
        %swap3A_728 = tpu.vector_load %swap3A_726[%swap3A_727] {strides = array<i32>} : memref<128xf32, #tpu.memory_space<vmem>>, vector<16xf32>,
        tpu.vector_store %swap3A_726[%swap3A_727], %get3A_722 {strides = array<i32>} : memref<128xf32, #tpu.memory_space<vmem>>, vector<16xf32>,
        %get3A_729 = arith.constant 0 : i32
        %get3A_730 = tpu.memref_slice %arg8[%add3A_656, %get3A_729] : memref<128x160xf32, #tpu.memory_space<vmem>> -> memref<1x160xf32, #tpu.memory_space<vmem>>
        %get3A_731 = tpu.memref_squeeze %get3A_730 : memref<1x160xf32, #tpu.memory_space<vmem>> -> memref<160xf32, #tpu.memory_space<vmem>>
        %get3A_732 = arith.constant 48 : index
        %get3A_733 = tpu.vector_load %get3A_731[%get3A_732] {strides = array<i32>} : memref<160xf32, #tpu.memory_space<vmem>>, vector<16xf32>,
        %swap3A_734 = arith.constant 0 : i32
        %swap3A_735 = arith.constant 0 : i32
        %swap3A_736 = tpu.memref_slice %arg10[%select_n3A_680, %swap3A_734, %select_n3A_695, %swap3A_735] : memref<16x2x8x128xf32, #tpu.memory_space<vmem>> -> memref<1x1x1x128xf32, #tpu.memory_space<vmem>>
        %swap3A_737 = tpu.memref_squeeze %swap3A_736 : memref<1x1x1x128xf32, #tpu.memory_space<vmem>> -> memref<128xf32, #tpu.memory_space<vmem>>
        %swap3A_738 = arith.constant 48 : index
        %swap3A_739 = tpu.vector_load %swap3A_737[%swap3A_738] {strides = array<i32>} : memref<128xf32, #tpu.memory_space<vmem>>, vector<16xf32>,
        tpu.vector_store %swap3A_737[%swap3A_738], %get3A_733 {strides = array<i32>} : memref<128xf32, #tpu.memory_space<vmem>>, vector<16xf32>,
        %get3A_740 = arith.constant 0 : i32
        %get3A_741 = tpu.memref_slice %arg8[%add3A_656, %get3A_740] : memref<128x160xf32, #tpu.memory_space<vmem>> -> memref<1x160xf32, #tpu.memory_space<vmem>>
        %get3A_742 = tpu.memref_squeeze %get3A_741 : memref<1x160xf32, #tpu.memory_space<vmem>> -> memref<160xf32, #tpu.memory_space<vmem>>
        %get3A_743 = arith.constant 64 : index
        %get3A_744 = tpu.vector_load %get3A_742[%get3A_743] {strides = array<i32>} : memref<160xf32, #tpu.memory_space<vmem>>, vector<16xf32>,
        %swap3A_745 = arith.constant 0 : i32
        %swap3A_746 = arith.constant 0 : i32
        %swap3A_747 = tpu.memref_slice %arg10[%select_n3A_680, %swap3A_745, %select_n3A_695, %swap3A_746] : memref<16x2x8x128xf32, #tpu.memory_space<vmem>> -> memref<1x1x1x128xf32, #tpu.memory_space<vmem>>
        %swap3A_748 = tpu.memref_squeeze %swap3A_747 : memref<1x1x1x128xf32, #tpu.memory_space<vmem>> -> memref<128xf32, #tpu.memory_space<vmem>>
        %swap3A_749 = arith.constant 64 : index
        %swap3A_750 = tpu.vector_load %swap3A_748[%swap3A_749] {strides = array<i32>} : memref<128xf32, #tpu.memory_space<vmem>>, vector<16xf32>,
        tpu.vector_store %swap3A_748[%swap3A_749], %get3A_744 {strides = array<i32>} : memref<128xf32, #tpu.memory_space<vmem>>, vector<16xf32>,
        %get3A_751 = arith.constant 0 : i32
        %get3A_752 = tpu.memref_slice %arg8[%add3A_656, %get3A_751] : memref<128x160xf32, #tpu.memory_space<vmem>> -> memref<1x160xf32, #tpu.memory_space<vmem>>
        %get3A_753 = tpu.memref_squeeze %get3A_752 : memref<1x160xf32, #tpu.memory_space<vmem>> -> memref<160xf32, #tpu.memory_space<vmem>>
        %get3A_754 = arith.constant 80 : index
        %get3A_755 = tpu.vector_load %get3A_753[%get3A_754] {strides = array<i32>} : memref<160xf32, #tpu.memory_space<vmem>>, vector<16xf32>,
        %swap3A_756 = arith.constant 0 : i32
        %swap3A_757 = arith.constant 0 : i32
        %swap3A_758 = tpu.memref_slice %arg10[%select_n3A_680, %swap3A_756, %select_n3A_695, %swap3A_757] : memref<16x2x8x128xf32, #tpu.memory_space<vmem>> -> memref<1x1x1x128xf32, #tpu.memory_space<vmem>>
        %swap3A_759 = tpu.memref_squeeze %swap3A_758 : memref<1x1x1x128xf32, #tpu.memory_space<vmem>> -> memref<128xf32, #tpu.memory_space<vmem>>
        %swap3A_760 = arith.constant 80 : index
        %swap3A_761 = tpu.vector_load %swap3A_759[%swap3A_760] {strides = array<i32>} : memref<128xf32, #tpu.memory_space<vmem>>, vector<16xf32>,
        tpu.vector_store %swap3A_759[%swap3A_760], %get3A_755 {strides = array<i32>} : memref<128xf32, #tpu.memory_space<vmem>>, vector<16xf32>,
        %get3A_762 = arith.constant 0 : i32
        %get3A_763 = tpu.memref_slice %arg8[%add3A_656, %get3A_762] : memref<128x160xf32, #tpu.memory_space<vmem>> -> memref<1x160xf32, #tpu.memory_space<vmem>>
        %get3A_764 = tpu.memref_squeeze %get3A_763 : memref<1x160xf32, #tpu.memory_space<vmem>> -> memref<160xf32, #tpu.memory_space<vmem>>
        %get3A_765 = arith.constant 96 : index
        %get3A_766 = tpu.vector_load %get3A_764[%get3A_765] {strides = array<i32>} : memref<160xf32, #tpu.memory_space<vmem>>, vector<16xf32>,
        %swap3A_767 = arith.constant 0 : i32
        %swap3A_768 = arith.constant 0 : i32
        %swap3A_769 = tpu.memref_slice %arg10[%select_n3A_680, %swap3A_767, %select_n3A_695, %swap3A_768] : memref<16x2x8x128xf32, #tpu.memory_space<vmem>> -> memref<1x1x1x128xf32, #tpu.memory_space<vmem>>
        %swap3A_770 = tpu.memref_squeeze %swap3A_769 : memref<1x1x1x128xf32, #tpu.memory_space<vmem>> -> memref<128xf32, #tpu.memory_space<vmem>>
        %swap3A_771 = arith.constant 96 : index
        %swap3A_772 = tpu.vector_load %swap3A_770[%swap3A_771] {strides = array<i32>} : memref<128xf32, #tpu.memory_space<vmem>>, vector<16xf32>,
        tpu.vector_store %swap3A_770[%swap3A_771], %get3A_766 {strides = array<i32>} : memref<128xf32, #tpu.memory_space<vmem>>, vector<16xf32>,
        %get3A_773 = arith.constant 0 : i32
        %get3A_774 = tpu.memref_slice %arg8[%add3A_656, %get3A_773] : memref<128x160xf32, #tpu.memory_space<vmem>> -> memref<1x160xf32, #tpu.memory_space<vmem>>
        %get3A_775 = tpu.memref_squeeze %get3A_774 : memref<1x160xf32, #tpu.memory_space<vmem>> -> memref<160xf32, #tpu.memory_space<vmem>>
        %get3A_776 = arith.constant 112 : index
        %get3A_777 = tpu.vector_load %get3A_775[%get3A_776] {strides = array<i32>} : memref<160xf32, #tpu.memory_space<vmem>>, vector<16xf32>,
        %swap3A_778 = arith.constant 0 : i32
        %swap3A_779 = arith.constant 0 : i32
        %swap3A_780 = tpu.memref_slice %arg10[%select_n3A_680, %swap3A_778, %select_n3A_695, %swap3A_779] : memref<16x2x8x128xf32, #tpu.memory_space<vmem>> -> memref<1x1x1x128xf32, #tpu.memory_space<vmem>>
        %swap3A_781 = tpu.memref_squeeze %swap3A_780 : memref<1x1x1x128xf32, #tpu.memory_space<vmem>> -> memref<128xf32, #tpu.memory_space<vmem>>
        %swap3A_782 = arith.constant 112 : index
        %swap3A_783 = tpu.vector_load %swap3A_781[%swap3A_782] {strides = array<i32>} : memref<128xf32, #tpu.memory_space<vmem>>, vector<16xf32>,
        tpu.vector_store %swap3A_781[%swap3A_782], %get3A_777 {strides = array<i32>} : memref<128xf32, #tpu.memory_space<vmem>>, vector<16xf32>,
        %get3A_784 = arith.constant 0 : i32
        %get3A_785 = tpu.memref_slice %arg8[%add3A_656, %get3A_784] : memref<128x160xf32, #tpu.memory_space<vmem>> -> memref<1x160xf32, #tpu.memory_space<vmem>>
        %get3A_786 = tpu.memref_squeeze %get3A_785 : memref<1x160xf32, #tpu.memory_space<vmem>> -> memref<160xf32, #tpu.memory_space<vmem>>
        %get3A_787 = arith.constant 128 : index
        %get3A_788 = tpu.vector_load %get3A_786[%get3A_787] {strides = array<i32>} : memref<160xf32, #tpu.memory_space<vmem>>, vector<16xf32>,
        %swap3A_789 = arith.constant 1 : i32
        %swap3A_790 = arith.constant 0 : i32
        %swap3A_791 = tpu.memref_slice %arg10[%select_n3A_680, %swap3A_789, %select_n3A_695, %swap3A_790] : memref<16x2x8x128xf32, #tpu.memory_space<vmem>> -> memref<1x1x1x128xf32, #tpu.memory_space<vmem>>
        %swap3A_792 = tpu.memref_squeeze %swap3A_791 : memref<1x1x1x128xf32, #tpu.memory_space<vmem>> -> memref<128xf32, #tpu.memory_space<vmem>>
        %swap3A_793 = arith.constant 0 : index
        %swap3A_794 = tpu.vector_load %swap3A_792[%swap3A_793] {strides = array<i32>} : memref<128xf32, #tpu.memory_space<vmem>>, vector<16xf32>,
        tpu.vector_store %swap3A_792[%swap3A_793], %get3A_788 {strides = array<i32>} : memref<128xf32, #tpu.memory_space<vmem>>, vector<16xf32>,
        %get3A_795 = arith.constant 0 : i32
        %get3A_796 = tpu.memref_slice %arg8[%add3A_656, %get3A_795] : memref<128x160xf32, #tpu.memory_space<vmem>> -> memref<1x160xf32, #tpu.memory_space<vmem>>
        %get3A_797 = tpu.memref_squeeze %get3A_796 : memref<1x160xf32, #tpu.memory_space<vmem>> -> memref<160xf32, #tpu.memory_space<vmem>>
        %get3A_798 = arith.constant 131 : index
        %get3A_799 = tpu.vector_load %get3A_797[%get3A_798] {strides = array<i32>} : memref<160xf32, #tpu.memory_space<vmem>>, vector<16xf32>,
        %swap3A_800 = arith.constant 1 : i32
        %swap3A_801 = arith.constant 0 : i32
        %swap3A_802 = tpu.memref_slice %arg10[%select_n3A_680, %swap3A_800, %select_n3A_695, %swap3A_801] : memref<16x2x8x128xf32, #tpu.memory_space<vmem>> -> memref<1x1x1x128xf32, #tpu.memory_space<vmem>>
        %swap3A_803 = tpu.memref_squeeze %swap3A_802 : memref<1x1x1x128xf32, #tpu.memory_space<vmem>> -> memref<128xf32, #tpu.memory_space<vmem>>
        %swap3A_804 = arith.constant 3 : index
        %swap3A_805 = tpu.vector_load %swap3A_803[%swap3A_804] {strides = array<i32>} : memref<128xf32, #tpu.memory_space<vmem>>, vector<16xf32>,
        tpu.vector_store %swap3A_803[%swap3A_804], %get3A_799 {strides = array<i32>} : memref<128xf32, #tpu.memory_space<vmem>>, vector<16xf32>,
        %mul3A_806 = arith.constant 2 : i32
        %mul3A_807 = arith.muli %scan3A_652, %mul3A_806 : i32
        %add3A_808 = arith.constant 1 : i32
        %add3A_809 = arith.addi %mul3A_807, %add3A_808 : i32
        %jit3A_810 = arith.constant 8 : i32
        %div3A_811 = arith.divsi %add3A_809, %jit3A_810 : i32
        %sign3A_812 = arith.constant 0 : i32
        %sign3A_813 = arith.cmpi sgt, %add3A_809, %sign3A_812 : i32
        %sign3A_814 = arith.extui %sign3A_813 : i1 to i32
        %sign3A_815 = arith.constant 0 : i32
        %sign3A_816 = arith.cmpi slt, %add3A_809, %sign3A_815 : i32
        %sign3A_817 = arith.extui %sign3A_816 : i1 to i32
        %sign3A_818 = arith.subi %sign3A_814, %sign3A_817 : i32
        %sign3A_819 = arith.constant 0 : i32
        %sign3A_820 = arith.cmpi sgt, %jit3A_810, %sign3A_819 : i32
        %sign3A_821 = arith.extui %sign3A_820 : i1 to i32
        %sign3A_822 = arith.constant 0 : i32
        %sign3A_823 = arith.cmpi slt, %jit3A_810, %sign3A_822 : i32
        %sign3A_824 = arith.extui %sign3A_823 : i1 to i32
        %sign3A_825 = arith.subi %sign3A_821, %sign3A_824 : i32
        %ne3A_826 = arith.cmpi ne, %sign3A_818, %sign3A_825 : i32
        %rem3A_827 = arith.remsi %add3A_809, %jit3A_810 : i32
        %ne3A_828 = arith.constant 0 : i32
        %ne3A_829 = arith.cmpi ne, %rem3A_827, %ne3A_828 : i32
        %and3A_830 = arith.andi %ne3A_826, %ne3A_829 : i1
        %sub3A_831 = arith.constant 1 : i32
        %sub3A_832 = arith.subi %div3A_811, %sub3A_831 : i32
        %select_n3A_833 = arith.select %and3A_830, %sub3A_832, %div3A_811 : i32
        %jit3A_834 = arith.constant 8 : i32
        %eq3A_835 = arith.constant 0 : i32
        %eq3A_836 = arith.cmpi eq, %jit3A_834, %eq3A_835 : i32
        %jit3A_837 = arith.constant 1 : i32
        %select_n3A_838 = arith.select %eq3A_836, %jit3A_837, %jit3A_834 : i32
        %rem3A_839 = arith.remsi %add3A_809, %select_n3A_838 : i32
        %ne3A_840 = arith.constant 0 : i32
        %ne3A_841 = arith.cmpi ne, %rem3A_839, %ne3A_840 : i32
        %lt3A_842 = arith.constant 0 : i32
        %lt3A_843 = arith.cmpi slt, %rem3A_839, %lt3A_842 : i32
        %lt3A_844 = arith.constant 0 : i32
        %lt3A_845 = arith.cmpi slt, %select_n3A_838, %lt3A_844 : i32
        %ne3A_846 = arith.xori %lt3A_843, %lt3A_845 : i1
        %and3A_847 = arith.andi %ne3A_846, %ne3A_841 : i1
        %add3A_848 = arith.addi %rem3A_839, %select_n3A_838 : i32
        %select_n3A_849 = arith.select %and3A_847, %add3A_848, %rem3A_839 : i32
        %get3A_850 = arith.constant 0 : i32
        %get3A_851 = tpu.memref_slice %arg8[%add3A_809, %get3A_850] : memref<128x160xf32, #tpu.memory_space<vmem>> -> memref<1x160xf32, #tpu.memory_space<vmem>>
        %get3A_852 = tpu.memref_squeeze %get3A_851 : memref<1x160xf32, #tpu.memory_space<vmem>> -> memref<160xf32, #tpu.memory_space<vmem>>
        %get3A_853 = arith.constant 0 : index
        %get3A_854 = tpu.vector_load %get3A_852[%get3A_853] {strides = array<i32>} : memref<160xf32, #tpu.memory_space<vmem>>, vector<16xf32>,
        %swap3A_855 = arith.constant 0 : i32
        %swap3A_856 = arith.constant 0 : i32
        %swap3A_857 = tpu.memref_slice %arg10[%select_n3A_833, %swap3A_855, %select_n3A_849, %swap3A_856] : memref<16x2x8x128xf32, #tpu.memory_space<vmem>> -> memref<1x1x1x128xf32, #tpu.memory_space<vmem>>
        %swap3A_858 = tpu.memref_squeeze %swap3A_857 : memref<1x1x1x128xf32, #tpu.memory_space<vmem>> -> memref<128xf32, #tpu.memory_space<vmem>>
        %swap3A_859 = arith.constant 0 : index
        %swap3A_860 = tpu.vector_load %swap3A_858[%swap3A_859] {strides = array<i32>} : memref<128xf32, #tpu.memory_space<vmem>>, vector<16xf32>,
        tpu.vector_store %swap3A_858[%swap3A_859], %get3A_854 {strides = array<i32>} : memref<128xf32, #tpu.memory_space<vmem>>, vector<16xf32>,
        %get3A_861 = arith.constant 0 : i32
        %get3A_862 = tpu.memref_slice %arg8[%add3A_809, %get3A_861] : memref<128x160xf32, #tpu.memory_space<vmem>> -> memref<1x160xf32, #tpu.memory_space<vmem>>
        %get3A_863 = tpu.memref_squeeze %get3A_862 : memref<1x160xf32, #tpu.memory_space<vmem>> -> memref<160xf32, #tpu.memory_space<vmem>>
        %get3A_864 = arith.constant 16 : index
        %get3A_865 = tpu.vector_load %get3A_863[%get3A_864] {strides = array<i32>} : memref<160xf32, #tpu.memory_space<vmem>>, vector<16xf32>,
        %swap3A_866 = arith.constant 0 : i32
        %swap3A_867 = arith.constant 0 : i32
        %swap3A_868 = tpu.memref_slice %arg10[%select_n3A_833, %swap3A_866, %select_n3A_849, %swap3A_867] : memref<16x2x8x128xf32, #tpu.memory_space<vmem>> -> memref<1x1x1x128xf32, #tpu.memory_space<vmem>>
        %swap3A_869 = tpu.memref_squeeze %swap3A_868 : memref<1x1x1x128xf32, #tpu.memory_space<vmem>> -> memref<128xf32, #tpu.memory_space<vmem>>
        %swap3A_870 = arith.constant 16 : index
        %swap3A_871 = tpu.vector_load %swap3A_869[%swap3A_870] {strides = array<i32>} : memref<128xf32, #tpu.memory_space<vmem>>, vector<16xf32>,
        tpu.vector_store %swap3A_869[%swap3A_870], %get3A_865 {strides = array<i32>} : memref<128xf32, #tpu.memory_space<vmem>>, vector<16xf32>,
        %get3A_872 = arith.constant 0 : i32
        %get3A_873 = tpu.memref_slice %arg8[%add3A_809, %get3A_872] : memref<128x160xf32, #tpu.memory_space<vmem>> -> memref<1x160xf32, #tpu.memory_space<vmem>>
        %get3A_874 = tpu.memref_squeeze %get3A_873 : memref<1x160xf32, #tpu.memory_space<vmem>> -> memref<160xf32, #tpu.memory_space<vmem>>
        %get3A_875 = arith.constant 32 : index
        %get3A_876 = tpu.vector_load %get3A_874[%get3A_875] {strides = array<i32>} : memref<160xf32, #tpu.memory_space<vmem>>, vector<16xf32>,
        %swap3A_877 = arith.constant 0 : i32
        %swap3A_878 = arith.constant 0 : i32
        %swap3A_879 = tpu.memref_slice %arg10[%select_n3A_833, %swap3A_877, %select_n3A_849, %swap3A_878] : memref<16x2x8x128xf32, #tpu.memory_space<vmem>> -> memref<1x1x1x128xf32, #tpu.memory_space<vmem>>
        %swap3A_880 = tpu.memref_squeeze %swap3A_879 : memref<1x1x1x128xf32, #tpu.memory_space<vmem>> -> memref<128xf32, #tpu.memory_space<vmem>>
        %swap3A_881 = arith.constant 32 : index
        %swap3A_882 = tpu.vector_load %swap3A_880[%swap3A_881] {strides = array<i32>} : memref<128xf32, #tpu.memory_space<vmem>>, vector<16xf32>,
        tpu.vector_store %swap3A_880[%swap3A_881], %get3A_876 {strides = array<i32>} : memref<128xf32, #tpu.memory_space<vmem>>, vector<16xf32>,
        %get3A_883 = arith.constant 0 : i32
        %get3A_884 = tpu.memref_slice %arg8[%add3A_809, %get3A_883] : memref<128x160xf32, #tpu.memory_space<vmem>> -> memref<1x160xf32, #tpu.memory_space<vmem>>
        %get3A_885 = tpu.memref_squeeze %get3A_884 : memref<1x160xf32, #tpu.memory_space<vmem>> -> memref<160xf32, #tpu.memory_space<vmem>>
        %get3A_886 = arith.constant 48 : index
        %get3A_887 = tpu.vector_load %get3A_885[%get3A_886] {strides = array<i32>} : memref<160xf32, #tpu.memory_space<vmem>>, vector<16xf32>,
        %swap3A_888 = arith.constant 0 : i32
        %swap3A_889 = arith.constant 0 : i32
        %swap3A_890 = tpu.memref_slice %arg10[%select_n3A_833, %swap3A_888, %select_n3A_849, %swap3A_889] : memref<16x2x8x128xf32, #tpu.memory_space<vmem>> -> memref<1x1x1x128xf32, #tpu.memory_space<vmem>>
        %swap3A_891 = tpu.memref_squeeze %swap3A_890 : memref<1x1x1x128xf32, #tpu.memory_space<vmem>> -> memref<128xf32, #tpu.memory_space<vmem>>
        %swap3A_892 = arith.constant 48 : index
        %swap3A_893 = tpu.vector_load %swap3A_891[%swap3A_892] {strides = array<i32>} : memref<128xf32, #tpu.memory_space<vmem>>, vector<16xf32>,
        tpu.vector_store %swap3A_891[%swap3A_892], %get3A_887 {strides = array<i32>} : memref<128xf32, #tpu.memory_space<vmem>>, vector<16xf32>,
        %get3A_894 = arith.constant 0 : i32
        %get3A_895 = tpu.memref_slice %arg8[%add3A_809, %get3A_894] : memref<128x160xf32, #tpu.memory_space<vmem>> -> memref<1x160xf32, #tpu.memory_space<vmem>>
        %get3A_896 = tpu.memref_squeeze %get3A_895 : memref<1x160xf32, #tpu.memory_space<vmem>> -> memref<160xf32, #tpu.memory_space<vmem>>
        %get3A_897 = arith.constant 64 : index
        %get3A_898 = tpu.vector_load %get3A_896[%get3A_897] {strides = array<i32>} : memref<160xf32, #tpu.memory_space<vmem>>, vector<16xf32>,
        %swap3A_899 = arith.constant 0 : i32
        %swap3A_900 = arith.constant 0 : i32
        %swap3A_901 = tpu.memref_slice %arg10[%select_n3A_833, %swap3A_899, %select_n3A_849, %swap3A_900] : memref<16x2x8x128xf32, #tpu.memory_space<vmem>> -> memref<1x1x1x128xf32, #tpu.memory_space<vmem>>
        %swap3A_902 = tpu.memref_squeeze %swap3A_901 : memref<1x1x1x128xf32, #tpu.memory_space<vmem>> -> memref<128xf32, #tpu.memory_space<vmem>>
        %swap3A_903 = arith.constant 64 : index
        %swap3A_904 = tpu.vector_load %swap3A_902[%swap3A_903] {strides = array<i32>} : memref<128xf32, #tpu.memory_space<vmem>>, vector<16xf32>,
        tpu.vector_store %swap3A_902[%swap3A_903], %get3A_898 {strides = array<i32>} : memref<128xf32, #tpu.memory_space<vmem>>, vector<16xf32>,
        %get3A_905 = arith.constant 0 : i32
        %get3A_906 = tpu.memref_slice %arg8[%add3A_809, %get3A_905] : memref<128x160xf32, #tpu.memory_space<vmem>> -> memref<1x160xf32, #tpu.memory_space<vmem>>
        %get3A_907 = tpu.memref_squeeze %get3A_906 : memref<1x160xf32, #tpu.memory_space<vmem>> -> memref<160xf32, #tpu.memory_space<vmem>>
        %get3A_908 = arith.constant 80 : index
        %get3A_909 = tpu.vector_load %get3A_907[%get3A_908] {strides = array<i32>} : memref<160xf32, #tpu.memory_space<vmem>>, vector<16xf32>,
        %swap3A_910 = arith.constant 0 : i32
        %swap3A_911 = arith.constant 0 : i32
        %swap3A_912 = tpu.memref_slice %arg10[%select_n3A_833, %swap3A_910, %select_n3A_849, %swap3A_911] : memref<16x2x8x128xf32, #tpu.memory_space<vmem>> -> memref<1x1x1x128xf32, #tpu.memory_space<vmem>>
        %swap3A_913 = tpu.memref_squeeze %swap3A_912 : memref<1x1x1x128xf32, #tpu.memory_space<vmem>> -> memref<128xf32, #tpu.memory_space<vmem>>
        %swap3A_914 = arith.constant 80 : index
        %swap3A_915 = tpu.vector_load %swap3A_913[%swap3A_914] {strides = array<i32>} : memref<128xf32, #tpu.memory_space<vmem>>, vector<16xf32>,
        tpu.vector_store %swap3A_913[%swap3A_914], %get3A_909 {strides = array<i32>} : memref<128xf32, #tpu.memory_space<vmem>>, vector<16xf32>,
        %get3A_916 = arith.constant 0 : i32
        %get3A_917 = tpu.memref_slice %arg8[%add3A_809, %get3A_916] : memref<128x160xf32, #tpu.memory_space<vmem>> -> memref<1x160xf32, #tpu.memory_space<vmem>>
        %get3A_918 = tpu.memref_squeeze %get3A_917 : memref<1x160xf32, #tpu.memory_space<vmem>> -> memref<160xf32, #tpu.memory_space<vmem>>
        %get3A_919 = arith.constant 96 : index
        %get3A_920 = tpu.vector_load %get3A_918[%get3A_919] {strides = array<i32>} : memref<160xf32, #tpu.memory_space<vmem>>, vector<16xf32>,
        %swap3A_921 = arith.constant 0 : i32
        %swap3A_922 = arith.constant 0 : i32
        %swap3A_923 = tpu.memref_slice %arg10[%select_n3A_833, %swap3A_921, %select_n3A_849, %swap3A_922] : memref<16x2x8x128xf32, #tpu.memory_space<vmem>> -> memref<1x1x1x128xf32, #tpu.memory_space<vmem>>
        %swap3A_924 = tpu.memref_squeeze %swap3A_923 : memref<1x1x1x128xf32, #tpu.memory_space<vmem>> -> memref<128xf32, #tpu.memory_space<vmem>>
        %swap3A_925 = arith.constant 96 : index
        %swap3A_926 = tpu.vector_load %swap3A_924[%swap3A_925] {strides = array<i32>} : memref<128xf32, #tpu.memory_space<vmem>>, vector<16xf32>,
        tpu.vector_store %swap3A_924[%swap3A_925], %get3A_920 {strides = array<i32>} : memref<128xf32, #tpu.memory_space<vmem>>, vector<16xf32>,
        %get3A_927 = arith.constant 0 : i32
        %get3A_928 = tpu.memref_slice %arg8[%add3A_809, %get3A_927] : memref<128x160xf32, #tpu.memory_space<vmem>> -> memref<1x160xf32, #tpu.memory_space<vmem>>
        %get3A_929 = tpu.memref_squeeze %get3A_928 : memref<1x160xf32, #tpu.memory_space<vmem>> -> memref<160xf32, #tpu.memory_space<vmem>>
        %get3A_930 = arith.constant 112 : index
        %get3A_931 = tpu.vector_load %get3A_929[%get3A_930] {strides = array<i32>} : memref<160xf32, #tpu.memory_space<vmem>>, vector<16xf32>,
        %swap3A_932 = arith.constant 0 : i32
        %swap3A_933 = arith.constant 0 : i32
        %swap3A_934 = tpu.memref_slice %arg10[%select_n3A_833, %swap3A_932, %select_n3A_849, %swap3A_933] : memref<16x2x8x128xf32, #tpu.memory_space<vmem>> -> memref<1x1x1x128xf32, #tpu.memory_space<vmem>>
        %swap3A_935 = tpu.memref_squeeze %swap3A_934 : memref<1x1x1x128xf32, #tpu.memory_space<vmem>> -> memref<128xf32, #tpu.memory_space<vmem>>
        %swap3A_936 = arith.constant 112 : index
        %swap3A_937 = tpu.vector_load %swap3A_935[%swap3A_936] {strides = array<i32>} : memref<128xf32, #tpu.memory_space<vmem>>, vector<16xf32>,
        tpu.vector_store %swap3A_935[%swap3A_936], %get3A_931 {strides = array<i32>} : memref<128xf32, #tpu.memory_space<vmem>>, vector<16xf32>,
        %get3A_938 = arith.constant 0 : i32
        %get3A_939 = tpu.memref_slice %arg8[%add3A_809, %get3A_938] : memref<128x160xf32, #tpu.memory_space<vmem>> -> memref<1x160xf32, #tpu.memory_space<vmem>>
        %get3A_940 = tpu.memref_squeeze %get3A_939 : memref<1x160xf32, #tpu.memory_space<vmem>> -> memref<160xf32, #tpu.memory_space<vmem>>
        %get3A_941 = arith.constant 128 : index
        %get3A_942 = tpu.vector_load %get3A_940[%get3A_941] {strides = array<i32>} : memref<160xf32, #tpu.memory_space<vmem>>, vector<16xf32>,
        %swap3A_943 = arith.constant 1 : i32
        %swap3A_944 = arith.constant 0 : i32
        %swap3A_945 = tpu.memref_slice %arg10[%select_n3A_833, %swap3A_943, %select_n3A_849, %swap3A_944] : memref<16x2x8x128xf32, #tpu.memory_space<vmem>> -> memref<1x1x1x128xf32, #tpu.memory_space<vmem>>
        %swap3A_946 = tpu.memref_squeeze %swap3A_945 : memref<1x1x1x128xf32, #tpu.memory_space<vmem>> -> memref<128xf32, #tpu.memory_space<vmem>>
        %swap3A_947 = arith.constant 0 : index
        %swap3A_948 = tpu.vector_load %swap3A_946[%swap3A_947] {strides = array<i32>} : memref<128xf32, #tpu.memory_space<vmem>>, vector<16xf32>,
        tpu.vector_store %swap3A_946[%swap3A_947], %get3A_942 {strides = array<i32>} : memref<128xf32, #tpu.memory_space<vmem>>, vector<16xf32>,
        %get3A_949 = arith.constant 0 : i32
        %get3A_950 = tpu.memref_slice %arg8[%add3A_809, %get3A_949] : memref<128x160xf32, #tpu.memory_space<vmem>> -> memref<1x160xf32, #tpu.memory_space<vmem>>
        %get3A_951 = tpu.memref_squeeze %get3A_950 : memref<1x160xf32, #tpu.memory_space<vmem>> -> memref<160xf32, #tpu.memory_space<vmem>>
        %get3A_952 = arith.constant 131 : index
        %get3A_953 = tpu.vector_load %get3A_951[%get3A_952] {strides = array<i32>} : memref<160xf32, #tpu.memory_space<vmem>>, vector<16xf32>,
        %swap3A_954 = arith.constant 1 : i32
        %swap3A_955 = arith.constant 0 : i32
        %swap3A_956 = tpu.memref_slice %arg10[%select_n3A_833, %swap3A_954, %select_n3A_849, %swap3A_955] : memref<16x2x8x128xf32, #tpu.memory_space<vmem>> -> memref<1x1x1x128xf32, #tpu.memory_space<vmem>>
        %swap3A_957 = tpu.memref_squeeze %swap3A_956 : memref<1x1x1x128xf32, #tpu.memory_space<vmem>> -> memref<128xf32, #tpu.memory_space<vmem>>
        %swap3A_958 = arith.constant 3 : index
        %swap3A_959 = tpu.vector_load %swap3A_957[%swap3A_958] {strides = array<i32>} : memref<128xf32, #tpu.memory_space<vmem>>, vector<16xf32>,
        tpu.vector_store %swap3A_957[%swap3A_958], %get3A_953 {strides = array<i32>} : memref<128xf32, #tpu.memory_space<vmem>>, vector<16xf32>,
      }
      %scan3A_346 = arith.constant 64 : i32
      %add3A_347 = arith.constant 0 : i32
      %add3A_348 = arith.addi %scan3A_170, %add3A_347 : i32
      %add3A_349 = arith.constant 256 : i32
      %add3A_350 = arith.addi %mul3A_2, %add3A_349 : i32
      %dma_wait3A_351 = tpu.memref_slice %arg2[%add3A_348, %add3A_350] : memref<50x16384xi32, #tpu.memory_space<hbm>> -> memref<1x128xi32, #tpu.memory_space<hbm>>
      %dma_wait3A_352 = tpu.memref_squeeze %dma_wait3A_351 : memref<1x128xi32, #tpu.memory_space<hbm>> -> memref<128xi32, #tpu.memory_space<hbm>>
      %dma_wait3A_353 = tpu.memref_slice %arg2[%add3A_348, %add3A_350] : memref<50x16384xi32, #tpu.memory_space<hbm>> -> memref<1x128xi32, #tpu.memory_space<hbm>>
      %dma_wait3A_354 = tpu.memref_squeeze %dma_wait3A_353 : memref<1x128xi32, #tpu.memory_space<hbm>> -> memref<128xi32, #tpu.memory_space<hbm>>
      tpu.wait_dma2 semaphore(%arg15 : memref<!tpu.dma_semaphore, #tpu.memory_space<semaphore_mem>>) src(%dma_wait3A_354 : memref<128xi32, #tpu.memory_space<hbm>>) dst(%arg6 : memref<128xi32, #tpu.memory_space<vmem>>)
      %dma_start3A_355 = arith.constant 0 : i32
      %dma_start3A_356 = arith.constant 0 : i32
      %dma_start3A_357 = tpu.memref_slice %arg14[%dma_start3A_355, %dma_start3A_356] : memref<27x160xf32, #tpu.memory_space<vmem_shared>> -> memref<27x160xf32, #tpu.memory_space<vmem_shared>>
      tpu.enqueue_indirect_dma source(%dma_start3A_357 : memref<27x160xf32, #tpu.memory_space<vmem_shared>>) target(%arg8 : memref<128x160xf32, #tpu.memory_space<vmem>>) offsets(%arg6 : memref<128xi32, #tpu.memory_space<vmem>>) semaphore(%arg19 : memref<!tpu.dma_semaphore, #tpu.memory_space<semaphore_mem>>)
      %get3A_358 = arith.constant 0 : i32
      %get3A_359 = arith.index_cast %get3A_358 : i32 to index
      %get3A_360 = arith.constant 0 : index
      %get3A_361 = tpu.vector_load %arg13[%get3A_359, %get3A_360] {strides = array<i32>} : memref<7x16xi32, #tpu.memory_space<vmem>>, vector<16xi32>,
      %get3A_362 = arith.constant 1 : i32
      %get3A_363 = arith.index_cast %get3A_362 : i32 to index
      %get3A_364 = arith.constant 0 : index
      %get3A_365 = tpu.vector_load %arg13[%get3A_363, %get3A_364] {strides = array<i32>} : memref<7x16xi32, #tpu.memory_space<vmem>>, vector<16xi32>,
      %get3A_366 = arith.constant 2 : i32
      %get3A_367 = arith.index_cast %get3A_366 : i32 to index
      %get3A_368 = arith.constant 0 : index
      %get3A_369 = tpu.vector_load %arg13[%get3A_367, %get3A_368] {strides = array<i32>} : memref<7x16xi32, #tpu.memory_space<vmem>>, vector<16xi32>,
      %get3A_370 = arith.constant 3 : i32
      %get3A_371 = arith.index_cast %get3A_370 : i32 to index
      %get3A_372 = arith.constant 0 : index
      %get3A_373 = tpu.vector_load %arg13[%get3A_371, %get3A_372] {strides = array<i32>} : memref<7x16xi32, #tpu.memory_space<vmem>>, vector<16xi32>,
      %get3A_374 = arith.constant 4 : i32
      %get3A_375 = arith.index_cast %get3A_374 : i32 to index
      %get3A_376 = arith.constant 0 : index
      %get3A_377 = tpu.vector_load %arg13[%get3A_375, %get3A_376] {strides = array<i32>} : memref<7x16xi32, #tpu.memory_space<vmem>>, vector<16xi32>,
      %get3A_378 = arith.constant 5 : i32
      %get3A_379 = arith.index_cast %get3A_378 : i32 to index
      %get3A_380 = arith.constant 0 : index
      %get3A_381 = tpu.vector_load %arg13[%get3A_379, %get3A_380] {strides = array<i32>} : memref<7x16xi32, #tpu.memory_space<vmem>>, vector<16xi32>,
      %get3A_382 = arith.constant 6 : i32
      %get3A_383 = arith.index_cast %get3A_382 : i32 to index
      %get3A_384 = arith.constant 0 : index
      %get3A_385 = tpu.vector_load %arg13[%get3A_383, %get3A_384] {strides = array<i32>} : memref<7x16xi32, #tpu.memory_space<vmem>>, vector<16xi32>,
      %scan3A_386 = arith.constant 0 : i32
      %scan3A_387 = arith.constant 64 : i32
      %scan3A_388 = arith.addi %scan3A_386, %scan3A_387 : i32
      %scan3A_389 = arith.constant 1 : i32
      scf.for %scan3A_652 = %scan3A_386 to %scan3A_388 step %scan3A_389  : i32 {
        %mul3A_653 = arith.constant 2 : i32
        %mul3A_654 = arith.muli %scan3A_652, %mul3A_653 : i32
        %add3A_655 = arith.constant 0 : i32
        %add3A_656 = arith.addi %mul3A_654, %add3A_655 : i32
        %jit3A_657 = arith.constant 8 : i32
        %div3A_658 = arith.divsi %add3A_656, %jit3A_657 : i32
        %sign3A_659 = arith.constant 0 : i32
        %sign3A_660 = arith.cmpi sgt, %add3A_656, %sign3A_659 : i32
        %sign3A_661 = arith.extui %sign3A_660 : i1 to i32
        %sign3A_662 = arith.constant 0 : i32
        %sign3A_663 = arith.cmpi slt, %add3A_656, %sign3A_662 : i32
        %sign3A_664 = arith.extui %sign3A_663 : i1 to i32
        %sign3A_665 = arith.subi %sign3A_661, %sign3A_664 : i32
        %sign3A_666 = arith.constant 0 : i32
        %sign3A_667 = arith.cmpi sgt, %jit3A_657, %sign3A_666 : i32
        %sign3A_668 = arith.extui %sign3A_667 : i1 to i32
        %sign3A_669 = arith.constant 0 : i32
        %sign3A_670 = arith.cmpi slt, %jit3A_657, %sign3A_669 : i32
        %sign3A_671 = arith.extui %sign3A_670 : i1 to i32
        %sign3A_672 = arith.subi %sign3A_668, %sign3A_671 : i32
        %ne3A_673 = arith.cmpi ne, %sign3A_665, %sign3A_672 : i32
        %rem3A_674 = arith.remsi %add3A_656, %jit3A_657 : i32
        %ne3A_675 = arith.constant 0 : i32
        %ne3A_676 = arith.cmpi ne, %rem3A_674, %ne3A_675 : i32
        %and3A_677 = arith.andi %ne3A_673, %ne3A_676 : i1
        %sub3A_678 = arith.constant 1 : i32
        %sub3A_679 = arith.subi %div3A_658, %sub3A_678 : i32
        %select_n3A_680 = arith.select %and3A_677, %sub3A_679, %div3A_658 : i32
        %jit3A_681 = arith.constant 8 : i32
        %eq3A_682 = arith.constant 0 : i32
        %eq3A_683 = arith.cmpi eq, %jit3A_681, %eq3A_682 : i32
        %jit3A_684 = arith.constant 1 : i32
        %select_n3A_685 = arith.select %eq3A_683, %jit3A_684, %jit3A_681 : i32
        %rem3A_686 = arith.remsi %add3A_656, %select_n3A_685 : i32
        %ne3A_687 = arith.constant 0 : i32
        %ne3A_688 = arith.cmpi ne, %rem3A_686, %ne3A_687 : i32
        %lt3A = arith.constant 0 : i32
        %lt3A_689 = arith.cmpi slt, %rem3A_686, %lt3A : i32
        %lt3A_690 = arith.constant 0 : i32
        %lt3A_691 = arith.cmpi slt, %select_n3A_685, %lt3A_690 : i32
        %ne3A_692 = arith.xori %lt3A_689, %lt3A_691 : i1
        %and3A_693 = arith.andi %ne3A_692, %ne3A_688 : i1
        %add3A_694 = arith.addi %rem3A_686, %select_n3A_685 : i32
        %select_n3A_695 = arith.select %and3A_693, %add3A_694, %rem3A_686 : i32
        %broadcast_in_dim3A = vector.broadcast %add3A_656 : i32 to vector<16xi32>
        %gather3A = tpu.vector_load_idx %arg12[%get3A_361, %broadcast_in_dim3A] : memref<109x129xf32, #tpu.memory_space<vmem>>[vector<16xi32>, vector<16xi32>], vector<16xf32>,
        %swap3A_696 = arith.constant 1 : i32
        %swap3A_697 = arith.constant 0 : i32
        %swap3A_698 = tpu.memref_slice %arg10[%select_n3A_680, %swap3A_696, %select_n3A_695, %swap3A_697] : memref<16x2x8x128xf32, #tpu.memory_space<vmem>> -> memref<1x1x1x128xf32, #tpu.memory_space<vmem>>
        %swap3A_699 = tpu.memref_squeeze %swap3A_698 : memref<1x1x1x128xf32, #tpu.memory_space<vmem>> -> memref<128xf32, #tpu.memory_space<vmem>>
        %swap3A_700 = arith.constant 19 : index
        %swap3A_701 = tpu.vector_load %swap3A_699[%swap3A_700] {strides = array<i32>} : memref<128xf32, #tpu.memory_space<vmem>>, vector<16xf32>,
        tpu.vector_store %swap3A_699[%swap3A_700], %gather3A {strides = array<i32>} : memref<128xf32, #tpu.memory_space<vmem>>, vector<16xf32>,
        %gather3A_702 = tpu.vector_load_idx %arg12[%get3A_365, %broadcast_in_dim3A] : memref<109x129xf32, #tpu.memory_space<vmem>>[vector<16xi32>, vector<16xi32>], vector<16xf32>,
        %swap3A_703 = arith.constant 1 : i32
        %swap3A_704 = arith.constant 0 : i32
        %swap3A_705 = tpu.memref_slice %arg10[%select_n3A_680, %swap3A_703, %select_n3A_695, %swap3A_704] : memref<16x2x8x128xf32, #tpu.memory_space<vmem>> -> memref<1x1x1x128xf32, #tpu.memory_space<vmem>>
        %swap3A_706 = tpu.memref_squeeze %swap3A_705 : memref<1x1x1x128xf32, #tpu.memory_space<vmem>> -> memref<128xf32, #tpu.memory_space<vmem>>
        %swap3A_707 = arith.constant 35 : index
        %swap3A_708 = tpu.vector_load %swap3A_706[%swap3A_707] {strides = array<i32>} : memref<128xf32, #tpu.memory_space<vmem>>, vector<16xf32>,
        tpu.vector_store %swap3A_706[%swap3A_707], %gather3A_702 {strides = array<i32>} : memref<128xf32, #tpu.memory_space<vmem>>, vector<16xf32>,
        %gather3A_709 = tpu.vector_load_idx %arg12[%get3A_369, %broadcast_in_dim3A] : memref<109x129xf32, #tpu.memory_space<vmem>>[vector<16xi32>, vector<16xi32>], vector<16xf32>,
        %swap3A_710 = arith.constant 1 : i32
        %swap3A_711 = arith.constant 0 : i32
        %swap3A_712 = tpu.memref_slice %arg10[%select_n3A_680, %swap3A_710, %select_n3A_695, %swap3A_711] : memref<16x2x8x128xf32, #tpu.memory_space<vmem>> -> memref<1x1x1x128xf32, #tpu.memory_space<vmem>>
        %swap3A_713 = tpu.memref_squeeze %swap3A_712 : memref<1x1x1x128xf32, #tpu.memory_space<vmem>> -> memref<128xf32, #tpu.memory_space<vmem>>
        %swap3A_714 = arith.constant 51 : index
        %swap3A_715 = tpu.vector_load %swap3A_713[%swap3A_714] {strides = array<i32>} : memref<128xf32, #tpu.memory_space<vmem>>, vector<16xf32>,
        tpu.vector_store %swap3A_713[%swap3A_714], %gather3A_709 {strides = array<i32>} : memref<128xf32, #tpu.memory_space<vmem>>, vector<16xf32>,
        %gather3A_716 = tpu.vector_load_idx %arg12[%get3A_373, %broadcast_in_dim3A] : memref<109x129xf32, #tpu.memory_space<vmem>>[vector<16xi32>, vector<16xi32>], vector<16xf32>,
        %swap3A_717 = arith.constant 1 : i32
        %swap3A_718 = arith.constant 0 : i32
        %swap3A_719 = tpu.memref_slice %arg10[%select_n3A_680, %swap3A_717, %select_n3A_695, %swap3A_718] : memref<16x2x8x128xf32, #tpu.memory_space<vmem>> -> memref<1x1x1x128xf32, #tpu.memory_space<vmem>>
        %swap3A_720 = tpu.memref_squeeze %swap3A_719 : memref<1x1x1x128xf32, #tpu.memory_space<vmem>> -> memref<128xf32, #tpu.memory_space<vmem>>
        %swap3A_721 = arith.constant 67 : index
        %swap3A_722 = tpu.vector_load %swap3A_720[%swap3A_721] {strides = array<i32>} : memref<128xf32, #tpu.memory_space<vmem>>, vector<16xf32>,
        tpu.vector_store %swap3A_720[%swap3A_721], %gather3A_716 {strides = array<i32>} : memref<128xf32, #tpu.memory_space<vmem>>, vector<16xf32>,
        %gather3A_723 = tpu.vector_load_idx %arg12[%get3A_377, %broadcast_in_dim3A] : memref<109x129xf32, #tpu.memory_space<vmem>>[vector<16xi32>, vector<16xi32>], vector<16xf32>,
        %swap3A_724 = arith.constant 1 : i32
        %swap3A_725 = arith.constant 0 : i32
        %swap3A_726 = tpu.memref_slice %arg10[%select_n3A_680, %swap3A_724, %select_n3A_695, %swap3A_725] : memref<16x2x8x128xf32, #tpu.memory_space<vmem>> -> memref<1x1x1x128xf32, #tpu.memory_space<vmem>>
        %swap3A_727 = tpu.memref_squeeze %swap3A_726 : memref<1x1x1x128xf32, #tpu.memory_space<vmem>> -> memref<128xf32, #tpu.memory_space<vmem>>
        %swap3A_728 = arith.constant 83 : index
        %swap3A_729 = tpu.vector_load %swap3A_727[%swap3A_728] {strides = array<i32>} : memref<128xf32, #tpu.memory_space<vmem>>, vector<16xf32>,
        tpu.vector_store %swap3A_727[%swap3A_728], %gather3A_723 {strides = array<i32>} : memref<128xf32, #tpu.memory_space<vmem>>, vector<16xf32>,
        %gather3A_730 = tpu.vector_load_idx %arg12[%get3A_381, %broadcast_in_dim3A] : memref<109x129xf32, #tpu.memory_space<vmem>>[vector<16xi32>, vector<16xi32>], vector<16xf32>,
        %swap3A_731 = arith.constant 1 : i32
        %swap3A_732 = arith.constant 0 : i32
        %swap3A_733 = tpu.memref_slice %arg10[%select_n3A_680, %swap3A_731, %select_n3A_695, %swap3A_732] : memref<16x2x8x128xf32, #tpu.memory_space<vmem>> -> memref<1x1x1x128xf32, #tpu.memory_space<vmem>>
        %swap3A_734 = tpu.memref_squeeze %swap3A_733 : memref<1x1x1x128xf32, #tpu.memory_space<vmem>> -> memref<128xf32, #tpu.memory_space<vmem>>
        %swap3A_735 = arith.constant 99 : index
        %swap3A_736 = tpu.vector_load %swap3A_734[%swap3A_735] {strides = array<i32>} : memref<128xf32, #tpu.memory_space<vmem>>, vector<16xf32>,
        tpu.vector_store %swap3A_734[%swap3A_735], %gather3A_730 {strides = array<i32>} : memref<128xf32, #tpu.memory_space<vmem>>, vector<16xf32>,
        %gather3A_737 = tpu.vector_load_idx %arg12[%get3A_385, %broadcast_in_dim3A] : memref<109x129xf32, #tpu.memory_space<vmem>>[vector<16xi32>, vector<16xi32>], vector<16xf32>,
        %swap3A_738 = arith.constant 1 : i32
        %swap3A_739 = arith.constant 0 : i32
        %swap3A_740 = tpu.memref_slice %arg10[%select_n3A_680, %swap3A_738, %select_n3A_695, %swap3A_739] : memref<16x2x8x128xf32, #tpu.memory_space<vmem>> -> memref<1x1x1x128xf32, #tpu.memory_space<vmem>>
        %swap3A_741 = tpu.memref_squeeze %swap3A_740 : memref<1x1x1x128xf32, #tpu.memory_space<vmem>> -> memref<128xf32, #tpu.memory_space<vmem>>
        %swap3A_742 = arith.constant 112 : index
        %swap3A_743 = tpu.vector_load %swap3A_741[%swap3A_742] {strides = array<i32>} : memref<128xf32, #tpu.memory_space<vmem>>, vector<16xf32>,
        tpu.vector_store %swap3A_741[%swap3A_742], %gather3A_737 {strides = array<i32>} : memref<128xf32, #tpu.memory_space<vmem>>, vector<16xf32>,
        %mul3A_744 = arith.constant 2 : i32
        %mul3A_745 = arith.muli %scan3A_652, %mul3A_744 : i32
        %add3A_746 = arith.constant 1 : i32
        %add3A_747 = arith.addi %mul3A_745, %add3A_746 : i32
        %jit3A_748 = arith.constant 8 : i32
        %div3A_749 = arith.divsi %add3A_747, %jit3A_748 : i32
        %sign3A_750 = arith.constant 0 : i32
        %sign3A_751 = arith.cmpi sgt, %add3A_747, %sign3A_750 : i32
        %sign3A_752 = arith.extui %sign3A_751 : i1 to i32
        %sign3A_753 = arith.constant 0 : i32
        %sign3A_754 = arith.cmpi slt, %add3A_747, %sign3A_753 : i32
        %sign3A_755 = arith.extui %sign3A_754 : i1 to i32
        %sign3A_756 = arith.subi %sign3A_752, %sign3A_755 : i32
        %sign3A_757 = arith.constant 0 : i32
        %sign3A_758 = arith.cmpi sgt, %jit3A_748, %sign3A_757 : i32
        %sign3A_759 = arith.extui %sign3A_758 : i1 to i32
        %sign3A_760 = arith.constant 0 : i32
        %sign3A_761 = arith.cmpi slt, %jit3A_748, %sign3A_760 : i32
        %sign3A_762 = arith.extui %sign3A_761 : i1 to i32
        %sign3A_763 = arith.subi %sign3A_759, %sign3A_762 : i32
        %ne3A_764 = arith.cmpi ne, %sign3A_756, %sign3A_763 : i32
        %rem3A_765 = arith.remsi %add3A_747, %jit3A_748 : i32
        %ne3A_766 = arith.constant 0 : i32
        %ne3A_767 = arith.cmpi ne, %rem3A_765, %ne3A_766 : i32
        %and3A_768 = arith.andi %ne3A_764, %ne3A_767 : i1
        %sub3A_769 = arith.constant 1 : i32
        %sub3A_770 = arith.subi %div3A_749, %sub3A_769 : i32
        %select_n3A_771 = arith.select %and3A_768, %sub3A_770, %div3A_749 : i32
        %jit3A_772 = arith.constant 8 : i32
        %eq3A_773 = arith.constant 0 : i32
        %eq3A_774 = arith.cmpi eq, %jit3A_772, %eq3A_773 : i32
        %jit3A_775 = arith.constant 1 : i32
        %select_n3A_776 = arith.select %eq3A_774, %jit3A_775, %jit3A_772 : i32
        %rem3A_777 = arith.remsi %add3A_747, %select_n3A_776 : i32
        %ne3A_778 = arith.constant 0 : i32
        %ne3A_779 = arith.cmpi ne, %rem3A_777, %ne3A_778 : i32
        %lt3A_780 = arith.constant 0 : i32
        %lt3A_781 = arith.cmpi slt, %rem3A_777, %lt3A_780 : i32
        %lt3A_782 = arith.constant 0 : i32
        %lt3A_783 = arith.cmpi slt, %select_n3A_776, %lt3A_782 : i32
        %ne3A_784 = arith.xori %lt3A_781, %lt3A_783 : i1
        %and3A_785 = arith.andi %ne3A_784, %ne3A_779 : i1
        %add3A_786 = arith.addi %rem3A_777, %select_n3A_776 : i32
        %select_n3A_787 = arith.select %and3A_785, %add3A_786, %rem3A_777 : i32
        %broadcast_in_dim3A_788 = vector.broadcast %add3A_747 : i32 to vector<16xi32>
        %gather3A_789 = tpu.vector_load_idx %arg12[%get3A_361, %broadcast_in_dim3A_788] : memref<109x129xf32, #tpu.memory_space<vmem>>[vector<16xi32>, vector<16xi32>], vector<16xf32>,
        %swap3A_790 = arith.constant 1 : i32
        %swap3A_791 = arith.constant 0 : i32
        %swap3A_792 = tpu.memref_slice %arg10[%select_n3A_771, %swap3A_790, %select_n3A_787, %swap3A_791] : memref<16x2x8x128xf32, #tpu.memory_space<vmem>> -> memref<1x1x1x128xf32, #tpu.memory_space<vmem>>
        %swap3A_793 = tpu.memref_squeeze %swap3A_792 : memref<1x1x1x128xf32, #tpu.memory_space<vmem>> -> memref<128xf32, #tpu.memory_space<vmem>>
        %swap3A_794 = arith.constant 19 : index
        %swap3A_795 = tpu.vector_load %swap3A_793[%swap3A_794] {strides = array<i32>} : memref<128xf32, #tpu.memory_space<vmem>>, vector<16xf32>,
        tpu.vector_store %swap3A_793[%swap3A_794], %gather3A_789 {strides = array<i32>} : memref<128xf32, #tpu.memory_space<vmem>>, vector<16xf32>,
        %gather3A_796 = tpu.vector_load_idx %arg12[%get3A_365, %broadcast_in_dim3A_788] : memref<109x129xf32, #tpu.memory_space<vmem>>[vector<16xi32>, vector<16xi32>], vector<16xf32>,
        %swap3A_797 = arith.constant 1 : i32
        %swap3A_798 = arith.constant 0 : i32
        %swap3A_799 = tpu.memref_slice %arg10[%select_n3A_771, %swap3A_797, %select_n3A_787, %swap3A_798] : memref<16x2x8x128xf32, #tpu.memory_space<vmem>> -> memref<1x1x1x128xf32, #tpu.memory_space<vmem>>
        %swap3A_800 = tpu.memref_squeeze %swap3A_799 : memref<1x1x1x128xf32, #tpu.memory_space<vmem>> -> memref<128xf32, #tpu.memory_space<vmem>>
        %swap3A_801 = arith.constant 35 : index
        %swap3A_802 = tpu.vector_load %swap3A_800[%swap3A_801] {strides = array<i32>} : memref<128xf32, #tpu.memory_space<vmem>>, vector<16xf32>,
        tpu.vector_store %swap3A_800[%swap3A_801], %gather3A_796 {strides = array<i32>} : memref<128xf32, #tpu.memory_space<vmem>>, vector<16xf32>,
        %gather3A_803 = tpu.vector_load_idx %arg12[%get3A_369, %broadcast_in_dim3A_788] : memref<109x129xf32, #tpu.memory_space<vmem>>[vector<16xi32>, vector<16xi32>], vector<16xf32>,
        %swap3A_804 = arith.constant 1 : i32
        %swap3A_805 = arith.constant 0 : i32
        %swap3A_806 = tpu.memref_slice %arg10[%select_n3A_771, %swap3A_804, %select_n3A_787, %swap3A_805] : memref<16x2x8x128xf32, #tpu.memory_space<vmem>> -> memref<1x1x1x128xf32, #tpu.memory_space<vmem>>
        %swap3A_807 = tpu.memref_squeeze %swap3A_806 : memref<1x1x1x128xf32, #tpu.memory_space<vmem>> -> memref<128xf32, #tpu.memory_space<vmem>>
        %swap3A_808 = arith.constant 51 : index
        %swap3A_809 = tpu.vector_load %swap3A_807[%swap3A_808] {strides = array<i32>} : memref<128xf32, #tpu.memory_space<vmem>>, vector<16xf32>,
        tpu.vector_store %swap3A_807[%swap3A_808], %gather3A_803 {strides = array<i32>} : memref<128xf32, #tpu.memory_space<vmem>>, vector<16xf32>,
        %gather3A_810 = tpu.vector_load_idx %arg12[%get3A_373, %broadcast_in_dim3A_788] : memref<109x129xf32, #tpu.memory_space<vmem>>[vector<16xi32>, vector<16xi32>], vector<16xf32>,
        %swap3A_811 = arith.constant 1 : i32
        %swap3A_812 = arith.constant 0 : i32
        %swap3A_813 = tpu.memref_slice %arg10[%select_n3A_771, %swap3A_811, %select_n3A_787, %swap3A_812] : memref<16x2x8x128xf32, #tpu.memory_space<vmem>> -> memref<1x1x1x128xf32, #tpu.memory_space<vmem>>
        %swap3A_814 = tpu.memref_squeeze %swap3A_813 : memref<1x1x1x128xf32, #tpu.memory_space<vmem>> -> memref<128xf32, #tpu.memory_space<vmem>>
        %swap3A_815 = arith.constant 67 : index
        %swap3A_816 = tpu.vector_load %swap3A_814[%swap3A_815] {strides = array<i32>} : memref<128xf32, #tpu.memory_space<vmem>>, vector<16xf32>,
        tpu.vector_store %swap3A_814[%swap3A_815], %gather3A_810 {strides = array<i32>} : memref<128xf32, #tpu.memory_space<vmem>>, vector<16xf32>,
        %gather3A_817 = tpu.vector_load_idx %arg12[%get3A_377, %broadcast_in_dim3A_788] : memref<109x129xf32, #tpu.memory_space<vmem>>[vector<16xi32>, vector<16xi32>], vector<16xf32>,
        %swap3A_818 = arith.constant 1 : i32
        %swap3A_819 = arith.constant 0 : i32
        %swap3A_820 = tpu.memref_slice %arg10[%select_n3A_771, %swap3A_818, %select_n3A_787, %swap3A_819] : memref<16x2x8x128xf32, #tpu.memory_space<vmem>> -> memref<1x1x1x128xf32, #tpu.memory_space<vmem>>
        %swap3A_821 = tpu.memref_squeeze %swap3A_820 : memref<1x1x1x128xf32, #tpu.memory_space<vmem>> -> memref<128xf32, #tpu.memory_space<vmem>>
        %swap3A_822 = arith.constant 83 : index
        %swap3A_823 = tpu.vector_load %swap3A_821[%swap3A_822] {strides = array<i32>} : memref<128xf32, #tpu.memory_space<vmem>>, vector<16xf32>,
        tpu.vector_store %swap3A_821[%swap3A_822], %gather3A_817 {strides = array<i32>} : memref<128xf32, #tpu.memory_space<vmem>>, vector<16xf32>,
        %gather3A_824 = tpu.vector_load_idx %arg12[%get3A_381, %broadcast_in_dim3A_788] : memref<109x129xf32, #tpu.memory_space<vmem>>[vector<16xi32>, vector<16xi32>], vector<16xf32>,
        %swap3A_825 = arith.constant 1 : i32
        %swap3A_826 = arith.constant 0 : i32
        %swap3A_827 = tpu.memref_slice %arg10[%select_n3A_771, %swap3A_825, %select_n3A_787, %swap3A_826] : memref<16x2x8x128xf32, #tpu.memory_space<vmem>> -> memref<1x1x1x128xf32, #tpu.memory_space<vmem>>
        %swap3A_828 = tpu.memref_squeeze %swap3A_827 : memref<1x1x1x128xf32, #tpu.memory_space<vmem>> -> memref<128xf32, #tpu.memory_space<vmem>>
        %swap3A_829 = arith.constant 99 : index
        %swap3A_830 = tpu.vector_load %swap3A_828[%swap3A_829] {strides = array<i32>} : memref<128xf32, #tpu.memory_space<vmem>>, vector<16xf32>,
        tpu.vector_store %swap3A_828[%swap3A_829], %gather3A_824 {strides = array<i32>} : memref<128xf32, #tpu.memory_space<vmem>>, vector<16xf32>,
        %gather3A_831 = tpu.vector_load_idx %arg12[%get3A_385, %broadcast_in_dim3A_788] : memref<109x129xf32, #tpu.memory_space<vmem>>[vector<16xi32>, vector<16xi32>], vector<16xf32>,
        %swap3A_832 = arith.constant 1 : i32
        %swap3A_833 = arith.constant 0 : i32
        %swap3A_834 = tpu.memref_slice %arg10[%select_n3A_771, %swap3A_832, %select_n3A_787, %swap3A_833] : memref<16x2x8x128xf32, #tpu.memory_space<vmem>> -> memref<1x1x1x128xf32, #tpu.memory_space<vmem>>
        %swap3A_835 = tpu.memref_squeeze %swap3A_834 : memref<1x1x1x128xf32, #tpu.memory_space<vmem>> -> memref<128xf32, #tpu.memory_space<vmem>>
        %swap3A_836 = arith.constant 112 : index
        %swap3A_837 = tpu.vector_load %swap3A_835[%swap3A_836] {strides = array<i32>} : memref<128xf32, #tpu.memory_space<vmem>>, vector<16xf32>,
        tpu.vector_store %swap3A_835[%swap3A_836], %gather3A_831 {strides = array<i32>} : memref<128xf32, #tpu.memory_space<vmem>>, vector<16xf32>,
      }
      %scan3A_390 = arith.constant 64 : i32
      %dma_start3A_391 = arith.constant 0 : i32
      %dma_start3A_392 = arith.constant 0 : i32
      %dma_start3A_393 = arith.constant 0 : i32
      %dma_start3A_394 = tpu.memref_slice %arg5[%scan3A_170, %select_n3A_320, %dma_start3A_391, %dma_start3A_392, %dma_start3A_393] : memref<50x2048x2x8x128xf32, #tpu.memory_space<hbm>> -> memref<1x16x2x8x128xf32, #tpu.memory_space<hbm>>
      %dma_start3A_395 = tpu.memref_squeeze %dma_start3A_394 : memref<1x16x2x8x128xf32, #tpu.memory_space<hbm>> -> memref<16x2x8x128xf32, #tpu.memory_space<hbm>>
      %dma_start3A_396 = arith.constant 0 : i32
      %dma_start3A_397 = arith.constant 0 : i32
      %dma_start3A_398 = arith.constant 0 : i32
      %dma_start3A_399 = tpu.memref_slice %arg5[%scan3A_170, %select_n3A_320, %dma_start3A_396, %dma_start3A_397, %dma_start3A_398] : memref<50x2048x2x8x128xf32, #tpu.memory_space<hbm>> -> memref<1x16x2x8x128xf32, #tpu.memory_space<hbm>>
      %dma_start3A_400 = tpu.memref_squeeze %dma_start3A_399 : memref<1x16x2x8x128xf32, #tpu.memory_space<hbm>> -> memref<16x2x8x128xf32, #tpu.memory_space<hbm>>
      tpu.enqueue_dma source(%arg10 : memref<16x2x8x128xf32, #tpu.memory_space<vmem>>) target(%dma_start3A_400 : memref<16x2x8x128xf32, #tpu.memory_space<hbm>>) target_semaphore(%arg21 : memref<!tpu.dma_semaphore, #tpu.memory_space<semaphore_mem>>)
      %add3A_401 = arith.constant 0 : i32
      %add3A_402 = arith.addi %scan3A_170, %add3A_401 : i32
      %add3A_403 = arith.constant 384 : i32
      %add3A_404 = arith.addi %mul3A_2, %add3A_403 : i32
      %dma_start3A_405 = tpu.memref_slice %arg2[%add3A_402, %add3A_404] : memref<50x16384xi32, #tpu.memory_space<hbm>> -> memref<1x128xi32, #tpu.memory_space<hbm>>
      %dma_start3A_406 = tpu.memref_squeeze %dma_start3A_405 : memref<1x128xi32, #tpu.memory_space<hbm>> -> memref<128xi32, #tpu.memory_space<hbm>>
      %dma_start3A_407 = tpu.memref_slice %arg2[%add3A_402, %add3A_404] : memref<50x16384xi32, #tpu.memory_space<hbm>> -> memref<1x128xi32, #tpu.memory_space<hbm>>
      %dma_start3A_408 = tpu.memref_squeeze %dma_start3A_407 : memref<1x128xi32, #tpu.memory_space<hbm>> -> memref<128xi32, #tpu.memory_space<hbm>>
      tpu.enqueue_dma source(%dma_start3A_408 : memref<128xi32, #tpu.memory_space<hbm>>) target(%arg7 : memref<128xi32, #tpu.memory_space<vmem>>) target_semaphore(%arg16 : memref<!tpu.dma_semaphore, #tpu.memory_space<semaphore_mem>>)
      %dma_start3A_409 = arith.constant 0 : i32
      %dma_start3A_410 = arith.constant 0 : i32
      %dma_start3A_411 = tpu.memref_slice %arg12[%dma_start3A_409, %dma_start3A_410] : memref<109x129xf32, #tpu.memory_space<vmem>> -> memref<109x128xf32, #tpu.memory_space<vmem>>
      %dma_start3A_412 = arith.constant 0 : i32
      %dma_start3A_413 = tpu.memref_slice %arg3[%add3A_402, %dma_start3A_412, %add3A_404] : memref<50x109x16384xf32, #tpu.memory_space<hbm>> -> memref<1x109x128xf32, #tpu.memory_space<hbm>>
      %dma_start3A_414 = tpu.memref_squeeze %dma_start3A_413 : memref<1x109x128xf32, #tpu.memory_space<hbm>> -> memref<109x128xf32, #tpu.memory_space<hbm>>
      %dma_start3A_415 = arith.constant 0 : i32
      %dma_start3A_416 = arith.constant 0 : i32
      %dma_start3A_417 = tpu.memref_slice %arg12[%dma_start3A_415, %dma_start3A_416] : memref<109x129xf32, #tpu.memory_space<vmem>> -> memref<109x128xf32, #tpu.memory_space<vmem>>
      %dma_start3A_418 = arith.constant 0 : i32
      %dma_start3A_419 = tpu.memref_slice %arg3[%add3A_402, %dma_start3A_418, %add3A_404] : memref<50x109x16384xf32, #tpu.memory_space<hbm>> -> memref<1x109x128xf32, #tpu.memory_space<hbm>>
      %dma_start3A_420 = tpu.memref_squeeze %dma_start3A_419 : memref<1x109x128xf32, #tpu.memory_space<hbm>> -> memref<109x128xf32, #tpu.memory_space<hbm>>
      tpu.enqueue_dma source(%dma_start3A_420 : memref<109x128xf32, #tpu.memory_space<hbm>>) target(%dma_start3A_417 : memref<109x128xf32, #tpu.memory_space<vmem>>) target_semaphore(%arg18 : memref<!tpu.dma_semaphore, #tpu.memory_space<semaphore_mem>>)
      %add3A_421 = arith.constant 256 : i32
      %add3A_422 = arith.addi %mul3A_2, %add3A_421 : i32
      %jit3A_423 = arith.constant 8 : i32
      %div3A_424 = arith.divsi %add3A_422, %jit3A_423 : i32
      %sign3A_425 = arith.constant 0 : i32
      %sign3A_426 = arith.cmpi sgt, %add3A_422, %sign3A_425 : i32
      %sign3A_427 = arith.extui %sign3A_426 : i1 to i32
      %sign3A_428 = arith.constant 0 : i32
      %sign3A_429 = arith.cmpi slt, %add3A_422, %sign3A_428 : i32
      %sign3A_430 = arith.extui %sign3A_429 : i1 to i32
      %sign3A_431 = arith.subi %sign3A_427, %sign3A_430 : i32
      %sign3A_432 = arith.constant 0 : i32
      %sign3A_433 = arith.cmpi sgt, %jit3A_423, %sign3A_432 : i32
      %sign3A_434 = arith.extui %sign3A_433 : i1 to i32
      %sign3A_435 = arith.constant 0 : i32
      %sign3A_436 = arith.cmpi slt, %jit3A_423, %sign3A_435 : i32
      %sign3A_437 = arith.extui %sign3A_436 : i1 to i32
      %sign3A_438 = arith.subi %sign3A_434, %sign3A_437 : i32
      %ne3A_439 = arith.cmpi ne, %sign3A_431, %sign3A_438 : i32
      %rem3A_440 = arith.remsi %add3A_422, %jit3A_423 : i32
      %ne3A_441 = arith.constant 0 : i32
      %ne3A_442 = arith.cmpi ne, %rem3A_440, %ne3A_441 : i32
      %and3A_443 = arith.andi %ne3A_439, %ne3A_442 : i1
      %sub3A_444 = arith.constant 1 : i32
      %sub3A_445 = arith.subi %div3A_424, %sub3A_444 : i32
      %select_n3A_446 = arith.select %and3A_443, %sub3A_445, %div3A_424 : i32
      %dma_wait3A_447 = arith.constant 0 : i32
      %dma_wait3A_448 = arith.constant 0 : i32
      %dma_wait3A_449 = tpu.memref_slice %arg14[%dma_wait3A_447, %dma_wait3A_448] : memref<27x160xf32, #tpu.memory_space<vmem_shared>> -> memref<27x160xf32, #tpu.memory_space<vmem_shared>>
      tpu.wait_indirect_dma semaphore(%arg19 : memref<!tpu.dma_semaphore, #tpu.memory_space<semaphore_mem>>) src(%dma_wait3A_449 : memref<27x160xf32, #tpu.memory_space<vmem_shared>>) dst(%arg8 : memref<128x160xf32, #tpu.memory_space<vmem>>)
      %dma_wait3A_450 = arith.constant 0 : i32
      %dma_wait3A_451 = arith.constant 0 : i32
      %dma_wait3A_452 = tpu.memref_slice %arg11[%dma_wait3A_450, %dma_wait3A_451] : memref<109x129xf32, #tpu.memory_space<vmem>> -> memref<109x128xf32, #tpu.memory_space<vmem>>
      %dma_wait3A_453 = arith.constant 0 : i32
      %dma_wait3A_454 = tpu.memref_slice %arg3[%scan3A_170, %dma_wait3A_453, %add3A_422] : memref<50x109x16384xf32, #tpu.memory_space<hbm>> -> memref<1x109x128xf32, #tpu.memory_space<hbm>>
      %dma_wait3A_455 = tpu.memref_squeeze %dma_wait3A_454 : memref<1x109x128xf32, #tpu.memory_space<hbm>> -> memref<109x128xf32, #tpu.memory_space<hbm>>
      %dma_wait3A_456 = arith.constant 0 : i32
      %dma_wait3A_457 = arith.constant 0 : i32
      %dma_wait3A_458 = tpu.memref_slice %arg11[%dma_wait3A_456, %dma_wait3A_457] : memref<109x129xf32, #tpu.memory_space<vmem>> -> memref<109x128xf32, #tpu.memory_space<vmem>>
      %dma_wait3A_459 = arith.constant 0 : i32
      %dma_wait3A_460 = tpu.memref_slice %arg3[%scan3A_170, %dma_wait3A_459, %add3A_422] : memref<50x109x16384xf32, #tpu.memory_space<hbm>> -> memref<1x109x128xf32, #tpu.memory_space<hbm>>
      %dma_wait3A_461 = tpu.memref_squeeze %dma_wait3A_460 : memref<1x109x128xf32, #tpu.memory_space<hbm>> -> memref<109x128xf32, #tpu.memory_space<hbm>>
      tpu.wait_dma2 semaphore(%arg17 : memref<!tpu.dma_semaphore, #tpu.memory_space<semaphore_mem>>) src(%dma_wait3A_461 : memref<109x128xf32, #tpu.memory_space<hbm>>) dst(%dma_wait3A_458 : memref<109x128xf32, #tpu.memory_space<vmem>>)
      %dma_wait3A_462 = arith.constant 0 : i32
      %dma_wait3A_463 = arith.constant 0 : i32
      %dma_wait3A_464 = arith.constant 0 : i32
      %dma_wait3A_465 = tpu.memref_slice %arg5[%scan3A_170, %select_n3A_446, %dma_wait3A_462, %dma_wait3A_463, %dma_wait3A_464] : memref<50x2048x2x8x128xf32, #tpu.memory_space<hbm>> -> memref<1x16x2x8x128xf32, #tpu.memory_space<hbm>>
      %dma_wait3A_466 = tpu.memref_squeeze %dma_wait3A_465 : memref<1x16x2x8x128xf32, #tpu.memory_space<hbm>> -> memref<16x2x8x128xf32, #tpu.memory_space<hbm>>
      %dma_wait3A_467 = arith.constant 0 : i32
      %dma_wait3A_468 = arith.constant 0 : i32
      %dma_wait3A_469 = arith.constant 0 : i32
      %dma_wait3A_470 = tpu.memref_slice %arg5[%scan3A_170, %select_n3A_446, %dma_wait3A_467, %dma_wait3A_468, %dma_wait3A_469] : memref<50x2048x2x8x128xf32, #tpu.memory_space<hbm>> -> memref<1x16x2x8x128xf32, #tpu.memory_space<hbm>>
      %dma_wait3A_471 = tpu.memref_squeeze %dma_wait3A_470 : memref<1x16x2x8x128xf32, #tpu.memory_space<hbm>> -> memref<16x2x8x128xf32, #tpu.memory_space<hbm>>
      tpu.wait_dma2 semaphore(%arg20 : memref<!tpu.dma_semaphore, #tpu.memory_space<semaphore_mem>>) src(%arg9 : memref<16x2x8x128xf32, #tpu.memory_space<vmem>>) dst(%dma_wait3A_471 : memref<16x2x8x128xf32, #tpu.memory_space<hbm>>)
      %scan3A_472 = arith.constant 0 : i32
      %scan3A_473 = arith.constant 0 : i32
      %scan3A_474 = arith.constant 64 : i32
      %scan3A_475 = arith.addi %scan3A_473, %scan3A_474 : i32
      %scan3A_476 = arith.constant 1 : i32
      scf.for %scan3A_652 = %scan3A_473 to %scan3A_475 step %scan3A_476  : i32 {
        %mul3A_653 = arith.constant 2 : i32
        %mul3A_654 = arith.muli %scan3A_652, %mul3A_653 : i32
        %add3A_655 = arith.constant 0 : i32
        %add3A_656 = arith.addi %mul3A_654, %add3A_655 : i32
        %jit3A_657 = arith.constant 8 : i32
        %div3A_658 = arith.divsi %add3A_656, %jit3A_657 : i32
        %sign3A_659 = arith.constant 0 : i32
        %sign3A_660 = arith.cmpi sgt, %add3A_656, %sign3A_659 : i32
        %sign3A_661 = arith.extui %sign3A_660 : i1 to i32
        %sign3A_662 = arith.constant 0 : i32
        %sign3A_663 = arith.cmpi slt, %add3A_656, %sign3A_662 : i32
        %sign3A_664 = arith.extui %sign3A_663 : i1 to i32
        %sign3A_665 = arith.subi %sign3A_661, %sign3A_664 : i32
        %sign3A_666 = arith.constant 0 : i32
        %sign3A_667 = arith.cmpi sgt, %jit3A_657, %sign3A_666 : i32
        %sign3A_668 = arith.extui %sign3A_667 : i1 to i32
        %sign3A_669 = arith.constant 0 : i32
        %sign3A_670 = arith.cmpi slt, %jit3A_657, %sign3A_669 : i32
        %sign3A_671 = arith.extui %sign3A_670 : i1 to i32
        %sign3A_672 = arith.subi %sign3A_668, %sign3A_671 : i32
        %ne3A_673 = arith.cmpi ne, %sign3A_665, %sign3A_672 : i32
        %rem3A_674 = arith.remsi %add3A_656, %jit3A_657 : i32
        %ne3A_675 = arith.constant 0 : i32
        %ne3A_676 = arith.cmpi ne, %rem3A_674, %ne3A_675 : i32
        %and3A_677 = arith.andi %ne3A_673, %ne3A_676 : i1
        %sub3A_678 = arith.constant 1 : i32
        %sub3A_679 = arith.subi %div3A_658, %sub3A_678 : i32
        %select_n3A_680 = arith.select %and3A_677, %sub3A_679, %div3A_658 : i32
        %jit3A_681 = arith.constant 8 : i32
        %eq3A_682 = arith.constant 0 : i32
        %eq3A_683 = arith.cmpi eq, %jit3A_681, %eq3A_682 : i32
        %jit3A_684 = arith.constant 1 : i32
        %select_n3A_685 = arith.select %eq3A_683, %jit3A_684, %jit3A_681 : i32
        %rem3A_686 = arith.remsi %add3A_656, %select_n3A_685 : i32
        %ne3A_687 = arith.constant 0 : i32
        %ne3A_688 = arith.cmpi ne, %rem3A_686, %ne3A_687 : i32
        %lt3A = arith.constant 0 : i32
        %lt3A_689 = arith.cmpi slt, %rem3A_686, %lt3A : i32
        %lt3A_690 = arith.constant 0 : i32
        %lt3A_691 = arith.cmpi slt, %select_n3A_685, %lt3A_690 : i32
        %ne3A_692 = arith.xori %lt3A_689, %lt3A_691 : i1
        %and3A_693 = arith.andi %ne3A_692, %ne3A_688 : i1
        %add3A_694 = arith.addi %rem3A_686, %select_n3A_685 : i32
        %select_n3A_695 = arith.select %and3A_693, %add3A_694, %rem3A_686 : i32
        %get3A_696 = arith.constant 0 : i32
        %get3A_697 = tpu.memref_slice %arg8[%add3A_656, %get3A_696] : memref<128x160xf32, #tpu.memory_space<vmem>> -> memref<1x160xf32, #tpu.memory_space<vmem>>
        %get3A_698 = tpu.memref_squeeze %get3A_697 : memref<1x160xf32, #tpu.memory_space<vmem>> -> memref<160xf32, #tpu.memory_space<vmem>>
        %get3A_699 = arith.constant 0 : index
        %get3A_700 = tpu.vector_load %get3A_698[%get3A_699] {strides = array<i32>} : memref<160xf32, #tpu.memory_space<vmem>>, vector<16xf32>,
        %swap3A_701 = arith.constant 0 : i32
        %swap3A_702 = arith.constant 0 : i32
        %swap3A_703 = tpu.memref_slice %arg9[%select_n3A_680, %swap3A_701, %select_n3A_695, %swap3A_702] : memref<16x2x8x128xf32, #tpu.memory_space<vmem>> -> memref<1x1x1x128xf32, #tpu.memory_space<vmem>>
        %swap3A_704 = tpu.memref_squeeze %swap3A_703 : memref<1x1x1x128xf32, #tpu.memory_space<vmem>> -> memref<128xf32, #tpu.memory_space<vmem>>
        %swap3A_705 = arith.constant 0 : index
        %swap3A_706 = tpu.vector_load %swap3A_704[%swap3A_705] {strides = array<i32>} : memref<128xf32, #tpu.memory_space<vmem>>, vector<16xf32>,
        tpu.vector_store %swap3A_704[%swap3A_705], %get3A_700 {strides = array<i32>} : memref<128xf32, #tpu.memory_space<vmem>>, vector<16xf32>,
        %get3A_707 = arith.constant 0 : i32
        %get3A_708 = tpu.memref_slice %arg8[%add3A_656, %get3A_707] : memref<128x160xf32, #tpu.memory_space<vmem>> -> memref<1x160xf32, #tpu.memory_space<vmem>>
        %get3A_709 = tpu.memref_squeeze %get3A_708 : memref<1x160xf32, #tpu.memory_space<vmem>> -> memref<160xf32, #tpu.memory_space<vmem>>
        %get3A_710 = arith.constant 16 : index
        %get3A_711 = tpu.vector_load %get3A_709[%get3A_710] {strides = array<i32>} : memref<160xf32, #tpu.memory_space<vmem>>, vector<16xf32>,
        %swap3A_712 = arith.constant 0 : i32
        %swap3A_713 = arith.constant 0 : i32
        %swap3A_714 = tpu.memref_slice %arg9[%select_n3A_680, %swap3A_712, %select_n3A_695, %swap3A_713] : memref<16x2x8x128xf32, #tpu.memory_space<vmem>> -> memref<1x1x1x128xf32, #tpu.memory_space<vmem>>
        %swap3A_715 = tpu.memref_squeeze %swap3A_714 : memref<1x1x1x128xf32, #tpu.memory_space<vmem>> -> memref<128xf32, #tpu.memory_space<vmem>>
        %swap3A_716 = arith.constant 16 : index
        %swap3A_717 = tpu.vector_load %swap3A_715[%swap3A_716] {strides = array<i32>} : memref<128xf32, #tpu.memory_space<vmem>>, vector<16xf32>,
        tpu.vector_store %swap3A_715[%swap3A_716], %get3A_711 {strides = array<i32>} : memref<128xf32, #tpu.memory_space<vmem>>, vector<16xf32>,
        %get3A_718 = arith.constant 0 : i32
        %get3A_719 = tpu.memref_slice %arg8[%add3A_656, %get3A_718] : memref<128x160xf32, #tpu.memory_space<vmem>> -> memref<1x160xf32, #tpu.memory_space<vmem>>
        %get3A_720 = tpu.memref_squeeze %get3A_719 : memref<1x160xf32, #tpu.memory_space<vmem>> -> memref<160xf32, #tpu.memory_space<vmem>>
        %get3A_721 = arith.constant 32 : index
        %get3A_722 = tpu.vector_load %get3A_720[%get3A_721] {strides = array<i32>} : memref<160xf32, #tpu.memory_space<vmem>>, vector<16xf32>,
        %swap3A_723 = arith.constant 0 : i32
        %swap3A_724 = arith.constant 0 : i32
        %swap3A_725 = tpu.memref_slice %arg9[%select_n3A_680, %swap3A_723, %select_n3A_695, %swap3A_724] : memref<16x2x8x128xf32, #tpu.memory_space<vmem>> -> memref<1x1x1x128xf32, #tpu.memory_space<vmem>>
        %swap3A_726 = tpu.memref_squeeze %swap3A_725 : memref<1x1x1x128xf32, #tpu.memory_space<vmem>> -> memref<128xf32, #tpu.memory_space<vmem>>
        %swap3A_727 = arith.constant 32 : index
        %swap3A_728 = tpu.vector_load %swap3A_726[%swap3A_727] {strides = array<i32>} : memref<128xf32, #tpu.memory_space<vmem>>, vector<16xf32>,
        tpu.vector_store %swap3A_726[%swap3A_727], %get3A_722 {strides = array<i32>} : memref<128xf32, #tpu.memory_space<vmem>>, vector<16xf32>,
        %get3A_729 = arith.constant 0 : i32
        %get3A_730 = tpu.memref_slice %arg8[%add3A_656, %get3A_729] : memref<128x160xf32, #tpu.memory_space<vmem>> -> memref<1x160xf32, #tpu.memory_space<vmem>>
        %get3A_731 = tpu.memref_squeeze %get3A_730 : memref<1x160xf32, #tpu.memory_space<vmem>> -> memref<160xf32, #tpu.memory_space<vmem>>
        %get3A_732 = arith.constant 48 : index
        %get3A_733 = tpu.vector_load %get3A_731[%get3A_732] {strides = array<i32>} : memref<160xf32, #tpu.memory_space<vmem>>, vector<16xf32>,
        %swap3A_734 = arith.constant 0 : i32
        %swap3A_735 = arith.constant 0 : i32
        %swap3A_736 = tpu.memref_slice %arg9[%select_n3A_680, %swap3A_734, %select_n3A_695, %swap3A_735] : memref<16x2x8x128xf32, #tpu.memory_space<vmem>> -> memref<1x1x1x128xf32, #tpu.memory_space<vmem>>
        %swap3A_737 = tpu.memref_squeeze %swap3A_736 : memref<1x1x1x128xf32, #tpu.memory_space<vmem>> -> memref<128xf32, #tpu.memory_space<vmem>>
        %swap3A_738 = arith.constant 48 : index
        %swap3A_739 = tpu.vector_load %swap3A_737[%swap3A_738] {strides = array<i32>} : memref<128xf32, #tpu.memory_space<vmem>>, vector<16xf32>,
        tpu.vector_store %swap3A_737[%swap3A_738], %get3A_733 {strides = array<i32>} : memref<128xf32, #tpu.memory_space<vmem>>, vector<16xf32>,
        %get3A_740 = arith.constant 0 : i32
        %get3A_741 = tpu.memref_slice %arg8[%add3A_656, %get3A_740] : memref<128x160xf32, #tpu.memory_space<vmem>> -> memref<1x160xf32, #tpu.memory_space<vmem>>
        %get3A_742 = tpu.memref_squeeze %get3A_741 : memref<1x160xf32, #tpu.memory_space<vmem>> -> memref<160xf32, #tpu.memory_space<vmem>>
        %get3A_743 = arith.constant 64 : index
        %get3A_744 = tpu.vector_load %get3A_742[%get3A_743] {strides = array<i32>} : memref<160xf32, #tpu.memory_space<vmem>>, vector<16xf32>,
        %swap3A_745 = arith.constant 0 : i32
        %swap3A_746 = arith.constant 0 : i32
        %swap3A_747 = tpu.memref_slice %arg9[%select_n3A_680, %swap3A_745, %select_n3A_695, %swap3A_746] : memref<16x2x8x128xf32, #tpu.memory_space<vmem>> -> memref<1x1x1x128xf32, #tpu.memory_space<vmem>>
        %swap3A_748 = tpu.memref_squeeze %swap3A_747 : memref<1x1x1x128xf32, #tpu.memory_space<vmem>> -> memref<128xf32, #tpu.memory_space<vmem>>
        %swap3A_749 = arith.constant 64 : index
        %swap3A_750 = tpu.vector_load %swap3A_748[%swap3A_749] {strides = array<i32>} : memref<128xf32, #tpu.memory_space<vmem>>, vector<16xf32>,
        tpu.vector_store %swap3A_748[%swap3A_749], %get3A_744 {strides = array<i32>} : memref<128xf32, #tpu.memory_space<vmem>>, vector<16xf32>,
        %get3A_751 = arith.constant 0 : i32
        %get3A_752 = tpu.memref_slice %arg8[%add3A_656, %get3A_751] : memref<128x160xf32, #tpu.memory_space<vmem>> -> memref<1x160xf32, #tpu.memory_space<vmem>>
        %get3A_753 = tpu.memref_squeeze %get3A_752 : memref<1x160xf32, #tpu.memory_space<vmem>> -> memref<160xf32, #tpu.memory_space<vmem>>
        %get3A_754 = arith.constant 80 : index
        %get3A_755 = tpu.vector_load %get3A_753[%get3A_754] {strides = array<i32>} : memref<160xf32, #tpu.memory_space<vmem>>, vector<16xf32>,
        %swap3A_756 = arith.constant 0 : i32
        %swap3A_757 = arith.constant 0 : i32
        %swap3A_758 = tpu.memref_slice %arg9[%select_n3A_680, %swap3A_756, %select_n3A_695, %swap3A_757] : memref<16x2x8x128xf32, #tpu.memory_space<vmem>> -> memref<1x1x1x128xf32, #tpu.memory_space<vmem>>
        %swap3A_759 = tpu.memref_squeeze %swap3A_758 : memref<1x1x1x128xf32, #tpu.memory_space<vmem>> -> memref<128xf32, #tpu.memory_space<vmem>>
        %swap3A_760 = arith.constant 80 : index
        %swap3A_761 = tpu.vector_load %swap3A_759[%swap3A_760] {strides = array<i32>} : memref<128xf32, #tpu.memory_space<vmem>>, vector<16xf32>,
        tpu.vector_store %swap3A_759[%swap3A_760], %get3A_755 {strides = array<i32>} : memref<128xf32, #tpu.memory_space<vmem>>, vector<16xf32>,
        %get3A_762 = arith.constant 0 : i32
        %get3A_763 = tpu.memref_slice %arg8[%add3A_656, %get3A_762] : memref<128x160xf32, #tpu.memory_space<vmem>> -> memref<1x160xf32, #tpu.memory_space<vmem>>
        %get3A_764 = tpu.memref_squeeze %get3A_763 : memref<1x160xf32, #tpu.memory_space<vmem>> -> memref<160xf32, #tpu.memory_space<vmem>>
        %get3A_765 = arith.constant 96 : index
        %get3A_766 = tpu.vector_load %get3A_764[%get3A_765] {strides = array<i32>} : memref<160xf32, #tpu.memory_space<vmem>>, vector<16xf32>,
        %swap3A_767 = arith.constant 0 : i32
        %swap3A_768 = arith.constant 0 : i32
        %swap3A_769 = tpu.memref_slice %arg9[%select_n3A_680, %swap3A_767, %select_n3A_695, %swap3A_768] : memref<16x2x8x128xf32, #tpu.memory_space<vmem>> -> memref<1x1x1x128xf32, #tpu.memory_space<vmem>>
        %swap3A_770 = tpu.memref_squeeze %swap3A_769 : memref<1x1x1x128xf32, #tpu.memory_space<vmem>> -> memref<128xf32, #tpu.memory_space<vmem>>
        %swap3A_771 = arith.constant 96 : index
        %swap3A_772 = tpu.vector_load %swap3A_770[%swap3A_771] {strides = array<i32>} : memref<128xf32, #tpu.memory_space<vmem>>, vector<16xf32>,
        tpu.vector_store %swap3A_770[%swap3A_771], %get3A_766 {strides = array<i32>} : memref<128xf32, #tpu.memory_space<vmem>>, vector<16xf32>,
        %get3A_773 = arith.constant 0 : i32
        %get3A_774 = tpu.memref_slice %arg8[%add3A_656, %get3A_773] : memref<128x160xf32, #tpu.memory_space<vmem>> -> memref<1x160xf32, #tpu.memory_space<vmem>>
        %get3A_775 = tpu.memref_squeeze %get3A_774 : memref<1x160xf32, #tpu.memory_space<vmem>> -> memref<160xf32, #tpu.memory_space<vmem>>
        %get3A_776 = arith.constant 112 : index
        %get3A_777 = tpu.vector_load %get3A_775[%get3A_776] {strides = array<i32>} : memref<160xf32, #tpu.memory_space<vmem>>, vector<16xf32>,
        %swap3A_778 = arith.constant 0 : i32
        %swap3A_779 = arith.constant 0 : i32
        %swap3A_780 = tpu.memref_slice %arg9[%select_n3A_680, %swap3A_778, %select_n3A_695, %swap3A_779] : memref<16x2x8x128xf32, #tpu.memory_space<vmem>> -> memref<1x1x1x128xf32, #tpu.memory_space<vmem>>
        %swap3A_781 = tpu.memref_squeeze %swap3A_780 : memref<1x1x1x128xf32, #tpu.memory_space<vmem>> -> memref<128xf32, #tpu.memory_space<vmem>>
        %swap3A_782 = arith.constant 112 : index
        %swap3A_783 = tpu.vector_load %swap3A_781[%swap3A_782] {strides = array<i32>} : memref<128xf32, #tpu.memory_space<vmem>>, vector<16xf32>,
        tpu.vector_store %swap3A_781[%swap3A_782], %get3A_777 {strides = array<i32>} : memref<128xf32, #tpu.memory_space<vmem>>, vector<16xf32>,
        %get3A_784 = arith.constant 0 : i32
        %get3A_785 = tpu.memref_slice %arg8[%add3A_656, %get3A_784] : memref<128x160xf32, #tpu.memory_space<vmem>> -> memref<1x160xf32, #tpu.memory_space<vmem>>
        %get3A_786 = tpu.memref_squeeze %get3A_785 : memref<1x160xf32, #tpu.memory_space<vmem>> -> memref<160xf32, #tpu.memory_space<vmem>>
        %get3A_787 = arith.constant 128 : index
        %get3A_788 = tpu.vector_load %get3A_786[%get3A_787] {strides = array<i32>} : memref<160xf32, #tpu.memory_space<vmem>>, vector<16xf32>,
        %swap3A_789 = arith.constant 1 : i32
        %swap3A_790 = arith.constant 0 : i32
        %swap3A_791 = tpu.memref_slice %arg9[%select_n3A_680, %swap3A_789, %select_n3A_695, %swap3A_790] : memref<16x2x8x128xf32, #tpu.memory_space<vmem>> -> memref<1x1x1x128xf32, #tpu.memory_space<vmem>>
        %swap3A_792 = tpu.memref_squeeze %swap3A_791 : memref<1x1x1x128xf32, #tpu.memory_space<vmem>> -> memref<128xf32, #tpu.memory_space<vmem>>
        %swap3A_793 = arith.constant 0 : index
        %swap3A_794 = tpu.vector_load %swap3A_792[%swap3A_793] {strides = array<i32>} : memref<128xf32, #tpu.memory_space<vmem>>, vector<16xf32>,
        tpu.vector_store %swap3A_792[%swap3A_793], %get3A_788 {strides = array<i32>} : memref<128xf32, #tpu.memory_space<vmem>>, vector<16xf32>,
        %get3A_795 = arith.constant 0 : i32
        %get3A_796 = tpu.memref_slice %arg8[%add3A_656, %get3A_795] : memref<128x160xf32, #tpu.memory_space<vmem>> -> memref<1x160xf32, #tpu.memory_space<vmem>>
        %get3A_797 = tpu.memref_squeeze %get3A_796 : memref<1x160xf32, #tpu.memory_space<vmem>> -> memref<160xf32, #tpu.memory_space<vmem>>
        %get3A_798 = arith.constant 131 : index
        %get3A_799 = tpu.vector_load %get3A_797[%get3A_798] {strides = array<i32>} : memref<160xf32, #tpu.memory_space<vmem>>, vector<16xf32>,
        %swap3A_800 = arith.constant 1 : i32
        %swap3A_801 = arith.constant 0 : i32
        %swap3A_802 = tpu.memref_slice %arg9[%select_n3A_680, %swap3A_800, %select_n3A_695, %swap3A_801] : memref<16x2x8x128xf32, #tpu.memory_space<vmem>> -> memref<1x1x1x128xf32, #tpu.memory_space<vmem>>
        %swap3A_803 = tpu.memref_squeeze %swap3A_802 : memref<1x1x1x128xf32, #tpu.memory_space<vmem>> -> memref<128xf32, #tpu.memory_space<vmem>>
        %swap3A_804 = arith.constant 3 : index
        %swap3A_805 = tpu.vector_load %swap3A_803[%swap3A_804] {strides = array<i32>} : memref<128xf32, #tpu.memory_space<vmem>>, vector<16xf32>,
        tpu.vector_store %swap3A_803[%swap3A_804], %get3A_799 {strides = array<i32>} : memref<128xf32, #tpu.memory_space<vmem>>, vector<16xf32>,
        %mul3A_806 = arith.constant 2 : i32
        %mul3A_807 = arith.muli %scan3A_652, %mul3A_806 : i32
        %add3A_808 = arith.constant 1 : i32
        %add3A_809 = arith.addi %mul3A_807, %add3A_808 : i32
        %jit3A_810 = arith.constant 8 : i32
        %div3A_811 = arith.divsi %add3A_809, %jit3A_810 : i32
        %sign3A_812 = arith.constant 0 : i32
        %sign3A_813 = arith.cmpi sgt, %add3A_809, %sign3A_812 : i32
        %sign3A_814 = arith.extui %sign3A_813 : i1 to i32
        %sign3A_815 = arith.constant 0 : i32
        %sign3A_816 = arith.cmpi slt, %add3A_809, %sign3A_815 : i32
        %sign3A_817 = arith.extui %sign3A_816 : i1 to i32
        %sign3A_818 = arith.subi %sign3A_814, %sign3A_817 : i32
        %sign3A_819 = arith.constant 0 : i32
        %sign3A_820 = arith.cmpi sgt, %jit3A_810, %sign3A_819 : i32
        %sign3A_821 = arith.extui %sign3A_820 : i1 to i32
        %sign3A_822 = arith.constant 0 : i32
        %sign3A_823 = arith.cmpi slt, %jit3A_810, %sign3A_822 : i32
        %sign3A_824 = arith.extui %sign3A_823 : i1 to i32
        %sign3A_825 = arith.subi %sign3A_821, %sign3A_824 : i32
        %ne3A_826 = arith.cmpi ne, %sign3A_818, %sign3A_825 : i32
        %rem3A_827 = arith.remsi %add3A_809, %jit3A_810 : i32
        %ne3A_828 = arith.constant 0 : i32
        %ne3A_829 = arith.cmpi ne, %rem3A_827, %ne3A_828 : i32
        %and3A_830 = arith.andi %ne3A_826, %ne3A_829 : i1
        %sub3A_831 = arith.constant 1 : i32
        %sub3A_832 = arith.subi %div3A_811, %sub3A_831 : i32
        %select_n3A_833 = arith.select %and3A_830, %sub3A_832, %div3A_811 : i32
        %jit3A_834 = arith.constant 8 : i32
        %eq3A_835 = arith.constant 0 : i32
        %eq3A_836 = arith.cmpi eq, %jit3A_834, %eq3A_835 : i32
        %jit3A_837 = arith.constant 1 : i32
        %select_n3A_838 = arith.select %eq3A_836, %jit3A_837, %jit3A_834 : i32
        %rem3A_839 = arith.remsi %add3A_809, %select_n3A_838 : i32
        %ne3A_840 = arith.constant 0 : i32
        %ne3A_841 = arith.cmpi ne, %rem3A_839, %ne3A_840 : i32
        %lt3A_842 = arith.constant 0 : i32
        %lt3A_843 = arith.cmpi slt, %rem3A_839, %lt3A_842 : i32
        %lt3A_844 = arith.constant 0 : i32
        %lt3A_845 = arith.cmpi slt, %select_n3A_838, %lt3A_844 : i32
        %ne3A_846 = arith.xori %lt3A_843, %lt3A_845 : i1
        %and3A_847 = arith.andi %ne3A_846, %ne3A_841 : i1
        %add3A_848 = arith.addi %rem3A_839, %select_n3A_838 : i32
        %select_n3A_849 = arith.select %and3A_847, %add3A_848, %rem3A_839 : i32
        %get3A_850 = arith.constant 0 : i32
        %get3A_851 = tpu.memref_slice %arg8[%add3A_809, %get3A_850] : memref<128x160xf32, #tpu.memory_space<vmem>> -> memref<1x160xf32, #tpu.memory_space<vmem>>
        %get3A_852 = tpu.memref_squeeze %get3A_851 : memref<1x160xf32, #tpu.memory_space<vmem>> -> memref<160xf32, #tpu.memory_space<vmem>>
        %get3A_853 = arith.constant 0 : index
        %get3A_854 = tpu.vector_load %get3A_852[%get3A_853] {strides = array<i32>} : memref<160xf32, #tpu.memory_space<vmem>>, vector<16xf32>,
        %swap3A_855 = arith.constant 0 : i32
        %swap3A_856 = arith.constant 0 : i32
        %swap3A_857 = tpu.memref_slice %arg9[%select_n3A_833, %swap3A_855, %select_n3A_849, %swap3A_856] : memref<16x2x8x128xf32, #tpu.memory_space<vmem>> -> memref<1x1x1x128xf32, #tpu.memory_space<vmem>>
        %swap3A_858 = tpu.memref_squeeze %swap3A_857 : memref<1x1x1x128xf32, #tpu.memory_space<vmem>> -> memref<128xf32, #tpu.memory_space<vmem>>
        %swap3A_859 = arith.constant 0 : index
        %swap3A_860 = tpu.vector_load %swap3A_858[%swap3A_859] {strides = array<i32>} : memref<128xf32, #tpu.memory_space<vmem>>, vector<16xf32>,
        tpu.vector_store %swap3A_858[%swap3A_859], %get3A_854 {strides = array<i32>} : memref<128xf32, #tpu.memory_space<vmem>>, vector<16xf32>,
        %get3A_861 = arith.constant 0 : i32
        %get3A_862 = tpu.memref_slice %arg8[%add3A_809, %get3A_861] : memref<128x160xf32, #tpu.memory_space<vmem>> -> memref<1x160xf32, #tpu.memory_space<vmem>>
        %get3A_863 = tpu.memref_squeeze %get3A_862 : memref<1x160xf32, #tpu.memory_space<vmem>> -> memref<160xf32, #tpu.memory_space<vmem>>
        %get3A_864 = arith.constant 16 : index
        %get3A_865 = tpu.vector_load %get3A_863[%get3A_864] {strides = array<i32>} : memref<160xf32, #tpu.memory_space<vmem>>, vector<16xf32>,
        %swap3A_866 = arith.constant 0 : i32
        %swap3A_867 = arith.constant 0 : i32
        %swap3A_868 = tpu.memref_slice %arg9[%select_n3A_833, %swap3A_866, %select_n3A_849, %swap3A_867] : memref<16x2x8x128xf32, #tpu.memory_space<vmem>> -> memref<1x1x1x128xf32, #tpu.memory_space<vmem>>
        %swap3A_869 = tpu.memref_squeeze %swap3A_868 : memref<1x1x1x128xf32, #tpu.memory_space<vmem>> -> memref<128xf32, #tpu.memory_space<vmem>>
        %swap3A_870 = arith.constant 16 : index
        %swap3A_871 = tpu.vector_load %swap3A_869[%swap3A_870] {strides = array<i32>} : memref<128xf32, #tpu.memory_space<vmem>>, vector<16xf32>,
        tpu.vector_store %swap3A_869[%swap3A_870], %get3A_865 {strides = array<i32>} : memref<128xf32, #tpu.memory_space<vmem>>, vector<16xf32>,
        %get3A_872 = arith.constant 0 : i32
        %get3A_873 = tpu.memref_slice %arg8[%add3A_809, %get3A_872] : memref<128x160xf32, #tpu.memory_space<vmem>> -> memref<1x160xf32, #tpu.memory_space<vmem>>
        %get3A_874 = tpu.memref_squeeze %get3A_873 : memref<1x160xf32, #tpu.memory_space<vmem>> -> memref<160xf32, #tpu.memory_space<vmem>>
        %get3A_875 = arith.constant 32 : index
        %get3A_876 = tpu.vector_load %get3A_874[%get3A_875] {strides = array<i32>} : memref<160xf32, #tpu.memory_space<vmem>>, vector<16xf32>,
        %swap3A_877 = arith.constant 0 : i32
        %swap3A_878 = arith.constant 0 : i32
        %swap3A_879 = tpu.memref_slice %arg9[%select_n3A_833, %swap3A_877, %select_n3A_849, %swap3A_878] : memref<16x2x8x128xf32, #tpu.memory_space<vmem>> -> memref<1x1x1x128xf32, #tpu.memory_space<vmem>>
        %swap3A_880 = tpu.memref_squeeze %swap3A_879 : memref<1x1x1x128xf32, #tpu.memory_space<vmem>> -> memref<128xf32, #tpu.memory_space<vmem>>
        %swap3A_881 = arith.constant 32 : index
        %swap3A_882 = tpu.vector_load %swap3A_880[%swap3A_881] {strides = array<i32>} : memref<128xf32, #tpu.memory_space<vmem>>, vector<16xf32>,
        tpu.vector_store %swap3A_880[%swap3A_881], %get3A_876 {strides = array<i32>} : memref<128xf32, #tpu.memory_space<vmem>>, vector<16xf32>,
        %get3A_883 = arith.constant 0 : i32
        %get3A_884 = tpu.memref_slice %arg8[%add3A_809, %get3A_883] : memref<128x160xf32, #tpu.memory_space<vmem>> -> memref<1x160xf32, #tpu.memory_space<vmem>>
        %get3A_885 = tpu.memref_squeeze %get3A_884 : memref<1x160xf32, #tpu.memory_space<vmem>> -> memref<160xf32, #tpu.memory_space<vmem>>
        %get3A_886 = arith.constant 48 : index
        %get3A_887 = tpu.vector_load %get3A_885[%get3A_886] {strides = array<i32>} : memref<160xf32, #tpu.memory_space<vmem>>, vector<16xf32>,
        %swap3A_888 = arith.constant 0 : i32
        %swap3A_889 = arith.constant 0 : i32
        %swap3A_890 = tpu.memref_slice %arg9[%select_n3A_833, %swap3A_888, %select_n3A_849, %swap3A_889] : memref<16x2x8x128xf32, #tpu.memory_space<vmem>> -> memref<1x1x1x128xf32, #tpu.memory_space<vmem>>
        %swap3A_891 = tpu.memref_squeeze %swap3A_890 : memref<1x1x1x128xf32, #tpu.memory_space<vmem>> -> memref<128xf32, #tpu.memory_space<vmem>>
        %swap3A_892 = arith.constant 48 : index
        %swap3A_893 = tpu.vector_load %swap3A_891[%swap3A_892] {strides = array<i32>} : memref<128xf32, #tpu.memory_space<vmem>>, vector<16xf32>,
        tpu.vector_store %swap3A_891[%swap3A_892], %get3A_887 {strides = array<i32>} : memref<128xf32, #tpu.memory_space<vmem>>, vector<16xf32>,
        %get3A_894 = arith.constant 0 : i32
        %get3A_895 = tpu.memref_slice %arg8[%add3A_809, %get3A_894] : memref<128x160xf32, #tpu.memory_space<vmem>> -> memref<1x160xf32, #tpu.memory_space<vmem>>
        %get3A_896 = tpu.memref_squeeze %get3A_895 : memref<1x160xf32, #tpu.memory_space<vmem>> -> memref<160xf32, #tpu.memory_space<vmem>>
        %get3A_897 = arith.constant 64 : index
        %get3A_898 = tpu.vector_load %get3A_896[%get3A_897] {strides = array<i32>} : memref<160xf32, #tpu.memory_space<vmem>>, vector<16xf32>,
        %swap3A_899 = arith.constant 0 : i32
        %swap3A_900 = arith.constant 0 : i32
        %swap3A_901 = tpu.memref_slice %arg9[%select_n3A_833, %swap3A_899, %select_n3A_849, %swap3A_900] : memref<16x2x8x128xf32, #tpu.memory_space<vmem>> -> memref<1x1x1x128xf32, #tpu.memory_space<vmem>>
        %swap3A_902 = tpu.memref_squeeze %swap3A_901 : memref<1x1x1x128xf32, #tpu.memory_space<vmem>> -> memref<128xf32, #tpu.memory_space<vmem>>
        %swap3A_903 = arith.constant 64 : index
        %swap3A_904 = tpu.vector_load %swap3A_902[%swap3A_903] {strides = array<i32>} : memref<128xf32, #tpu.memory_space<vmem>>, vector<16xf32>,
        tpu.vector_store %swap3A_902[%swap3A_903], %get3A_898 {strides = array<i32>} : memref<128xf32, #tpu.memory_space<vmem>>, vector<16xf32>,
        %get3A_905 = arith.constant 0 : i32
        %get3A_906 = tpu.memref_slice %arg8[%add3A_809, %get3A_905] : memref<128x160xf32, #tpu.memory_space<vmem>> -> memref<1x160xf32, #tpu.memory_space<vmem>>
        %get3A_907 = tpu.memref_squeeze %get3A_906 : memref<1x160xf32, #tpu.memory_space<vmem>> -> memref<160xf32, #tpu.memory_space<vmem>>
        %get3A_908 = arith.constant 80 : index
        %get3A_909 = tpu.vector_load %get3A_907[%get3A_908] {strides = array<i32>} : memref<160xf32, #tpu.memory_space<vmem>>, vector<16xf32>,
        %swap3A_910 = arith.constant 0 : i32
        %swap3A_911 = arith.constant 0 : i32
        %swap3A_912 = tpu.memref_slice %arg9[%select_n3A_833, %swap3A_910, %select_n3A_849, %swap3A_911] : memref<16x2x8x128xf32, #tpu.memory_space<vmem>> -> memref<1x1x1x128xf32, #tpu.memory_space<vmem>>
        %swap3A_913 = tpu.memref_squeeze %swap3A_912 : memref<1x1x1x128xf32, #tpu.memory_space<vmem>> -> memref<128xf32, #tpu.memory_space<vmem>>
        %swap3A_914 = arith.constant 80 : index
        %swap3A_915 = tpu.vector_load %swap3A_913[%swap3A_914] {strides = array<i32>} : memref<128xf32, #tpu.memory_space<vmem>>, vector<16xf32>,
        tpu.vector_store %swap3A_913[%swap3A_914], %get3A_909 {strides = array<i32>} : memref<128xf32, #tpu.memory_space<vmem>>, vector<16xf32>,
        %get3A_916 = arith.constant 0 : i32
        %get3A_917 = tpu.memref_slice %arg8[%add3A_809, %get3A_916] : memref<128x160xf32, #tpu.memory_space<vmem>> -> memref<1x160xf32, #tpu.memory_space<vmem>>
        %get3A_918 = tpu.memref_squeeze %get3A_917 : memref<1x160xf32, #tpu.memory_space<vmem>> -> memref<160xf32, #tpu.memory_space<vmem>>
        %get3A_919 = arith.constant 96 : index
        %get3A_920 = tpu.vector_load %get3A_918[%get3A_919] {strides = array<i32>} : memref<160xf32, #tpu.memory_space<vmem>>, vector<16xf32>,
        %swap3A_921 = arith.constant 0 : i32
        %swap3A_922 = arith.constant 0 : i32
        %swap3A_923 = tpu.memref_slice %arg9[%select_n3A_833, %swap3A_921, %select_n3A_849, %swap3A_922] : memref<16x2x8x128xf32, #tpu.memory_space<vmem>> -> memref<1x1x1x128xf32, #tpu.memory_space<vmem>>
        %swap3A_924 = tpu.memref_squeeze %swap3A_923 : memref<1x1x1x128xf32, #tpu.memory_space<vmem>> -> memref<128xf32, #tpu.memory_space<vmem>>
        %swap3A_925 = arith.constant 96 : index
        %swap3A_926 = tpu.vector_load %swap3A_924[%swap3A_925] {strides = array<i32>} : memref<128xf32, #tpu.memory_space<vmem>>, vector<16xf32>,
        tpu.vector_store %swap3A_924[%swap3A_925], %get3A_920 {strides = array<i32>} : memref<128xf32, #tpu.memory_space<vmem>>, vector<16xf32>,
        %get3A_927 = arith.constant 0 : i32
        %get3A_928 = tpu.memref_slice %arg8[%add3A_809, %get3A_927] : memref<128x160xf32, #tpu.memory_space<vmem>> -> memref<1x160xf32, #tpu.memory_space<vmem>>
        %get3A_929 = tpu.memref_squeeze %get3A_928 : memref<1x160xf32, #tpu.memory_space<vmem>> -> memref<160xf32, #tpu.memory_space<vmem>>
        %get3A_930 = arith.constant 112 : index
        %get3A_931 = tpu.vector_load %get3A_929[%get3A_930] {strides = array<i32>} : memref<160xf32, #tpu.memory_space<vmem>>, vector<16xf32>,
        %swap3A_932 = arith.constant 0 : i32
        %swap3A_933 = arith.constant 0 : i32
        %swap3A_934 = tpu.memref_slice %arg9[%select_n3A_833, %swap3A_932, %select_n3A_849, %swap3A_933] : memref<16x2x8x128xf32, #tpu.memory_space<vmem>> -> memref<1x1x1x128xf32, #tpu.memory_space<vmem>>
        %swap3A_935 = tpu.memref_squeeze %swap3A_934 : memref<1x1x1x128xf32, #tpu.memory_space<vmem>> -> memref<128xf32, #tpu.memory_space<vmem>>
        %swap3A_936 = arith.constant 112 : index
        %swap3A_937 = tpu.vector_load %swap3A_935[%swap3A_936] {strides = array<i32>} : memref<128xf32, #tpu.memory_space<vmem>>, vector<16xf32>,
        tpu.vector_store %swap3A_935[%swap3A_936], %get3A_931 {strides = array<i32>} : memref<128xf32, #tpu.memory_space<vmem>>, vector<16xf32>,
        %get3A_938 = arith.constant 0 : i32
        %get3A_939 = tpu.memref_slice %arg8[%add3A_809, %get3A_938] : memref<128x160xf32, #tpu.memory_space<vmem>> -> memref<1x160xf32, #tpu.memory_space<vmem>>
        %get3A_940 = tpu.memref_squeeze %get3A_939 : memref<1x160xf32, #tpu.memory_space<vmem>> -> memref<160xf32, #tpu.memory_space<vmem>>
        %get3A_941 = arith.constant 128 : index
        %get3A_942 = tpu.vector_load %get3A_940[%get3A_941] {strides = array<i32>} : memref<160xf32, #tpu.memory_space<vmem>>, vector<16xf32>,
        %swap3A_943 = arith.constant 1 : i32
        %swap3A_944 = arith.constant 0 : i32
        %swap3A_945 = tpu.memref_slice %arg9[%select_n3A_833, %swap3A_943, %select_n3A_849, %swap3A_944] : memref<16x2x8x128xf32, #tpu.memory_space<vmem>> -> memref<1x1x1x128xf32, #tpu.memory_space<vmem>>
        %swap3A_946 = tpu.memref_squeeze %swap3A_945 : memref<1x1x1x128xf32, #tpu.memory_space<vmem>> -> memref<128xf32, #tpu.memory_space<vmem>>
        %swap3A_947 = arith.constant 0 : index
        %swap3A_948 = tpu.vector_load %swap3A_946[%swap3A_947] {strides = array<i32>} : memref<128xf32, #tpu.memory_space<vmem>>, vector<16xf32>,
        tpu.vector_store %swap3A_946[%swap3A_947], %get3A_942 {strides = array<i32>} : memref<128xf32, #tpu.memory_space<vmem>>, vector<16xf32>,
        %get3A_949 = arith.constant 0 : i32
        %get3A_950 = tpu.memref_slice %arg8[%add3A_809, %get3A_949] : memref<128x160xf32, #tpu.memory_space<vmem>> -> memref<1x160xf32, #tpu.memory_space<vmem>>
        %get3A_951 = tpu.memref_squeeze %get3A_950 : memref<1x160xf32, #tpu.memory_space<vmem>> -> memref<160xf32, #tpu.memory_space<vmem>>
        %get3A_952 = arith.constant 131 : index
        %get3A_953 = tpu.vector_load %get3A_951[%get3A_952] {strides = array<i32>} : memref<160xf32, #tpu.memory_space<vmem>>, vector<16xf32>,
        %swap3A_954 = arith.constant 1 : i32
        %swap3A_955 = arith.constant 0 : i32
        %swap3A_956 = tpu.memref_slice %arg9[%select_n3A_833, %swap3A_954, %select_n3A_849, %swap3A_955] : memref<16x2x8x128xf32, #tpu.memory_space<vmem>> -> memref<1x1x1x128xf32, #tpu.memory_space<vmem>>
        %swap3A_957 = tpu.memref_squeeze %swap3A_956 : memref<1x1x1x128xf32, #tpu.memory_space<vmem>> -> memref<128xf32, #tpu.memory_space<vmem>>
        %swap3A_958 = arith.constant 3 : index
        %swap3A_959 = tpu.vector_load %swap3A_957[%swap3A_958] {strides = array<i32>} : memref<128xf32, #tpu.memory_space<vmem>>, vector<16xf32>,
        tpu.vector_store %swap3A_957[%swap3A_958], %get3A_953 {strides = array<i32>} : memref<128xf32, #tpu.memory_space<vmem>>, vector<16xf32>,
      }
      %scan3A_477 = arith.constant 64 : i32
      %add3A_478 = arith.constant 0 : i32
      %add3A_479 = arith.addi %scan3A_170, %add3A_478 : i32
      %add3A_480 = arith.constant 384 : i32
      %add3A_481 = arith.addi %mul3A_2, %add3A_480 : i32
      %dma_wait3A_482 = tpu.memref_slice %arg2[%add3A_479, %add3A_481] : memref<50x16384xi32, #tpu.memory_space<hbm>> -> memref<1x128xi32, #tpu.memory_space<hbm>>
      %dma_wait3A_483 = tpu.memref_squeeze %dma_wait3A_482 : memref<1x128xi32, #tpu.memory_space<hbm>> -> memref<128xi32, #tpu.memory_space<hbm>>
      %dma_wait3A_484 = tpu.memref_slice %arg2[%add3A_479, %add3A_481] : memref<50x16384xi32, #tpu.memory_space<hbm>> -> memref<1x128xi32, #tpu.memory_space<hbm>>
      %dma_wait3A_485 = tpu.memref_squeeze %dma_wait3A_484 : memref<1x128xi32, #tpu.memory_space<hbm>> -> memref<128xi32, #tpu.memory_space<hbm>>
      tpu.wait_dma2 semaphore(%arg16 : memref<!tpu.dma_semaphore, #tpu.memory_space<semaphore_mem>>) src(%dma_wait3A_485 : memref<128xi32, #tpu.memory_space<hbm>>) dst(%arg7 : memref<128xi32, #tpu.memory_space<vmem>>)
      %dma_start3A_486 = arith.constant 0 : i32
      %dma_start3A_487 = arith.constant 0 : i32
      %dma_start3A_488 = tpu.memref_slice %arg14[%dma_start3A_486, %dma_start3A_487] : memref<27x160xf32, #tpu.memory_space<vmem_shared>> -> memref<27x160xf32, #tpu.memory_space<vmem_shared>>
      tpu.enqueue_indirect_dma source(%dma_start3A_488 : memref<27x160xf32, #tpu.memory_space<vmem_shared>>) target(%arg8 : memref<128x160xf32, #tpu.memory_space<vmem>>) offsets(%arg7 : memref<128xi32, #tpu.memory_space<vmem>>) semaphore(%arg19 : memref<!tpu.dma_semaphore, #tpu.memory_space<semaphore_mem>>)
      %get3A_489 = arith.constant 0 : i32
      %get3A_490 = arith.index_cast %get3A_489 : i32 to index
      %get3A_491 = arith.constant 0 : index
      %get3A_492 = tpu.vector_load %arg13[%get3A_490, %get3A_491] {strides = array<i32>} : memref<7x16xi32, #tpu.memory_space<vmem>>, vector<16xi32>,
      %get3A_493 = arith.constant 1 : i32
      %get3A_494 = arith.index_cast %get3A_493 : i32 to index
      %get3A_495 = arith.constant 0 : index
      %get3A_496 = tpu.vector_load %arg13[%get3A_494, %get3A_495] {strides = array<i32>} : memref<7x16xi32, #tpu.memory_space<vmem>>, vector<16xi32>,
      %get3A_497 = arith.constant 2 : i32
      %get3A_498 = arith.index_cast %get3A_497 : i32 to index
      %get3A_499 = arith.constant 0 : index
      %get3A_500 = tpu.vector_load %arg13[%get3A_498, %get3A_499] {strides = array<i32>} : memref<7x16xi32, #tpu.memory_space<vmem>>, vector<16xi32>,
      %get3A_501 = arith.constant 3 : i32
      %get3A_502 = arith.index_cast %get3A_501 : i32 to index
      %get3A_503 = arith.constant 0 : index
      %get3A_504 = tpu.vector_load %arg13[%get3A_502, %get3A_503] {strides = array<i32>} : memref<7x16xi32, #tpu.memory_space<vmem>>, vector<16xi32>,
      %get3A_505 = arith.constant 4 : i32
      %get3A_506 = arith.index_cast %get3A_505 : i32 to index
      %get3A_507 = arith.constant 0 : index
      %get3A_508 = tpu.vector_load %arg13[%get3A_506, %get3A_507] {strides = array<i32>} : memref<7x16xi32, #tpu.memory_space<vmem>>, vector<16xi32>,
      %get3A_509 = arith.constant 5 : i32
      %get3A_510 = arith.index_cast %get3A_509 : i32 to index
      %get3A_511 = arith.constant 0 : index
      %get3A_512 = tpu.vector_load %arg13[%get3A_510, %get3A_511] {strides = array<i32>} : memref<7x16xi32, #tpu.memory_space<vmem>>, vector<16xi32>,
      %get3A_513 = arith.constant 6 : i32
      %get3A_514 = arith.index_cast %get3A_513 : i32 to index
      %get3A_515 = arith.constant 0 : index
      %get3A_516 = tpu.vector_load %arg13[%get3A_514, %get3A_515] {strides = array<i32>} : memref<7x16xi32, #tpu.memory_space<vmem>>, vector<16xi32>,
      %scan3A_517 = arith.constant 0 : i32
      %scan3A_518 = arith.constant 64 : i32
      %scan3A_519 = arith.addi %scan3A_517, %scan3A_518 : i32
      %scan3A_520 = arith.constant 1 : i32
      scf.for %scan3A_652 = %scan3A_517 to %scan3A_519 step %scan3A_520  : i32 {
        %mul3A_653 = arith.constant 2 : i32
        %mul3A_654 = arith.muli %scan3A_652, %mul3A_653 : i32
        %add3A_655 = arith.constant 0 : i32
        %add3A_656 = arith.addi %mul3A_654, %add3A_655 : i32
        %jit3A_657 = arith.constant 8 : i32
        %div3A_658 = arith.divsi %add3A_656, %jit3A_657 : i32
        %sign3A_659 = arith.constant 0 : i32
        %sign3A_660 = arith.cmpi sgt, %add3A_656, %sign3A_659 : i32
        %sign3A_661 = arith.extui %sign3A_660 : i1 to i32
        %sign3A_662 = arith.constant 0 : i32
        %sign3A_663 = arith.cmpi slt, %add3A_656, %sign3A_662 : i32
        %sign3A_664 = arith.extui %sign3A_663 : i1 to i32
        %sign3A_665 = arith.subi %sign3A_661, %sign3A_664 : i32
        %sign3A_666 = arith.constant 0 : i32
        %sign3A_667 = arith.cmpi sgt, %jit3A_657, %sign3A_666 : i32
        %sign3A_668 = arith.extui %sign3A_667 : i1 to i32
        %sign3A_669 = arith.constant 0 : i32
        %sign3A_670 = arith.cmpi slt, %jit3A_657, %sign3A_669 : i32
        %sign3A_671 = arith.extui %sign3A_670 : i1 to i32
        %sign3A_672 = arith.subi %sign3A_668, %sign3A_671 : i32
        %ne3A_673 = arith.cmpi ne, %sign3A_665, %sign3A_672 : i32
        %rem3A_674 = arith.remsi %add3A_656, %jit3A_657 : i32
        %ne3A_675 = arith.constant 0 : i32
        %ne3A_676 = arith.cmpi ne, %rem3A_674, %ne3A_675 : i32
        %and3A_677 = arith.andi %ne3A_673, %ne3A_676 : i1
        %sub3A_678 = arith.constant 1 : i32
        %sub3A_679 = arith.subi %div3A_658, %sub3A_678 : i32
        %select_n3A_680 = arith.select %and3A_677, %sub3A_679, %div3A_658 : i32
        %jit3A_681 = arith.constant 8 : i32
        %eq3A_682 = arith.constant 0 : i32
        %eq3A_683 = arith.cmpi eq, %jit3A_681, %eq3A_682 : i32
        %jit3A_684 = arith.constant 1 : i32
        %select_n3A_685 = arith.select %eq3A_683, %jit3A_684, %jit3A_681 : i32
        %rem3A_686 = arith.remsi %add3A_656, %select_n3A_685 : i32
        %ne3A_687 = arith.constant 0 : i32
        %ne3A_688 = arith.cmpi ne, %rem3A_686, %ne3A_687 : i32
        %lt3A = arith.constant 0 : i32
        %lt3A_689 = arith.cmpi slt, %rem3A_686, %lt3A : i32
        %lt3A_690 = arith.constant 0 : i32
        %lt3A_691 = arith.cmpi slt, %select_n3A_685, %lt3A_690 : i32
        %ne3A_692 = arith.xori %lt3A_689, %lt3A_691 : i1
        %and3A_693 = arith.andi %ne3A_692, %ne3A_688 : i1
        %add3A_694 = arith.addi %rem3A_686, %select_n3A_685 : i32
        %select_n3A_695 = arith.select %and3A_693, %add3A_694, %rem3A_686 : i32
        %broadcast_in_dim3A = vector.broadcast %add3A_656 : i32 to vector<16xi32>
        %gather3A = tpu.vector_load_idx %arg11[%get3A_492, %broadcast_in_dim3A] : memref<109x129xf32, #tpu.memory_space<vmem>>[vector<16xi32>, vector<16xi32>], vector<16xf32>,
        %swap3A_696 = arith.constant 1 : i32
        %swap3A_697 = arith.constant 0 : i32
        %swap3A_698 = tpu.memref_slice %arg9[%select_n3A_680, %swap3A_696, %select_n3A_695, %swap3A_697] : memref<16x2x8x128xf32, #tpu.memory_space<vmem>> -> memref<1x1x1x128xf32, #tpu.memory_space<vmem>>
        %swap3A_699 = tpu.memref_squeeze %swap3A_698 : memref<1x1x1x128xf32, #tpu.memory_space<vmem>> -> memref<128xf32, #tpu.memory_space<vmem>>
        %swap3A_700 = arith.constant 19 : index
        %swap3A_701 = tpu.vector_load %swap3A_699[%swap3A_700] {strides = array<i32>} : memref<128xf32, #tpu.memory_space<vmem>>, vector<16xf32>,
        tpu.vector_store %swap3A_699[%swap3A_700], %gather3A {strides = array<i32>} : memref<128xf32, #tpu.memory_space<vmem>>, vector<16xf32>,
        %gather3A_702 = tpu.vector_load_idx %arg11[%get3A_496, %broadcast_in_dim3A] : memref<109x129xf32, #tpu.memory_space<vmem>>[vector<16xi32>, vector<16xi32>], vector<16xf32>,
        %swap3A_703 = arith.constant 1 : i32
        %swap3A_704 = arith.constant 0 : i32
        %swap3A_705 = tpu.memref_slice %arg9[%select_n3A_680, %swap3A_703, %select_n3A_695, %swap3A_704] : memref<16x2x8x128xf32, #tpu.memory_space<vmem>> -> memref<1x1x1x128xf32, #tpu.memory_space<vmem>>
        %swap3A_706 = tpu.memref_squeeze %swap3A_705 : memref<1x1x1x128xf32, #tpu.memory_space<vmem>> -> memref<128xf32, #tpu.memory_space<vmem>>
        %swap3A_707 = arith.constant 35 : index
        %swap3A_708 = tpu.vector_load %swap3A_706[%swap3A_707] {strides = array<i32>} : memref<128xf32, #tpu.memory_space<vmem>>, vector<16xf32>,
        tpu.vector_store %swap3A_706[%swap3A_707], %gather3A_702 {strides = array<i32>} : memref<128xf32, #tpu.memory_space<vmem>>, vector<16xf32>,
        %gather3A_709 = tpu.vector_load_idx %arg11[%get3A_500, %broadcast_in_dim3A] : memref<109x129xf32, #tpu.memory_space<vmem>>[vector<16xi32>, vector<16xi32>], vector<16xf32>,
        %swap3A_710 = arith.constant 1 : i32
        %swap3A_711 = arith.constant 0 : i32
        %swap3A_712 = tpu.memref_slice %arg9[%select_n3A_680, %swap3A_710, %select_n3A_695, %swap3A_711] : memref<16x2x8x128xf32, #tpu.memory_space<vmem>> -> memref<1x1x1x128xf32, #tpu.memory_space<vmem>>
        %swap3A_713 = tpu.memref_squeeze %swap3A_712 : memref<1x1x1x128xf32, #tpu.memory_space<vmem>> -> memref<128xf32, #tpu.memory_space<vmem>>
        %swap3A_714 = arith.constant 51 : index
        %swap3A_715 = tpu.vector_load %swap3A_713[%swap3A_714] {strides = array<i32>} : memref<128xf32, #tpu.memory_space<vmem>>, vector<16xf32>,
        tpu.vector_store %swap3A_713[%swap3A_714], %gather3A_709 {strides = array<i32>} : memref<128xf32, #tpu.memory_space<vmem>>, vector<16xf32>,
        %gather3A_716 = tpu.vector_load_idx %arg11[%get3A_504, %broadcast_in_dim3A] : memref<109x129xf32, #tpu.memory_space<vmem>>[vector<16xi32>, vector<16xi32>], vector<16xf32>,
        %swap3A_717 = arith.constant 1 : i32
        %swap3A_718 = arith.constant 0 : i32
        %swap3A_719 = tpu.memref_slice %arg9[%select_n3A_680, %swap3A_717, %select_n3A_695, %swap3A_718] : memref<16x2x8x128xf32, #tpu.memory_space<vmem>> -> memref<1x1x1x128xf32, #tpu.memory_space<vmem>>
        %swap3A_720 = tpu.memref_squeeze %swap3A_719 : memref<1x1x1x128xf32, #tpu.memory_space<vmem>> -> memref<128xf32, #tpu.memory_space<vmem>>
        %swap3A_721 = arith.constant 67 : index
        %swap3A_722 = tpu.vector_load %swap3A_720[%swap3A_721] {strides = array<i32>} : memref<128xf32, #tpu.memory_space<vmem>>, vector<16xf32>,
        tpu.vector_store %swap3A_720[%swap3A_721], %gather3A_716 {strides = array<i32>} : memref<128xf32, #tpu.memory_space<vmem>>, vector<16xf32>,
        %gather3A_723 = tpu.vector_load_idx %arg11[%get3A_508, %broadcast_in_dim3A] : memref<109x129xf32, #tpu.memory_space<vmem>>[vector<16xi32>, vector<16xi32>], vector<16xf32>,
        %swap3A_724 = arith.constant 1 : i32
        %swap3A_725 = arith.constant 0 : i32
        %swap3A_726 = tpu.memref_slice %arg9[%select_n3A_680, %swap3A_724, %select_n3A_695, %swap3A_725] : memref<16x2x8x128xf32, #tpu.memory_space<vmem>> -> memref<1x1x1x128xf32, #tpu.memory_space<vmem>>
        %swap3A_727 = tpu.memref_squeeze %swap3A_726 : memref<1x1x1x128xf32, #tpu.memory_space<vmem>> -> memref<128xf32, #tpu.memory_space<vmem>>
        %swap3A_728 = arith.constant 83 : index
        %swap3A_729 = tpu.vector_load %swap3A_727[%swap3A_728] {strides = array<i32>} : memref<128xf32, #tpu.memory_space<vmem>>, vector<16xf32>,
        tpu.vector_store %swap3A_727[%swap3A_728], %gather3A_723 {strides = array<i32>} : memref<128xf32, #tpu.memory_space<vmem>>, vector<16xf32>,
        %gather3A_730 = tpu.vector_load_idx %arg11[%get3A_512, %broadcast_in_dim3A] : memref<109x129xf32, #tpu.memory_space<vmem>>[vector<16xi32>, vector<16xi32>], vector<16xf32>,
        %swap3A_731 = arith.constant 1 : i32
        %swap3A_732 = arith.constant 0 : i32
        %swap3A_733 = tpu.memref_slice %arg9[%select_n3A_680, %swap3A_731, %select_n3A_695, %swap3A_732] : memref<16x2x8x128xf32, #tpu.memory_space<vmem>> -> memref<1x1x1x128xf32, #tpu.memory_space<vmem>>
        %swap3A_734 = tpu.memref_squeeze %swap3A_733 : memref<1x1x1x128xf32, #tpu.memory_space<vmem>> -> memref<128xf32, #tpu.memory_space<vmem>>
        %swap3A_735 = arith.constant 99 : index
        %swap3A_736 = tpu.vector_load %swap3A_734[%swap3A_735] {strides = array<i32>} : memref<128xf32, #tpu.memory_space<vmem>>, vector<16xf32>,
        tpu.vector_store %swap3A_734[%swap3A_735], %gather3A_730 {strides = array<i32>} : memref<128xf32, #tpu.memory_space<vmem>>, vector<16xf32>,
        %gather3A_737 = tpu.vector_load_idx %arg11[%get3A_516, %broadcast_in_dim3A] : memref<109x129xf32, #tpu.memory_space<vmem>>[vector<16xi32>, vector<16xi32>], vector<16xf32>,
        %swap3A_738 = arith.constant 1 : i32
        %swap3A_739 = arith.constant 0 : i32
        %swap3A_740 = tpu.memref_slice %arg9[%select_n3A_680, %swap3A_738, %select_n3A_695, %swap3A_739] : memref<16x2x8x128xf32, #tpu.memory_space<vmem>> -> memref<1x1x1x128xf32, #tpu.memory_space<vmem>>
        %swap3A_741 = tpu.memref_squeeze %swap3A_740 : memref<1x1x1x128xf32, #tpu.memory_space<vmem>> -> memref<128xf32, #tpu.memory_space<vmem>>
        %swap3A_742 = arith.constant 112 : index
        %swap3A_743 = tpu.vector_load %swap3A_741[%swap3A_742] {strides = array<i32>} : memref<128xf32, #tpu.memory_space<vmem>>, vector<16xf32>,
        tpu.vector_store %swap3A_741[%swap3A_742], %gather3A_737 {strides = array<i32>} : memref<128xf32, #tpu.memory_space<vmem>>, vector<16xf32>,
        %mul3A_744 = arith.constant 2 : i32
        %mul3A_745 = arith.muli %scan3A_652, %mul3A_744 : i32
        %add3A_746 = arith.constant 1 : i32
        %add3A_747 = arith.addi %mul3A_745, %add3A_746 : i32
        %jit3A_748 = arith.constant 8 : i32
        %div3A_749 = arith.divsi %add3A_747, %jit3A_748 : i32
        %sign3A_750 = arith.constant 0 : i32
        %sign3A_751 = arith.cmpi sgt, %add3A_747, %sign3A_750 : i32
        %sign3A_752 = arith.extui %sign3A_751 : i1 to i32
        %sign3A_753 = arith.constant 0 : i32
        %sign3A_754 = arith.cmpi slt, %add3A_747, %sign3A_753 : i32
        %sign3A_755 = arith.extui %sign3A_754 : i1 to i32
        %sign3A_756 = arith.subi %sign3A_752, %sign3A_755 : i32
        %sign3A_757 = arith.constant 0 : i32
        %sign3A_758 = arith.cmpi sgt, %jit3A_748, %sign3A_757 : i32
        %sign3A_759 = arith.extui %sign3A_758 : i1 to i32
        %sign3A_760 = arith.constant 0 : i32
        %sign3A_761 = arith.cmpi slt, %jit3A_748, %sign3A_760 : i32
        %sign3A_762 = arith.extui %sign3A_761 : i1 to i32
        %sign3A_763 = arith.subi %sign3A_759, %sign3A_762 : i32
        %ne3A_764 = arith.cmpi ne, %sign3A_756, %sign3A_763 : i32
        %rem3A_765 = arith.remsi %add3A_747, %jit3A_748 : i32
        %ne3A_766 = arith.constant 0 : i32
        %ne3A_767 = arith.cmpi ne, %rem3A_765, %ne3A_766 : i32
        %and3A_768 = arith.andi %ne3A_764, %ne3A_767 : i1
        %sub3A_769 = arith.constant 1 : i32
        %sub3A_770 = arith.subi %div3A_749, %sub3A_769 : i32
        %select_n3A_771 = arith.select %and3A_768, %sub3A_770, %div3A_749 : i32
        %jit3A_772 = arith.constant 8 : i32
        %eq3A_773 = arith.constant 0 : i32
        %eq3A_774 = arith.cmpi eq, %jit3A_772, %eq3A_773 : i32
        %jit3A_775 = arith.constant 1 : i32
        %select_n3A_776 = arith.select %eq3A_774, %jit3A_775, %jit3A_772 : i32
        %rem3A_777 = arith.remsi %add3A_747, %select_n3A_776 : i32
        %ne3A_778 = arith.constant 0 : i32
        %ne3A_779 = arith.cmpi ne, %rem3A_777, %ne3A_778 : i32
        %lt3A_780 = arith.constant 0 : i32
        %lt3A_781 = arith.cmpi slt, %rem3A_777, %lt3A_780 : i32
        %lt3A_782 = arith.constant 0 : i32
        %lt3A_783 = arith.cmpi slt, %select_n3A_776, %lt3A_782 : i32
        %ne3A_784 = arith.xori %lt3A_781, %lt3A_783 : i1
        %and3A_785 = arith.andi %ne3A_784, %ne3A_779 : i1
        %add3A_786 = arith.addi %rem3A_777, %select_n3A_776 : i32
        %select_n3A_787 = arith.select %and3A_785, %add3A_786, %rem3A_777 : i32
        %broadcast_in_dim3A_788 = vector.broadcast %add3A_747 : i32 to vector<16xi32>
        %gather3A_789 = tpu.vector_load_idx %arg11[%get3A_492, %broadcast_in_dim3A_788] : memref<109x129xf32, #tpu.memory_space<vmem>>[vector<16xi32>, vector<16xi32>], vector<16xf32>,
        %swap3A_790 = arith.constant 1 : i32
        %swap3A_791 = arith.constant 0 : i32
        %swap3A_792 = tpu.memref_slice %arg9[%select_n3A_771, %swap3A_790, %select_n3A_787, %swap3A_791] : memref<16x2x8x128xf32, #tpu.memory_space<vmem>> -> memref<1x1x1x128xf32, #tpu.memory_space<vmem>>
        %swap3A_793 = tpu.memref_squeeze %swap3A_792 : memref<1x1x1x128xf32, #tpu.memory_space<vmem>> -> memref<128xf32, #tpu.memory_space<vmem>>
        %swap3A_794 = arith.constant 19 : index
        %swap3A_795 = tpu.vector_load %swap3A_793[%swap3A_794] {strides = array<i32>} : memref<128xf32, #tpu.memory_space<vmem>>, vector<16xf32>,
        tpu.vector_store %swap3A_793[%swap3A_794], %gather3A_789 {strides = array<i32>} : memref<128xf32, #tpu.memory_space<vmem>>, vector<16xf32>,
        %gather3A_796 = tpu.vector_load_idx %arg11[%get3A_496, %broadcast_in_dim3A_788] : memref<109x129xf32, #tpu.memory_space<vmem>>[vector<16xi32>, vector<16xi32>], vector<16xf32>,
        %swap3A_797 = arith.constant 1 : i32
        %swap3A_798 = arith.constant 0 : i32
        %swap3A_799 = tpu.memref_slice %arg9[%select_n3A_771, %swap3A_797, %select_n3A_787, %swap3A_798] : memref<16x2x8x128xf32, #tpu.memory_space<vmem>> -> memref<1x1x1x128xf32, #tpu.memory_space<vmem>>
        %swap3A_800 = tpu.memref_squeeze %swap3A_799 : memref<1x1x1x128xf32, #tpu.memory_space<vmem>> -> memref<128xf32, #tpu.memory_space<vmem>>
        %swap3A_801 = arith.constant 35 : index
        %swap3A_802 = tpu.vector_load %swap3A_800[%swap3A_801] {strides = array<i32>} : memref<128xf32, #tpu.memory_space<vmem>>, vector<16xf32>,
        tpu.vector_store %swap3A_800[%swap3A_801], %gather3A_796 {strides = array<i32>} : memref<128xf32, #tpu.memory_space<vmem>>, vector<16xf32>,
        %gather3A_803 = tpu.vector_load_idx %arg11[%get3A_500, %broadcast_in_dim3A_788] : memref<109x129xf32, #tpu.memory_space<vmem>>[vector<16xi32>, vector<16xi32>], vector<16xf32>,
        %swap3A_804 = arith.constant 1 : i32
        %swap3A_805 = arith.constant 0 : i32
        %swap3A_806 = tpu.memref_slice %arg9[%select_n3A_771, %swap3A_804, %select_n3A_787, %swap3A_805] : memref<16x2x8x128xf32, #tpu.memory_space<vmem>> -> memref<1x1x1x128xf32, #tpu.memory_space<vmem>>
        %swap3A_807 = tpu.memref_squeeze %swap3A_806 : memref<1x1x1x128xf32, #tpu.memory_space<vmem>> -> memref<128xf32, #tpu.memory_space<vmem>>
        %swap3A_808 = arith.constant 51 : index
        %swap3A_809 = tpu.vector_load %swap3A_807[%swap3A_808] {strides = array<i32>} : memref<128xf32, #tpu.memory_space<vmem>>, vector<16xf32>,
        tpu.vector_store %swap3A_807[%swap3A_808], %gather3A_803 {strides = array<i32>} : memref<128xf32, #tpu.memory_space<vmem>>, vector<16xf32>,
        %gather3A_810 = tpu.vector_load_idx %arg11[%get3A_504, %broadcast_in_dim3A_788] : memref<109x129xf32, #tpu.memory_space<vmem>>[vector<16xi32>, vector<16xi32>], vector<16xf32>,
        %swap3A_811 = arith.constant 1 : i32
        %swap3A_812 = arith.constant 0 : i32
        %swap3A_813 = tpu.memref_slice %arg9[%select_n3A_771, %swap3A_811, %select_n3A_787, %swap3A_812] : memref<16x2x8x128xf32, #tpu.memory_space<vmem>> -> memref<1x1x1x128xf32, #tpu.memory_space<vmem>>
        %swap3A_814 = tpu.memref_squeeze %swap3A_813 : memref<1x1x1x128xf32, #tpu.memory_space<vmem>> -> memref<128xf32, #tpu.memory_space<vmem>>
        %swap3A_815 = arith.constant 67 : index
        %swap3A_816 = tpu.vector_load %swap3A_814[%swap3A_815] {strides = array<i32>} : memref<128xf32, #tpu.memory_space<vmem>>, vector<16xf32>,
        tpu.vector_store %swap3A_814[%swap3A_815], %gather3A_810 {strides = array<i32>} : memref<128xf32, #tpu.memory_space<vmem>>, vector<16xf32>,
        %gather3A_817 = tpu.vector_load_idx %arg11[%get3A_508, %broadcast_in_dim3A_788] : memref<109x129xf32, #tpu.memory_space<vmem>>[vector<16xi32>, vector<16xi32>], vector<16xf32>,
        %swap3A_818 = arith.constant 1 : i32
        %swap3A_819 = arith.constant 0 : i32
        %swap3A_820 = tpu.memref_slice %arg9[%select_n3A_771, %swap3A_818, %select_n3A_787, %swap3A_819] : memref<16x2x8x128xf32, #tpu.memory_space<vmem>> -> memref<1x1x1x128xf32, #tpu.memory_space<vmem>>
        %swap3A_821 = tpu.memref_squeeze %swap3A_820 : memref<1x1x1x128xf32, #tpu.memory_space<vmem>> -> memref<128xf32, #tpu.memory_space<vmem>>
        %swap3A_822 = arith.constant 83 : index
        %swap3A_823 = tpu.vector_load %swap3A_821[%swap3A_822] {strides = array<i32>} : memref<128xf32, #tpu.memory_space<vmem>>, vector<16xf32>,
        tpu.vector_store %swap3A_821[%swap3A_822], %gather3A_817 {strides = array<i32>} : memref<128xf32, #tpu.memory_space<vmem>>, vector<16xf32>,
        %gather3A_824 = tpu.vector_load_idx %arg11[%get3A_512, %broadcast_in_dim3A_788] : memref<109x129xf32, #tpu.memory_space<vmem>>[vector<16xi32>, vector<16xi32>], vector<16xf32>,
        %swap3A_825 = arith.constant 1 : i32
        %swap3A_826 = arith.constant 0 : i32
        %swap3A_827 = tpu.memref_slice %arg9[%select_n3A_771, %swap3A_825, %select_n3A_787, %swap3A_826] : memref<16x2x8x128xf32, #tpu.memory_space<vmem>> -> memref<1x1x1x128xf32, #tpu.memory_space<vmem>>
        %swap3A_828 = tpu.memref_squeeze %swap3A_827 : memref<1x1x1x128xf32, #tpu.memory_space<vmem>> -> memref<128xf32, #tpu.memory_space<vmem>>
        %swap3A_829 = arith.constant 99 : index
        %swap3A_830 = tpu.vector_load %swap3A_828[%swap3A_829] {strides = array<i32>} : memref<128xf32, #tpu.memory_space<vmem>>, vector<16xf32>,
        tpu.vector_store %swap3A_828[%swap3A_829], %gather3A_824 {strides = array<i32>} : memref<128xf32, #tpu.memory_space<vmem>>, vector<16xf32>,
        %gather3A_831 = tpu.vector_load_idx %arg11[%get3A_516, %broadcast_in_dim3A_788] : memref<109x129xf32, #tpu.memory_space<vmem>>[vector<16xi32>, vector<16xi32>], vector<16xf32>,
        %swap3A_832 = arith.constant 1 : i32
        %swap3A_833 = arith.constant 0 : i32
        %swap3A_834 = tpu.memref_slice %arg9[%select_n3A_771, %swap3A_832, %select_n3A_787, %swap3A_833] : memref<16x2x8x128xf32, #tpu.memory_space<vmem>> -> memref<1x1x1x128xf32, #tpu.memory_space<vmem>>
        %swap3A_835 = tpu.memref_squeeze %swap3A_834 : memref<1x1x1x128xf32, #tpu.memory_space<vmem>> -> memref<128xf32, #tpu.memory_space<vmem>>
        %swap3A_836 = arith.constant 112 : index
        %swap3A_837 = tpu.vector_load %swap3A_835[%swap3A_836] {strides = array<i32>} : memref<128xf32, #tpu.memory_space<vmem>>, vector<16xf32>,
        tpu.vector_store %swap3A_835[%swap3A_836], %gather3A_831 {strides = array<i32>} : memref<128xf32, #tpu.memory_space<vmem>>, vector<16xf32>,
      }
      %scan3A_521 = arith.constant 64 : i32
      %dma_start3A_522 = arith.constant 0 : i32
      %dma_start3A_523 = arith.constant 0 : i32
      %dma_start3A_524 = arith.constant 0 : i32
      %dma_start3A_525 = tpu.memref_slice %arg5[%scan3A_170, %select_n3A_446, %dma_start3A_522, %dma_start3A_523, %dma_start3A_524] : memref<50x2048x2x8x128xf32, #tpu.memory_space<hbm>> -> memref<1x16x2x8x128xf32, #tpu.memory_space<hbm>>
      %dma_start3A_526 = tpu.memref_squeeze %dma_start3A_525 : memref<1x16x2x8x128xf32, #tpu.memory_space<hbm>> -> memref<16x2x8x128xf32, #tpu.memory_space<hbm>>
      %dma_start3A_527 = arith.constant 0 : i32
      %dma_start3A_528 = arith.constant 0 : i32
      %dma_start3A_529 = arith.constant 0 : i32
      %dma_start3A_530 = tpu.memref_slice %arg5[%scan3A_170, %select_n3A_446, %dma_start3A_527, %dma_start3A_528, %dma_start3A_529] : memref<50x2048x2x8x128xf32, #tpu.memory_space<hbm>> -> memref<1x16x2x8x128xf32, #tpu.memory_space<hbm>>
      %dma_start3A_531 = tpu.memref_squeeze %dma_start3A_530 : memref<1x16x2x8x128xf32, #tpu.memory_space<hbm>> -> memref<16x2x8x128xf32, #tpu.memory_space<hbm>>
      tpu.enqueue_dma source(%arg9 : memref<16x2x8x128xf32, #tpu.memory_space<vmem>>) target(%dma_start3A_531 : memref<16x2x8x128xf32, #tpu.memory_space<hbm>>) target_semaphore(%arg20 : memref<!tpu.dma_semaphore, #tpu.memory_space<semaphore_mem>>)
      %add3A_532 = arith.constant 1 : i32
      %add3A_533 = arith.addi %scan3A_170, %add3A_532 : i32
      %le3A = arith.constant 48 : i32
      %le3A_534 = arith.cmpi sle, %scan3A_170, %le3A : i32
      %convert_element_type3A_535 = arith.extui %le3A_534 : i1 to i32
      %cond3A_536 = arith.constant 0 : i32
      %cond3A_537 = arith.cmpi ne, %convert_element_type3A_535, %cond3A_536 : i32
      scf.if %cond3A_537 {
        %add3A_652 = arith.constant 0 : i32
        %add3A_653 = arith.addi %mul3A_2, %add3A_652 : i32
        %dma_start3A_654 = tpu.memref_slice %arg2[%add3A_533, %add3A_653] : memref<50x16384xi32, #tpu.memory_space<hbm>> -> memref<1x128xi32, #tpu.memory_space<hbm>>
        %dma_start3A_655 = tpu.memref_squeeze %dma_start3A_654 : memref<1x128xi32, #tpu.memory_space<hbm>> -> memref<128xi32, #tpu.memory_space<hbm>>
        %dma_start3A_656 = tpu.memref_slice %arg2[%add3A_533, %add3A_653] : memref<50x16384xi32, #tpu.memory_space<hbm>> -> memref<1x128xi32, #tpu.memory_space<hbm>>
        %dma_start3A_657 = tpu.memref_squeeze %dma_start3A_656 : memref<1x128xi32, #tpu.memory_space<hbm>> -> memref<128xi32, #tpu.memory_space<hbm>>
        tpu.enqueue_dma source(%dma_start3A_657 : memref<128xi32, #tpu.memory_space<hbm>>) target(%arg6 : memref<128xi32, #tpu.memory_space<vmem>>) target_semaphore(%arg15 : memref<!tpu.dma_semaphore, #tpu.memory_space<semaphore_mem>>)
        %dma_start3A_658 = arith.constant 0 : i32
        %dma_start3A_659 = arith.constant 0 : i32
        %dma_start3A_660 = tpu.memref_slice %arg11[%dma_start3A_658, %dma_start3A_659] : memref<109x129xf32, #tpu.memory_space<vmem>> -> memref<109x128xf32, #tpu.memory_space<vmem>>
        %dma_start3A_661 = arith.constant 0 : i32
        %dma_start3A_662 = tpu.memref_slice %arg3[%add3A_533, %dma_start3A_661, %add3A_653] : memref<50x109x16384xf32, #tpu.memory_space<hbm>> -> memref<1x109x128xf32, #tpu.memory_space<hbm>>
        %dma_start3A_663 = tpu.memref_squeeze %dma_start3A_662 : memref<1x109x128xf32, #tpu.memory_space<hbm>> -> memref<109x128xf32, #tpu.memory_space<hbm>>
        %dma_start3A_664 = arith.constant 0 : i32
        %dma_start3A_665 = arith.constant 0 : i32
        %dma_start3A_666 = tpu.memref_slice %arg11[%dma_start3A_664, %dma_start3A_665] : memref<109x129xf32, #tpu.memory_space<vmem>> -> memref<109x128xf32, #tpu.memory_space<vmem>>
        %dma_start3A_667 = arith.constant 0 : i32
        %dma_start3A_668 = tpu.memref_slice %arg3[%add3A_533, %dma_start3A_667, %add3A_653] : memref<50x109x16384xf32, #tpu.memory_space<hbm>> -> memref<1x109x128xf32, #tpu.memory_space<hbm>>
        %dma_start3A_669 = tpu.memref_squeeze %dma_start3A_668 : memref<1x109x128xf32, #tpu.memory_space<hbm>> -> memref<109x128xf32, #tpu.memory_space<hbm>>
        tpu.enqueue_dma source(%dma_start3A_669 : memref<109x128xf32, #tpu.memory_space<hbm>>) target(%dma_start3A_666 : memref<109x128xf32, #tpu.memory_space<vmem>>) target_semaphore(%arg17 : memref<!tpu.dma_semaphore, #tpu.memory_space<semaphore_mem>>)
      } else {
      }
      %add3A_538 = arith.constant 384 : i32
      %add3A_539 = arith.addi %mul3A_2, %add3A_538 : i32
      %jit3A_540 = arith.constant 8 : i32
      %div3A_541 = arith.divsi %add3A_539, %jit3A_540 : i32
      %sign3A_542 = arith.constant 0 : i32
      %sign3A_543 = arith.cmpi sgt, %add3A_539, %sign3A_542 : i32
      %sign3A_544 = arith.extui %sign3A_543 : i1 to i32
      %sign3A_545 = arith.constant 0 : i32
      %sign3A_546 = arith.cmpi slt, %add3A_539, %sign3A_545 : i32
      %sign3A_547 = arith.extui %sign3A_546 : i1 to i32
      %sign3A_548 = arith.subi %sign3A_544, %sign3A_547 : i32
      %sign3A_549 = arith.constant 0 : i32
      %sign3A_550 = arith.cmpi sgt, %jit3A_540, %sign3A_549 : i32
      %sign3A_551 = arith.extui %sign3A_550 : i1 to i32
      %sign3A_552 = arith.constant 0 : i32
      %sign3A_553 = arith.cmpi slt, %jit3A_540, %sign3A_552 : i32
      %sign3A_554 = arith.extui %sign3A_553 : i1 to i32
      %sign3A_555 = arith.subi %sign3A_551, %sign3A_554 : i32
      %ne3A_556 = arith.cmpi ne, %sign3A_548, %sign3A_555 : i32
      %rem3A_557 = arith.remsi %add3A_539, %jit3A_540 : i32
      %ne3A_558 = arith.constant 0 : i32
      %ne3A_559 = arith.cmpi ne, %rem3A_557, %ne3A_558 : i32
      %and3A_560 = arith.andi %ne3A_556, %ne3A_559 : i1
      %sub3A_561 = arith.constant 1 : i32
      %sub3A_562 = arith.subi %div3A_541, %sub3A_561 : i32
      %select_n3A_563 = arith.select %and3A_560, %sub3A_562, %div3A_541 : i32
      %dma_wait3A_564 = arith.constant 0 : i32
      %dma_wait3A_565 = arith.constant 0 : i32
      %dma_wait3A_566 = tpu.memref_slice %arg14[%dma_wait3A_564, %dma_wait3A_565] : memref<27x160xf32, #tpu.memory_space<vmem_shared>> -> memref<27x160xf32, #tpu.memory_space<vmem_shared>>
      tpu.wait_indirect_dma semaphore(%arg19 : memref<!tpu.dma_semaphore, #tpu.memory_space<semaphore_mem>>) src(%dma_wait3A_566 : memref<27x160xf32, #tpu.memory_space<vmem_shared>>) dst(%arg8 : memref<128x160xf32, #tpu.memory_space<vmem>>)
      %dma_wait3A_567 = arith.constant 0 : i32
      %dma_wait3A_568 = arith.constant 0 : i32
      %dma_wait3A_569 = tpu.memref_slice %arg12[%dma_wait3A_567, %dma_wait3A_568] : memref<109x129xf32, #tpu.memory_space<vmem>> -> memref<109x128xf32, #tpu.memory_space<vmem>>
      %dma_wait3A_570 = arith.constant 0 : i32
      %dma_wait3A_571 = tpu.memref_slice %arg3[%scan3A_170, %dma_wait3A_570, %add3A_539] : memref<50x109x16384xf32, #tpu.memory_space<hbm>> -> memref<1x109x128xf32, #tpu.memory_space<hbm>>
      %dma_wait3A_572 = tpu.memref_squeeze %dma_wait3A_571 : memref<1x109x128xf32, #tpu.memory_space<hbm>> -> memref<109x128xf32, #tpu.memory_space<hbm>>
      %dma_wait3A_573 = arith.constant 0 : i32
      %dma_wait3A_574 = arith.constant 0 : i32
      %dma_wait3A_575 = tpu.memref_slice %arg12[%dma_wait3A_573, %dma_wait3A_574] : memref<109x129xf32, #tpu.memory_space<vmem>> -> memref<109x128xf32, #tpu.memory_space<vmem>>
      %dma_wait3A_576 = arith.constant 0 : i32
      %dma_wait3A_577 = tpu.memref_slice %arg3[%scan3A_170, %dma_wait3A_576, %add3A_539] : memref<50x109x16384xf32, #tpu.memory_space<hbm>> -> memref<1x109x128xf32, #tpu.memory_space<hbm>>
      %dma_wait3A_578 = tpu.memref_squeeze %dma_wait3A_577 : memref<1x109x128xf32, #tpu.memory_space<hbm>> -> memref<109x128xf32, #tpu.memory_space<hbm>>
      tpu.wait_dma2 semaphore(%arg18 : memref<!tpu.dma_semaphore, #tpu.memory_space<semaphore_mem>>) src(%dma_wait3A_578 : memref<109x128xf32, #tpu.memory_space<hbm>>) dst(%dma_wait3A_575 : memref<109x128xf32, #tpu.memory_space<vmem>>)
      %dma_wait3A_579 = arith.constant 0 : i32
      %dma_wait3A_580 = arith.constant 0 : i32
      %dma_wait3A_581 = arith.constant 0 : i32
      %dma_wait3A_582 = tpu.memref_slice %arg5[%scan3A_170, %select_n3A_563, %dma_wait3A_579, %dma_wait3A_580, %dma_wait3A_581] : memref<50x2048x2x8x128xf32, #tpu.memory_space<hbm>> -> memref<1x16x2x8x128xf32, #tpu.memory_space<hbm>>
      %dma_wait3A_583 = tpu.memref_squeeze %dma_wait3A_582 : memref<1x16x2x8x128xf32, #tpu.memory_space<hbm>> -> memref<16x2x8x128xf32, #tpu.memory_space<hbm>>
      %dma_wait3A_584 = arith.constant 0 : i32
      %dma_wait3A_585 = arith.constant 0 : i32
      %dma_wait3A_586 = arith.constant 0 : i32
      %dma_wait3A_587 = tpu.memref_slice %arg5[%scan3A_170, %select_n3A_563, %dma_wait3A_584, %dma_wait3A_585, %dma_wait3A_586] : memref<50x2048x2x8x128xf32, #tpu.memory_space<hbm>> -> memref<1x16x2x8x128xf32, #tpu.memory_space<hbm>>
      %dma_wait3A_588 = tpu.memref_squeeze %dma_wait3A_587 : memref<1x16x2x8x128xf32, #tpu.memory_space<hbm>> -> memref<16x2x8x128xf32, #tpu.memory_space<hbm>>
      tpu.wait_dma2 semaphore(%arg21 : memref<!tpu.dma_semaphore, #tpu.memory_space<semaphore_mem>>) src(%arg10 : memref<16x2x8x128xf32, #tpu.memory_space<vmem>>) dst(%dma_wait3A_588 : memref<16x2x8x128xf32, #tpu.memory_space<hbm>>)
      %scan3A_589 = arith.constant 0 : i32
      %scan3A_590 = arith.constant 0 : i32
      %scan3A_591 = arith.constant 64 : i32
      %scan3A_592 = arith.addi %scan3A_590, %scan3A_591 : i32
      %scan3A_593 = arith.constant 1 : i32
      scf.for %scan3A_652 = %scan3A_590 to %scan3A_592 step %scan3A_593  : i32 {
        %mul3A_653 = arith.constant 2 : i32
        %mul3A_654 = arith.muli %scan3A_652, %mul3A_653 : i32
        %add3A_655 = arith.constant 0 : i32
        %add3A_656 = arith.addi %mul3A_654, %add3A_655 : i32
        %jit3A_657 = arith.constant 8 : i32
        %div3A_658 = arith.divsi %add3A_656, %jit3A_657 : i32
        %sign3A_659 = arith.constant 0 : i32
        %sign3A_660 = arith.cmpi sgt, %add3A_656, %sign3A_659 : i32
        %sign3A_661 = arith.extui %sign3A_660 : i1 to i32
        %sign3A_662 = arith.constant 0 : i32
        %sign3A_663 = arith.cmpi slt, %add3A_656, %sign3A_662 : i32
        %sign3A_664 = arith.extui %sign3A_663 : i1 to i32
        %sign3A_665 = arith.subi %sign3A_661, %sign3A_664 : i32
        %sign3A_666 = arith.constant 0 : i32
        %sign3A_667 = arith.cmpi sgt, %jit3A_657, %sign3A_666 : i32
        %sign3A_668 = arith.extui %sign3A_667 : i1 to i32
        %sign3A_669 = arith.constant 0 : i32
        %sign3A_670 = arith.cmpi slt, %jit3A_657, %sign3A_669 : i32
        %sign3A_671 = arith.extui %sign3A_670 : i1 to i32
        %sign3A_672 = arith.subi %sign3A_668, %sign3A_671 : i32
        %ne3A_673 = arith.cmpi ne, %sign3A_665, %sign3A_672 : i32
        %rem3A_674 = arith.remsi %add3A_656, %jit3A_657 : i32
        %ne3A_675 = arith.constant 0 : i32
        %ne3A_676 = arith.cmpi ne, %rem3A_674, %ne3A_675 : i32
        %and3A_677 = arith.andi %ne3A_673, %ne3A_676 : i1
        %sub3A_678 = arith.constant 1 : i32
        %sub3A_679 = arith.subi %div3A_658, %sub3A_678 : i32
        %select_n3A_680 = arith.select %and3A_677, %sub3A_679, %div3A_658 : i32
        %jit3A_681 = arith.constant 8 : i32
        %eq3A_682 = arith.constant 0 : i32
        %eq3A_683 = arith.cmpi eq, %jit3A_681, %eq3A_682 : i32
        %jit3A_684 = arith.constant 1 : i32
        %select_n3A_685 = arith.select %eq3A_683, %jit3A_684, %jit3A_681 : i32
        %rem3A_686 = arith.remsi %add3A_656, %select_n3A_685 : i32
        %ne3A_687 = arith.constant 0 : i32
        %ne3A_688 = arith.cmpi ne, %rem3A_686, %ne3A_687 : i32
        %lt3A = arith.constant 0 : i32
        %lt3A_689 = arith.cmpi slt, %rem3A_686, %lt3A : i32
        %lt3A_690 = arith.constant 0 : i32
        %lt3A_691 = arith.cmpi slt, %select_n3A_685, %lt3A_690 : i32
        %ne3A_692 = arith.xori %lt3A_689, %lt3A_691 : i1
        %and3A_693 = arith.andi %ne3A_692, %ne3A_688 : i1
        %add3A_694 = arith.addi %rem3A_686, %select_n3A_685 : i32
        %select_n3A_695 = arith.select %and3A_693, %add3A_694, %rem3A_686 : i32
        %get3A_696 = arith.constant 0 : i32
        %get3A_697 = tpu.memref_slice %arg8[%add3A_656, %get3A_696] : memref<128x160xf32, #tpu.memory_space<vmem>> -> memref<1x160xf32, #tpu.memory_space<vmem>>
        %get3A_698 = tpu.memref_squeeze %get3A_697 : memref<1x160xf32, #tpu.memory_space<vmem>> -> memref<160xf32, #tpu.memory_space<vmem>>
        %get3A_699 = arith.constant 0 : index
        %get3A_700 = tpu.vector_load %get3A_698[%get3A_699] {strides = array<i32>} : memref<160xf32, #tpu.memory_space<vmem>>, vector<16xf32>,
        %swap3A_701 = arith.constant 0 : i32
        %swap3A_702 = arith.constant 0 : i32
        %swap3A_703 = tpu.memref_slice %arg10[%select_n3A_680, %swap3A_701, %select_n3A_695, %swap3A_702] : memref<16x2x8x128xf32, #tpu.memory_space<vmem>> -> memref<1x1x1x128xf32, #tpu.memory_space<vmem>>
        %swap3A_704 = tpu.memref_squeeze %swap3A_703 : memref<1x1x1x128xf32, #tpu.memory_space<vmem>> -> memref<128xf32, #tpu.memory_space<vmem>>
        %swap3A_705 = arith.constant 0 : index
        %swap3A_706 = tpu.vector_load %swap3A_704[%swap3A_705] {strides = array<i32>} : memref<128xf32, #tpu.memory_space<vmem>>, vector<16xf32>,
        tpu.vector_store %swap3A_704[%swap3A_705], %get3A_700 {strides = array<i32>} : memref<128xf32, #tpu.memory_space<vmem>>, vector<16xf32>,
        %get3A_707 = arith.constant 0 : i32
        %get3A_708 = tpu.memref_slice %arg8[%add3A_656, %get3A_707] : memref<128x160xf32, #tpu.memory_space<vmem>> -> memref<1x160xf32, #tpu.memory_space<vmem>>
        %get3A_709 = tpu.memref_squeeze %get3A_708 : memref<1x160xf32, #tpu.memory_space<vmem>> -> memref<160xf32, #tpu.memory_space<vmem>>
        %get3A_710 = arith.constant 16 : index
        %get3A_711 = tpu.vector_load %get3A_709[%get3A_710] {strides = array<i32>} : memref<160xf32, #tpu.memory_space<vmem>>, vector<16xf32>,
        %swap3A_712 = arith.constant 0 : i32
        %swap3A_713 = arith.constant 0 : i32
        %swap3A_714 = tpu.memref_slice %arg10[%select_n3A_680, %swap3A_712, %select_n3A_695, %swap3A_713] : memref<16x2x8x128xf32, #tpu.memory_space<vmem>> -> memref<1x1x1x128xf32, #tpu.memory_space<vmem>>
        %swap3A_715 = tpu.memref_squeeze %swap3A_714 : memref<1x1x1x128xf32, #tpu.memory_space<vmem>> -> memref<128xf32, #tpu.memory_space<vmem>>
        %swap3A_716 = arith.constant 16 : index
        %swap3A_717 = tpu.vector_load %swap3A_715[%swap3A_716] {strides = array<i32>} : memref<128xf32, #tpu.memory_space<vmem>>, vector<16xf32>,
        tpu.vector_store %swap3A_715[%swap3A_716], %get3A_711 {strides = array<i32>} : memref<128xf32, #tpu.memory_space<vmem>>, vector<16xf32>,
        %get3A_718 = arith.constant 0 : i32
        %get3A_719 = tpu.memref_slice %arg8[%add3A_656, %get3A_718] : memref<128x160xf32, #tpu.memory_space<vmem>> -> memref<1x160xf32, #tpu.memory_space<vmem>>
        %get3A_720 = tpu.memref_squeeze %get3A_719 : memref<1x160xf32, #tpu.memory_space<vmem>> -> memref<160xf32, #tpu.memory_space<vmem>>
        %get3A_721 = arith.constant 32 : index
        %get3A_722 = tpu.vector_load %get3A_720[%get3A_721] {strides = array<i32>} : memref<160xf32, #tpu.memory_space<vmem>>, vector<16xf32>,
        %swap3A_723 = arith.constant 0 : i32
        %swap3A_724 = arith.constant 0 : i32
        %swap3A_725 = tpu.memref_slice %arg10[%select_n3A_680, %swap3A_723, %select_n3A_695, %swap3A_724] : memref<16x2x8x128xf32, #tpu.memory_space<vmem>> -> memref<1x1x1x128xf32, #tpu.memory_space<vmem>>
        %swap3A_726 = tpu.memref_squeeze %swap3A_725 : memref<1x1x1x128xf32, #tpu.memory_space<vmem>> -> memref<128xf32, #tpu.memory_space<vmem>>
        %swap3A_727 = arith.constant 32 : index
        %swap3A_728 = tpu.vector_load %swap3A_726[%swap3A_727] {strides = array<i32>} : memref<128xf32, #tpu.memory_space<vmem>>, vector<16xf32>,
        tpu.vector_store %swap3A_726[%swap3A_727], %get3A_722 {strides = array<i32>} : memref<128xf32, #tpu.memory_space<vmem>>, vector<16xf32>,
        %get3A_729 = arith.constant 0 : i32
        %get3A_730 = tpu.memref_slice %arg8[%add3A_656, %get3A_729] : memref<128x160xf32, #tpu.memory_space<vmem>> -> memref<1x160xf32, #tpu.memory_space<vmem>>
        %get3A_731 = tpu.memref_squeeze %get3A_730 : memref<1x160xf32, #tpu.memory_space<vmem>> -> memref<160xf32, #tpu.memory_space<vmem>>
        %get3A_732 = arith.constant 48 : index
        %get3A_733 = tpu.vector_load %get3A_731[%get3A_732] {strides = array<i32>} : memref<160xf32, #tpu.memory_space<vmem>>, vector<16xf32>,
        %swap3A_734 = arith.constant 0 : i32
        %swap3A_735 = arith.constant 0 : i32
        %swap3A_736 = tpu.memref_slice %arg10[%select_n3A_680, %swap3A_734, %select_n3A_695, %swap3A_735] : memref<16x2x8x128xf32, #tpu.memory_space<vmem>> -> memref<1x1x1x128xf32, #tpu.memory_space<vmem>>
        %swap3A_737 = tpu.memref_squeeze %swap3A_736 : memref<1x1x1x128xf32, #tpu.memory_space<vmem>> -> memref<128xf32, #tpu.memory_space<vmem>>
        %swap3A_738 = arith.constant 48 : index
        %swap3A_739 = tpu.vector_load %swap3A_737[%swap3A_738] {strides = array<i32>} : memref<128xf32, #tpu.memory_space<vmem>>, vector<16xf32>,
        tpu.vector_store %swap3A_737[%swap3A_738], %get3A_733 {strides = array<i32>} : memref<128xf32, #tpu.memory_space<vmem>>, vector<16xf32>,
        %get3A_740 = arith.constant 0 : i32
        %get3A_741 = tpu.memref_slice %arg8[%add3A_656, %get3A_740] : memref<128x160xf32, #tpu.memory_space<vmem>> -> memref<1x160xf32, #tpu.memory_space<vmem>>
        %get3A_742 = tpu.memref_squeeze %get3A_741 : memref<1x160xf32, #tpu.memory_space<vmem>> -> memref<160xf32, #tpu.memory_space<vmem>>
        %get3A_743 = arith.constant 64 : index
        %get3A_744 = tpu.vector_load %get3A_742[%get3A_743] {strides = array<i32>} : memref<160xf32, #tpu.memory_space<vmem>>, vector<16xf32>,
        %swap3A_745 = arith.constant 0 : i32
        %swap3A_746 = arith.constant 0 : i32
        %swap3A_747 = tpu.memref_slice %arg10[%select_n3A_680, %swap3A_745, %select_n3A_695, %swap3A_746] : memref<16x2x8x128xf32, #tpu.memory_space<vmem>> -> memref<1x1x1x128xf32, #tpu.memory_space<vmem>>
        %swap3A_748 = tpu.memref_squeeze %swap3A_747 : memref<1x1x1x128xf32, #tpu.memory_space<vmem>> -> memref<128xf32, #tpu.memory_space<vmem>>
        %swap3A_749 = arith.constant 64 : index
        %swap3A_750 = tpu.vector_load %swap3A_748[%swap3A_749] {strides = array<i32>} : memref<128xf32, #tpu.memory_space<vmem>>, vector<16xf32>,
        tpu.vector_store %swap3A_748[%swap3A_749], %get3A_744 {strides = array<i32>} : memref<128xf32, #tpu.memory_space<vmem>>, vector<16xf32>,
        %get3A_751 = arith.constant 0 : i32
        %get3A_752 = tpu.memref_slice %arg8[%add3A_656, %get3A_751] : memref<128x160xf32, #tpu.memory_space<vmem>> -> memref<1x160xf32, #tpu.memory_space<vmem>>
        %get3A_753 = tpu.memref_squeeze %get3A_752 : memref<1x160xf32, #tpu.memory_space<vmem>> -> memref<160xf32, #tpu.memory_space<vmem>>
        %get3A_754 = arith.constant 80 : index
        %get3A_755 = tpu.vector_load %get3A_753[%get3A_754] {strides = array<i32>} : memref<160xf32, #tpu.memory_space<vmem>>, vector<16xf32>,
        %swap3A_756 = arith.constant 0 : i32
        %swap3A_757 = arith.constant 0 : i32
        %swap3A_758 = tpu.memref_slice %arg10[%select_n3A_680, %swap3A_756, %select_n3A_695, %swap3A_757] : memref<16x2x8x128xf32, #tpu.memory_space<vmem>> -> memref<1x1x1x128xf32, #tpu.memory_space<vmem>>
        %swap3A_759 = tpu.memref_squeeze %swap3A_758 : memref<1x1x1x128xf32, #tpu.memory_space<vmem>> -> memref<128xf32, #tpu.memory_space<vmem>>
        %swap3A_760 = arith.constant 80 : index
        %swap3A_761 = tpu.vector_load %swap3A_759[%swap3A_760] {strides = array<i32>} : memref<128xf32, #tpu.memory_space<vmem>>, vector<16xf32>,
        tpu.vector_store %swap3A_759[%swap3A_760], %get3A_755 {strides = array<i32>} : memref<128xf32, #tpu.memory_space<vmem>>, vector<16xf32>,
        %get3A_762 = arith.constant 0 : i32
        %get3A_763 = tpu.memref_slice %arg8[%add3A_656, %get3A_762] : memref<128x160xf32, #tpu.memory_space<vmem>> -> memref<1x160xf32, #tpu.memory_space<vmem>>
        %get3A_764 = tpu.memref_squeeze %get3A_763 : memref<1x160xf32, #tpu.memory_space<vmem>> -> memref<160xf32, #tpu.memory_space<vmem>>
        %get3A_765 = arith.constant 96 : index
        %get3A_766 = tpu.vector_load %get3A_764[%get3A_765] {strides = array<i32>} : memref<160xf32, #tpu.memory_space<vmem>>, vector<16xf32>,
        %swap3A_767 = arith.constant 0 : i32
        %swap3A_768 = arith.constant 0 : i32
        %swap3A_769 = tpu.memref_slice %arg10[%select_n3A_680, %swap3A_767, %select_n3A_695, %swap3A_768] : memref<16x2x8x128xf32, #tpu.memory_space<vmem>> -> memref<1x1x1x128xf32, #tpu.memory_space<vmem>>
        %swap3A_770 = tpu.memref_squeeze %swap3A_769 : memref<1x1x1x128xf32, #tpu.memory_space<vmem>> -> memref<128xf32, #tpu.memory_space<vmem>>
        %swap3A_771 = arith.constant 96 : index
        %swap3A_772 = tpu.vector_load %swap3A_770[%swap3A_771] {strides = array<i32>} : memref<128xf32, #tpu.memory_space<vmem>>, vector<16xf32>,
        tpu.vector_store %swap3A_770[%swap3A_771], %get3A_766 {strides = array<i32>} : memref<128xf32, #tpu.memory_space<vmem>>, vector<16xf32>,
        %get3A_773 = arith.constant 0 : i32
        %get3A_774 = tpu.memref_slice %arg8[%add3A_656, %get3A_773] : memref<128x160xf32, #tpu.memory_space<vmem>> -> memref<1x160xf32, #tpu.memory_space<vmem>>
        %get3A_775 = tpu.memref_squeeze %get3A_774 : memref<1x160xf32, #tpu.memory_space<vmem>> -> memref<160xf32, #tpu.memory_space<vmem>>
        %get3A_776 = arith.constant 112 : index
        %get3A_777 = tpu.vector_load %get3A_775[%get3A_776] {strides = array<i32>} : memref<160xf32, #tpu.memory_space<vmem>>, vector<16xf32>,
        %swap3A_778 = arith.constant 0 : i32
        %swap3A_779 = arith.constant 0 : i32
        %swap3A_780 = tpu.memref_slice %arg10[%select_n3A_680, %swap3A_778, %select_n3A_695, %swap3A_779] : memref<16x2x8x128xf32, #tpu.memory_space<vmem>> -> memref<1x1x1x128xf32, #tpu.memory_space<vmem>>
        %swap3A_781 = tpu.memref_squeeze %swap3A_780 : memref<1x1x1x128xf32, #tpu.memory_space<vmem>> -> memref<128xf32, #tpu.memory_space<vmem>>
        %swap3A_782 = arith.constant 112 : index
        %swap3A_783 = tpu.vector_load %swap3A_781[%swap3A_782] {strides = array<i32>} : memref<128xf32, #tpu.memory_space<vmem>>, vector<16xf32>,
        tpu.vector_store %swap3A_781[%swap3A_782], %get3A_777 {strides = array<i32>} : memref<128xf32, #tpu.memory_space<vmem>>, vector<16xf32>,
        %get3A_784 = arith.constant 0 : i32
        %get3A_785 = tpu.memref_slice %arg8[%add3A_656, %get3A_784] : memref<128x160xf32, #tpu.memory_space<vmem>> -> memref<1x160xf32, #tpu.memory_space<vmem>>
        %get3A_786 = tpu.memref_squeeze %get3A_785 : memref<1x160xf32, #tpu.memory_space<vmem>> -> memref<160xf32, #tpu.memory_space<vmem>>
        %get3A_787 = arith.constant 128 : index
        %get3A_788 = tpu.vector_load %get3A_786[%get3A_787] {strides = array<i32>} : memref<160xf32, #tpu.memory_space<vmem>>, vector<16xf32>,
        %swap3A_789 = arith.constant 1 : i32
        %swap3A_790 = arith.constant 0 : i32
        %swap3A_791 = tpu.memref_slice %arg10[%select_n3A_680, %swap3A_789, %select_n3A_695, %swap3A_790] : memref<16x2x8x128xf32, #tpu.memory_space<vmem>> -> memref<1x1x1x128xf32, #tpu.memory_space<vmem>>
        %swap3A_792 = tpu.memref_squeeze %swap3A_791 : memref<1x1x1x128xf32, #tpu.memory_space<vmem>> -> memref<128xf32, #tpu.memory_space<vmem>>
        %swap3A_793 = arith.constant 0 : index
        %swap3A_794 = tpu.vector_load %swap3A_792[%swap3A_793] {strides = array<i32>} : memref<128xf32, #tpu.memory_space<vmem>>, vector<16xf32>,
        tpu.vector_store %swap3A_792[%swap3A_793], %get3A_788 {strides = array<i32>} : memref<128xf32, #tpu.memory_space<vmem>>, vector<16xf32>,
        %get3A_795 = arith.constant 0 : i32
        %get3A_796 = tpu.memref_slice %arg8[%add3A_656, %get3A_795] : memref<128x160xf32, #tpu.memory_space<vmem>> -> memref<1x160xf32, #tpu.memory_space<vmem>>
        %get3A_797 = tpu.memref_squeeze %get3A_796 : memref<1x160xf32, #tpu.memory_space<vmem>> -> memref<160xf32, #tpu.memory_space<vmem>>
        %get3A_798 = arith.constant 131 : index
        %get3A_799 = tpu.vector_load %get3A_797[%get3A_798] {strides = array<i32>} : memref<160xf32, #tpu.memory_space<vmem>>, vector<16xf32>,
        %swap3A_800 = arith.constant 1 : i32
        %swap3A_801 = arith.constant 0 : i32
        %swap3A_802 = tpu.memref_slice %arg10[%select_n3A_680, %swap3A_800, %select_n3A_695, %swap3A_801] : memref<16x2x8x128xf32, #tpu.memory_space<vmem>> -> memref<1x1x1x128xf32, #tpu.memory_space<vmem>>
        %swap3A_803 = tpu.memref_squeeze %swap3A_802 : memref<1x1x1x128xf32, #tpu.memory_space<vmem>> -> memref<128xf32, #tpu.memory_space<vmem>>
        %swap3A_804 = arith.constant 3 : index
        %swap3A_805 = tpu.vector_load %swap3A_803[%swap3A_804] {strides = array<i32>} : memref<128xf32, #tpu.memory_space<vmem>>, vector<16xf32>,
        tpu.vector_store %swap3A_803[%swap3A_804], %get3A_799 {strides = array<i32>} : memref<128xf32, #tpu.memory_space<vmem>>, vector<16xf32>,
        %mul3A_806 = arith.constant 2 : i32
        %mul3A_807 = arith.muli %scan3A_652, %mul3A_806 : i32
        %add3A_808 = arith.constant 1 : i32
        %add3A_809 = arith.addi %mul3A_807, %add3A_808 : i32
        %jit3A_810 = arith.constant 8 : i32
        %div3A_811 = arith.divsi %add3A_809, %jit3A_810 : i32
        %sign3A_812 = arith.constant 0 : i32
        %sign3A_813 = arith.cmpi sgt, %add3A_809, %sign3A_812 : i32
        %sign3A_814 = arith.extui %sign3A_813 : i1 to i32
        %sign3A_815 = arith.constant 0 : i32
        %sign3A_816 = arith.cmpi slt, %add3A_809, %sign3A_815 : i32
        %sign3A_817 = arith.extui %sign3A_816 : i1 to i32
        %sign3A_818 = arith.subi %sign3A_814, %sign3A_817 : i32
        %sign3A_819 = arith.constant 0 : i32
        %sign3A_820 = arith.cmpi sgt, %jit3A_810, %sign3A_819 : i32
        %sign3A_821 = arith.extui %sign3A_820 : i1 to i32
        %sign3A_822 = arith.constant 0 : i32
        %sign3A_823 = arith.cmpi slt, %jit3A_810, %sign3A_822 : i32
        %sign3A_824 = arith.extui %sign3A_823 : i1 to i32
        %sign3A_825 = arith.subi %sign3A_821, %sign3A_824 : i32
        %ne3A_826 = arith.cmpi ne, %sign3A_818, %sign3A_825 : i32
        %rem3A_827 = arith.remsi %add3A_809, %jit3A_810 : i32
        %ne3A_828 = arith.constant 0 : i32
        %ne3A_829 = arith.cmpi ne, %rem3A_827, %ne3A_828 : i32
        %and3A_830 = arith.andi %ne3A_826, %ne3A_829 : i1
        %sub3A_831 = arith.constant 1 : i32
        %sub3A_832 = arith.subi %div3A_811, %sub3A_831 : i32
        %select_n3A_833 = arith.select %and3A_830, %sub3A_832, %div3A_811 : i32
        %jit3A_834 = arith.constant 8 : i32
        %eq3A_835 = arith.constant 0 : i32
        %eq3A_836 = arith.cmpi eq, %jit3A_834, %eq3A_835 : i32
        %jit3A_837 = arith.constant 1 : i32
        %select_n3A_838 = arith.select %eq3A_836, %jit3A_837, %jit3A_834 : i32
        %rem3A_839 = arith.remsi %add3A_809, %select_n3A_838 : i32
        %ne3A_840 = arith.constant 0 : i32
        %ne3A_841 = arith.cmpi ne, %rem3A_839, %ne3A_840 : i32
        %lt3A_842 = arith.constant 0 : i32
        %lt3A_843 = arith.cmpi slt, %rem3A_839, %lt3A_842 : i32
        %lt3A_844 = arith.constant 0 : i32
        %lt3A_845 = arith.cmpi slt, %select_n3A_838, %lt3A_844 : i32
        %ne3A_846 = arith.xori %lt3A_843, %lt3A_845 : i1
        %and3A_847 = arith.andi %ne3A_846, %ne3A_841 : i1
        %add3A_848 = arith.addi %rem3A_839, %select_n3A_838 : i32
        %select_n3A_849 = arith.select %and3A_847, %add3A_848, %rem3A_839 : i32
        %get3A_850 = arith.constant 0 : i32
        %get3A_851 = tpu.memref_slice %arg8[%add3A_809, %get3A_850] : memref<128x160xf32, #tpu.memory_space<vmem>> -> memref<1x160xf32, #tpu.memory_space<vmem>>
        %get3A_852 = tpu.memref_squeeze %get3A_851 : memref<1x160xf32, #tpu.memory_space<vmem>> -> memref<160xf32, #tpu.memory_space<vmem>>
        %get3A_853 = arith.constant 0 : index
        %get3A_854 = tpu.vector_load %get3A_852[%get3A_853] {strides = array<i32>} : memref<160xf32, #tpu.memory_space<vmem>>, vector<16xf32>,
        %swap3A_855 = arith.constant 0 : i32
        %swap3A_856 = arith.constant 0 : i32
        %swap3A_857 = tpu.memref_slice %arg10[%select_n3A_833, %swap3A_855, %select_n3A_849, %swap3A_856] : memref<16x2x8x128xf32, #tpu.memory_space<vmem>> -> memref<1x1x1x128xf32, #tpu.memory_space<vmem>>
        %swap3A_858 = tpu.memref_squeeze %swap3A_857 : memref<1x1x1x128xf32, #tpu.memory_space<vmem>> -> memref<128xf32, #tpu.memory_space<vmem>>
        %swap3A_859 = arith.constant 0 : index
        %swap3A_860 = tpu.vector_load %swap3A_858[%swap3A_859] {strides = array<i32>} : memref<128xf32, #tpu.memory_space<vmem>>, vector<16xf32>,
        tpu.vector_store %swap3A_858[%swap3A_859], %get3A_854 {strides = array<i32>} : memref<128xf32, #tpu.memory_space<vmem>>, vector<16xf32>,
        %get3A_861 = arith.constant 0 : i32
        %get3A_862 = tpu.memref_slice %arg8[%add3A_809, %get3A_861] : memref<128x160xf32, #tpu.memory_space<vmem>> -> memref<1x160xf32, #tpu.memory_space<vmem>>
        %get3A_863 = tpu.memref_squeeze %get3A_862 : memref<1x160xf32, #tpu.memory_space<vmem>> -> memref<160xf32, #tpu.memory_space<vmem>>
        %get3A_864 = arith.constant 16 : index
        %get3A_865 = tpu.vector_load %get3A_863[%get3A_864] {strides = array<i32>} : memref<160xf32, #tpu.memory_space<vmem>>, vector<16xf32>,
        %swap3A_866 = arith.constant 0 : i32
        %swap3A_867 = arith.constant 0 : i32
        %swap3A_868 = tpu.memref_slice %arg10[%select_n3A_833, %swap3A_866, %select_n3A_849, %swap3A_867] : memref<16x2x8x128xf32, #tpu.memory_space<vmem>> -> memref<1x1x1x128xf32, #tpu.memory_space<vmem>>
        %swap3A_869 = tpu.memref_squeeze %swap3A_868 : memref<1x1x1x128xf32, #tpu.memory_space<vmem>> -> memref<128xf32, #tpu.memory_space<vmem>>
        %swap3A_870 = arith.constant 16 : index
        %swap3A_871 = tpu.vector_load %swap3A_869[%swap3A_870] {strides = array<i32>} : memref<128xf32, #tpu.memory_space<vmem>>, vector<16xf32>,
        tpu.vector_store %swap3A_869[%swap3A_870], %get3A_865 {strides = array<i32>} : memref<128xf32, #tpu.memory_space<vmem>>, vector<16xf32>,
        %get3A_872 = arith.constant 0 : i32
        %get3A_873 = tpu.memref_slice %arg8[%add3A_809, %get3A_872] : memref<128x160xf32, #tpu.memory_space<vmem>> -> memref<1x160xf32, #tpu.memory_space<vmem>>
        %get3A_874 = tpu.memref_squeeze %get3A_873 : memref<1x160xf32, #tpu.memory_space<vmem>> -> memref<160xf32, #tpu.memory_space<vmem>>
        %get3A_875 = arith.constant 32 : index
        %get3A_876 = tpu.vector_load %get3A_874[%get3A_875] {strides = array<i32>} : memref<160xf32, #tpu.memory_space<vmem>>, vector<16xf32>,
        %swap3A_877 = arith.constant 0 : i32
        %swap3A_878 = arith.constant 0 : i32
        %swap3A_879 = tpu.memref_slice %arg10[%select_n3A_833, %swap3A_877, %select_n3A_849, %swap3A_878] : memref<16x2x8x128xf32, #tpu.memory_space<vmem>> -> memref<1x1x1x128xf32, #tpu.memory_space<vmem>>
        %swap3A_880 = tpu.memref_squeeze %swap3A_879 : memref<1x1x1x128xf32, #tpu.memory_space<vmem>> -> memref<128xf32, #tpu.memory_space<vmem>>
        %swap3A_881 = arith.constant 32 : index
        %swap3A_882 = tpu.vector_load %swap3A_880[%swap3A_881] {strides = array<i32>} : memref<128xf32, #tpu.memory_space<vmem>>, vector<16xf32>,
        tpu.vector_store %swap3A_880[%swap3A_881], %get3A_876 {strides = array<i32>} : memref<128xf32, #tpu.memory_space<vmem>>, vector<16xf32>,
        %get3A_883 = arith.constant 0 : i32
        %get3A_884 = tpu.memref_slice %arg8[%add3A_809, %get3A_883] : memref<128x160xf32, #tpu.memory_space<vmem>> -> memref<1x160xf32, #tpu.memory_space<vmem>>
        %get3A_885 = tpu.memref_squeeze %get3A_884 : memref<1x160xf32, #tpu.memory_space<vmem>> -> memref<160xf32, #tpu.memory_space<vmem>>
        %get3A_886 = arith.constant 48 : index
        %get3A_887 = tpu.vector_load %get3A_885[%get3A_886] {strides = array<i32>} : memref<160xf32, #tpu.memory_space<vmem>>, vector<16xf32>,
        %swap3A_888 = arith.constant 0 : i32
        %swap3A_889 = arith.constant 0 : i32
        %swap3A_890 = tpu.memref_slice %arg10[%select_n3A_833, %swap3A_888, %select_n3A_849, %swap3A_889] : memref<16x2x8x128xf32, #tpu.memory_space<vmem>> -> memref<1x1x1x128xf32, #tpu.memory_space<vmem>>
        %swap3A_891 = tpu.memref_squeeze %swap3A_890 : memref<1x1x1x128xf32, #tpu.memory_space<vmem>> -> memref<128xf32, #tpu.memory_space<vmem>>
        %swap3A_892 = arith.constant 48 : index
        %swap3A_893 = tpu.vector_load %swap3A_891[%swap3A_892] {strides = array<i32>} : memref<128xf32, #tpu.memory_space<vmem>>, vector<16xf32>,
        tpu.vector_store %swap3A_891[%swap3A_892], %get3A_887 {strides = array<i32>} : memref<128xf32, #tpu.memory_space<vmem>>, vector<16xf32>,
        %get3A_894 = arith.constant 0 : i32
        %get3A_895 = tpu.memref_slice %arg8[%add3A_809, %get3A_894] : memref<128x160xf32, #tpu.memory_space<vmem>> -> memref<1x160xf32, #tpu.memory_space<vmem>>
        %get3A_896 = tpu.memref_squeeze %get3A_895 : memref<1x160xf32, #tpu.memory_space<vmem>> -> memref<160xf32, #tpu.memory_space<vmem>>
        %get3A_897 = arith.constant 64 : index
        %get3A_898 = tpu.vector_load %get3A_896[%get3A_897] {strides = array<i32>} : memref<160xf32, #tpu.memory_space<vmem>>, vector<16xf32>,
        %swap3A_899 = arith.constant 0 : i32
        %swap3A_900 = arith.constant 0 : i32
        %swap3A_901 = tpu.memref_slice %arg10[%select_n3A_833, %swap3A_899, %select_n3A_849, %swap3A_900] : memref<16x2x8x128xf32, #tpu.memory_space<vmem>> -> memref<1x1x1x128xf32, #tpu.memory_space<vmem>>
        %swap3A_902 = tpu.memref_squeeze %swap3A_901 : memref<1x1x1x128xf32, #tpu.memory_space<vmem>> -> memref<128xf32, #tpu.memory_space<vmem>>
        %swap3A_903 = arith.constant 64 : index
        %swap3A_904 = tpu.vector_load %swap3A_902[%swap3A_903] {strides = array<i32>} : memref<128xf32, #tpu.memory_space<vmem>>, vector<16xf32>,
        tpu.vector_store %swap3A_902[%swap3A_903], %get3A_898 {strides = array<i32>} : memref<128xf32, #tpu.memory_space<vmem>>, vector<16xf32>,
        %get3A_905 = arith.constant 0 : i32
        %get3A_906 = tpu.memref_slice %arg8[%add3A_809, %get3A_905] : memref<128x160xf32, #tpu.memory_space<vmem>> -> memref<1x160xf32, #tpu.memory_space<vmem>>
        %get3A_907 = tpu.memref_squeeze %get3A_906 : memref<1x160xf32, #tpu.memory_space<vmem>> -> memref<160xf32, #tpu.memory_space<vmem>>
        %get3A_908 = arith.constant 80 : index
        %get3A_909 = tpu.vector_load %get3A_907[%get3A_908] {strides = array<i32>} : memref<160xf32, #tpu.memory_space<vmem>>, vector<16xf32>,
        %swap3A_910 = arith.constant 0 : i32
        %swap3A_911 = arith.constant 0 : i32
        %swap3A_912 = tpu.memref_slice %arg10[%select_n3A_833, %swap3A_910, %select_n3A_849, %swap3A_911] : memref<16x2x8x128xf32, #tpu.memory_space<vmem>> -> memref<1x1x1x128xf32, #tpu.memory_space<vmem>>
        %swap3A_913 = tpu.memref_squeeze %swap3A_912 : memref<1x1x1x128xf32, #tpu.memory_space<vmem>> -> memref<128xf32, #tpu.memory_space<vmem>>
        %swap3A_914 = arith.constant 80 : index
        %swap3A_915 = tpu.vector_load %swap3A_913[%swap3A_914] {strides = array<i32>} : memref<128xf32, #tpu.memory_space<vmem>>, vector<16xf32>,
        tpu.vector_store %swap3A_913[%swap3A_914], %get3A_909 {strides = array<i32>} : memref<128xf32, #tpu.memory_space<vmem>>, vector<16xf32>,
        %get3A_916 = arith.constant 0 : i32
        %get3A_917 = tpu.memref_slice %arg8[%add3A_809, %get3A_916] : memref<128x160xf32, #tpu.memory_space<vmem>> -> memref<1x160xf32, #tpu.memory_space<vmem>>
        %get3A_918 = tpu.memref_squeeze %get3A_917 : memref<1x160xf32, #tpu.memory_space<vmem>> -> memref<160xf32, #tpu.memory_space<vmem>>
        %get3A_919 = arith.constant 96 : index
        %get3A_920 = tpu.vector_load %get3A_918[%get3A_919] {strides = array<i32>} : memref<160xf32, #tpu.memory_space<vmem>>, vector<16xf32>,
        %swap3A_921 = arith.constant 0 : i32
        %swap3A_922 = arith.constant 0 : i32
        %swap3A_923 = tpu.memref_slice %arg10[%select_n3A_833, %swap3A_921, %select_n3A_849, %swap3A_922] : memref<16x2x8x128xf32, #tpu.memory_space<vmem>> -> memref<1x1x1x128xf32, #tpu.memory_space<vmem>>
        %swap3A_924 = tpu.memref_squeeze %swap3A_923 : memref<1x1x1x128xf32, #tpu.memory_space<vmem>> -> memref<128xf32, #tpu.memory_space<vmem>>
        %swap3A_925 = arith.constant 96 : index
        %swap3A_926 = tpu.vector_load %swap3A_924[%swap3A_925] {strides = array<i32>} : memref<128xf32, #tpu.memory_space<vmem>>, vector<16xf32>,
        tpu.vector_store %swap3A_924[%swap3A_925], %get3A_920 {strides = array<i32>} : memref<128xf32, #tpu.memory_space<vmem>>, vector<16xf32>,
        %get3A_927 = arith.constant 0 : i32
        %get3A_928 = tpu.memref_slice %arg8[%add3A_809, %get3A_927] : memref<128x160xf32, #tpu.memory_space<vmem>> -> memref<1x160xf32, #tpu.memory_space<vmem>>
        %get3A_929 = tpu.memref_squeeze %get3A_928 : memref<1x160xf32, #tpu.memory_space<vmem>> -> memref<160xf32, #tpu.memory_space<vmem>>
        %get3A_930 = arith.constant 112 : index
        %get3A_931 = tpu.vector_load %get3A_929[%get3A_930] {strides = array<i32>} : memref<160xf32, #tpu.memory_space<vmem>>, vector<16xf32>,
        %swap3A_932 = arith.constant 0 : i32
        %swap3A_933 = arith.constant 0 : i32
        %swap3A_934 = tpu.memref_slice %arg10[%select_n3A_833, %swap3A_932, %select_n3A_849, %swap3A_933] : memref<16x2x8x128xf32, #tpu.memory_space<vmem>> -> memref<1x1x1x128xf32, #tpu.memory_space<vmem>>
        %swap3A_935 = tpu.memref_squeeze %swap3A_934 : memref<1x1x1x128xf32, #tpu.memory_space<vmem>> -> memref<128xf32, #tpu.memory_space<vmem>>
        %swap3A_936 = arith.constant 112 : index
        %swap3A_937 = tpu.vector_load %swap3A_935[%swap3A_936] {strides = array<i32>} : memref<128xf32, #tpu.memory_space<vmem>>, vector<16xf32>,
        tpu.vector_store %swap3A_935[%swap3A_936], %get3A_931 {strides = array<i32>} : memref<128xf32, #tpu.memory_space<vmem>>, vector<16xf32>,
        %get3A_938 = arith.constant 0 : i32
        %get3A_939 = tpu.memref_slice %arg8[%add3A_809, %get3A_938] : memref<128x160xf32, #tpu.memory_space<vmem>> -> memref<1x160xf32, #tpu.memory_space<vmem>>
        %get3A_940 = tpu.memref_squeeze %get3A_939 : memref<1x160xf32, #tpu.memory_space<vmem>> -> memref<160xf32, #tpu.memory_space<vmem>>
        %get3A_941 = arith.constant 128 : index
        %get3A_942 = tpu.vector_load %get3A_940[%get3A_941] {strides = array<i32>} : memref<160xf32, #tpu.memory_space<vmem>>, vector<16xf32>,
        %swap3A_943 = arith.constant 1 : i32
        %swap3A_944 = arith.constant 0 : i32
        %swap3A_945 = tpu.memref_slice %arg10[%select_n3A_833, %swap3A_943, %select_n3A_849, %swap3A_944] : memref<16x2x8x128xf32, #tpu.memory_space<vmem>> -> memref<1x1x1x128xf32, #tpu.memory_space<vmem>>
        %swap3A_946 = tpu.memref_squeeze %swap3A_945 : memref<1x1x1x128xf32, #tpu.memory_space<vmem>> -> memref<128xf32, #tpu.memory_space<vmem>>
        %swap3A_947 = arith.constant 0 : index
        %swap3A_948 = tpu.vector_load %swap3A_946[%swap3A_947] {strides = array<i32>} : memref<128xf32, #tpu.memory_space<vmem>>, vector<16xf32>,
        tpu.vector_store %swap3A_946[%swap3A_947], %get3A_942 {strides = array<i32>} : memref<128xf32, #tpu.memory_space<vmem>>, vector<16xf32>,
        %get3A_949 = arith.constant 0 : i32
        %get3A_950 = tpu.memref_slice %arg8[%add3A_809, %get3A_949] : memref<128x160xf32, #tpu.memory_space<vmem>> -> memref<1x160xf32, #tpu.memory_space<vmem>>
        %get3A_951 = tpu.memref_squeeze %get3A_950 : memref<1x160xf32, #tpu.memory_space<vmem>> -> memref<160xf32, #tpu.memory_space<vmem>>
        %get3A_952 = arith.constant 131 : index
        %get3A_953 = tpu.vector_load %get3A_951[%get3A_952] {strides = array<i32>} : memref<160xf32, #tpu.memory_space<vmem>>, vector<16xf32>,
        %swap3A_954 = arith.constant 1 : i32
        %swap3A_955 = arith.constant 0 : i32
        %swap3A_956 = tpu.memref_slice %arg10[%select_n3A_833, %swap3A_954, %select_n3A_849, %swap3A_955] : memref<16x2x8x128xf32, #tpu.memory_space<vmem>> -> memref<1x1x1x128xf32, #tpu.memory_space<vmem>>
        %swap3A_957 = tpu.memref_squeeze %swap3A_956 : memref<1x1x1x128xf32, #tpu.memory_space<vmem>> -> memref<128xf32, #tpu.memory_space<vmem>>
        %swap3A_958 = arith.constant 3 : index
        %swap3A_959 = tpu.vector_load %swap3A_957[%swap3A_958] {strides = array<i32>} : memref<128xf32, #tpu.memory_space<vmem>>, vector<16xf32>,
        tpu.vector_store %swap3A_957[%swap3A_958], %get3A_953 {strides = array<i32>} : memref<128xf32, #tpu.memory_space<vmem>>, vector<16xf32>,
      }
      %scan3A_594 = arith.constant 64 : i32
      %add3A_595 = arith.constant 1 : i32
      %add3A_596 = arith.addi %scan3A_170, %add3A_595 : i32
      %le3A_597 = arith.constant 48 : i32
      %le3A_598 = arith.cmpi sle, %scan3A_170, %le3A_597 : i32
      %convert_element_type3A_599 = arith.extui %le3A_598 : i1 to i32
      %cond3A_600 = arith.constant 0 : i32
      %cond3A_601 = arith.cmpi ne, %convert_element_type3A_599, %cond3A_600 : i32
      scf.if %cond3A_601 {
        %add3A_652 = arith.constant 0 : i32
        %add3A_653 = arith.addi %mul3A_2, %add3A_652 : i32
        %dma_wait3A_654 = tpu.memref_slice %arg2[%add3A_596, %add3A_653] : memref<50x16384xi32, #tpu.memory_space<hbm>> -> memref<1x128xi32, #tpu.memory_space<hbm>>
        %dma_wait3A_655 = tpu.memref_squeeze %dma_wait3A_654 : memref<1x128xi32, #tpu.memory_space<hbm>> -> memref<128xi32, #tpu.memory_space<hbm>>
        %dma_wait3A_656 = tpu.memref_slice %arg2[%add3A_596, %add3A_653] : memref<50x16384xi32, #tpu.memory_space<hbm>> -> memref<1x128xi32, #tpu.memory_space<hbm>>
        %dma_wait3A_657 = tpu.memref_squeeze %dma_wait3A_656 : memref<1x128xi32, #tpu.memory_space<hbm>> -> memref<128xi32, #tpu.memory_space<hbm>>
        tpu.wait_dma2 semaphore(%arg15 : memref<!tpu.dma_semaphore, #tpu.memory_space<semaphore_mem>>) src(%dma_wait3A_657 : memref<128xi32, #tpu.memory_space<hbm>>) dst(%arg6 : memref<128xi32, #tpu.memory_space<vmem>>)
        %dma_start3A_658 = arith.constant 0 : i32
        %dma_start3A_659 = arith.constant 0 : i32
        %dma_start3A_660 = tpu.memref_slice %arg14[%dma_start3A_658, %dma_start3A_659] : memref<27x160xf32, #tpu.memory_space<vmem_shared>> -> memref<27x160xf32, #tpu.memory_space<vmem_shared>>
        tpu.enqueue_indirect_dma source(%dma_start3A_660 : memref<27x160xf32, #tpu.memory_space<vmem_shared>>) target(%arg8 : memref<128x160xf32, #tpu.memory_space<vmem>>) offsets(%arg6 : memref<128xi32, #tpu.memory_space<vmem>>) semaphore(%arg19 : memref<!tpu.dma_semaphore, #tpu.memory_space<semaphore_mem>>)
      } else {
      }
      %get3A_602 = arith.constant 0 : i32
      %get3A_603 = arith.index_cast %get3A_602 : i32 to index
      %get3A_604 = arith.constant 0 : index
      %get3A_605 = tpu.vector_load %arg13[%get3A_603, %get3A_604] {strides = array<i32>} : memref<7x16xi32, #tpu.memory_space<vmem>>, vector<16xi32>,
      %get3A_606 = arith.constant 1 : i32
      %get3A_607 = arith.index_cast %get3A_606 : i32 to index
      %get3A_608 = arith.constant 0 : index
      %get3A_609 = tpu.vector_load %arg13[%get3A_607, %get3A_608] {strides = array<i32>} : memref<7x16xi32, #tpu.memory_space<vmem>>, vector<16xi32>,
      %get3A_610 = arith.constant 2 : i32
      %get3A_611 = arith.index_cast %get3A_610 : i32 to index
      %get3A_612 = arith.constant 0 : index
      %get3A_613 = tpu.vector_load %arg13[%get3A_611, %get3A_612] {strides = array<i32>} : memref<7x16xi32, #tpu.memory_space<vmem>>, vector<16xi32>,
      %get3A_614 = arith.constant 3 : i32
      %get3A_615 = arith.index_cast %get3A_614 : i32 to index
      %get3A_616 = arith.constant 0 : index
      %get3A_617 = tpu.vector_load %arg13[%get3A_615, %get3A_616] {strides = array<i32>} : memref<7x16xi32, #tpu.memory_space<vmem>>, vector<16xi32>,
      %get3A_618 = arith.constant 4 : i32
      %get3A_619 = arith.index_cast %get3A_618 : i32 to index
      %get3A_620 = arith.constant 0 : index
      %get3A_621 = tpu.vector_load %arg13[%get3A_619, %get3A_620] {strides = array<i32>} : memref<7x16xi32, #tpu.memory_space<vmem>>, vector<16xi32>,
      %get3A_622 = arith.constant 5 : i32
      %get3A_623 = arith.index_cast %get3A_622 : i32 to index
      %get3A_624 = arith.constant 0 : index
      %get3A_625 = tpu.vector_load %arg13[%get3A_623, %get3A_624] {strides = array<i32>} : memref<7x16xi32, #tpu.memory_space<vmem>>, vector<16xi32>,
      %get3A_626 = arith.constant 6 : i32
      %get3A_627 = arith.index_cast %get3A_626 : i32 to index
      %get3A_628 = arith.constant 0 : index
      %get3A_629 = tpu.vector_load %arg13[%get3A_627, %get3A_628] {strides = array<i32>} : memref<7x16xi32, #tpu.memory_space<vmem>>, vector<16xi32>,
      %scan3A_630 = arith.constant 0 : i32
      %scan3A_631 = arith.constant 64 : i32
      %scan3A_632 = arith.addi %scan3A_630, %scan3A_631 : i32
      %scan3A_633 = arith.constant 1 : i32
      scf.for %scan3A_652 = %scan3A_630 to %scan3A_632 step %scan3A_633  : i32 {
        %mul3A_653 = arith.constant 2 : i32
        %mul3A_654 = arith.muli %scan3A_652, %mul3A_653 : i32
        %add3A_655 = arith.constant 0 : i32
        %add3A_656 = arith.addi %mul3A_654, %add3A_655 : i32
        %jit3A_657 = arith.constant 8 : i32
        %div3A_658 = arith.divsi %add3A_656, %jit3A_657 : i32
        %sign3A_659 = arith.constant 0 : i32
        %sign3A_660 = arith.cmpi sgt, %add3A_656, %sign3A_659 : i32
        %sign3A_661 = arith.extui %sign3A_660 : i1 to i32
        %sign3A_662 = arith.constant 0 : i32
        %sign3A_663 = arith.cmpi slt, %add3A_656, %sign3A_662 : i32
        %sign3A_664 = arith.extui %sign3A_663 : i1 to i32
        %sign3A_665 = arith.subi %sign3A_661, %sign3A_664 : i32
        %sign3A_666 = arith.constant 0 : i32
        %sign3A_667 = arith.cmpi sgt, %jit3A_657, %sign3A_666 : i32
        %sign3A_668 = arith.extui %sign3A_667 : i1 to i32
        %sign3A_669 = arith.constant 0 : i32
        %sign3A_670 = arith.cmpi slt, %jit3A_657, %sign3A_669 : i32
        %sign3A_671 = arith.extui %sign3A_670 : i1 to i32
        %sign3A_672 = arith.subi %sign3A_668, %sign3A_671 : i32
        %ne3A_673 = arith.cmpi ne, %sign3A_665, %sign3A_672 : i32
        %rem3A_674 = arith.remsi %add3A_656, %jit3A_657 : i32
        %ne3A_675 = arith.constant 0 : i32
        %ne3A_676 = arith.cmpi ne, %rem3A_674, %ne3A_675 : i32
        %and3A_677 = arith.andi %ne3A_673, %ne3A_676 : i1
        %sub3A_678 = arith.constant 1 : i32
        %sub3A_679 = arith.subi %div3A_658, %sub3A_678 : i32
        %select_n3A_680 = arith.select %and3A_677, %sub3A_679, %div3A_658 : i32
        %jit3A_681 = arith.constant 8 : i32
        %eq3A_682 = arith.constant 0 : i32
        %eq3A_683 = arith.cmpi eq, %jit3A_681, %eq3A_682 : i32
        %jit3A_684 = arith.constant 1 : i32
        %select_n3A_685 = arith.select %eq3A_683, %jit3A_684, %jit3A_681 : i32
        %rem3A_686 = arith.remsi %add3A_656, %select_n3A_685 : i32
        %ne3A_687 = arith.constant 0 : i32
        %ne3A_688 = arith.cmpi ne, %rem3A_686, %ne3A_687 : i32
        %lt3A = arith.constant 0 : i32
        %lt3A_689 = arith.cmpi slt, %rem3A_686, %lt3A : i32
        %lt3A_690 = arith.constant 0 : i32
        %lt3A_691 = arith.cmpi slt, %select_n3A_685, %lt3A_690 : i32
        %ne3A_692 = arith.xori %lt3A_689, %lt3A_691 : i1
        %and3A_693 = arith.andi %ne3A_692, %ne3A_688 : i1
        %add3A_694 = arith.addi %rem3A_686, %select_n3A_685 : i32
        %select_n3A_695 = arith.select %and3A_693, %add3A_694, %rem3A_686 : i32
        %broadcast_in_dim3A = vector.broadcast %add3A_656 : i32 to vector<16xi32>
        %gather3A = tpu.vector_load_idx %arg12[%get3A_605, %broadcast_in_dim3A] : memref<109x129xf32, #tpu.memory_space<vmem>>[vector<16xi32>, vector<16xi32>], vector<16xf32>,
        %swap3A_696 = arith.constant 1 : i32
        %swap3A_697 = arith.constant 0 : i32
        %swap3A_698 = tpu.memref_slice %arg10[%select_n3A_680, %swap3A_696, %select_n3A_695, %swap3A_697] : memref<16x2x8x128xf32, #tpu.memory_space<vmem>> -> memref<1x1x1x128xf32, #tpu.memory_space<vmem>>
        %swap3A_699 = tpu.memref_squeeze %swap3A_698 : memref<1x1x1x128xf32, #tpu.memory_space<vmem>> -> memref<128xf32, #tpu.memory_space<vmem>>
        %swap3A_700 = arith.constant 19 : index
        %swap3A_701 = tpu.vector_load %swap3A_699[%swap3A_700] {strides = array<i32>} : memref<128xf32, #tpu.memory_space<vmem>>, vector<16xf32>,
        tpu.vector_store %swap3A_699[%swap3A_700], %gather3A {strides = array<i32>} : memref<128xf32, #tpu.memory_space<vmem>>, vector<16xf32>,
        %gather3A_702 = tpu.vector_load_idx %arg12[%get3A_609, %broadcast_in_dim3A] : memref<109x129xf32, #tpu.memory_space<vmem>>[vector<16xi32>, vector<16xi32>], vector<16xf32>,
        %swap3A_703 = arith.constant 1 : i32
        %swap3A_704 = arith.constant 0 : i32
        %swap3A_705 = tpu.memref_slice %arg10[%select_n3A_680, %swap3A_703, %select_n3A_695, %swap3A_704] : memref<16x2x8x128xf32, #tpu.memory_space<vmem>> -> memref<1x1x1x128xf32, #tpu.memory_space<vmem>>
        %swap3A_706 = tpu.memref_squeeze %swap3A_705 : memref<1x1x1x128xf32, #tpu.memory_space<vmem>> -> memref<128xf32, #tpu.memory_space<vmem>>
        %swap3A_707 = arith.constant 35 : index
        %swap3A_708 = tpu.vector_load %swap3A_706[%swap3A_707] {strides = array<i32>} : memref<128xf32, #tpu.memory_space<vmem>>, vector<16xf32>,
        tpu.vector_store %swap3A_706[%swap3A_707], %gather3A_702 {strides = array<i32>} : memref<128xf32, #tpu.memory_space<vmem>>, vector<16xf32>,
        %gather3A_709 = tpu.vector_load_idx %arg12[%get3A_613, %broadcast_in_dim3A] : memref<109x129xf32, #tpu.memory_space<vmem>>[vector<16xi32>, vector<16xi32>], vector<16xf32>,
        %swap3A_710 = arith.constant 1 : i32
        %swap3A_711 = arith.constant 0 : i32
        %swap3A_712 = tpu.memref_slice %arg10[%select_n3A_680, %swap3A_710, %select_n3A_695, %swap3A_711] : memref<16x2x8x128xf32, #tpu.memory_space<vmem>> -> memref<1x1x1x128xf32, #tpu.memory_space<vmem>>
        %swap3A_713 = tpu.memref_squeeze %swap3A_712 : memref<1x1x1x128xf32, #tpu.memory_space<vmem>> -> memref<128xf32, #tpu.memory_space<vmem>>
        %swap3A_714 = arith.constant 51 : index
        %swap3A_715 = tpu.vector_load %swap3A_713[%swap3A_714] {strides = array<i32>} : memref<128xf32, #tpu.memory_space<vmem>>, vector<16xf32>,
        tpu.vector_store %swap3A_713[%swap3A_714], %gather3A_709 {strides = array<i32>} : memref<128xf32, #tpu.memory_space<vmem>>, vector<16xf32>,
        %gather3A_716 = tpu.vector_load_idx %arg12[%get3A_617, %broadcast_in_dim3A] : memref<109x129xf32, #tpu.memory_space<vmem>>[vector<16xi32>, vector<16xi32>], vector<16xf32>,
        %swap3A_717 = arith.constant 1 : i32
        %swap3A_718 = arith.constant 0 : i32
        %swap3A_719 = tpu.memref_slice %arg10[%select_n3A_680, %swap3A_717, %select_n3A_695, %swap3A_718] : memref<16x2x8x128xf32, #tpu.memory_space<vmem>> -> memref<1x1x1x128xf32, #tpu.memory_space<vmem>>
        %swap3A_720 = tpu.memref_squeeze %swap3A_719 : memref<1x1x1x128xf32, #tpu.memory_space<vmem>> -> memref<128xf32, #tpu.memory_space<vmem>>
        %swap3A_721 = arith.constant 67 : index
        %swap3A_722 = tpu.vector_load %swap3A_720[%swap3A_721] {strides = array<i32>} : memref<128xf32, #tpu.memory_space<vmem>>, vector<16xf32>,
        tpu.vector_store %swap3A_720[%swap3A_721], %gather3A_716 {strides = array<i32>} : memref<128xf32, #tpu.memory_space<vmem>>, vector<16xf32>,
        %gather3A_723 = tpu.vector_load_idx %arg12[%get3A_621, %broadcast_in_dim3A] : memref<109x129xf32, #tpu.memory_space<vmem>>[vector<16xi32>, vector<16xi32>], vector<16xf32>,
        %swap3A_724 = arith.constant 1 : i32
        %swap3A_725 = arith.constant 0 : i32
        %swap3A_726 = tpu.memref_slice %arg10[%select_n3A_680, %swap3A_724, %select_n3A_695, %swap3A_725] : memref<16x2x8x128xf32, #tpu.memory_space<vmem>> -> memref<1x1x1x128xf32, #tpu.memory_space<vmem>>
        %swap3A_727 = tpu.memref_squeeze %swap3A_726 : memref<1x1x1x128xf32, #tpu.memory_space<vmem>> -> memref<128xf32, #tpu.memory_space<vmem>>
        %swap3A_728 = arith.constant 83 : index
        %swap3A_729 = tpu.vector_load %swap3A_727[%swap3A_728] {strides = array<i32>} : memref<128xf32, #tpu.memory_space<vmem>>, vector<16xf32>,
        tpu.vector_store %swap3A_727[%swap3A_728], %gather3A_723 {strides = array<i32>} : memref<128xf32, #tpu.memory_space<vmem>>, vector<16xf32>,
        %gather3A_730 = tpu.vector_load_idx %arg12[%get3A_625, %broadcast_in_dim3A] : memref<109x129xf32, #tpu.memory_space<vmem>>[vector<16xi32>, vector<16xi32>], vector<16xf32>,
        %swap3A_731 = arith.constant 1 : i32
        %swap3A_732 = arith.constant 0 : i32
        %swap3A_733 = tpu.memref_slice %arg10[%select_n3A_680, %swap3A_731, %select_n3A_695, %swap3A_732] : memref<16x2x8x128xf32, #tpu.memory_space<vmem>> -> memref<1x1x1x128xf32, #tpu.memory_space<vmem>>
        %swap3A_734 = tpu.memref_squeeze %swap3A_733 : memref<1x1x1x128xf32, #tpu.memory_space<vmem>> -> memref<128xf32, #tpu.memory_space<vmem>>
        %swap3A_735 = arith.constant 99 : index
        %swap3A_736 = tpu.vector_load %swap3A_734[%swap3A_735] {strides = array<i32>} : memref<128xf32, #tpu.memory_space<vmem>>, vector<16xf32>,
        tpu.vector_store %swap3A_734[%swap3A_735], %gather3A_730 {strides = array<i32>} : memref<128xf32, #tpu.memory_space<vmem>>, vector<16xf32>,
        %gather3A_737 = tpu.vector_load_idx %arg12[%get3A_629, %broadcast_in_dim3A] : memref<109x129xf32, #tpu.memory_space<vmem>>[vector<16xi32>, vector<16xi32>], vector<16xf32>,
        %swap3A_738 = arith.constant 1 : i32
        %swap3A_739 = arith.constant 0 : i32
        %swap3A_740 = tpu.memref_slice %arg10[%select_n3A_680, %swap3A_738, %select_n3A_695, %swap3A_739] : memref<16x2x8x128xf32, #tpu.memory_space<vmem>> -> memref<1x1x1x128xf32, #tpu.memory_space<vmem>>
        %swap3A_741 = tpu.memref_squeeze %swap3A_740 : memref<1x1x1x128xf32, #tpu.memory_space<vmem>> -> memref<128xf32, #tpu.memory_space<vmem>>
        %swap3A_742 = arith.constant 112 : index
        %swap3A_743 = tpu.vector_load %swap3A_741[%swap3A_742] {strides = array<i32>} : memref<128xf32, #tpu.memory_space<vmem>>, vector<16xf32>,
        tpu.vector_store %swap3A_741[%swap3A_742], %gather3A_737 {strides = array<i32>} : memref<128xf32, #tpu.memory_space<vmem>>, vector<16xf32>,
        %mul3A_744 = arith.constant 2 : i32
        %mul3A_745 = arith.muli %scan3A_652, %mul3A_744 : i32
        %add3A_746 = arith.constant 1 : i32
        %add3A_747 = arith.addi %mul3A_745, %add3A_746 : i32
        %jit3A_748 = arith.constant 8 : i32
        %div3A_749 = arith.divsi %add3A_747, %jit3A_748 : i32
        %sign3A_750 = arith.constant 0 : i32
        %sign3A_751 = arith.cmpi sgt, %add3A_747, %sign3A_750 : i32
        %sign3A_752 = arith.extui %sign3A_751 : i1 to i32
        %sign3A_753 = arith.constant 0 : i32
        %sign3A_754 = arith.cmpi slt, %add3A_747, %sign3A_753 : i32
        %sign3A_755 = arith.extui %sign3A_754 : i1 to i32
        %sign3A_756 = arith.subi %sign3A_752, %sign3A_755 : i32
        %sign3A_757 = arith.constant 0 : i32
        %sign3A_758 = arith.cmpi sgt, %jit3A_748, %sign3A_757 : i32
        %sign3A_759 = arith.extui %sign3A_758 : i1 to i32
        %sign3A_760 = arith.constant 0 : i32
        %sign3A_761 = arith.cmpi slt, %jit3A_748, %sign3A_760 : i32
        %sign3A_762 = arith.extui %sign3A_761 : i1 to i32
        %sign3A_763 = arith.subi %sign3A_759, %sign3A_762 : i32
        %ne3A_764 = arith.cmpi ne, %sign3A_756, %sign3A_763 : i32
        %rem3A_765 = arith.remsi %add3A_747, %jit3A_748 : i32
        %ne3A_766 = arith.constant 0 : i32
        %ne3A_767 = arith.cmpi ne, %rem3A_765, %ne3A_766 : i32
        %and3A_768 = arith.andi %ne3A_764, %ne3A_767 : i1
        %sub3A_769 = arith.constant 1 : i32
        %sub3A_770 = arith.subi %div3A_749, %sub3A_769 : i32
        %select_n3A_771 = arith.select %and3A_768, %sub3A_770, %div3A_749 : i32
        %jit3A_772 = arith.constant 8 : i32
        %eq3A_773 = arith.constant 0 : i32
        %eq3A_774 = arith.cmpi eq, %jit3A_772, %eq3A_773 : i32
        %jit3A_775 = arith.constant 1 : i32
        %select_n3A_776 = arith.select %eq3A_774, %jit3A_775, %jit3A_772 : i32
        %rem3A_777 = arith.remsi %add3A_747, %select_n3A_776 : i32
        %ne3A_778 = arith.constant 0 : i32
        %ne3A_779 = arith.cmpi ne, %rem3A_777, %ne3A_778 : i32
        %lt3A_780 = arith.constant 0 : i32
        %lt3A_781 = arith.cmpi slt, %rem3A_777, %lt3A_780 : i32
        %lt3A_782 = arith.constant 0 : i32
        %lt3A_783 = arith.cmpi slt, %select_n3A_776, %lt3A_782 : i32
        %ne3A_784 = arith.xori %lt3A_781, %lt3A_783 : i1
        %and3A_785 = arith.andi %ne3A_784, %ne3A_779 : i1
        %add3A_786 = arith.addi %rem3A_777, %select_n3A_776 : i32
        %select_n3A_787 = arith.select %and3A_785, %add3A_786, %rem3A_777 : i32
        %broadcast_in_dim3A_788 = vector.broadcast %add3A_747 : i32 to vector<16xi32>
        %gather3A_789 = tpu.vector_load_idx %arg12[%get3A_605, %broadcast_in_dim3A_788] : memref<109x129xf32, #tpu.memory_space<vmem>>[vector<16xi32>, vector<16xi32>], vector<16xf32>,
        %swap3A_790 = arith.constant 1 : i32
        %swap3A_791 = arith.constant 0 : i32
        %swap3A_792 = tpu.memref_slice %arg10[%select_n3A_771, %swap3A_790, %select_n3A_787, %swap3A_791] : memref<16x2x8x128xf32, #tpu.memory_space<vmem>> -> memref<1x1x1x128xf32, #tpu.memory_space<vmem>>
        %swap3A_793 = tpu.memref_squeeze %swap3A_792 : memref<1x1x1x128xf32, #tpu.memory_space<vmem>> -> memref<128xf32, #tpu.memory_space<vmem>>
        %swap3A_794 = arith.constant 19 : index
        %swap3A_795 = tpu.vector_load %swap3A_793[%swap3A_794] {strides = array<i32>} : memref<128xf32, #tpu.memory_space<vmem>>, vector<16xf32>,
        tpu.vector_store %swap3A_793[%swap3A_794], %gather3A_789 {strides = array<i32>} : memref<128xf32, #tpu.memory_space<vmem>>, vector<16xf32>,
        %gather3A_796 = tpu.vector_load_idx %arg12[%get3A_609, %broadcast_in_dim3A_788] : memref<109x129xf32, #tpu.memory_space<vmem>>[vector<16xi32>, vector<16xi32>], vector<16xf32>,
        %swap3A_797 = arith.constant 1 : i32
        %swap3A_798 = arith.constant 0 : i32
        %swap3A_799 = tpu.memref_slice %arg10[%select_n3A_771, %swap3A_797, %select_n3A_787, %swap3A_798] : memref<16x2x8x128xf32, #tpu.memory_space<vmem>> -> memref<1x1x1x128xf32, #tpu.memory_space<vmem>>
        %swap3A_800 = tpu.memref_squeeze %swap3A_799 : memref<1x1x1x128xf32, #tpu.memory_space<vmem>> -> memref<128xf32, #tpu.memory_space<vmem>>
        %swap3A_801 = arith.constant 35 : index
        %swap3A_802 = tpu.vector_load %swap3A_800[%swap3A_801] {strides = array<i32>} : memref<128xf32, #tpu.memory_space<vmem>>, vector<16xf32>,
        tpu.vector_store %swap3A_800[%swap3A_801], %gather3A_796 {strides = array<i32>} : memref<128xf32, #tpu.memory_space<vmem>>, vector<16xf32>,
        %gather3A_803 = tpu.vector_load_idx %arg12[%get3A_613, %broadcast_in_dim3A_788] : memref<109x129xf32, #tpu.memory_space<vmem>>[vector<16xi32>, vector<16xi32>], vector<16xf32>,
        %swap3A_804 = arith.constant 1 : i32
        %swap3A_805 = arith.constant 0 : i32
        %swap3A_806 = tpu.memref_slice %arg10[%select_n3A_771, %swap3A_804, %select_n3A_787, %swap3A_805] : memref<16x2x8x128xf32, #tpu.memory_space<vmem>> -> memref<1x1x1x128xf32, #tpu.memory_space<vmem>>
        %swap3A_807 = tpu.memref_squeeze %swap3A_806 : memref<1x1x1x128xf32, #tpu.memory_space<vmem>> -> memref<128xf32, #tpu.memory_space<vmem>>
        %swap3A_808 = arith.constant 51 : index
        %swap3A_809 = tpu.vector_load %swap3A_807[%swap3A_808] {strides = array<i32>} : memref<128xf32, #tpu.memory_space<vmem>>, vector<16xf32>,
        tpu.vector_store %swap3A_807[%swap3A_808], %gather3A_803 {strides = array<i32>} : memref<128xf32, #tpu.memory_space<vmem>>, vector<16xf32>,
        %gather3A_810 = tpu.vector_load_idx %arg12[%get3A_617, %broadcast_in_dim3A_788] : memref<109x129xf32, #tpu.memory_space<vmem>>[vector<16xi32>, vector<16xi32>], vector<16xf32>,
        %swap3A_811 = arith.constant 1 : i32
        %swap3A_812 = arith.constant 0 : i32
        %swap3A_813 = tpu.memref_slice %arg10[%select_n3A_771, %swap3A_811, %select_n3A_787, %swap3A_812] : memref<16x2x8x128xf32, #tpu.memory_space<vmem>> -> memref<1x1x1x128xf32, #tpu.memory_space<vmem>>
        %swap3A_814 = tpu.memref_squeeze %swap3A_813 : memref<1x1x1x128xf32, #tpu.memory_space<vmem>> -> memref<128xf32, #tpu.memory_space<vmem>>
        %swap3A_815 = arith.constant 67 : index
        %swap3A_816 = tpu.vector_load %swap3A_814[%swap3A_815] {strides = array<i32>} : memref<128xf32, #tpu.memory_space<vmem>>, vector<16xf32>,
        tpu.vector_store %swap3A_814[%swap3A_815], %gather3A_810 {strides = array<i32>} : memref<128xf32, #tpu.memory_space<vmem>>, vector<16xf32>,
        %gather3A_817 = tpu.vector_load_idx %arg12[%get3A_621, %broadcast_in_dim3A_788] : memref<109x129xf32, #tpu.memory_space<vmem>>[vector<16xi32>, vector<16xi32>], vector<16xf32>,
        %swap3A_818 = arith.constant 1 : i32
        %swap3A_819 = arith.constant 0 : i32
        %swap3A_820 = tpu.memref_slice %arg10[%select_n3A_771, %swap3A_818, %select_n3A_787, %swap3A_819] : memref<16x2x8x128xf32, #tpu.memory_space<vmem>> -> memref<1x1x1x128xf32, #tpu.memory_space<vmem>>
        %swap3A_821 = tpu.memref_squeeze %swap3A_820 : memref<1x1x1x128xf32, #tpu.memory_space<vmem>> -> memref<128xf32, #tpu.memory_space<vmem>>
        %swap3A_822 = arith.constant 83 : index
        %swap3A_823 = tpu.vector_load %swap3A_821[%swap3A_822] {strides = array<i32>} : memref<128xf32, #tpu.memory_space<vmem>>, vector<16xf32>,
        tpu.vector_store %swap3A_821[%swap3A_822], %gather3A_817 {strides = array<i32>} : memref<128xf32, #tpu.memory_space<vmem>>, vector<16xf32>,
        %gather3A_824 = tpu.vector_load_idx %arg12[%get3A_625, %broadcast_in_dim3A_788] : memref<109x129xf32, #tpu.memory_space<vmem>>[vector<16xi32>, vector<16xi32>], vector<16xf32>,
        %swap3A_825 = arith.constant 1 : i32
        %swap3A_826 = arith.constant 0 : i32
        %swap3A_827 = tpu.memref_slice %arg10[%select_n3A_771, %swap3A_825, %select_n3A_787, %swap3A_826] : memref<16x2x8x128xf32, #tpu.memory_space<vmem>> -> memref<1x1x1x128xf32, #tpu.memory_space<vmem>>
        %swap3A_828 = tpu.memref_squeeze %swap3A_827 : memref<1x1x1x128xf32, #tpu.memory_space<vmem>> -> memref<128xf32, #tpu.memory_space<vmem>>
        %swap3A_829 = arith.constant 99 : index
        %swap3A_830 = tpu.vector_load %swap3A_828[%swap3A_829] {strides = array<i32>} : memref<128xf32, #tpu.memory_space<vmem>>, vector<16xf32>,
        tpu.vector_store %swap3A_828[%swap3A_829], %gather3A_824 {strides = array<i32>} : memref<128xf32, #tpu.memory_space<vmem>>, vector<16xf32>,
        %gather3A_831 = tpu.vector_load_idx %arg12[%get3A_629, %broadcast_in_dim3A_788] : memref<109x129xf32, #tpu.memory_space<vmem>>[vector<16xi32>, vector<16xi32>], vector<16xf32>,
        %swap3A_832 = arith.constant 1 : i32
        %swap3A_833 = arith.constant 0 : i32
        %swap3A_834 = tpu.memref_slice %arg10[%select_n3A_771, %swap3A_832, %select_n3A_787, %swap3A_833] : memref<16x2x8x128xf32, #tpu.memory_space<vmem>> -> memref<1x1x1x128xf32, #tpu.memory_space<vmem>>
        %swap3A_835 = tpu.memref_squeeze %swap3A_834 : memref<1x1x1x128xf32, #tpu.memory_space<vmem>> -> memref<128xf32, #tpu.memory_space<vmem>>
        %swap3A_836 = arith.constant 112 : index
        %swap3A_837 = tpu.vector_load %swap3A_835[%swap3A_836] {strides = array<i32>} : memref<128xf32, #tpu.memory_space<vmem>>, vector<16xf32>,
        tpu.vector_store %swap3A_835[%swap3A_836], %gather3A_831 {strides = array<i32>} : memref<128xf32, #tpu.memory_space<vmem>>, vector<16xf32>,
      }
      %scan3A_634 = arith.constant 64 : i32
      %dma_start3A_635 = arith.constant 0 : i32
      %dma_start3A_636 = arith.constant 0 : i32
      %dma_start3A_637 = arith.constant 0 : i32
      %dma_start3A_638 = tpu.memref_slice %arg5[%scan3A_170, %select_n3A_563, %dma_start3A_635, %dma_start3A_636, %dma_start3A_637] : memref<50x2048x2x8x128xf32, #tpu.memory_space<hbm>> -> memref<1x16x2x8x128xf32, #tpu.memory_space<hbm>>
      %dma_start3A_639 = tpu.memref_squeeze %dma_start3A_638 : memref<1x16x2x8x128xf32, #tpu.memory_space<hbm>> -> memref<16x2x8x128xf32, #tpu.memory_space<hbm>>
      %dma_start3A_640 = arith.constant 0 : i32
      %dma_start3A_641 = arith.constant 0 : i32
      %dma_start3A_642 = arith.constant 0 : i32
      %dma_start3A_643 = tpu.memref_slice %arg5[%scan3A_170, %select_n3A_563, %dma_start3A_640, %dma_start3A_641, %dma_start3A_642] : memref<50x2048x2x8x128xf32, #tpu.memory_space<hbm>> -> memref<1x16x2x8x128xf32, #tpu.memory_space<hbm>>
      %dma_start3A_644 = tpu.memref_squeeze %dma_start3A_643 : memref<1x16x2x8x128xf32, #tpu.memory_space<hbm>> -> memref<16x2x8x128xf32, #tpu.memory_space<hbm>>
      tpu.enqueue_dma source(%arg10 : memref<16x2x8x128xf32, #tpu.memory_space<vmem>>) target(%dma_start3A_644 : memref<16x2x8x128xf32, #tpu.memory_space<hbm>>) target_semaphore(%arg21 : memref<!tpu.dma_semaphore, #tpu.memory_space<semaphore_mem>>)
      %add3A_645 = arith.constant 1 : i32
      %add3A_646 = arith.addi %scan3A_170, %add3A_645 : i32
      %le3A_647 = arith.constant 48 : i32
      %le3A_648 = arith.cmpi sle, %scan3A_170, %le3A_647 : i32
      %convert_element_type3A_649 = arith.extui %le3A_648 : i1 to i32
      %cond3A_650 = arith.constant 0 : i32
      %cond3A_651 = arith.cmpi ne, %convert_element_type3A_649, %cond3A_650 : i32
      scf.if %cond3A_651 {
        %add3A_652 = arith.constant 128 : i32
        %add3A_653 = arith.addi %mul3A_2, %add3A_652 : i32
        %dma_start3A_654 = tpu.memref_slice %arg2[%add3A_646, %add3A_653] : memref<50x16384xi32, #tpu.memory_space<hbm>> -> memref<1x128xi32, #tpu.memory_space<hbm>>
        %dma_start3A_655 = tpu.memref_squeeze %dma_start3A_654 : memref<1x128xi32, #tpu.memory_space<hbm>> -> memref<128xi32, #tpu.memory_space<hbm>>
        %dma_start3A_656 = tpu.memref_slice %arg2[%add3A_646, %add3A_653] : memref<50x16384xi32, #tpu.memory_space<hbm>> -> memref<1x128xi32, #tpu.memory_space<hbm>>
        %dma_start3A_657 = tpu.memref_squeeze %dma_start3A_656 : memref<1x128xi32, #tpu.memory_space<hbm>> -> memref<128xi32, #tpu.memory_space<hbm>>
        tpu.enqueue_dma source(%dma_start3A_657 : memref<128xi32, #tpu.memory_space<hbm>>) target(%arg7 : memref<128xi32, #tpu.memory_space<vmem>>) target_semaphore(%arg16 : memref<!tpu.dma_semaphore, #tpu.memory_space<semaphore_mem>>)
        %dma_start3A_658 = arith.constant 0 : i32
        %dma_start3A_659 = arith.constant 0 : i32
        %dma_start3A_660 = tpu.memref_slice %arg12[%dma_start3A_658, %dma_start3A_659] : memref<109x129xf32, #tpu.memory_space<vmem>> -> memref<109x128xf32, #tpu.memory_space<vmem>>
        %dma_start3A_661 = arith.constant 0 : i32
        %dma_start3A_662 = tpu.memref_slice %arg3[%add3A_646, %dma_start3A_661, %add3A_653] : memref<50x109x16384xf32, #tpu.memory_space<hbm>> -> memref<1x109x128xf32, #tpu.memory_space<hbm>>
        %dma_start3A_663 = tpu.memref_squeeze %dma_start3A_662 : memref<1x109x128xf32, #tpu.memory_space<hbm>> -> memref<109x128xf32, #tpu.memory_space<hbm>>
        %dma_start3A_664 = arith.constant 0 : i32
        %dma_start3A_665 = arith.constant 0 : i32
        %dma_start3A_666 = tpu.memref_slice %arg12[%dma_start3A_664, %dma_start3A_665] : memref<109x129xf32, #tpu.memory_space<vmem>> -> memref<109x128xf32, #tpu.memory_space<vmem>>
        %dma_start3A_667 = arith.constant 0 : i32
        %dma_start3A_668 = tpu.memref_slice %arg3[%add3A_646, %dma_start3A_667, %add3A_653] : memref<50x109x16384xf32, #tpu.memory_space<hbm>> -> memref<1x109x128xf32, #tpu.memory_space<hbm>>
        %dma_start3A_669 = tpu.memref_squeeze %dma_start3A_668 : memref<1x109x128xf32, #tpu.memory_space<hbm>> -> memref<109x128xf32, #tpu.memory_space<hbm>>
        tpu.enqueue_dma source(%dma_start3A_669 : memref<109x128xf32, #tpu.memory_space<hbm>>) target(%dma_start3A_666 : memref<109x128xf32, #tpu.memory_space<vmem>>) target_semaphore(%arg18 : memref<!tpu.dma_semaphore, #tpu.memory_space<semaphore_mem>>)
      } else {
      }
    }
    %scan3A_103 = arith.constant 50 : i32
    %add3A_104 = arith.constant 256 : i32
    %add3A_105 = arith.addi %mul3A_2, %add3A_104 : i32
    %jit3A = arith.constant 8 : i32
    %div3A = arith.divsi %add3A_105, %jit3A : i32
    %sign3A = arith.constant 0 : i32
    %sign3A_106 = arith.cmpi sgt, %add3A_105, %sign3A : i32
    %sign3A_107 = arith.extui %sign3A_106 : i1 to i32
    %sign3A_108 = arith.constant 0 : i32
    %sign3A_109 = arith.cmpi slt, %add3A_105, %sign3A_108 : i32
    %sign3A_110 = arith.extui %sign3A_109 : i1 to i32
    %sign3A_111 = arith.subi %sign3A_107, %sign3A_110 : i32
    %sign3A_112 = arith.constant 0 : i32
    %sign3A_113 = arith.cmpi sgt, %jit3A, %sign3A_112 : i32
    %sign3A_114 = arith.extui %sign3A_113 : i1 to i32
    %sign3A_115 = arith.constant 0 : i32
    %sign3A_116 = arith.cmpi slt, %jit3A, %sign3A_115 : i32
    %sign3A_117 = arith.extui %sign3A_116 : i1 to i32
    %sign3A_118 = arith.subi %sign3A_114, %sign3A_117 : i32
    %ne3A = arith.cmpi ne, %sign3A_111, %sign3A_118 : i32
    %rem3A = arith.remsi %add3A_105, %jit3A : i32
    %ne3A_119 = arith.constant 0 : i32
    %ne3A_120 = arith.cmpi ne, %rem3A, %ne3A_119 : i32
    %and3A = arith.andi %ne3A, %ne3A_120 : i1
    %sub3A = arith.constant 1 : i32
    %sub3A_121 = arith.subi %div3A, %sub3A : i32
    %select_n3A = arith.select %and3A, %sub3A_121, %div3A : i32
    %dma_wait3A_122 = arith.constant 49 : i32
    %dma_wait3A_123 = arith.constant 0 : i32
    %dma_wait3A_124 = arith.constant 0 : i32
    %dma_wait3A_125 = arith.constant 0 : i32
    %dma_wait3A_126 = tpu.memref_slice %arg5[%dma_wait3A_122, %select_n3A, %dma_wait3A_123, %dma_wait3A_124, %dma_wait3A_125] : memref<50x2048x2x8x128xf32, #tpu.memory_space<hbm>> -> memref<1x16x2x8x128xf32, #tpu.memory_space<hbm>>
    %dma_wait3A_127 = tpu.memref_squeeze %dma_wait3A_126 : memref<1x16x2x8x128xf32, #tpu.memory_space<hbm>> -> memref<16x2x8x128xf32, #tpu.memory_space<hbm>>
    %dma_wait3A_128 = arith.constant 0 : i32
    %dma_wait3A_129 = arith.constant 0 : i32
    %dma_wait3A_130 = arith.constant 0 : i32
    %dma_wait3A_131 = tpu.memref_slice %arg5[%dma_wait3A_122, %select_n3A, %dma_wait3A_128, %dma_wait3A_129, %dma_wait3A_130] : memref<50x2048x2x8x128xf32, #tpu.memory_space<hbm>> -> memref<1x16x2x8x128xf32, #tpu.memory_space<hbm>>
    %dma_wait3A_132 = tpu.memref_squeeze %dma_wait3A_131 : memref<1x16x2x8x128xf32, #tpu.memory_space<hbm>> -> memref<16x2x8x128xf32, #tpu.memory_space<hbm>>
    tpu.wait_dma2 semaphore(%arg20 : memref<!tpu.dma_semaphore, #tpu.memory_space<semaphore_mem>>) src(%arg9 : memref<16x2x8x128xf32, #tpu.memory_space<vmem>>) dst(%dma_wait3A_132 : memref<16x2x8x128xf32, #tpu.memory_space<hbm>>)
    %add3A_133 = arith.constant 384 : i32
    %add3A_134 = arith.addi %mul3A_2, %add3A_133 : i32
    %jit3A_135 = arith.constant 8 : i32
    %div3A_136 = arith.divsi %add3A_134, %jit3A_135 : i32
    %sign3A_137 = arith.constant 0 : i32
    %sign3A_138 = arith.cmpi sgt, %add3A_134, %sign3A_137 : i32
    %sign3A_139 = arith.extui %sign3A_138 : i1 to i32
    %sign3A_140 = arith.constant 0 : i32
    %sign3A_141 = arith.cmpi slt, %add3A_134, %sign3A_140 : i32
    %sign3A_142 = arith.extui %sign3A_141 : i1 to i32
    %sign3A_143 = arith.subi %sign3A_139, %sign3A_142 : i32
    %sign3A_144 = arith.constant 0 : i32
    %sign3A_145 = arith.cmpi sgt, %jit3A_135, %sign3A_144 : i32
    %sign3A_146 = arith.extui %sign3A_145 : i1 to i32
    %sign3A_147 = arith.constant 0 : i32
    %sign3A_148 = arith.cmpi slt, %jit3A_135, %sign3A_147 : i32
    %sign3A_149 = arith.extui %sign3A_148 : i1 to i32
    %sign3A_150 = arith.subi %sign3A_146, %sign3A_149 : i32
    %ne3A_151 = arith.cmpi ne, %sign3A_143, %sign3A_150 : i32
    %rem3A_152 = arith.remsi %add3A_134, %jit3A_135 : i32
    %ne3A_153 = arith.constant 0 : i32
    %ne3A_154 = arith.cmpi ne, %rem3A_152, %ne3A_153 : i32
    %and3A_155 = arith.andi %ne3A_151, %ne3A_154 : i1
    %sub3A_156 = arith.constant 1 : i32
    %sub3A_157 = arith.subi %div3A_136, %sub3A_156 : i32
    %select_n3A_158 = arith.select %and3A_155, %sub3A_157, %div3A_136 : i32
    %dma_wait3A_159 = arith.constant 49 : i32
    %dma_wait3A_160 = arith.constant 0 : i32
    %dma_wait3A_161 = arith.constant 0 : i32
    %dma_wait3A_162 = arith.constant 0 : i32
    %dma_wait3A_163 = tpu.memref_slice %arg5[%dma_wait3A_159, %select_n3A_158, %dma_wait3A_160, %dma_wait3A_161, %dma_wait3A_162] : memref<50x2048x2x8x128xf32, #tpu.memory_space<hbm>> -> memref<1x16x2x8x128xf32, #tpu.memory_space<hbm>>
    %dma_wait3A_164 = tpu.memref_squeeze %dma_wait3A_163 : memref<1x16x2x8x128xf32, #tpu.memory_space<hbm>> -> memref<16x2x8x128xf32, #tpu.memory_space<hbm>>
    %dma_wait3A_165 = arith.constant 0 : i32
    %dma_wait3A_166 = arith.constant 0 : i32
    %dma_wait3A_167 = arith.constant 0 : i32
    %dma_wait3A_168 = tpu.memref_slice %arg5[%dma_wait3A_159, %select_n3A_158, %dma_wait3A_165, %dma_wait3A_166, %dma_wait3A_167] : memref<50x2048x2x8x128xf32, #tpu.memory_space<hbm>> -> memref<1x16x2x8x128xf32, #tpu.memory_space<hbm>>
    %dma_wait3A_169 = tpu.memref_squeeze %dma_wait3A_168 : memref<1x16x2x8x128xf32, #tpu.memory_space<hbm>> -> memref<16x2x8x128xf32, #tpu.memory_space<hbm>>
    tpu.wait_dma2 semaphore(%arg21 : memref<!tpu.dma_semaphore, #tpu.memory_space<semaphore_mem>>) src(%arg10 : memref<16x2x8x128xf32, #tpu.memory_space<vmem>>) dst(%dma_wait3A_169 : memref<16x2x8x128xf32, #tpu.memory_space<hbm>>)
    return
  }
}

</mosaic_0001>

<sc_bundles>
// kernel: kernel.3.cloned.1.call-start
scs
__scs_entry_jumppad:
0x0: {  	(pc) =	sbr.rel $0x88, $3  }
0x1: {  	(tag) =	ssettag $0x0;
	lr =	simm.s32 $0x1  }
0x2: {  	[smem:$0x3F9E] =	sst lr;
	_ =	strace $0xD0000000  }
0x3: {  	_ = 	snop  }
0x4: {  	_ = 	snop  }
0x5: {  	_ = 	snop  }
0x6: {  	_ = 	snop  }
0x7: {  	_ = 	snop  }
__scs_overlays_trampoline_lowered:
0x8: {  	[smem:$0x3FAD] =	sst s0  }
0x9: {  	[smem:$0x3FAE] =	sst s1  }
0xa: {  	[smem:$0x3FAF] =	sst s2  }
0xb: {  	[smem:$0x3FB0] =	sst s3  }
0xc: {  	[smem:$0x3FB1] =	sst s4  }
0xd: {  	[smem:$0x3FB2] =	sst s5  }
0xe: {  	[smem:$0x3FB3] =	sst s6  }
0xf: {  	[smem:$0x3FB4] =	sst s7  }
0x10: {  	[smem:$0x3FB5] =	sst s8  }
0x11: {  	[smem:$0x3FB6] =	sst s9;
	s0 =	simm.s32 @!p0 $0x0  }
0x12: {  	s1 =	sld [smem:$0x3F9C];
	s0 =	simm.s32 @p0 $0x1  }
0x13: {  	[smem:$0x3FB7] =	sst s0;
	s0 =	simm.s32 @!p1 $0x0  }
0x14: {  	s2 =	sld [smem:$0x3F9B];
	s0 =	simm.s32 @p1 $0x1  }
0x15: {  	[smem:$0x3FB8] =	sst s0;
	s0 =	simm.s32 @!p2 $0x0  }
0x16: {  	s3 =	sld [smem:$0x3FDB];
	s0 =	simm.s32 @p2 $0x1  }
0x17: {  	s4 =	simm.s32 $0x1BF5;
	[smem:$0x3FBA] =	sst s0  }
0x18: {  	s0 =	sld [smem:$0x3F9D];
	_ =	swait.ge [sflag:s4], $0x0  }
0x19: {  	s7 =	sld [smem:$0x3F9E]  }
0x1a: {  	s8 =	sadd.s32 $0xFFFFE003, lr  }
0x1b: {  	s9 =	sadd.s32 $0xFFFFFEF7, lr;
	s5 =	simm.s32 $0xFFFFFFFF;
	p2 =	slt.u32 s8, $0xFFFFF086  }
0x1c: {  	p1 =	slt.u32 s9, $0xF7A;
	s5 =	simm.s32 @!p2 $0x0  }
0x1d: {  	s5 =	simm.s32 @p1 $0x1;
	p0 =	seq.s32 s7, s2  }
0x1e: {  	s7 =	smul.u32 @!p0 $0xF7A, s2;
	p2 =	seq.s32 @!p0 s5, $0x0  }
0x1f: {  	s9 =	smul.u32 $0xF7A, s1;
	s8 =	simm.s32 @!p0 $0x1BF5;
	p2 =	por !p2, p0  }
0x20: {  	[sflag:s8] =	ssyncset.s32 @!p0 $0xFFFFF086;
	s6 =	sadd.s32 @!p0 s3, s7;
	s7 =	simm.s32 @!p0 $0x108  }
0x21: {  	s3 =	sadd.s32 s3, s9;
	s6 =	sadd.s32 @!p0 $0x88, s6;
	s7 =	simm.s32 @p2 $0x1082  }
0x22: {  	[simem:s7], [sflag:s8] =	dma.local @!p0 [hbm:s6], $0xF7A  }
0x23: {  	s9 =	sor.u32 $0xD0000000, s2;
	s6 =	simm.s32 $0x108;
	_ =	swait.ge @!p0 [sflag:s8], $0x0  }
0x24: {  	s3 =	sadd.s32 $0x88, s3;
	s6 =	simm.s32 @!p1 $0x1082;
	[sflag:s4] =	ssyncset.s32 $0xFFFFF086  }
0x25: {  	[simem:s6], [sflag:s4] =	dma.local [hbm:s3], $0xF7A  }
0x26: {  	[smem:$0x3F9E] =	sst s1;
	(tag) =	ssettag s2;
	_ =	strace s9  }
0x27: {  	s1 =	sld [smem:$0x3FAE]  }
0x28: {  	s2 =	sld [smem:$0x3FAF]  }
0x29: {  	s4 =	sld [smem:$0x3FB1]  }
0x2a: {  	p0 =	seq.s32 s5, $0x0;
	s5 =	sld [smem:$0x3FB2]  }
0x2b: {  	s6 =	sld [smem:$0x3FB3]  }
0x2c: {  	s7 =	sld [smem:$0x3FB4]  }
0x2d: {  	s3 =	simm.s32 $0x108;
	s8 =	sld [smem:$0x3FB5]  }
0x2e: {  	s3 =	simm.s32 @!p0 $0x1082;
	s9 =	sld [smem:$0x3FB6]  }
0x2f: {  	lr =	sadd.s32 s0, s3;
	s0 =	sld [smem:$0x3FAD]  }
0x30: {  	s3 =	sld [smem:$0x3FB0]  }
0x31: {  	[smem:$0x3FB9] =	sst s10  }
0x32: {  	s10 =	sld [smem:$0x3FB7];
	_ =	sdelay $0x3  }
0x33: {  	p0 =	seq.s32 s10, $0x1;
	s10 =	sld [smem:$0x3FB9];
	_ =	sdelay $0x3  }
0x34: {  	[smem:$0x3FB9] =	sst s10  }
0x35: {  	s10 =	sld [smem:$0x3FB8];
	_ =	sdelay $0x3  }
0x36: {  	p1 =	seq.s32 s10, $0x1;
	s10 =	sld [smem:$0x3FB9];
	_ =	sdelay $0x3  }
0x37: {  	[smem:$0x3FB9] =	sst s10  }
0x38: {  	s10 =	sld [smem:$0x3FBA]  }
0x39: {  	_ = 	snop;
	(pc) =	sbr.ind lr, $3  }
0x3a: {  	_ = 	snop  }
0x3b: {  	_ = 	snop  }
0x3c: {  	p2 =	seq.s32 s10, $0x1;
	s10 =	sld [smem:$0x3FB9]  }
0x3d: {  	_ =	shalt  }
0x3e: {  	_ =	shalt  }
0x3f: {  	_ =	shalt  }
0x40: {  	_ =	shalt  }
0x41: {  	_ =	shalt  }
0x42: {  	_ =	shalt  }
0x43: {  	_ =	shalt  }
0x44: {  	_ =	shalt  }
0x45: {  	_ =	shalt  }
0x46: {  	_ =	shalt  }
0x47: {  	_ =	shalt  }
0x48: {  	_ =	shalt  }
0x49: {  	_ =	shalt  }
0x4a: {  	_ =	shalt  }
0x4b: {  	_ =	shalt  }
0x4c: {  	_ =	shalt  }
0x4d: {  	_ =	shalt  }
0x4e: {  	_ =	shalt  }
0x4f: {  	_ =	shalt  }
0x50: {  	_ =	shalt  }
0x51: {  	_ =	shalt  }
0x52: {  	_ =	shalt  }
0x53: {  	_ =	shalt  }
0x54: {  	_ =	shalt  }
0x55: {  	_ =	shalt  }
0x56: {  	_ =	shalt  }
0x57: {  	_ =	shalt  }
0x58: {  	_ =	shalt  }
0x59: {  	_ =	shalt  }
0x5a: {  	_ =	shalt  }
0x5b: {  	_ =	shalt  }
0x5c: {  	_ =	shalt  }
0x5d: {  	_ =	shalt  }
0x5e: {  	_ =	shalt  }
0x5f: {  	_ =	shalt  }
0x60: {  	_ =	shalt  }
0x61: {  	_ =	shalt  }
0x62: {  	_ =	shalt  }
0x63: {  	_ =	shalt  }
0x64: {  	_ =	shalt  }
0x65: {  	_ =	shalt  }
0x66: {  	_ =	shalt  }
0x67: {  	_ =	shalt  }
0x68: {  	_ =	shalt  }
0x69: {  	_ =	shalt  }
0x6a: {  	_ =	shalt  }
0x6b: {  	_ =	shalt  }
0x6c: {  	_ =	shalt  }
0x6d: {  	_ =	shalt  }
0x6e: {  	_ =	shalt  }
0x6f: {  	_ =	shalt  }
0x70: {  	_ =	shalt  }
0x71: {  	_ =	shalt  }
0x72: {  	_ =	shalt  }
0x73: {  	_ =	shalt  }
0x74: {  	_ =	shalt  }
0x75: {  	_ =	shalt  }
0x76: {  	_ =	shalt  }
0x77: {  	_ =	shalt  }
0x78: {  	_ =	shalt  }
0x79: {  	_ =	shalt  }
0x7a: {  	_ =	shalt  }
0x7b: {  	_ =	shalt  }
0x7c: {  	_ =	shalt  }
0x7d: {  	_ =	shalt  }
0x7e: {  	_ =	shalt  }
0x7f: {  	_ =	shalt  }
0x80: {  	_ =	shalt  }
0x81: {  	_ =	shalt  }
0x82: {  	_ =	shalt  }
0x83: {  	_ =	shalt  }
0x84: {  	_ =	shalt  }
0x85: {  	_ =	shalt  }
0x86: {  	_ =	shalt  }
0x87: {  	_ =	shalt  }
.Lfunc_end0:
.L_simem_size_0:
called_computation_lowered:
.L_overlay_start_0:
0x88: {  	s2 =	sld [smem:$0x3FD9]  }
0x89: {  	s3 =	sld [smem:$0x3FFE];
	_ =	sdelay $0x1  }
0x8a: {  	s1 =	srdreg.scid  }
0x8b: {  	s0 =	sand.u32 $0x1, s1  }
0x8c: {  	s17 =	sshll.u32 s0, $0xA;
	s2 =	sadd.s32 s3, s2  }
0x8d: {  	s2 =	sadd.s32 s2, s17  }
0x8e: {  	[smem:$0x3FC5] =	sst s2  }
0x8f: {  	_ = 	snop  }
0x90: {  	s2 =	sld [smem:$0x3FD0];
	(tm) =	ssettm $0x1  }
0x91: {  	s18 =	sld [smem:$0x3FFB];
	_ =	sdelay $0x3  }
0x92: {  	_ =	strace s18  }
0x93: {  	s3 =	sld [smem:$0x3FFC];
	_ =	sdelay $0x3  }
0x94: {  	_ =	strace s3  }
0x95: {  	s3 =	sld [smem:$0x3FFD];
	_ =	sdelay $0x3  }
0x96: {  	_ =	strace s3  }
0x97: {  	_ =	strace $0x8FFFFFFF  }
0x98: {  	s19 =	sld [smem:$0x3FDB];
	_ =	sdelay $0x1  }
0x99: {  	s4 =	simm.s32 $_scs_section_size  }
0x9a: {  	s5 =	simm.s32 $_size__tile_overlayer_lowered;
	s6 =	simm.s32 $_tile_overlayer_lowered  }
0x9b: {  	s22 =	simm.s32 $0x1BFF;
	s21 =	sshll.u32 s6, $0x1;
	s3 =	sadd.s32 s4, s19  }
0x9c: {  	s7 =	simm.s32 $0x0;
	s20 =	sshll.u32 s5, $0x1;
	s5 =	sadd.s32 s21, s3  }
0x9d: {  	[timem:s7], [sflag:s22] =	dma.local [hbm:s5], s20  }
0x9e: {  	_ =	swait.ge [sflag:s22], s20  }
0x9f: {  	s4 =	ssub.s32 $0x0, s20;
	[sflag:s22] =	ssyncset.done $0x0  }
0xa0: {  	[sflag:s22] =	ssyncadd.s32 s4;
	_ =	sdelay $0x1  }
0xa1: {  	s23 =	simm.s32 $0x1B8B  }
0xa2: {  	_ =	swait.ge [sflag:s23], $0x1  }
0xa3: {  	[sflag:s23] =	ssyncset.done $0x0  }
0xa4: {  	s25 =	simm.s32 $0x1B8E;
	s24 =	sld [smem:$0x3FFE];
	[sflag:s23] =	ssyncadd.s32 $0xFFFFFFFF  }
0xa5: {  	s26 =	simm.s32 $execute0_lowered;
	[smem:$0x3FD2] =	sst s25  }
0xa6: {  	s5 =	sshll.u32 s26, $0x1;
	_ =	strace $0x80000046;
	[dreg:$0x1] =	wrdreg $0xFFFFFFFF  }
0xa7: {  	s28 =	simm.s32 $_size_execute0_lowered;
	s3 =	sadd.s32 s3, s5;
	[dreg:$0x0] =	wrdreg $0x0  }
0xa8: {  	s5 =	sshll.u32 s28, $0x1;
	[dreg:$0x2] =	wrdreg s3  }
0xa9: {  	[dreg:$0x3] =	wrdreg s5  }
0xaa: {  	[dreg:$0x4] =	wrdreg $0xC0  }
0xab: {  	_ =	task [dreg:s7], $0x5FFFF  }
0xac: {  	[dreg:$0x1] =	wrdreg $0xFFFFFFFF  }
0xad: {  	[dreg:$0x0] =	wrdreg $0x60  }
0xae: {  	[dreg:$0x2] =	wrdreg s24  }
0xaf: {  	[dreg:$0x3] =	wrdreg s2  }
0xb0: {  	[dreg:$0x4] =	wrdreg $0x1C5400  }
0xb1: {  	[dreg:$0x5] =	wrdreg $0x9  }
0xb2: {  	_ =	task.clear_ibuf [dreg:s7], $0x6FFFF;
	_ =	strace $0x90000046  }
0xb3: {  	s29 =	simm.s32 $0x9;
	_ =	strace $0x80000048  }
0xb4: {  	_ =	swait.ge [sflag:s29], $0x1  }
0xb5: {  	[sflag:s29] =	ssyncadd.s32 $0xFFFFFFFF  }
0xb6: {  	_ =	strace $0x90000048  }
0xb7: {  	_ =	sfence  }
0xb8: {  	s30 =	sld [smem:$0x0];
	_ =	sdelay $0x2  }
0xb9: {  	s31 =	sshll.u32 s1, $0xD;
	s1 =	sshrl.u32 s1, $0x2  }
0xba: {  	s3 =	sand.u32 $0x4000, s31;
	s1 =	sadd.s32 s1, s30  }
0xbb: {  	s0 =	sor.u32 s3, s0;
	s1 =	sshll.u32 s1, $0x11  }
0xbc: {  	s0 =	sor.u32 s1, s0  }
0xbd: {  	s0 =	sadd.s32 $0x8F2B, s0  }
0xbe: {  	[sflag:s0] =	ssyncadd.remote.s32 $0x1  }
0xbf: {  	_ =	sfence.sel $0xFFFF  }
0xc0: {  	[dreg:$0x0] =	wrdreg $0xFFFFFFFF;
	(pc) =	sbr.abs _section_cstart, $3  }
0xc1: {  	[dreg:$0x1] =	wrdreg $0xFFFFFFFF  }
0xc2: {  	_ =	task.clear_ibuf [dreg:s7], $0x2FFFF;
	_ =	strace $0x9FFFFFFF  }
0xc3: {  	(tm) =	ssettm $0x7FFFFFFF  }
tec
execute0_lowered:
.L_overlay_start_1:
0x0: {  	(tag) =	ssettag $0x1  }
0x1: {  	s0 =	rddreg [dreg:$0x0]  }
0x2: {  	s1 =	rddreg [dreg:$0x1]  }
0x3: {  	s2 =	rddreg [dreg:$0x2]  }
0x4: {  	s3 =	simm.s32 $0x0;
	s4 =	srdreg.scid;
	s7 =	stileid.u32  }
0x5: {  	s28 =	simm.s32 $0x15100;
	s29 =	simm.s32 $0x5100;
	s30 =	simm.s32 $0x4  }
0x6: {  	s31 =	simm.s32 $0x18AE8;
	[smem:$0x7FF] =	sst s3;
	s6 =	sand.u32 $0x1, s4  }
0x7: {  	s4 =	sadd.s32 $0x800, s0;
	s8 =	sshll.u32 s7, $0xA;
	s5 =	sadd.s32 $0x19800, s0  }
0x8: {  	s0 =	sadd.s32 $0x400, s0;
	p0 =	sne.s32 s7, $0x0;
	s7 =	simm.s32 $0x6  }
0x9: {  	_ =	strace $0x80000047;
	s9 =	sshll.u32 s6, $0x9;
	s10 =	ssub.s32 $0x2, s6  }
0xa: {  	[dreg:$0x5] =	wrdreg s0;
	s18 =	sor.u32 s9, s8;
	s19 =	sshrl.u32 s10, $0x1  }
0xb: {  	s8 =	sor.u32 $0x80, s18;
	s0 =	ssub.s32 s10, s19;
	s9 =	sshrl.u32 s18, $0x3  }
0xc: {  	s23 =	sshll.u32 s18, $0x8;
	s14 =	sor.u32 $0x100, s18;
	[dreg:$0x4] =	wrdreg s18  }
0xd: {  	s16 =	sor.u32 $0x180, s18;
	s11 =	sadd.s32 s4, s9;
	[dreg:$0xa] =	wrdreg s23  }
0xe: {  	s10 =	simm.s32 $0x0;
	s9 =	sadd.s32 s5, s9;
	[dreg:$0x6] =	wrdreg s11  }
0xf: {  	s20 =	sshrl.u32 s8, $0x3;
	s24 =	sshll.u32 s8, $0x8;
	[dreg:$0x7] =	wrdreg s9  }
0x10: {  	s25 =	sshll.u32 s14, $0x8;
	s26 =	sshll.u32 s16, $0x8;
	[dreg:$0xb] =	wrdreg s24  }
0x11: {  	s0 =	smax.u32 s0, $0x1;
	s23 =	simm.s32 $0x100;
	[dreg:$0xc] =	wrdreg s25  }
.Ltmp0:
0x12: {  	s21 =	sadd.s32 s4, s20;
	[dreg:$0xd] =	wrdreg s26;
	(pc) =	sbr.rel .LBB2_1-.Ltmp0, $4  }
0x13: {  	s22 =	sadd.s32 s5, s20;
	[dreg:$0xe] =	wrdreg s0;
	s0 =	sshrl.u32 @!p0 s2, $0x3  }
0x14: {  	v0 =	vlaneseq.u32;
	s24 =	simm.s32 $0x5;
	s25 =	simm.s32 $0x3;
	[dreg:$0x8] =	wrdreg s21  }
0x15: {  	v1 =	vor.u32 $0x10, v0;
	v2 =	vor.u32 $0x20, v0;
	v3 =	vor.u32 $0x30, v0;
	s26 =	simm.s32 $0x2;
	s9 =	simm.s32 $0x7;
	[dreg:$0x9] =	wrdreg s22  }
0x16: {  	v4 =	vor.u32 $0x40, v0;
	v5 =	vor.u32 $0x50, v0;
	v6 =	vadd.s32 $0x5D, v0;
	[dreg:$0xf] =	wrdreg s0;
	s21 =	simm.s32 $0x80;
	s0 =	simm.s32 $0xD100  }
.LBB2_33:
0x17: {  	_ =	swait.ge [sflag:s7], $0x8000  }
0x18: {  	[sflag:s7] =	ssyncset.done $0x0  }
0x19: {  	[sflag:s7] =	ssyncadd.s32 $0xFFFF8000  }
0x1a: {  	_ =	swait.ge [sflag:s9], $0x8000  }
0x1b: {  	s10 =	rddreg [dreg:$0x10]  }
0x1c: {  	s6 =	rddreg [dreg:$0xe];
	s10 =	sadd.s32 $0x1, s10  }
0x1d: {  	p1 =	sne.s32 s10, s6  }
.Ltmp1:
0x1e: {  	_ = 	snop;
	(pc) =	sbr.rel @!p1 .LBB2_34-.Ltmp1, $3  }
0x1f: {  	_ =	sdelay $0x1  }
0x20: {  	[sflag:s9] =	ssyncset.done $0x0  }
0x21: {  	[sflag:s9] =	ssyncadd.s32 $0xFFFF8000  }
.LBB2_1:
0x22: {  	[dreg:$0x10] =	wrdreg s10  }
0x23: {  	s6 =	rddreg [dreg:$0x5]  }
0x24: {  	s10 =	simm.s32 @!p0 $0x1C08;
	s11 =	rddreg [dreg:$0xf]  }
0x25: {  	[spmem:s11], [sflag:s10] =	dma.local @!p0 [hbm:s6], $0x21C  }
0x26: {  	s10 =	simm.s32 @!p0 $0x8  }
0x27: {  	_ =	swait.ge @!p0 [sflag:s10], $0x21C  }
0x28: {  	[sflag:s10] =	ssyncset.done @!p0 $0x0  }
0x29: {  	[sflag:s10] =	ssyncadd.s32 @!p0 $0xFFFFFDE4  }
0x2a: {  	[tilespmem:$0x1C4D0] =	vst v0  }
0x2b: {  	[tilespmem:$0x1C4E0] =	vst v1  }
0x2c: {  	[tilespmem:$0x1C4F0] =	vst v2  }
0x2d: {  	[tilespmem:$0x1C500] =	vst v3  }
0x2e: {  	[tilespmem:$0x1C510] =	vst v4  }
0x2f: {  	[tilespmem:$0x1C520] =	vst v5  }
0x30: {  	[tilespmem:$0x1C530] =	vst v6  }
0x31: {  	[bflag:$0x0] =	sbarrier.arrive $0xFFFF  }
0x32: {  	s20 =	rddreg [dreg:$0x6]  }
0x33: {  	[tilespmem:s3], [sflag:$0x1] =	stream.linear.gather [hbm4b:s20+s3], $0x80, $0x38;
	[tilespmem:$0x1C650] =	vst v63  }
0x34: {  	s22 =	simm.s32 $0x15100;
	s10 =	simm.s32 $0x220;
	s11 =	rddreg [dreg:$0x7]  }
0x35: {  	[tilespmem:s22], [sflag:$0x3] =	stream.linear.gather [hbm4b:s11+s3], $0x80, $0x38;
	[tilespmem:$0x1C650] =	vst v63  }
.LBB2_2:
0x36: {  	p1 =	sne.s32 s10, $0xE580  }
.Ltmp2:
0x37: {  	_ = 	snop;
	(pc) =	sbr.rel @p1 .LBB2_2-.Ltmp2, $4  }
0x38: {  	_ = 	snop  }
0x39: {  	s12 =	sshra.s32 s10, $0x2;
	s10 =	sadd.s32 $0x220, s10  }
0x3a: {  	s11 =	sadd.s32 $0x800, s11;
	s12 =	sadd.s32 $0x15100, s12  }
0x3b: {  	[tilespmem:s12], [sflag:$0x3] =	stream.linear.gather [hbm4b:s11+s3], $0x80, $0x38;
	[tilespmem:$0x1C650] =	vst v63  }
0x3c: {  	s10 =	simm.s32 $0x0;
	s6 =	rddreg [dreg:$0x8]  }
0x3d: {  	[tilespmem:s21], [sflag:$0x2] =	stream.linear.gather [hbm4b:s6+s10], $0x80, $0x38;
	[tilespmem:$0x1C650] =	vst v63  }
0x3e: {  	s22 =	simm.s32 $0x18AE8;
	s11 =	rddreg [dreg:$0x9];
	s10 =	simm.s32 $0x220  }
0x3f: {  	[tilespmem:s22], [sflag:$0x4] =	stream.linear.gather [hbm4b:s11+s3], $0x80, $0x38;
	[tilespmem:$0x1C650] =	vst v63  }
.LBB2_4:
0x40: {  	p1 =	sne.s32 s10, $0xE580  }
.Ltmp3:
0x41: {  	_ = 	snop;
	(pc) =	sbr.rel @p1 .LBB2_4-.Ltmp3, $4  }
0x42: {  	_ = 	snop  }
0x43: {  	s12 =	sshra.s32 s10, $0x2;
	s10 =	sadd.s32 $0x220, s10  }
0x44: {  	s11 =	sadd.s32 $0x800, s11;
	s12 =	sadd.s32 $0x18AE8, s12  }
0x45: {  	[tilespmem:s12], [sflag:$0x4] =	stream.linear.gather [hbm4b:s11+s3], $0x80, $0x38;
	[tilespmem:$0x1C650] =	vst v63  }
0x46: {  	s6 =	simm.s32 $0x1  }
0x47: {  	_ =	swait.ge [sflag:s6], $0x80  }
0x48: {  	[sflag:s6] =	ssyncset.done $0x0  }
0x49: {  	s22 =	simm.s32 $0x0;
	s20 =	simm.s32 $0x0;
	[sflag:s6] =	ssyncadd.s32 $0xFFFFFF80  }
0x4a: {  	[tilespmem:s23], [sflag:$0x5] =	stream.indirect.gather [spmem:s2], $0xA0, s22, s21, $0xb8;
	[tilespmem:$0x1C650] =	vst v63  }
.LBB2_6:
0x4b: {  	_ =	swait.ge [sflag:s24], $0x5000  }
0x4c: {  	[sflag:s24] =	ssyncset.done $0x0  }
0x4d: {  	[sflag:s24] =	ssyncadd.s32 $0xFFFFB000  }
0x4e: {  	_ =	swait.ge [sflag:s25], $0x3680  }
0x4f: {  	p1 =	seq.s32 s20, $0x0;
	[sflag:s25] =	ssyncset.done $0x0  }
0x50: {  	s10 =	simm.s32 @!p1 $0x6;
	[sflag:s25] =	ssyncadd.s32 $0xFFFFC980  }
0x51: {  	_ =	swait.ge @!p1 [sflag:s10], $0x8000  }
0x52: {  	[sflag:s10] =	ssyncset.done @!p1 $0x0  }
0x53: {  	[sflag:s10] =	ssyncadd.s32 @!p1 $0xFFFF8000;
	s10 =	simm.s32 $0x1A0  }
0x54: {  	v7 =	vld [tilespmem:s10+$0xFFFFFF60]  }
0x55: {  	s6 =	simm.s32 $0x0  }
0x56: {  	s12 =	simm.s32 $0x0;
	s11 =	sand.u32 $0x7800, s6  }
0x57: {  	s12 =	sand.u32 $0x300, s12;
	s11 =	sadd.s32 $0x5100, s11  }
0x58: {  	s12 =	sadd.s32 s12, s11  }
0x59: {  	[tilespmem:s12+$0x0] =	vst v7  }
0x5a: {  	v7 =	vld [tilespmem:s10+$0xFFFFFF70];
	_ =	sdelay $0x4  }
0x5b: {  	[tilespmem:s12+$0x10] =	vst v7  }
0x5c: {  	v7 =	vld [tilespmem:s10+$0xFFFFFF80];
	_ =	sdelay $0x4  }
0x5d: {  	[tilespmem:s12+$0x20] =	vst v7  }
0x5e: {  	v7 =	vld [tilespmem:s10+$0xFFFFFF90];
	_ =	sdelay $0x4  }
0x5f: {  	[tilespmem:s12+$0x30] =	vst v7  }
0x60: {  	v7 =	vld [tilespmem:s10+$0xFFFFFFA0];
	_ =	sdelay $0x4  }
0x61: {  	[tilespmem:s12+$0x40] =	vst v7  }
0x62: {  	v7 =	vld [tilespmem:s10+$0xFFFFFFB0];
	_ =	sdelay $0x4  }
0x63: {  	[tilespmem:s12+$0x50] =	vst v7  }
0x64: {  	v7 =	vld [tilespmem:s10+$0xFFFFFFC0];
	_ =	sdelay $0x4  }
0x65: {  	[tilespmem:s12+$0x60] =	vst v7  }
0x66: {  	v7 =	vld [tilespmem:s10+$0xFFFFFFD0];
	_ =	sdelay $0x4  }
0x67: {  	[tilespmem:s12+$0x70] =	vst v7  }
0x68: {  	v7 =	vld [tilespmem:s10+$0xFFFFFFE0];
	_ =	sdelay $0x4  }
0x69: {  	[tilespmem:s12+$0x400] =	vst v7  }
0x6a: {  	v7 =	vld [tilespmem:s10+$0xFFFFFFE3];
	_ =	sdelay $0x4  }
0x6b: {  	[tilespmem:s12+$0x403] =	vst v7  }
0x6c: {  	v7 =	vld [tilespmem:s10+$0x0];
	_ =	sdelay $0x1  }
0x6d: {  	s22 =	simm.s32 $0x80  }
0x6e: {  	s12 =	sand.u32 $0x380, s22  }
0x6f: {  	s13 =	sadd.s32 s12, s11  }
0x70: {  	[tilespmem:s13+$0x0] =	vst v7  }
0x71: {  	v7 =	vld [tilespmem:s10+$0x10];
	_ =	sdelay $0x4  }
0x72: {  	[tilespmem:s13+$0x10] =	vst v7  }
0x73: {  	v7 =	vld [tilespmem:s10+$0x20];
	_ =	sdelay $0x4  }
0x74: {  	[tilespmem:s13+$0x20] =	vst v7  }
0x75: {  	v7 =	vld [tilespmem:s10+$0x30];
	_ =	sdelay $0x4  }
0x76: {  	[tilespmem:s13+$0x30] =	vst v7  }
0x77: {  	v7 =	vld [tilespmem:s10+$0x40];
	_ =	sdelay $0x4  }
0x78: {  	[tilespmem:s13+$0x40] =	vst v7  }
0x79: {  	v7 =	vld [tilespmem:s10+$0x50];
	_ =	sdelay $0x4  }
0x7a: {  	[tilespmem:s13+$0x50] =	vst v7  }
0x7b: {  	v7 =	vld [tilespmem:s10+$0x60];
	_ =	sdelay $0x4  }
0x7c: {  	[tilespmem:s13+$0x60] =	vst v7  }
0x7d: {  	v7 =	vld [tilespmem:s10+$0x70];
	_ =	sdelay $0x4  }
0x7e: {  	[tilespmem:s13+$0x70] =	vst v7  }
0x7f: {  	v7 =	vld [tilespmem:s10+$0x80];
	_ =	sdelay $0x4  }
0x80: {  	[tilespmem:s13+$0x400] =	vst v7  }
0x81: {  	s11 =	simm.s32 $0x180;
	s12 =	simm.s32 $0x0;
	v7 =	vld [tilespmem:s10+$0x83]  }
.LBB2_7:
0x82: {  	_ =	sdelay $0x3  }
0x83: {  	p2 =	sne.s32 s11, $0x3F80;
	s12 =	sadd.s32 $0x200, s12;
	s10 =	sadd.s32 $0x140, s10;
	[tilespmem:s13+$0x403] =	vst v7  }
0x84: {  	s13 =	smov.u32 s11;
	s11 =	sadd.s32 $0x100, s11;
	v7 =	vld [tilespmem:s10+$0xFFFFFF60];
	_ =	sdelay $0x1  }
0x85: {  	s15 =	sand.u32 $0x7800, s12;
	s17 =	sadd.s32 $0xFFFFFF80, s13  }
0x86: {  	s15 =	sadd.s32 $0x5100, s15;
	s17 =	sand.u32 $0x300, s17  }
0x87: {  	s17 =	sadd.s32 s17, s15  }
0x88: {  	[tilespmem:s17+$0x0] =	vst v7  }
0x89: {  	v7 =	vld [tilespmem:s10+$0xFFFFFF70];
	_ =	sdelay $0x4  }
0x8a: {  	[tilespmem:s17+$0x10] =	vst v7  }
0x8b: {  	v7 =	vld [tilespmem:s10+$0xFFFFFF80];
	_ =	sdelay $0x4  }
0x8c: {  	[tilespmem:s17+$0x20] =	vst v7  }
0x8d: {  	v7 =	vld [tilespmem:s10+$0xFFFFFF90];
	_ =	sdelay $0x4  }
0x8e: {  	[tilespmem:s17+$0x30] =	vst v7  }
0x8f: {  	v7 =	vld [tilespmem:s10+$0xFFFFFFA0];
	_ =	sdelay $0x4  }
0x90: {  	[tilespmem:s17+$0x40] =	vst v7  }
0x91: {  	v7 =	vld [tilespmem:s10+$0xFFFFFFB0];
	_ =	sdelay $0x4  }
0x92: {  	[tilespmem:s17+$0x50] =	vst v7  }
0x93: {  	v7 =	vld [tilespmem:s10+$0xFFFFFFC0];
	_ =	sdelay $0x4  }
0x94: {  	[tilespmem:s17+$0x60] =	vst v7  }
0x95: {  	v7 =	vld [tilespmem:s10+$0xFFFFFFD0];
	_ =	sdelay $0x4  }
0x96: {  	[tilespmem:s17+$0x70] =	vst v7  }
0x97: {  	v7 =	vld [tilespmem:s10+$0xFFFFFFE0];
	_ =	sdelay $0x4  }
0x98: {  	[tilespmem:s17+$0x400] =	vst v7  }
0x99: {  	v7 =	vld [tilespmem:s10+$0xFFFFFFE3];
	_ =	sdelay $0x4  }
0x9a: {  	[tilespmem:s17+$0x403] =	vst v7  }
0x9b: {  	v7 =	vld [tilespmem:s10+$0x0];
	_ =	sdelay $0x2  }
0x9c: {  	s13 =	sand.u32 $0x380, s13  }
0x9d: {  	s13 =	sadd.s32 s13, s15  }
0x9e: {  	[tilespmem:s13+$0x0] =	vst v7  }
0x9f: {  	v7 =	vld [tilespmem:s10+$0x10];
	_ =	sdelay $0x4  }
0xa0: {  	[tilespmem:s13+$0x10] =	vst v7  }
0xa1: {  	v7 =	vld [tilespmem:s10+$0x20];
	_ =	sdelay $0x4  }
0xa2: {  	[tilespmem:s13+$0x20] =	vst v7  }
0xa3: {  	v7 =	vld [tilespmem:s10+$0x30];
	_ =	sdelay $0x4  }
0xa4: {  	[tilespmem:s13+$0x30] =	vst v7  }
0xa5: {  	v7 =	vld [tilespmem:s10+$0x40];
	_ =	sdelay $0x4  }
0xa6: {  	[tilespmem:s13+$0x40] =	vst v7  }
0xa7: {  	v7 =	vld [tilespmem:s10+$0x50];
	_ =	sdelay $0x4  }
0xa8: {  	[tilespmem:s13+$0x50] =	vst v7  }
0xa9: {  	v7 =	vld [tilespmem:s10+$0x60];
	_ =	sdelay $0x4  }
0xaa: {  	[tilespmem:s13+$0x60] =	vst v7  }
0xab: {  	v7 =	vld [tilespmem:s10+$0x70];
	_ =	sdelay $0x4  }
0xac: {  	[tilespmem:s13+$0x70] =	vst v7  }
0xad: {  	v7 =	vld [tilespmem:s10+$0x80];
	_ =	sdelay $0x1  }
.Ltmp4:
0xae: {  	(pc) =	sbr.rel @p2 .LBB2_7-.Ltmp4, $3  }
0xaf: {  	_ =	sdelay $0x1  }
0xb0: {  	[tilespmem:s13+$0x400] =	vst v7  }
0xb1: {  	v7 =	vld [tilespmem:s10+$0x83]  }
0xb2: {  	_ =	sdelay $0x3  }
0xb3: {  	[tilespmem:s13+$0x403] =	vst v7  }
0xb4: {  	_ =	swait.ge [sflag:s26], $0x80  }
0xb5: {  	[sflag:s26] =	ssyncset.done $0x0  }
0xb6: {  	s10 =	simm.s32 $0x80;
	[sflag:s26] =	ssyncadd.s32 $0xFFFFFF80  }
0xb7: {  	[tilespmem:s23], [sflag:$0x5] =	stream.indirect.gather [spmem:s2], $0xA0, s10, s10, $0xb8;
	[tilespmem:$0x1C650] =	vst v63  }
0xb8: {  	v7 =	vld [tilespmem:$0x1C4D0];
	_ =	sdelay $0x3  }
0xb9: {  	s11 =	simm.s32 $0x0  }
0xba: {  	v8 =	vmov s11;
	v7 =	vmul.u32 $0x88, v7  }
0xbb: {  	v14 =	vand.u32 $0x78, v8;
	v9 =	vld [tilespmem:$0x1C4E0]  }
0xbc: {  	v15 =	vand.u32 $0x6, v8;
	v8 =	vadd.s32 v7, v14  }
0xbd: {  	v10 =	vor.u32 v15, v8;
	_ =	sdelay $0x2  }
0xbe: {  	v8 =	vmul.u32 $0x88, v9  }
0xbf: {  	v9 =	vld [tilespmem:$0x1C4F0]  }
0xc0: {  	s11 =	simm.s32 $0x0;
	v11 =	vadd.s32 v8, v14;
	v10 =	vld.idx.msk [tilespmem:v10+s28+$0x0], $0xffff  }
0xc1: {  	s12 =	sand.u32 $0x1E000, s11;
	v11 =	vor.u32 v15, v11  }
0xc2: {  	s19 =	simm.s32 $0x0;
	s12 =	sshrl.u32 s12, $0x2;
	v12 =	vld [tilespmem:$0x1C500]  }
0xc3: {  	s13 =	sand.u32 $0x300, s19;
	s12 =	sadd.s32 $0x5100, s12;
	v13 =	vld [tilespmem:$0x1C510]  }
0xc4: {  	s13 =	sadd.s32 s13, s12;
	v16 =	vld [tilespmem:$0x1C520];
	v9 =	vmul.u32 $0x88, v9  }
0xc5: {  	v17 =	vld [tilespmem:$0x1C530];
	[tilespmem:s13+$0x413] =	vst v10  }
0xc6: {  	v10 =	vadd.s32 v9, v14;
	v11 =	vld.idx.msk [tilespmem:v11+s28+$0x0], $0xffff  }
0xc7: {  	v18 =	vor.u32 v15, v10;
	_ =	sdelay $0x2  }
0xc8: {  	v10 =	vmul.u32 $0x88, v12  }
0xc9: {  	[tilespmem:s13+$0x423] =	vst v11  }
0xca: {  	v11 =	vadd.s32 v10, v14;
	v12 =	vld.idx.msk [tilespmem:v18+s28+$0x0], $0xffff  }
0xcb: {  	v61 =	vor.u32 v15, v11;
	_ =	sdelay $0x2  }
0xcc: {  	v11 =	vmul.u32 $0x88, v13  }
0xcd: {  	[tilespmem:s13+$0x433] =	vst v12  }
0xce: {  	v12 =	vadd.s32 v11, v14;
	v13 =	vld.idx.msk [tilespmem:v61+s28+$0x0], $0xffff  }
0xcf: {  	v62 =	vor.u32 v15, v12;
	_ =	sdelay $0x2  }
0xd0: {  	v12 =	vmul.u32 $0x88, v16  }
0xd1: {  	[tilespmem:s13+$0x443] =	vst v13  }
0xd2: {  	v13 =	vadd.s32 v12, v14;
	v16 =	vld.idx.msk [tilespmem:v62+s28+$0x0], $0xffff  }
0xd3: {  	v63 =	vor.u32 v15, v13;
	_ =	sdelay $0x2  }
0xd4: {  	v13 =	vmul.u32 $0x88, v17  }
0xd5: {  	[tilespmem:s13+$0x453] =	vst v16  }
0xd6: {  	v14 =	vadd.s32 v13, v14;
	v16 =	vld.idx.msk [tilespmem:v63+s28+$0x0], $0xffff  }
0xd7: {  	v14 =	vor.u32 v15, v14;
	_ =	sdelay $0x1  }
0xd8: {  	s15 =	simm.s32 $0x1  }
0xd9: {  	v15 =	vmov s15  }
0xda: {  	[tilespmem:s13+$0x463] =	vst v16;
	v16 =	vand.u32 $0x78, v15  }
0xdb: {  	v15 =	vand.u32 $0x7, v15;
	v14 =	vld.idx.msk [tilespmem:v14+s28+$0x0], $0xffff;
	v17 =	vadd.s32 v7, v16  }
0xdc: {  	v17 =	vor.u32 v15, v17;
	_ =	sdelay $0x3  }
0xdd: {  	[tilespmem:s13+$0x470] =	vst v14  }
0xde: {  	v14 =	vld.idx.msk [tilespmem:v17+s28+$0x0], $0xffff;
	v17 =	vadd.s32 v8, v16  }
0xdf: {  	v17 =	vor.u32 v15, v17;
	_ =	sdelay $0x1  }
0xe0: {  	s22 =	sand.u32 $0x380, s10  }
0xe1: {  	s15 =	sadd.s32 s22, s12  }
0xe2: {  	[tilespmem:s15+$0x413] =	vst v14  }
0xe3: {  	v14 =	vld.idx.msk [tilespmem:v17+s28+$0x0], $0xffff;
	v17 =	vadd.s32 v9, v16  }
0xe4: {  	v17 =	vor.u32 v15, v17;
	_ =	sdelay $0x3  }
0xe5: {  	[tilespmem:s15+$0x423] =	vst v14  }
0xe6: {  	v14 =	vld.idx.msk [tilespmem:v17+s28+$0x0], $0xffff;
	v17 =	vadd.s32 v10, v16  }
0xe7: {  	v17 =	vor.u32 v15, v17;
	_ =	sdelay $0x3  }
0xe8: {  	[tilespmem:s15+$0x433] =	vst v14  }
0xe9: {  	v14 =	vld.idx.msk [tilespmem:v17+s28+$0x0], $0xffff;
	v17 =	vadd.s32 v11, v16  }
0xea: {  	v17 =	vor.u32 v15, v17;
	_ =	sdelay $0x3  }
0xeb: {  	[tilespmem:s15+$0x443] =	vst v14  }
0xec: {  	v14 =	vld.idx.msk [tilespmem:v17+s28+$0x0], $0xffff;
	v17 =	vadd.s32 v12, v16  }
0xed: {  	v17 =	vor.u32 v15, v17;
	_ =	sdelay $0x3  }
0xee: {  	[tilespmem:s15+$0x453] =	vst v14  }
0xef: {  	v16 =	vadd.s32 v13, v16;
	v14 =	vld.idx.msk [tilespmem:v17+s28+$0x0], $0xffff  }
0xf0: {  	v15 =	vor.u32 v15, v16;
	_ =	sdelay $0x2  }
0xf1: {  	s17 =	simm.s32 $0x2;
	s12 =	simm.s32 $0x3;
	s13 =	simm.s32 $0x5  }
.LBB2_9:
0xf2: {  	p2 =	sne.s32 s13, $0x7F;
	v16 =	vmov s17;
	[tilespmem:s15+$0x463] =	vst v14  }
0xf3: {  	v14 =	vand.u32 $0x78, v16;
	v15 =	vld.idx.msk [tilespmem:v15+s28+$0x0], $0xffff  }
0xf4: {  	v16 =	vand.u32 $0x6, v16;
	v17 =	vadd.s32 v7, v14  }
0xf5: {  	v17 =	vor.u32 v16, v17;
	_ =	sdelay $0x3  }
0xf6: {  	[tilespmem:s15+$0x470] =	vst v15  }
0xf7: {  	v15 =	vld.idx.msk [tilespmem:v17+s28+$0x0], $0xffff  }
0xf8: {  	s11 =	sadd.s32 $0x800, s11;
	v17 =	vadd.s32 v8, v14  }
0xf9: {  	s10 =	sadd.s32 $0x100, s10;
	s15 =	sand.u32 $0x1E000, s11;
	v17 =	vor.u32 v16, v17  }
0xfa: {  	s17 =	sadd.s32 $0xFFFFFF80, s10;
	s15 =	sshrl.u32 s15, $0x2  }
0xfb: {  	s17 =	sand.u32 $0x300, s17;
	s15 =	sadd.s32 $0x5100, s15  }
0xfc: {  	s17 =	sadd.s32 s17, s15  }
0xfd: {  	[tilespmem:s17+$0x413] =	vst v15  }
0xfe: {  	v15 =	vld.idx.msk [tilespmem:v17+s28+$0x0], $0xffff  }
0xff: {  	v17 =	vadd.s32 v9, v14  }
0x100: {  	v17 =	vor.u32 v16, v17;
	_ =	sdelay $0x3  }
0x101: {  	[tilespmem:s17+$0x423] =	vst v15  }
0x102: {  	v15 =	vld.idx.msk [tilespmem:v17+s28+$0x0], $0xffff  }
0x103: {  	v17 =	vadd.s32 v10, v14  }
0x104: {  	v17 =	vor.u32 v16, v17;
	_ =	sdelay $0x3  }
0x105: {  	[tilespmem:s17+$0x433] =	vst v15  }
0x106: {  	v15 =	vld.idx.msk [tilespmem:v17+s28+$0x0], $0xffff  }
0x107: {  	v17 =	vadd.s32 v11, v14  }
0x108: {  	v17 =	vor.u32 v16, v17;
	_ =	sdelay $0x3  }
0x109: {  	[tilespmem:s17+$0x443] =	vst v15  }
0x10a: {  	v15 =	vld.idx.msk [tilespmem:v17+s28+$0x0], $0xffff  }
0x10b: {  	v17 =	vadd.s32 v12, v14  }
0x10c: {  	v17 =	vor.u32 v16, v17;
	_ =	sdelay $0x3  }
0x10d: {  	[tilespmem:s17+$0x453] =	vst v15  }
0x10e: {  	v15 =	vld.idx.msk [tilespmem:v17+s28+$0x0], $0xffff  }
0x10f: {  	v14 =	vadd.s32 v13, v14  }
0x110: {  	v14 =	vor.u32 v16, v14;
	_ =	sdelay $0x3  }
0x111: {  	[tilespmem:s17+$0x463] =	vst v15;
	v15 =	vmov s12;
	s12 =	smov.u32 s13  }
0x112: {  	v14 =	vld.idx.msk [tilespmem:v14+s28+$0x0], $0xffff;
	v16 =	vand.u32 $0x78, v15  }
0x113: {  	v15 =	vand.u32 $0x7, v15;
	v17 =	vadd.s32 v7, v16  }
0x114: {  	v17 =	vor.u32 v15, v17;
	_ =	sdelay $0x3  }
0x115: {  	[tilespmem:s17+$0x470] =	vst v14  }
0x116: {  	v14 =	vld.idx.msk [tilespmem:v17+s28+$0x0], $0xffff  }
0x117: {  	v17 =	vadd.s32 v8, v16  }
0x118: {  	v17 =	vor.u32 v15, v17;
	_ =	sdelay $0x1  }
0x119: {  	s17 =	sand.u32 $0x380, s10  }
0x11a: {  	s15 =	sadd.s32 s17, s15  }
0x11b: {  	[tilespmem:s15+$0x413] =	vst v14  }
0x11c: {  	v14 =	vld.idx.msk [tilespmem:v17+s28+$0x0], $0xffff  }
0x11d: {  	v17 =	vadd.s32 v9, v16  }
0x11e: {  	v17 =	vor.u32 v15, v17;
	_ =	sdelay $0x3  }
0x11f: {  	[tilespmem:s15+$0x423] =	vst v14  }
0x120: {  	v14 =	vld.idx.msk [tilespmem:v17+s28+$0x0], $0xffff  }
0x121: {  	v17 =	vadd.s32 v10, v16  }
0x122: {  	v17 =	vor.u32 v15, v17;
	_ =	sdelay $0x3  }
0x123: {  	[tilespmem:s15+$0x433] =	vst v14  }
0x124: {  	v14 =	vld.idx.msk [tilespmem:v17+s28+$0x0], $0xffff  }
0x125: {  	v17 =	vadd.s32 v11, v16  }
0x126: {  	v17 =	vor.u32 v15, v17;
	_ =	sdelay $0x3  }
0x127: {  	[tilespmem:s15+$0x443] =	vst v14  }
0x128: {  	v14 =	vld.idx.msk [tilespmem:v17+s28+$0x0], $0xffff  }
0x129: {  	v17 =	vadd.s32 v12, v16  }
0x12a: {  	v17 =	vor.u32 v15, v17;
	_ =	sdelay $0x3  }
0x12b: {  	[tilespmem:s15+$0x453] =	vst v14  }
0x12c: {  	v14 =	vld.idx.msk [tilespmem:v17+s28+$0x0], $0xffff  }
.Ltmp5:
0x12d: {  	v16 =	vadd.s32 v13, v16;
	(pc) =	sbr.rel @p2 .LBB2_9-.Ltmp5, $2  }
0x12e: {  	v15 =	vor.u32 v15, v16;
	_ =	sdelay $0x2  }
0x12f: {  	s13 =	sadd.s32 $0x2, s13;
	s17 =	sadd.s32 $0xFFFFFFFF, s12  }
0x130: {  	_ =	sdelay $0x1  }
0x131: {  	v16 =	vmov s17  }
0x132: {  	[tilespmem:s15+$0x463] =	vst v14;
	v56 =	vand.u32 $0x78, v16  }
0x133: {  	v15 =	vld.idx.msk [tilespmem:v15+s28+$0x0], $0xffff;
	v16 =	vand.u32 $0x6, v16;
	v17 =	vadd.s32 v7, v56  }
0x134: {  	v17 =	vor.u32 v16, v17;
	_ =	sdelay $0x3  }
0x135: {  	[tilespmem:s15+$0x470] =	vst v15  }
0x136: {  	s11 =	sadd.s32 $0x800, s11;
	v57 =	vadd.s32 v8, v56;
	v15 =	vld.idx.msk [tilespmem:v17+s28+$0x0], $0xffff  }
0x137: {  	s10 =	sadd.s32 $0x100, s10;
	s11 =	sand.u32 $0x1E000, s11;
	v17 =	vor.u32 v16, v57  }
0x138: {  	s13 =	sadd.s32 $0xFFFFFF80, s10;
	s11 =	sshrl.u32 s11, $0x2  }
0x139: {  	s13 =	sand.u32 $0x300, s13;
	s11 =	sadd.s32 $0x5100, s11  }
0x13a: {  	s13 =	sadd.s32 s13, s11  }
0x13b: {  	[tilespmem:s13+$0x413] =	vst v15  }
0x13c: {  	v58 =	vadd.s32 v9, v56;
	v15 =	vld.idx.msk [tilespmem:v17+s28+$0x0], $0xffff  }
0x13d: {  	v17 =	vor.u32 v16, v58;
	_ =	sdelay $0x3  }
0x13e: {  	[tilespmem:s13+$0x423] =	vst v15  }
0x13f: {  	v59 =	vadd.s32 v10, v56;
	v15 =	vld.idx.msk [tilespmem:v17+s28+$0x0], $0xffff  }
0x140: {  	v17 =	vor.u32 v16, v59;
	_ =	sdelay $0x3  }
0x141: {  	[tilespmem:s13+$0x433] =	vst v15  }
0x142: {  	v60 =	vadd.s32 v11, v56;
	v15 =	vld.idx.msk [tilespmem:v17+s28+$0x0], $0xffff  }
0x143: {  	v17 =	vor.u32 v16, v60;
	_ =	sdelay $0x3  }
0x144: {  	[tilespmem:s13+$0x443] =	vst v15  }
0x145: {  	v61 =	vadd.s32 v12, v56;
	v15 =	vld.idx.msk [tilespmem:v17+s28+$0x0], $0xffff  }
0x146: {  	v17 =	vor.u32 v16, v61;
	_ =	sdelay $0x3  }
0x147: {  	[tilespmem:s13+$0x453] =	vst v15  }
0x148: {  	v14 =	vadd.s32 v13, v56;
	v15 =	vld.idx.msk [tilespmem:v17+s28+$0x0], $0xffff  }
0x149: {  	v14 =	vor.u32 v16, v14;
	_ =	sdelay $0x2  }
0x14a: {  	v62 =	vmov s12  }
0x14b: {  	v63 =	vand.u32 $0x78, v62;
	[tilespmem:s13+$0x463] =	vst v15  }
0x14c: {  	v7 =	vadd.s32 v7, v63;
	v16 =	vand.u32 $0x7, v62;
	v14 =	vld.idx.msk [tilespmem:v14+s28+$0x0], $0xffff  }
0x14d: {  	v7 =	vor.u32 v16, v7;
	_ =	sdelay $0x3  }
0x14e: {  	[tilespmem:s13+$0x470] =	vst v14  }
0x14f: {  	v8 =	vadd.s32 v8, v63;
	v7 =	vld.idx.msk [tilespmem:v7+s28+$0x0], $0xffff  }
0x150: {  	v8 =	vor.u32 v16, v8;
	_ =	sdelay $0x1  }
0x151: {  	s10 =	sand.u32 $0x380, s10  }
0x152: {  	s10 =	sadd.s32 s10, s11  }
0x153: {  	[tilespmem:s10+$0x413] =	vst v7  }
0x154: {  	v7 =	vld.idx.msk [tilespmem:v8+s28+$0x0], $0xffff;
	v8 =	vadd.s32 v9, v63  }
0x155: {  	v8 =	vor.u32 v16, v8;
	_ =	sdelay $0x3  }
0x156: {  	[tilespmem:s10+$0x423] =	vst v7  }
0x157: {  	v7 =	vld.idx.msk [tilespmem:v8+s28+$0x0], $0xffff;
	v8 =	vadd.s32 v10, v63  }
0x158: {  	v8 =	vor.u32 v16, v8;
	_ =	sdelay $0x3  }
0x159: {  	[tilespmem:s10+$0x433] =	vst v7  }
0x15a: {  	v7 =	vld.idx.msk [tilespmem:v8+s28+$0x0], $0xffff;
	v8 =	vadd.s32 v11, v63  }
0x15b: {  	v8 =	vor.u32 v16, v8;
	_ =	sdelay $0x3  }
0x15c: {  	[tilespmem:s10+$0x443] =	vst v7  }
0x15d: {  	v7 =	vld.idx.msk [tilespmem:v8+s28+$0x0], $0xffff;
	v8 =	vadd.s32 v12, v63  }
0x15e: {  	v8 =	vor.u32 v16, v8;
	_ =	sdelay $0x3  }
0x15f: {  	[tilespmem:s10+$0x453] =	vst v7  }
0x160: {  	v7 =	vld.idx.msk [tilespmem:v8+s28+$0x0], $0xffff;
	v8 =	vadd.s32 v13, v63  }
0x161: {  	v8 =	vor.u32 v16, v8;
	_ =	sdelay $0x3  }
0x162: {  	[tilespmem:s10+$0x463] =	vst v7  }
0x163: {  	v7 =	vld.idx.msk [tilespmem:v8+s28+$0x0], $0xffff;
	_ =	sdelay $0x1  }
0x164: {  	s22 =	sshll.u32 s20, $0x16;
	s6 =	rddreg [dreg:$0xa]  }
0x165: {  	s6 =	sor.u32 s6, s22  }
0x166: {  	s11 =	sshrl.u32 s6, $0x3  }
0x167: {  	s12 =	sadd.s32 s1, s11;
	s13 =	simm.s32 $0x0;
	[tilespmem:s10+$0x470] =	vst v7;
	s10 =	sshll.u32 s20, $0xE  }
0x168: {  	[hbm4b:s12+s13] =	stream.linear.scatter [tilespmem:s29], [sflag:$0x6], $0x8000, $0x38;
	[tilespmem:$0x1C650] =	vst v63  }
0x169: {  	s15 =	sor.u32 s14, s10  }
0x16a: {  	s12 =	sshrl.u32 s15, $0x3  }
0x16b: {  	s17 =	sadd.s32 s4, s12;
	s12 =	smul.u32 $0x1B4000, s20  }
0x16c: {  	[tilespmem:s13], [sflag:$0x1] =	stream.linear.gather [hbm4b:s17+s13], $0x80, $0x38;
	[tilespmem:$0x1C650] =	vst v63  }
0x16d: {  	s18 =	sor.u32 s14, s12  }
0x16e: {  	s11 =	sshrl.u32 s18, $0x3  }
0x16f: {  	s19 =	simm.s32 $0x15100;
	s13 =	simm.s32 $0x220;
	s11 =	sadd.s32 s5, s11  }
0x170: {  	[tilespmem:s19], [sflag:$0x3] =	stream.linear.gather [hbm4b:s11+s3], $0x80, $0x38;
	[tilespmem:$0x1C650] =	vst v63  }
.LBB2_11:
0x171: {  	p2 =	sne.s32 s13, $0xE580  }
.Ltmp6:
0x172: {  	_ = 	snop;
	(pc) =	sbr.rel @p2 .LBB2_11-.Ltmp6, $4  }
0x173: {  	_ = 	snop  }
0x174: {  	s15 =	sshra.s32 s13, $0x2;
	s13 =	sadd.s32 $0x220, s13  }
0x175: {  	s11 =	sadd.s32 $0x800, s11;
	s15 =	sadd.s32 $0x15100, s15  }
0x176: {  	[tilespmem:s15], [sflag:$0x3] =	stream.linear.gather [hbm4b:s11+s3], $0x80, $0x38;
	[tilespmem:$0x1C650] =	vst v63  }
0x177: {  	_ =	swait.ge [sflag:s24], $0x5000  }
0x178: {  	[sflag:s24] =	ssyncset.done $0x0  }
0x179: {  	[sflag:s24] =	ssyncadd.s32 $0xFFFFB000  }
0x17a: {  	_ =	swait.ge [sflag:s30], $0x3680  }
0x17b: {  	[sflag:s30] =	ssyncset.done $0x0  }
0x17c: {  	s11 =	simm.s32 @!p1 $0x7;
	[sflag:s30] =	ssyncadd.s32 $0xFFFFC980  }
0x17d: {  	_ =	swait.ge @!p1 [sflag:s11], $0x8000  }
0x17e: {  	[sflag:s11] =	ssyncset.done @!p1 $0x0  }
0x17f: {  	[sflag:s11] =	ssyncadd.s32 @!p1 $0xFFFF8000;
	s11 =	simm.s32 $0x1A0  }
0x180: {  	v7 =	vld [tilespmem:s11+$0xFFFFFF60]  }
0x181: {  	s13 =	simm.s32 $0x0  }
0x182: {  	s17 =	simm.s32 $0x0;
	s15 =	sand.u32 $0x7800, s13  }
0x183: {  	s17 =	sand.u32 $0x300, s17;
	s15 =	sadd.s32 $0xD100, s15  }
0x184: {  	s17 =	sadd.s32 s17, s15  }
0x185: {  	[tilespmem:s17+$0x0] =	vst v7  }
0x186: {  	v7 =	vld [tilespmem:s11+$0xFFFFFF70];
	_ =	sdelay $0x4  }
0x187: {  	[tilespmem:s17+$0x10] =	vst v7  }
0x188: {  	v7 =	vld [tilespmem:s11+$0xFFFFFF80];
	_ =	sdelay $0x4  }
0x189: {  	[tilespmem:s17+$0x20] =	vst v7  }
0x18a: {  	v7 =	vld [tilespmem:s11+$0xFFFFFF90];
	_ =	sdelay $0x4  }
0x18b: {  	[tilespmem:s17+$0x30] =	vst v7  }
0x18c: {  	v7 =	vld [tilespmem:s11+$0xFFFFFFA0];
	_ =	sdelay $0x4  }
0x18d: {  	[tilespmem:s17+$0x40] =	vst v7  }
0x18e: {  	v7 =	vld [tilespmem:s11+$0xFFFFFFB0];
	_ =	sdelay $0x4  }
0x18f: {  	[tilespmem:s17+$0x50] =	vst v7  }
0x190: {  	v7 =	vld [tilespmem:s11+$0xFFFFFFC0];
	_ =	sdelay $0x4  }
0x191: {  	[tilespmem:s17+$0x60] =	vst v7  }
0x192: {  	v7 =	vld [tilespmem:s11+$0xFFFFFFD0];
	_ =	sdelay $0x4  }
0x193: {  	[tilespmem:s17+$0x70] =	vst v7  }
0x194: {  	v7 =	vld [tilespmem:s11+$0xFFFFFFE0];
	_ =	sdelay $0x4  }
0x195: {  	[tilespmem:s17+$0x400] =	vst v7  }
0x196: {  	v7 =	vld [tilespmem:s11+$0xFFFFFFE3];
	_ =	sdelay $0x4  }
0x197: {  	[tilespmem:s17+$0x403] =	vst v7  }
0x198: {  	v7 =	vld [tilespmem:s11+$0x0];
	_ =	sdelay $0x1  }
0x199: {  	s19 =	simm.s32 $0x80  }
0x19a: {  	s17 =	sand.u32 $0x380, s19  }
0x19b: {  	s17 =	sadd.s32 s17, s15  }
0x19c: {  	[tilespmem:s17+$0x0] =	vst v7  }
0x19d: {  	v7 =	vld [tilespmem:s11+$0x10];
	_ =	sdelay $0x4  }
0x19e: {  	[tilespmem:s17+$0x10] =	vst v7  }
0x19f: {  	v7 =	vld [tilespmem:s11+$0x20];
	_ =	sdelay $0x4  }
0x1a0: {  	[tilespmem:s17+$0x20] =	vst v7  }
0x1a1: {  	v7 =	vld [tilespmem:s11+$0x30];
	_ =	sdelay $0x4  }
0x1a2: {  	[tilespmem:s17+$0x30] =	vst v7  }
0x1a3: {  	v7 =	vld [tilespmem:s11+$0x40];
	_ =	sdelay $0x4  }
0x1a4: {  	[tilespmem:s17+$0x40] =	vst v7  }
0x1a5: {  	v7 =	vld [tilespmem:s11+$0x50];
	_ =	sdelay $0x4  }
0x1a6: {  	[tilespmem:s17+$0x50] =	vst v7  }
0x1a7: {  	v7 =	vld [tilespmem:s11+$0x60];
	_ =	sdelay $0x4  }
0x1a8: {  	[tilespmem:s17+$0x60] =	vst v7  }
0x1a9: {  	v7 =	vld [tilespmem:s11+$0x70];
	_ =	sdelay $0x4  }
0x1aa: {  	[tilespmem:s17+$0x70] =	vst v7  }
0x1ab: {  	v7 =	vld [tilespmem:s11+$0x80];
	_ =	sdelay $0x4  }
0x1ac: {  	[tilespmem:s17+$0x400] =	vst v7  }
0x1ad: {  	s15 =	simm.s32 $0x180;
	v7 =	vld [tilespmem:s11+$0x83]  }
.LBB2_13:
0x1ae: {  	_ =	sdelay $0x3  }
0x1af: {  	p1 =	sne.s32 s15, $0x3F80;
	s13 =	sadd.s32 $0x200, s13;
	s11 =	sadd.s32 $0x140, s11;
	[tilespmem:s17+$0x403] =	vst v7  }
0x1b0: {  	s17 =	smov.u32 s15;
	s15 =	sadd.s32 $0x100, s15;
	v7 =	vld [tilespmem:s11+$0xFFFFFF60];
	_ =	sdelay $0x1  }
0x1b1: {  	s18 =	sand.u32 $0x7800, s13;
	s19 =	sadd.s32 $0xFFFFFF80, s17  }
0x1b2: {  	s6 =	sand.u32 $0x300, s19;
	s19 =	sadd.s32 $0xD100, s18  }
0x1b3: {  	s18 =	sadd.s32 s6, s19  }
0x1b4: {  	[tilespmem:s18+$0x0] =	vst v7  }
0x1b5: {  	v7 =	vld [tilespmem:s11+$0xFFFFFF70];
	_ =	sdelay $0x4  }
0x1b6: {  	[tilespmem:s18+$0x10] =	vst v7  }
0x1b7: {  	v7 =	vld [tilespmem:s11+$0xFFFFFF80];
	_ =	sdelay $0x4  }
0x1b8: {  	[tilespmem:s18+$0x20] =	vst v7  }
0x1b9: {  	v7 =	vld [tilespmem:s11+$0xFFFFFF90];
	_ =	sdelay $0x4  }
0x1ba: {  	[tilespmem:s18+$0x30] =	vst v7  }
0x1bb: {  	v7 =	vld [tilespmem:s11+$0xFFFFFFA0];
	_ =	sdelay $0x4  }
0x1bc: {  	[tilespmem:s18+$0x40] =	vst v7  }
0x1bd: {  	v7 =	vld [tilespmem:s11+$0xFFFFFFB0];
	_ =	sdelay $0x4  }
0x1be: {  	[tilespmem:s18+$0x50] =	vst v7  }
0x1bf: {  	v7 =	vld [tilespmem:s11+$0xFFFFFFC0];
	_ =	sdelay $0x4  }
0x1c0: {  	[tilespmem:s18+$0x60] =	vst v7  }
0x1c1: {  	v7 =	vld [tilespmem:s11+$0xFFFFFFD0];
	_ =	sdelay $0x4  }
0x1c2: {  	[tilespmem:s18+$0x70] =	vst v7  }
0x1c3: {  	v7 =	vld [tilespmem:s11+$0xFFFFFFE0];
	_ =	sdelay $0x4  }
0x1c4: {  	[tilespmem:s18+$0x400] =	vst v7  }
0x1c5: {  	v7 =	vld [tilespmem:s11+$0xFFFFFFE3];
	_ =	sdelay $0x4  }
0x1c6: {  	[tilespmem:s18+$0x403] =	vst v7  }
0x1c7: {  	v7 =	vld [tilespmem:s11+$0x0];
	_ =	sdelay $0x2  }
0x1c8: {  	s6 =	sand.u32 $0x380, s17  }
0x1c9: {  	s17 =	sadd.s32 s6, s19  }
0x1ca: {  	[tilespmem:s17+$0x0] =	vst v7  }
0x1cb: {  	v7 =	vld [tilespmem:s11+$0x10];
	_ =	sdelay $0x4  }
0x1cc: {  	[tilespmem:s17+$0x10] =	vst v7  }
0x1cd: {  	v7 =	vld [tilespmem:s11+$0x20];
	_ =	sdelay $0x4  }
0x1ce: {  	[tilespmem:s17+$0x20] =	vst v7  }
0x1cf: {  	v7 =	vld [tilespmem:s11+$0x30];
	_ =	sdelay $0x4  }
0x1d0: {  	[tilespmem:s17+$0x30] =	vst v7  }
0x1d1: {  	v7 =	vld [tilespmem:s11+$0x40];
	_ =	sdelay $0x4  }
0x1d2: {  	[tilespmem:s17+$0x40] =	vst v7  }
0x1d3: {  	v7 =	vld [tilespmem:s11+$0x50];
	_ =	sdelay $0x4  }
0x1d4: {  	[tilespmem:s17+$0x50] =	vst v7  }
0x1d5: {  	v7 =	vld [tilespmem:s11+$0x60];
	_ =	sdelay $0x4  }
0x1d6: {  	[tilespmem:s17+$0x60] =	vst v7  }
0x1d7: {  	v7 =	vld [tilespmem:s11+$0x70];
	_ =	sdelay $0x4  }
0x1d8: {  	[tilespmem:s17+$0x70] =	vst v7  }
0x1d9: {  	v7 =	vld [tilespmem:s11+$0x80];
	_ =	sdelay $0x1  }
.Ltmp7:
0x1da: {  	(pc) =	sbr.rel @p1 .LBB2_13-.Ltmp7, $3  }
0x1db: {  	_ =	sdelay $0x1  }
0x1dc: {  	[tilespmem:s17+$0x400] =	vst v7  }
0x1dd: {  	v7 =	vld [tilespmem:s11+$0x83]  }
0x1de: {  	_ =	sdelay $0x3  }
0x1df: {  	s6 =	simm.s32 $0x1;
	[tilespmem:s17+$0x403] =	vst v7  }
0x1e0: {  	_ =	swait.ge [sflag:s6], $0x80  }
0x1e1: {  	[sflag:s6] =	ssyncset.done $0x0  }
0x1e2: {  	s11 =	simm.s32 $0x80;
	s19 =	simm.s32 $0x0;
	[sflag:s6] =	ssyncadd.s32 $0xFFFFFF80  }
0x1e3: {  	[tilespmem:s23], [sflag:$0x5] =	stream.indirect.gather [spmem:s2], $0xA0, s19, s11, $0xb8;
	[tilespmem:$0x1C650] =	vst v63  }
0x1e4: {  	v7 =	vld [tilespmem:$0x1C4D0];
	_ =	sdelay $0x3  }
0x1e5: {  	s13 =	simm.s32 $0x0  }
0x1e6: {  	v8 =	vmov s13;
	v7 =	vmul.u32 $0x88, v7  }
0x1e7: {  	v14 =	vand.u32 $0x78, v8;
	v9 =	vld [tilespmem:$0x1C4E0]  }
0x1e8: {  	v15 =	vand.u32 $0x6, v8;
	v8 =	vadd.s32 v7, v14  }
0x1e9: {  	v10 =	vor.u32 v15, v8;
	_ =	sdelay $0x2  }
0x1ea: {  	v8 =	vmul.u32 $0x88, v9  }
0x1eb: {  	v9 =	vld [tilespmem:$0x1C4F0]  }
0x1ec: {  	v11 =	vadd.s32 v8, v14;
	v10 =	vld.idx.msk [tilespmem:v10+s31+$0x0], $0xffff  }
0x1ed: {  	s17 =	sand.u32 $0x1E000, s19;
	v11 =	vor.u32 v15, v11  }
0x1ee: {  	s15 =	simm.s32 $0x0;
	s13 =	sshrl.u32 s17, $0x2;
	v12 =	vld [tilespmem:$0x1C500]  }
0x1ef: {  	s15 =	sand.u32 $0x300, s15;
	s13 =	sadd.s32 $0xD100, s13;
	v13 =	vld [tilespmem:$0x1C510]  }
0x1f0: {  	s15 =	sadd.s32 s15, s13;
	v16 =	vld [tilespmem:$0x1C520];
	v9 =	vmul.u32 $0x88, v9  }
0x1f1: {  	v17 =	vld [tilespmem:$0x1C530];
	[tilespmem:s15+$0x413] =	vst v10  }
0x1f2: {  	v10 =	vadd.s32 v9, v14;
	v11 =	vld.idx.msk [tilespmem:v11+s31+$0x0], $0xffff  }
0x1f3: {  	v18 =	vor.u32 v15, v10;
	_ =	sdelay $0x2  }
0x1f4: {  	v10 =	vmul.u32 $0x88, v12  }
0x1f5: {  	[tilespmem:s15+$0x423] =	vst v11  }
0x1f6: {  	v11 =	vadd.s32 v10, v14;
	v12 =	vld.idx.msk [tilespmem:v18+s31+$0x0], $0xffff  }
0x1f7: {  	v61 =	vor.u32 v15, v11;
	_ =	sdelay $0x2  }
0x1f8: {  	v11 =	vmul.u32 $0x88, v13  }
0x1f9: {  	[tilespmem:s15+$0x433] =	vst v12  }
0x1fa: {  	v12 =	vadd.s32 v11, v14;
	v13 =	vld.idx.msk [tilespmem:v61+s31+$0x0], $0xffff  }
0x1fb: {  	v62 =	vor.u32 v15, v12;
	_ =	sdelay $0x2  }
0x1fc: {  	v12 =	vmul.u32 $0x88, v16  }
0x1fd: {  	[tilespmem:s15+$0x443] =	vst v13  }
0x1fe: {  	v13 =	vadd.s32 v12, v14;
	v16 =	vld.idx.msk [tilespmem:v62+s31+$0x0], $0xffff  }
0x1ff: {  	v63 =	vor.u32 v15, v13;
	_ =	sdelay $0x2  }
0x200: {  	v13 =	vmul.u32 $0x88, v17  }
0x201: {  	[tilespmem:s15+$0x453] =	vst v16  }
0x202: {  	v14 =	vadd.s32 v13, v14;
	v16 =	vld.idx.msk [tilespmem:v63+s31+$0x0], $0xffff  }
0x203: {  	v14 =	vor.u32 v15, v14;
	_ =	sdelay $0x2  }
0x204: {  	v15 =	vmov s6  }
0x205: {  	[tilespmem:s15+$0x463] =	vst v16;
	v16 =	vand.u32 $0x78, v15  }
0x206: {  	v15 =	vand.u32 $0x7, v15;
	v14 =	vld.idx.msk [tilespmem:v14+s31+$0x0], $0xffff;
	v17 =	vadd.s32 v7, v16  }
0x207: {  	v17 =	vor.u32 v15, v17;
	_ =	sdelay $0x3  }
0x208: {  	[tilespmem:s15+$0x470] =	vst v14  }
0x209: {  	v14 =	vld.idx.msk [tilespmem:v17+s31+$0x0], $0xffff;
	v17 =	vadd.s32 v8, v16  }
0x20a: {  	v17 =	vor.u32 v15, v17;
	_ =	sdelay $0x1  }
0x20b: {  	s18 =	sand.u32 $0x380, s11  }
0x20c: {  	s17 =	sadd.s32 s18, s13  }
0x20d: {  	[tilespmem:s17+$0x413] =	vst v14  }
0x20e: {  	v14 =	vld.idx.msk [tilespmem:v17+s31+$0x0], $0xffff;
	v17 =	vadd.s32 v9, v16  }
0x20f: {  	v17 =	vor.u32 v15, v17;
	_ =	sdelay $0x3  }
0x210: {  	[tilespmem:s17+$0x423] =	vst v14  }
0x211: {  	v14 =	vld.idx.msk [tilespmem:v17+s31+$0x0], $0xffff;
	v17 =	vadd.s32 v10, v16  }
0x212: {  	v17 =	vor.u32 v15, v17;
	_ =	sdelay $0x3  }
0x213: {  	[tilespmem:s17+$0x433] =	vst v14  }
0x214: {  	v14 =	vld.idx.msk [tilespmem:v17+s31+$0x0], $0xffff;
	v17 =	vadd.s32 v11, v16  }
0x215: {  	v17 =	vor.u32 v15, v17;
	_ =	sdelay $0x3  }
0x216: {  	[tilespmem:s17+$0x443] =	vst v14  }
0x217: {  	v14 =	vld.idx.msk [tilespmem:v17+s31+$0x0], $0xffff;
	v17 =	vadd.s32 v12, v16  }
0x218: {  	v17 =	vor.u32 v15, v17;
	_ =	sdelay $0x3  }
0x219: {  	[tilespmem:s17+$0x453] =	vst v14  }
0x21a: {  	v16 =	vadd.s32 v13, v16;
	v14 =	vld.idx.msk [tilespmem:v17+s31+$0x0], $0xffff  }
0x21b: {  	v15 =	vor.u32 v15, v16;
	_ =	sdelay $0x2  }
0x21c: {  	s13 =	simm.s32 $0x3;
	s18 =	simm.s32 $0x2;
	s15 =	simm.s32 $0x5  }
.LBB2_15:
0x21d: {  	p1 =	sne.s32 s15, $0x7F;
	v16 =	vmov s18;
	[tilespmem:s17+$0x463] =	vst v14  }
0x21e: {  	v14 =	vand.u32 $0x78, v16;
	v15 =	vld.idx.msk [tilespmem:v15+s31+$0x0], $0xffff  }
0x21f: {  	v16 =	vand.u32 $0x6, v16;
	v17 =	vadd.s32 v7, v14  }
0x220: {  	v17 =	vor.u32 v16, v17;
	_ =	sdelay $0x3  }
0x221: {  	[tilespmem:s17+$0x470] =	vst v15  }
0x222: {  	v15 =	vld.idx.msk [tilespmem:v17+s31+$0x0], $0xffff  }
0x223: {  	s19 =	sadd.s32 $0x800, s19;
	v17 =	vadd.s32 v8, v14  }
0x224: {  	s11 =	sadd.s32 $0x100, s11;
	s6 =	sand.u32 $0x1E000, s19;
	v17 =	vor.u32 v16, v17  }
0x225: {  	s6 =	sshrl.u32 s6, $0x2;
	s17 =	sadd.s32 $0xFFFFFF80, s11  }
0x226: {  	s18 =	sand.u32 $0x300, s17;
	s17 =	sadd.s32 $0xD100, s6  }
0x227: {  	s18 =	sadd.s32 s18, s17  }
0x228: {  	[tilespmem:s18+$0x413] =	vst v15  }
0x229: {  	v15 =	vld.idx.msk [tilespmem:v17+s31+$0x0], $0xffff  }
0x22a: {  	v17 =	vadd.s32 v9, v14  }
0x22b: {  	v17 =	vor.u32 v16, v17;
	_ =	sdelay $0x3  }
0x22c: {  	[tilespmem:s18+$0x423] =	vst v15  }
0x22d: {  	v15 =	vld.idx.msk [tilespmem:v17+s31+$0x0], $0xffff  }
0x22e: {  	v17 =	vadd.s32 v10, v14  }
0x22f: {  	v17 =	vor.u32 v16, v17;
	_ =	sdelay $0x3  }
0x230: {  	[tilespmem:s18+$0x433] =	vst v15  }
0x231: {  	v15 =	vld.idx.msk [tilespmem:v17+s31+$0x0], $0xffff  }
0x232: {  	v17 =	vadd.s32 v11, v14  }
0x233: {  	v17 =	vor.u32 v16, v17;
	_ =	sdelay $0x3  }
0x234: {  	[tilespmem:s18+$0x443] =	vst v15  }
0x235: {  	v15 =	vld.idx.msk [tilespmem:v17+s31+$0x0], $0xffff  }
0x236: {  	v17 =	vadd.s32 v12, v14  }
0x237: {  	v17 =	vor.u32 v16, v17;
	_ =	sdelay $0x3  }
0x238: {  	[tilespmem:s18+$0x453] =	vst v15  }
0x239: {  	v15 =	vld.idx.msk [tilespmem:v17+s31+$0x0], $0xffff  }
0x23a: {  	v14 =	vadd.s32 v13, v14  }
0x23b: {  	v14 =	vor.u32 v16, v14;
	_ =	sdelay $0x3  }
0x23c: {  	[tilespmem:s18+$0x463] =	vst v15;
	v15 =	vmov s13;
	s13 =	smov.u32 s15  }
0x23d: {  	v14 =	vld.idx.msk [tilespmem:v14+s31+$0x0], $0xffff;
	v16 =	vand.u32 $0x78, v15  }
0x23e: {  	v15 =	vand.u32 $0x7, v15;
	v17 =	vadd.s32 v7, v16  }
0x23f: {  	v17 =	vor.u32 v15, v17;
	_ =	sdelay $0x3  }
0x240: {  	[tilespmem:s18+$0x470] =	vst v14  }
0x241: {  	v14 =	vld.idx.msk [tilespmem:v17+s31+$0x0], $0xffff  }
0x242: {  	v17 =	vadd.s32 v8, v16  }
0x243: {  	v17 =	vor.u32 v15, v17;
	_ =	sdelay $0x1  }
0x244: {  	s6 =	sand.u32 $0x380, s11  }
0x245: {  	s17 =	sadd.s32 s6, s17  }
0x246: {  	[tilespmem:s17+$0x413] =	vst v14  }
0x247: {  	v14 =	vld.idx.msk [tilespmem:v17+s31+$0x0], $0xffff  }
0x248: {  	v17 =	vadd.s32 v9, v16  }
0x249: {  	v17 =	vor.u32 v15, v17;
	_ =	sdelay $0x3  }
0x24a: {  	[tilespmem:s17+$0x423] =	vst v14  }
0x24b: {  	v14 =	vld.idx.msk [tilespmem:v17+s31+$0x0], $0xffff  }
0x24c: {  	v17 =	vadd.s32 v10, v16  }
0x24d: {  	v17 =	vor.u32 v15, v17;
	_ =	sdelay $0x3  }
0x24e: {  	[tilespmem:s17+$0x433] =	vst v14  }
0x24f: {  	v14 =	vld.idx.msk [tilespmem:v17+s31+$0x0], $0xffff  }
0x250: {  	v17 =	vadd.s32 v11, v16  }
0x251: {  	v17 =	vor.u32 v15, v17;
	_ =	sdelay $0x3  }
0x252: {  	[tilespmem:s17+$0x443] =	vst v14  }
0x253: {  	v14 =	vld.idx.msk [tilespmem:v17+s31+$0x0], $0xffff  }
0x254: {  	v17 =	vadd.s32 v12, v16  }
0x255: {  	v17 =	vor.u32 v15, v17;
	_ =	sdelay $0x3  }
0x256: {  	[tilespmem:s17+$0x453] =	vst v14  }
0x257: {  	v14 =	vld.idx.msk [tilespmem:v17+s31+$0x0], $0xffff  }
.Ltmp8:
0x258: {  	v16 =	vadd.s32 v13, v16;
	(pc) =	sbr.rel @p1 .LBB2_15-.Ltmp8, $2  }
0x259: {  	v15 =	vor.u32 v15, v16;
	_ =	sdelay $0x2  }
0x25a: {  	s15 =	sadd.s32 $0x2, s15;
	s18 =	sadd.s32 $0xFFFFFFFF, s13  }
0x25b: {  	_ =	sdelay $0x1  }
0x25c: {  	v16 =	vmov s18  }
0x25d: {  	[tilespmem:s17+$0x463] =	vst v14;
	v56 =	vand.u32 $0x78, v16  }
0x25e: {  	v15 =	vld.idx.msk [tilespmem:v15+s31+$0x0], $0xffff;
	v16 =	vand.u32 $0x6, v16;
	v17 =	vadd.s32 v7, v56  }
0x25f: {  	v17 =	vor.u32 v16, v17;
	_ =	sdelay $0x3  }
0x260: {  	[tilespmem:s17+$0x470] =	vst v15  }
0x261: {  	s6 =	sadd.s32 $0x800, s19;
	v57 =	vadd.s32 v8, v56;
	v15 =	vld.idx.msk [tilespmem:v17+s31+$0x0], $0xffff  }
0x262: {  	s11 =	sadd.s32 $0x100, s11;
	s6 =	sand.u32 $0x1E000, s6;
	v17 =	vor.u32 v16, v57  }
0x263: {  	s15 =	sadd.s32 $0xFFFFFF80, s11;
	s6 =	sshrl.u32 s6, $0x2  }
0x264: {  	s15 =	sand.u32 $0x300, s15;
	s6 =	sadd.s32 $0xD100, s6  }
0x265: {  	s15 =	sadd.s32 s15, s6  }
0x266: {  	[tilespmem:s15+$0x413] =	vst v15  }
0x267: {  	v58 =	vadd.s32 v9, v56;
	v15 =	vld.idx.msk [tilespmem:v17+s31+$0x0], $0xffff  }
0x268: {  	v17 =	vor.u32 v16, v58;
	_ =	sdelay $0x3  }
0x269: {  	[tilespmem:s15+$0x423] =	vst v15  }
0x26a: {  	v59 =	vadd.s32 v10, v56;
	v15 =	vld.idx.msk [tilespmem:v17+s31+$0x0], $0xffff  }
0x26b: {  	v17 =	vor.u32 v16, v59;
	_ =	sdelay $0x3  }
0x26c: {  	[tilespmem:s15+$0x433] =	vst v15  }
0x26d: {  	v60 =	vadd.s32 v11, v56;
	v15 =	vld.idx.msk [tilespmem:v17+s31+$0x0], $0xffff  }
0x26e: {  	v17 =	vor.u32 v16, v60;
	_ =	sdelay $0x3  }
0x26f: {  	[tilespmem:s15+$0x443] =	vst v15  }
0x270: {  	v61 =	vadd.s32 v12, v56;
	v15 =	vld.idx.msk [tilespmem:v17+s31+$0x0], $0xffff  }
0x271: {  	v17 =	vor.u32 v16, v61;
	_ =	sdelay $0x3  }
0x272: {  	[tilespmem:s15+$0x453] =	vst v15  }
0x273: {  	v14 =	vadd.s32 v13, v56;
	v15 =	vld.idx.msk [tilespmem:v17+s31+$0x0], $0xffff  }
0x274: {  	v14 =	vor.u32 v16, v14;
	_ =	sdelay $0x2  }
0x275: {  	v62 =	vmov s13  }
0x276: {  	v63 =	vand.u32 $0x78, v62;
	[tilespmem:s15+$0x463] =	vst v15  }
0x277: {  	v7 =	vadd.s32 v7, v63;
	v16 =	vand.u32 $0x7, v62;
	v14 =	vld.idx.msk [tilespmem:v14+s31+$0x0], $0xffff  }
0x278: {  	v7 =	vor.u32 v16, v7;
	_ =	sdelay $0x3  }
0x279: {  	[tilespmem:s15+$0x470] =	vst v14  }
0x27a: {  	v8 =	vadd.s32 v8, v63;
	v7 =	vld.idx.msk [tilespmem:v7+s31+$0x0], $0xffff  }
0x27b: {  	v8 =	vor.u32 v16, v8;
	_ =	sdelay $0x1  }
0x27c: {  	s11 =	sand.u32 $0x380, s11  }
0x27d: {  	s6 =	sadd.s32 s11, s6  }
0x27e: {  	[tilespmem:s6+$0x413] =	vst v7  }
0x27f: {  	v7 =	vld.idx.msk [tilespmem:v8+s31+$0x0], $0xffff;
	v8 =	vadd.s32 v9, v63  }
0x280: {  	v8 =	vor.u32 v16, v8;
	_ =	sdelay $0x3  }
0x281: {  	[tilespmem:s6+$0x423] =	vst v7  }
0x282: {  	v7 =	vld.idx.msk [tilespmem:v8+s31+$0x0], $0xffff;
	v8 =	vadd.s32 v10, v63  }
0x283: {  	v8 =	vor.u32 v16, v8;
	_ =	sdelay $0x3  }
0x284: {  	[tilespmem:s6+$0x433] =	vst v7  }
0x285: {  	v7 =	vld.idx.msk [tilespmem:v8+s31+$0x0], $0xffff;
	v8 =	vadd.s32 v11, v63  }
0x286: {  	v8 =	vor.u32 v16, v8;
	_ =	sdelay $0x3  }
0x287: {  	[tilespmem:s6+$0x443] =	vst v7  }
0x288: {  	v7 =	vld.idx.msk [tilespmem:v8+s31+$0x0], $0xffff;
	v8 =	vadd.s32 v12, v63  }
0x289: {  	v8 =	vor.u32 v16, v8;
	_ =	sdelay $0x3  }
0x28a: {  	[tilespmem:s6+$0x453] =	vst v7  }
0x28b: {  	v7 =	vld.idx.msk [tilespmem:v8+s31+$0x0], $0xffff;
	v8 =	vadd.s32 v13, v63  }
0x28c: {  	v8 =	vor.u32 v16, v8;
	_ =	sdelay $0x3  }
0x28d: {  	[tilespmem:s6+$0x463] =	vst v7  }
0x28e: {  	v7 =	vld.idx.msk [tilespmem:v8+s31+$0x0], $0xffff;
	_ =	sdelay $0x1  }
0x28f: {  	s19 =	rddreg [dreg:$0xb]  }
0x290: {  	s11 =	sor.u32 s19, s22  }
0x291: {  	s11 =	sshrl.u32 s11, $0x3;
	s17 =	sor.u32 s16, s10  }
0x292: {  	s13 =	sadd.s32 s1, s11;
	s15 =	simm.s32 $0x0;
	[tilespmem:s6+$0x470] =	vst v7;
	s6 =	sshrl.u32 s17, $0x3  }
0x293: {  	[hbm4b:s13+s15] =	stream.linear.scatter [tilespmem:s0], [sflag:$0x7], $0x8000, $0x38;
	[tilespmem:$0x1C650] =	vst v63  }
0x294: {  	s18 =	sor.u32 s16, s12;
	s6 =	sadd.s32 s4, s6  }
0x295: {  	[tilespmem:s21], [sflag:$0x2] =	stream.linear.gather [hbm4b:s6+s15], $0x80, $0x38;
	[tilespmem:$0x1C650] =	vst v63  }
0x296: {  	s6 =	sshrl.u32 s18, $0x3  }
0x297: {  	s19 =	simm.s32 $0x18AE8;
	s11 =	simm.s32 $0x220;
	s10 =	sadd.s32 s5, s6  }
0x298: {  	[tilespmem:s19], [sflag:$0x4] =	stream.linear.gather [hbm4b:s10+s3], $0x80, $0x38;
	[tilespmem:$0x1C650] =	vst v63  }
.LBB2_17:
0x299: {  	p1 =	sne.s32 s11, $0xE580  }
.Ltmp9:
0x29a: {  	_ = 	snop;
	(pc) =	sbr.rel @p1 .LBB2_17-.Ltmp9, $4  }
0x29b: {  	_ = 	snop  }
0x29c: {  	s6 =	sshra.s32 s11, $0x2;
	s11 =	sadd.s32 $0x220, s11  }
0x29d: {  	s10 =	sadd.s32 $0x800, s10;
	s6 =	sadd.s32 $0x18AE8, s6  }
0x29e: {  	[tilespmem:s6], [sflag:$0x4] =	stream.linear.gather [hbm4b:s10+s3], $0x80, $0x38;
	[tilespmem:$0x1C650] =	vst v63  }
0x29f: {  	_ =	swait.ge [sflag:s24], $0x5000  }
0x2a0: {  	[sflag:s24] =	ssyncset.done $0x0  }
0x2a1: {  	[sflag:s24] =	ssyncadd.s32 $0xFFFFB000  }
0x2a2: {  	_ =	swait.ge [sflag:s25], $0x3680  }
0x2a3: {  	[sflag:s25] =	ssyncset.done $0x0  }
0x2a4: {  	[sflag:s25] =	ssyncadd.s32 $0xFFFFC980  }
0x2a5: {  	_ =	swait.ge [sflag:s7], $0x8000  }
0x2a6: {  	[sflag:s7] =	ssyncset.done $0x0  }
0x2a7: {  	s11 =	simm.s32 $0x1A0;
	[sflag:s7] =	ssyncadd.s32 $0xFFFF8000  }
0x2a8: {  	v7 =	vld [tilespmem:s11+$0xFFFFFF60]  }
0x2a9: {  	s12 =	simm.s32 $0x0  }
0x2aa: {  	s10 =	simm.s32 $0x0;
	s6 =	sand.u32 $0x7800, s12  }
0x2ab: {  	s10 =	sand.u32 $0x300, s10;
	s6 =	sadd.s32 $0x5100, s6  }
0x2ac: {  	s10 =	sadd.s32 s10, s6  }
0x2ad: {  	[tilespmem:s10+$0x0] =	vst v7  }
0x2ae: {  	v7 =	vld [tilespmem:s11+$0xFFFFFF70];
	_ =	sdelay $0x4  }
0x2af: {  	[tilespmem:s10+$0x10] =	vst v7  }
0x2b0: {  	v7 =	vld [tilespmem:s11+$0xFFFFFF80];
	_ =	sdelay $0x4  }
0x2b1: {  	[tilespmem:s10+$0x20] =	vst v7  }
0x2b2: {  	v7 =	vld [tilespmem:s11+$0xFFFFFF90];
	_ =	sdelay $0x4  }
0x2b3: {  	[tilespmem:s10+$0x30] =	vst v7  }
0x2b4: {  	v7 =	vld [tilespmem:s11+$0xFFFFFFA0];
	_ =	sdelay $0x4  }
0x2b5: {  	[tilespmem:s10+$0x40] =	vst v7  }
0x2b6: {  	v7 =	vld [tilespmem:s11+$0xFFFFFFB0];
	_ =	sdelay $0x4  }
0x2b7: {  	[tilespmem:s10+$0x50] =	vst v7  }
0x2b8: {  	v7 =	vld [tilespmem:s11+$0xFFFFFFC0];
	_ =	sdelay $0x4  }
0x2b9: {  	[tilespmem:s10+$0x60] =	vst v7  }
0x2ba: {  	v7 =	vld [tilespmem:s11+$0xFFFFFFD0];
	_ =	sdelay $0x4  }
0x2bb: {  	[tilespmem:s10+$0x70] =	vst v7  }
0x2bc: {  	v7 =	vld [tilespmem:s11+$0xFFFFFFE0];
	_ =	sdelay $0x4  }
0x2bd: {  	[tilespmem:s10+$0x400] =	vst v7  }
0x2be: {  	v7 =	vld [tilespmem:s11+$0xFFFFFFE3];
	_ =	sdelay $0x4  }
0x2bf: {  	[tilespmem:s10+$0x403] =	vst v7  }
0x2c0: {  	v7 =	vld [tilespmem:s11+$0x0];
	_ =	sdelay $0x1  }
0x2c1: {  	s18 =	simm.s32 $0x80  }
0x2c2: {  	s10 =	sand.u32 $0x380, s18  }
0x2c3: {  	s15 =	sadd.s32 s10, s6  }
0x2c4: {  	[tilespmem:s15+$0x0] =	vst v7  }
0x2c5: {  	v7 =	vld [tilespmem:s11+$0x10];
	_ =	sdelay $0x4  }
0x2c6: {  	[tilespmem:s15+$0x10] =	vst v7  }
0x2c7: {  	v7 =	vld [tilespmem:s11+$0x20];
	_ =	sdelay $0x4  }
0x2c8: {  	[tilespmem:s15+$0x20] =	vst v7  }
0x2c9: {  	v7 =	vld [tilespmem:s11+$0x30];
	_ =	sdelay $0x4  }
0x2ca: {  	[tilespmem:s15+$0x30] =	vst v7  }
0x2cb: {  	v7 =	vld [tilespmem:s11+$0x40];
	_ =	sdelay $0x4  }
0x2cc: {  	[tilespmem:s15+$0x40] =	vst v7  }
0x2cd: {  	v7 =	vld [tilespmem:s11+$0x50];
	_ =	sdelay $0x4  }
0x2ce: {  	[tilespmem:s15+$0x50] =	vst v7  }
0x2cf: {  	v7 =	vld [tilespmem:s11+$0x60];
	_ =	sdelay $0x4  }
0x2d0: {  	[tilespmem:s15+$0x60] =	vst v7  }
0x2d1: {  	v7 =	vld [tilespmem:s11+$0x70];
	_ =	sdelay $0x4  }
0x2d2: {  	[tilespmem:s15+$0x70] =	vst v7  }
0x2d3: {  	v7 =	vld [tilespmem:s11+$0x80];
	_ =	sdelay $0x2  }
0x2d4: {  	s19 =	rddreg [dreg:$0xc]  }
0x2d5: {  	s6 =	sor.u32 s19, s22  }
0x2d6: {  	s6 =	sshrl.u32 s6, $0x3;
	[tilespmem:s15+$0x400] =	vst v7  }
0x2d7: {  	s13 =	simm.s32 $0x180;
	s10 =	sadd.s32 s1, s6;
	v7 =	vld [tilespmem:s11+$0x83]  }
.LBB2_19:
0x2d8: {  	_ =	sdelay $0x3  }
0x2d9: {  	p1 =	sne.s32 s13, $0x3F80;
	s12 =	sadd.s32 $0x200, s12;
	s11 =	sadd.s32 $0x140, s11;
	[tilespmem:s15+$0x403] =	vst v7  }
0x2da: {  	s15 =	smov.u32 s13;
	s13 =	sadd.s32 $0x100, s13;
	v7 =	vld [tilespmem:s11+$0xFFFFFF60];
	_ =	sdelay $0x1  }
0x2db: {  	s6 =	sand.u32 $0x7800, s12;
	s17 =	sadd.s32 $0xFFFFFF80, s15  }
0x2dc: {  	s18 =	sand.u32 $0x300, s17;
	s17 =	sadd.s32 $0x5100, s6  }
0x2dd: {  	s18 =	sadd.s32 s18, s17  }
0x2de: {  	[tilespmem:s18+$0x0] =	vst v7  }
0x2df: {  	v7 =	vld [tilespmem:s11+$0xFFFFFF70];
	_ =	sdelay $0x4  }
0x2e0: {  	[tilespmem:s18+$0x10] =	vst v7  }
0x2e1: {  	v7 =	vld [tilespmem:s11+$0xFFFFFF80];
	_ =	sdelay $0x4  }
0x2e2: {  	[tilespmem:s18+$0x20] =	vst v7  }
0x2e3: {  	v7 =	vld [tilespmem:s11+$0xFFFFFF90];
	_ =	sdelay $0x4  }
0x2e4: {  	[tilespmem:s18+$0x30] =	vst v7  }
0x2e5: {  	v7 =	vld [tilespmem:s11+$0xFFFFFFA0];
	_ =	sdelay $0x4  }
0x2e6: {  	[tilespmem:s18+$0x40] =	vst v7  }
0x2e7: {  	v7 =	vld [tilespmem:s11+$0xFFFFFFB0];
	_ =	sdelay $0x4  }
0x2e8: {  	[tilespmem:s18+$0x50] =	vst v7  }
0x2e9: {  	v7 =	vld [tilespmem:s11+$0xFFFFFFC0];
	_ =	sdelay $0x4  }
0x2ea: {  	[tilespmem:s18+$0x60] =	vst v7  }
0x2eb: {  	v7 =	vld [tilespmem:s11+$0xFFFFFFD0];
	_ =	sdelay $0x4  }
0x2ec: {  	[tilespmem:s18+$0x70] =	vst v7  }
0x2ed: {  	v7 =	vld [tilespmem:s11+$0xFFFFFFE0];
	_ =	sdelay $0x4  }
0x2ee: {  	[tilespmem:s18+$0x400] =	vst v7  }
0x2ef: {  	v7 =	vld [tilespmem:s11+$0xFFFFFFE3];
	_ =	sdelay $0x4  }
0x2f0: {  	[tilespmem:s18+$0x403] =	vst v7  }
0x2f1: {  	v7 =	vld [tilespmem:s11+$0x0];
	_ =	sdelay $0x2  }
0x2f2: {  	s6 =	sand.u32 $0x380, s15  }
0x2f3: {  	s15 =	sadd.s32 s6, s17  }
0x2f4: {  	[tilespmem:s15+$0x0] =	vst v7  }
0x2f5: {  	v7 =	vld [tilespmem:s11+$0x10];
	_ =	sdelay $0x4  }
0x2f6: {  	[tilespmem:s15+$0x10] =	vst v7  }
0x2f7: {  	v7 =	vld [tilespmem:s11+$0x20];
	_ =	sdelay $0x4  }
0x2f8: {  	[tilespmem:s15+$0x20] =	vst v7  }
0x2f9: {  	v7 =	vld [tilespmem:s11+$0x30];
	_ =	sdelay $0x4  }
0x2fa: {  	[tilespmem:s15+$0x30] =	vst v7  }
0x2fb: {  	v7 =	vld [tilespmem:s11+$0x40];
	_ =	sdelay $0x4  }
0x2fc: {  	[tilespmem:s15+$0x40] =	vst v7  }
0x2fd: {  	v7 =	vld [tilespmem:s11+$0x50];
	_ =	sdelay $0x4  }
0x2fe: {  	[tilespmem:s15+$0x50] =	vst v7  }
0x2ff: {  	v7 =	vld [tilespmem:s11+$0x60];
	_ =	sdelay $0x4  }
0x300: {  	[tilespmem:s15+$0x60] =	vst v7  }
0x301: {  	v7 =	vld [tilespmem:s11+$0x70];
	_ =	sdelay $0x4  }
0x302: {  	[tilespmem:s15+$0x70] =	vst v7  }
0x303: {  	v7 =	vld [tilespmem:s11+$0x80];
	_ =	sdelay $0x1  }
.Ltmp10:
0x304: {  	(pc) =	sbr.rel @p1 .LBB2_19-.Ltmp10, $3  }
0x305: {  	_ =	sdelay $0x1  }
0x306: {  	[tilespmem:s15+$0x400] =	vst v7  }
0x307: {  	v7 =	vld [tilespmem:s11+$0x83]  }
0x308: {  	_ =	sdelay $0x3  }
0x309: {  	[tilespmem:s15+$0x403] =	vst v7  }
0x30a: {  	_ =	swait.ge [sflag:s26], $0x80  }
0x30b: {  	[sflag:s26] =	ssyncset.done $0x0  }
0x30c: {  	s12 =	simm.s32 $0x80;
	[sflag:s26] =	ssyncadd.s32 $0xFFFFFF80  }
0x30d: {  	[tilespmem:s23], [sflag:$0x5] =	stream.indirect.gather [spmem:s2], $0xA0, s12, s12, $0xb8;
	[tilespmem:$0x1C650] =	vst v63  }
0x30e: {  	v7 =	vld [tilespmem:$0x1C4D0];
	_ =	sdelay $0x3  }
0x30f: {  	s6 =	simm.s32 $0x0  }
0x310: {  	v8 =	vmov s6;
	v7 =	vmul.u32 $0x88, v7  }
0x311: {  	v14 =	vand.u32 $0x78, v8;
	v9 =	vld [tilespmem:$0x1C4E0]  }
0x312: {  	v15 =	vand.u32 $0x6, v8;
	v8 =	vadd.s32 v7, v14  }
0x313: {  	v10 =	vor.u32 v15, v8;
	_ =	sdelay $0x2  }
0x314: {  	v8 =	vmul.u32 $0x88, v9  }
0x315: {  	v9 =	vld [tilespmem:$0x1C4F0]  }
0x316: {  	s11 =	simm.s32 $0x0;
	v11 =	vadd.s32 v8, v14;
	v10 =	vld.idx.msk [tilespmem:v10+s28+$0x0], $0xffff  }
0x317: {  	s17 =	sand.u32 $0x1E000, s11;
	v11 =	vor.u32 v15, v11  }
0x318: {  	s13 =	simm.s32 $0x0;
	s6 =	sshrl.u32 s17, $0x2;
	v12 =	vld [tilespmem:$0x1C500]  }
0x319: {  	s13 =	sand.u32 $0x300, s13;
	s6 =	sadd.s32 $0x5100, s6;
	v13 =	vld [tilespmem:$0x1C510]  }
0x31a: {  	s13 =	sadd.s32 s13, s6;
	v16 =	vld [tilespmem:$0x1C520];
	v9 =	vmul.u32 $0x88, v9  }
0x31b: {  	v17 =	vld [tilespmem:$0x1C530];
	[tilespmem:s13+$0x413] =	vst v10  }
0x31c: {  	v10 =	vadd.s32 v9, v14;
	v11 =	vld.idx.msk [tilespmem:v11+s28+$0x0], $0xffff  }
0x31d: {  	v18 =	vor.u32 v15, v10;
	_ =	sdelay $0x2  }
0x31e: {  	v10 =	vmul.u32 $0x88, v12  }
0x31f: {  	[tilespmem:s13+$0x423] =	vst v11  }
0x320: {  	v11 =	vadd.s32 v10, v14;
	v12 =	vld.idx.msk [tilespmem:v18+s28+$0x0], $0xffff  }
0x321: {  	v61 =	vor.u32 v15, v11;
	_ =	sdelay $0x2  }
0x322: {  	v11 =	vmul.u32 $0x88, v13  }
0x323: {  	[tilespmem:s13+$0x433] =	vst v12  }
0x324: {  	v12 =	vadd.s32 v11, v14;
	v13 =	vld.idx.msk [tilespmem:v61+s28+$0x0], $0xffff  }
0x325: {  	v62 =	vor.u32 v15, v12;
	_ =	sdelay $0x2  }
0x326: {  	v12 =	vmul.u32 $0x88, v16  }
0x327: {  	[tilespmem:s13+$0x443] =	vst v13  }
0x328: {  	v13 =	vadd.s32 v12, v14;
	v16 =	vld.idx.msk [tilespmem:v62+s28+$0x0], $0xffff  }
0x329: {  	v63 =	vor.u32 v15, v13;
	_ =	sdelay $0x2  }
0x32a: {  	v13 =	vmul.u32 $0x88, v17  }
0x32b: {  	[tilespmem:s13+$0x453] =	vst v16  }
0x32c: {  	v14 =	vadd.s32 v13, v14;
	v16 =	vld.idx.msk [tilespmem:v63+s28+$0x0], $0xffff  }
0x32d: {  	v14 =	vor.u32 v15, v14;
	_ =	sdelay $0x1  }
0x32e: {  	s18 =	simm.s32 $0x1  }
0x32f: {  	v15 =	vmov s18  }
0x330: {  	[tilespmem:s13+$0x463] =	vst v16;
	v16 =	vand.u32 $0x78, v15  }
0x331: {  	v15 =	vand.u32 $0x7, v15;
	v14 =	vld.idx.msk [tilespmem:v14+s28+$0x0], $0xffff;
	v17 =	vadd.s32 v7, v16  }
0x332: {  	v17 =	vor.u32 v15, v17;
	_ =	sdelay $0x3  }
0x333: {  	[tilespmem:s13+$0x470] =	vst v14  }
0x334: {  	v14 =	vld.idx.msk [tilespmem:v17+s28+$0x0], $0xffff;
	v17 =	vadd.s32 v8, v16  }
0x335: {  	v17 =	vor.u32 v15, v17;
	_ =	sdelay $0x1  }
0x336: {  	s19 =	sand.u32 $0x380, s12  }
0x337: {  	s17 =	sadd.s32 s19, s6  }
0x338: {  	[tilespmem:s17+$0x413] =	vst v14  }
0x339: {  	v14 =	vld.idx.msk [tilespmem:v17+s28+$0x0], $0xffff;
	v17 =	vadd.s32 v9, v16  }
0x33a: {  	v17 =	vor.u32 v15, v17;
	_ =	sdelay $0x3  }
0x33b: {  	[tilespmem:s17+$0x423] =	vst v14  }
0x33c: {  	v14 =	vld.idx.msk [tilespmem:v17+s28+$0x0], $0xffff;
	v17 =	vadd.s32 v10, v16  }
0x33d: {  	v17 =	vor.u32 v15, v17;
	_ =	sdelay $0x3  }
0x33e: {  	[tilespmem:s17+$0x433] =	vst v14  }
0x33f: {  	v14 =	vld.idx.msk [tilespmem:v17+s28+$0x0], $0xffff;
	v17 =	vadd.s32 v11, v16  }
0x340: {  	v17 =	vor.u32 v15, v17;
	_ =	sdelay $0x3  }
0x341: {  	[tilespmem:s17+$0x443] =	vst v14  }
0x342: {  	v14 =	vld.idx.msk [tilespmem:v17+s28+$0x0], $0xffff;
	v17 =	vadd.s32 v12, v16  }
0x343: {  	v17 =	vor.u32 v15, v17;
	_ =	sdelay $0x3  }
0x344: {  	[tilespmem:s17+$0x453] =	vst v14  }
0x345: {  	v16 =	vadd.s32 v13, v16;
	v14 =	vld.idx.msk [tilespmem:v17+s28+$0x0], $0xffff  }
0x346: {  	v15 =	vor.u32 v15, v16;
	_ =	sdelay $0x2  }
0x347: {  	s15 =	simm.s32 $0x5;
	s18 =	simm.s32 $0x2;
	s13 =	simm.s32 $0x3  }
.LBB2_21:
0x348: {  	p1 =	sne.s32 s15, $0x7F;
	v16 =	vmov s18;
	[tilespmem:s17+$0x463] =	vst v14  }
0x349: {  	v14 =	vand.u32 $0x78, v16;
	v15 =	vld.idx.msk [tilespmem:v15+s28+$0x0], $0xffff  }
0x34a: {  	v16 =	vand.u32 $0x6, v16;
	v17 =	vadd.s32 v7, v14  }
0x34b: {  	v17 =	vor.u32 v16, v17;
	_ =	sdelay $0x3  }
0x34c: {  	[tilespmem:s17+$0x470] =	vst v15  }
0x34d: {  	v15 =	vld.idx.msk [tilespmem:v17+s28+$0x0], $0xffff  }
0x34e: {  	s11 =	sadd.s32 $0x800, s11;
	v17 =	vadd.s32 v8, v14  }
0x34f: {  	s12 =	sadd.s32 $0x100, s12;
	s6 =	sand.u32 $0x1E000, s11;
	v17 =	vor.u32 v16, v17  }
0x350: {  	s6 =	sshrl.u32 s6, $0x2;
	s17 =	sadd.s32 $0xFFFFFF80, s12  }
0x351: {  	s18 =	sand.u32 $0x300, s17;
	s17 =	sadd.s32 $0x5100, s6  }
0x352: {  	s18 =	sadd.s32 s18, s17  }
0x353: {  	[tilespmem:s18+$0x413] =	vst v15  }
0x354: {  	v15 =	vld.idx.msk [tilespmem:v17+s28+$0x0], $0xffff  }
0x355: {  	v17 =	vadd.s32 v9, v14  }
0x356: {  	v17 =	vor.u32 v16, v17;
	_ =	sdelay $0x3  }
0x357: {  	[tilespmem:s18+$0x423] =	vst v15  }
0x358: {  	v15 =	vld.idx.msk [tilespmem:v17+s28+$0x0], $0xffff  }
0x359: {  	v17 =	vadd.s32 v10, v14  }
0x35a: {  	v17 =	vor.u32 v16, v17;
	_ =	sdelay $0x3  }
0x35b: {  	[tilespmem:s18+$0x433] =	vst v15  }
0x35c: {  	v15 =	vld.idx.msk [tilespmem:v17+s28+$0x0], $0xffff  }
0x35d: {  	v17 =	vadd.s32 v11, v14  }
0x35e: {  	v17 =	vor.u32 v16, v17;
	_ =	sdelay $0x3  }
0x35f: {  	[tilespmem:s18+$0x443] =	vst v15  }
0x360: {  	v15 =	vld.idx.msk [tilespmem:v17+s28+$0x0], $0xffff  }
0x361: {  	v17 =	vadd.s32 v12, v14  }
0x362: {  	v17 =	vor.u32 v16, v17;
	_ =	sdelay $0x3  }
0x363: {  	[tilespmem:s18+$0x453] =	vst v15  }
0x364: {  	v15 =	vld.idx.msk [tilespmem:v17+s28+$0x0], $0xffff  }
0x365: {  	v14 =	vadd.s32 v13, v14  }
0x366: {  	v14 =	vor.u32 v16, v14;
	_ =	sdelay $0x3  }
0x367: {  	[tilespmem:s18+$0x463] =	vst v15;
	v15 =	vmov s13;
	s13 =	smov.u32 s15  }
0x368: {  	v14 =	vld.idx.msk [tilespmem:v14+s28+$0x0], $0xffff;
	v16 =	vand.u32 $0x78, v15  }
0x369: {  	v15 =	vand.u32 $0x7, v15;
	v17 =	vadd.s32 v7, v16  }
0x36a: {  	v17 =	vor.u32 v15, v17;
	_ =	sdelay $0x3  }
0x36b: {  	[tilespmem:s18+$0x470] =	vst v14  }
0x36c: {  	v14 =	vld.idx.msk [tilespmem:v17+s28+$0x0], $0xffff  }
0x36d: {  	v17 =	vadd.s32 v8, v16  }
0x36e: {  	v17 =	vor.u32 v15, v17;
	_ =	sdelay $0x1  }
0x36f: {  	s6 =	sand.u32 $0x380, s12  }
0x370: {  	s17 =	sadd.s32 s6, s17  }
0x371: {  	[tilespmem:s17+$0x413] =	vst v14  }
0x372: {  	v14 =	vld.idx.msk [tilespmem:v17+s28+$0x0], $0xffff  }
0x373: {  	v17 =	vadd.s32 v9, v16  }
0x374: {  	v17 =	vor.u32 v15, v17;
	_ =	sdelay $0x3  }
0x375: {  	[tilespmem:s17+$0x423] =	vst v14  }
0x376: {  	v14 =	vld.idx.msk [tilespmem:v17+s28+$0x0], $0xffff  }
0x377: {  	v17 =	vadd.s32 v10, v16  }
0x378: {  	v17 =	vor.u32 v15, v17;
	_ =	sdelay $0x3  }
0x379: {  	[tilespmem:s17+$0x433] =	vst v14  }
0x37a: {  	v14 =	vld.idx.msk [tilespmem:v17+s28+$0x0], $0xffff  }
0x37b: {  	v17 =	vadd.s32 v11, v16  }
0x37c: {  	v17 =	vor.u32 v15, v17;
	_ =	sdelay $0x3  }
0x37d: {  	[tilespmem:s17+$0x443] =	vst v14  }
0x37e: {  	v14 =	vld.idx.msk [tilespmem:v17+s28+$0x0], $0xffff  }
0x37f: {  	v17 =	vadd.s32 v12, v16  }
0x380: {  	v17 =	vor.u32 v15, v17;
	_ =	sdelay $0x3  }
0x381: {  	[tilespmem:s17+$0x453] =	vst v14  }
0x382: {  	v14 =	vld.idx.msk [tilespmem:v17+s28+$0x0], $0xffff  }
.Ltmp11:
0x383: {  	v16 =	vadd.s32 v13, v16;
	(pc) =	sbr.rel @p1 .LBB2_21-.Ltmp11, $2  }
0x384: {  	v15 =	vor.u32 v15, v16;
	_ =	sdelay $0x2  }
0x385: {  	s15 =	sadd.s32 $0x2, s15;
	s18 =	sadd.s32 $0xFFFFFFFF, s13  }
0x386: {  	_ =	sdelay $0x1  }
0x387: {  	v16 =	vmov s18  }
0x388: {  	[tilespmem:s17+$0x463] =	vst v14;
	v56 =	vand.u32 $0x78, v16  }
0x389: {  	v15 =	vld.idx.msk [tilespmem:v15+s28+$0x0], $0xffff;
	v16 =	vand.u32 $0x6, v16;
	v17 =	vadd.s32 v7, v56  }
0x38a: {  	v17 =	vor.u32 v16, v17;
	_ =	sdelay $0x3  }
0x38b: {  	[tilespmem:s17+$0x470] =	vst v15  }
0x38c: {  	s6 =	sadd.s32 $0x800, s11;
	v57 =	vadd.s32 v8, v56;
	v15 =	vld.idx.msk [tilespmem:v17+s28+$0x0], $0xffff  }
0x38d: {  	s19 =	sadd.s32 $0x100, s12;
	s6 =	sand.u32 $0x1E000, s6;
	v17 =	vor.u32 v16, v57  }
0x38e: {  	s12 =	sadd.s32 $0xFFFFFF80, s19;
	s6 =	sshrl.u32 s6, $0x2  }
0x38f: {  	s12 =	sand.u32 $0x300, s12;
	s6 =	sadd.s32 $0x5100, s6  }
0x390: {  	s12 =	sadd.s32 s12, s6  }
0x391: {  	[tilespmem:s12+$0x413] =	vst v15  }
0x392: {  	v58 =	vadd.s32 v9, v56;
	v15 =	vld.idx.msk [tilespmem:v17+s28+$0x0], $0xffff  }
0x393: {  	v17 =	vor.u32 v16, v58;
	_ =	sdelay $0x3  }
0x394: {  	[tilespmem:s12+$0x423] =	vst v15  }
0x395: {  	v59 =	vadd.s32 v10, v56;
	v15 =	vld.idx.msk [tilespmem:v17+s28+$0x0], $0xffff  }
0x396: {  	v17 =	vor.u32 v16, v59;
	_ =	sdelay $0x3  }
0x397: {  	[tilespmem:s12+$0x433] =	vst v15  }
0x398: {  	v60 =	vadd.s32 v11, v56;
	v15 =	vld.idx.msk [tilespmem:v17+s28+$0x0], $0xffff  }
0x399: {  	v17 =	vor.u32 v16, v60;
	_ =	sdelay $0x3  }
0x39a: {  	[tilespmem:s12+$0x443] =	vst v15  }
0x39b: {  	v61 =	vadd.s32 v12, v56;
	v15 =	vld.idx.msk [tilespmem:v17+s28+$0x0], $0xffff  }
0x39c: {  	v17 =	vor.u32 v16, v61;
	_ =	sdelay $0x3  }
0x39d: {  	[tilespmem:s12+$0x453] =	vst v15  }
0x39e: {  	v14 =	vadd.s32 v13, v56;
	v15 =	vld.idx.msk [tilespmem:v17+s28+$0x0], $0xffff  }
0x39f: {  	v14 =	vor.u32 v16, v14;
	_ =	sdelay $0x2  }
0x3a0: {  	v62 =	vmov s13  }
0x3a1: {  	v63 =	vand.u32 $0x78, v62;
	[tilespmem:s12+$0x463] =	vst v15  }
0x3a2: {  	v7 =	vadd.s32 v7, v63;
	v16 =	vand.u32 $0x7, v62;
	v14 =	vld.idx.msk [tilespmem:v14+s28+$0x0], $0xffff  }
0x3a3: {  	v7 =	vor.u32 v16, v7;
	_ =	sdelay $0x3  }
0x3a4: {  	[tilespmem:s12+$0x470] =	vst v14  }
0x3a5: {  	v8 =	vadd.s32 v8, v63;
	v7 =	vld.idx.msk [tilespmem:v7+s28+$0x0], $0xffff  }
0x3a6: {  	v8 =	vor.u32 v16, v8;
	_ =	sdelay $0x1  }
0x3a7: {  	s11 =	sand.u32 $0x380, s19  }
0x3a8: {  	s6 =	sadd.s32 s11, s6  }
0x3a9: {  	[tilespmem:s6+$0x413] =	vst v7  }
0x3aa: {  	v7 =	vld.idx.msk [tilespmem:v8+s28+$0x0], $0xffff;
	v8 =	vadd.s32 v9, v63  }
0x3ab: {  	v8 =	vor.u32 v16, v8;
	_ =	sdelay $0x3  }
0x3ac: {  	[tilespmem:s6+$0x423] =	vst v7  }
0x3ad: {  	v7 =	vld.idx.msk [tilespmem:v8+s28+$0x0], $0xffff;
	v8 =	vadd.s32 v10, v63  }
0x3ae: {  	v8 =	vor.u32 v16, v8;
	_ =	sdelay $0x3  }
0x3af: {  	[tilespmem:s6+$0x433] =	vst v7  }
0x3b0: {  	v7 =	vld.idx.msk [tilespmem:v8+s28+$0x0], $0xffff;
	v8 =	vadd.s32 v11, v63  }
0x3b1: {  	v8 =	vor.u32 v16, v8;
	_ =	sdelay $0x3  }
0x3b2: {  	[tilespmem:s6+$0x443] =	vst v7  }
0x3b3: {  	v7 =	vld.idx.msk [tilespmem:v8+s28+$0x0], $0xffff;
	v8 =	vadd.s32 v12, v63  }
0x3b4: {  	v8 =	vor.u32 v16, v8;
	_ =	sdelay $0x3  }
0x3b5: {  	[tilespmem:s6+$0x453] =	vst v7  }
0x3b6: {  	v7 =	vld.idx.msk [tilespmem:v8+s28+$0x0], $0xffff;
	v8 =	vadd.s32 v13, v63  }
0x3b7: {  	v8 =	vor.u32 v16, v8;
	_ =	sdelay $0x3  }
0x3b8: {  	[tilespmem:s6+$0x463] =	vst v7  }
0x3b9: {  	v7 =	vld.idx.msk [tilespmem:v8+s28+$0x0], $0xffff  }
0x3ba: {  	p1 =	seq.s32 s20, $0x31  }
.Ltmp12:
0x3bb: {  	_ = 	snop;
	(pc) =	sbr.rel @p1 .LBB2_25-.Ltmp12, $3  }
0x3bc: {  	_ =	sdelay $0x1  }
0x3bd: {  	s20 =	sadd.s32 $0x1, s20;
	[tilespmem:s6+$0x470] =	vst v7  }
0x3be: {  	[hbm4b:s10+s3] =	stream.linear.scatter [tilespmem:s29], [sflag:$0x6], $0x8000, $0x38;
	[tilespmem:$0x1C650] =	vst v63  }
0x3bf: {  	s6 =	sshll.u32 s20, $0xE;
	s12 =	rddreg [dreg:$0x4]  }
0x3c0: {  	s11 =	smul.u32 $0x1B4000, s20;
	s6 =	sor.u32 s12, s6  }
0x3c1: {  	s6 =	sshrl.u32 s6, $0x3  }
0x3c2: {  	s10 =	simm.s32 $0x0;
	s18 =	sor.u32 s12, s11;
	s6 =	sadd.s32 s4, s6  }
0x3c3: {  	[tilespmem:s10], [sflag:$0x1] =	stream.linear.gather [hbm4b:s6+s10], $0x80, $0x38;
	[tilespmem:$0x1C650] =	vst v63  }
0x3c4: {  	s6 =	sshrl.u32 s18, $0x3  }
0x3c5: {  	s19 =	simm.s32 $0x15100;
	s11 =	simm.s32 $0x220;
	s10 =	sadd.s32 s5, s6  }
0x3c6: {  	[tilespmem:s19], [sflag:$0x3] =	stream.linear.gather [hbm4b:s10+s3], $0x80, $0x38;
	[tilespmem:$0x1C650] =	vst v63  }
.LBB2_24:
0x3c7: {  	p2 =	sne.s32 s11, $0xE580  }
.Ltmp13:
0x3c8: {  	_ = 	snop;
	(pc) =	sbr.rel @p2 .LBB2_24-.Ltmp13, $4  }
0x3c9: {  	_ = 	snop  }
0x3ca: {  	s6 =	sshra.s32 s11, $0x2;
	s11 =	sadd.s32 $0x220, s11  }
0x3cb: {  	s10 =	sadd.s32 $0x800, s10;
	s6 =	sadd.s32 $0x15100, s6  }
0x3cc: {  	[tilespmem:s6], [sflag:$0x3] =	stream.linear.gather [hbm4b:s10+s3], $0x80, $0x38;
	[tilespmem:$0x1C650] =	vst v63  }
.LBB2_25:
0x3cd: {  	_ =	swait.ge [sflag:s24], $0x5000  }
0x3ce: {  	[sflag:s24] =	ssyncset.done $0x0  }
0x3cf: {  	[sflag:s24] =	ssyncadd.s32 $0xFFFFB000  }
0x3d0: {  	_ =	swait.ge [sflag:s30], $0x3680  }
0x3d1: {  	[sflag:s30] =	ssyncset.done $0x0  }
0x3d2: {  	[sflag:s30] =	ssyncadd.s32 $0xFFFFC980  }
0x3d3: {  	_ =	swait.ge [sflag:s9], $0x8000  }
0x3d4: {  	[sflag:s9] =	ssyncset.done $0x0  }
0x3d5: {  	s11 =	simm.s32 $0x1A0;
	[sflag:s9] =	ssyncadd.s32 $0xFFFF8000  }
0x3d6: {  	v7 =	vld [tilespmem:s11+$0xFFFFFF60]  }
0x3d7: {  	s12 =	simm.s32 $0x0  }
0x3d8: {  	s10 =	simm.s32 $0x0;
	s6 =	sand.u32 $0x7800, s12  }
0x3d9: {  	s10 =	sand.u32 $0x300, s10;
	s6 =	sadd.s32 $0xD100, s6  }
0x3da: {  	s10 =	sadd.s32 s10, s6  }
0x3db: {  	[tilespmem:s10+$0x0] =	vst v7  }
0x3dc: {  	v7 =	vld [tilespmem:s11+$0xFFFFFF70];
	_ =	sdelay $0x4  }
0x3dd: {  	[tilespmem:s10+$0x10] =	vst v7  }
0x3de: {  	v7 =	vld [tilespmem:s11+$0xFFFFFF80];
	_ =	sdelay $0x4  }
0x3df: {  	[tilespmem:s10+$0x20] =	vst v7  }
0x3e0: {  	v7 =	vld [tilespmem:s11+$0xFFFFFF90];
	_ =	sdelay $0x4  }
0x3e1: {  	[tilespmem:s10+$0x30] =	vst v7  }
0x3e2: {  	v7 =	vld [tilespmem:s11+$0xFFFFFFA0];
	_ =	sdelay $0x4  }
0x3e3: {  	[tilespmem:s10+$0x40] =	vst v7  }
0x3e4: {  	v7 =	vld [tilespmem:s11+$0xFFFFFFB0];
	_ =	sdelay $0x4  }
0x3e5: {  	[tilespmem:s10+$0x50] =	vst v7  }
0x3e6: {  	v7 =	vld [tilespmem:s11+$0xFFFFFFC0];
	_ =	sdelay $0x4  }
0x3e7: {  	[tilespmem:s10+$0x60] =	vst v7  }
0x3e8: {  	v7 =	vld [tilespmem:s11+$0xFFFFFFD0];
	_ =	sdelay $0x4  }
0x3e9: {  	[tilespmem:s10+$0x70] =	vst v7  }
0x3ea: {  	v7 =	vld [tilespmem:s11+$0xFFFFFFE0];
	_ =	sdelay $0x4  }
0x3eb: {  	[tilespmem:s10+$0x400] =	vst v7  }
0x3ec: {  	v7 =	vld [tilespmem:s11+$0xFFFFFFE3];
	_ =	sdelay $0x4  }
0x3ed: {  	[tilespmem:s10+$0x403] =	vst v7  }
0x3ee: {  	v7 =	vld [tilespmem:s11+$0x0];
	_ =	sdelay $0x1  }
0x3ef: {  	s18 =	simm.s32 $0x80  }
0x3f0: {  	s10 =	sand.u32 $0x380, s18  }
0x3f1: {  	s15 =	sadd.s32 s10, s6  }
0x3f2: {  	[tilespmem:s15+$0x0] =	vst v7  }
0x3f3: {  	v7 =	vld [tilespmem:s11+$0x10];
	_ =	sdelay $0x4  }
0x3f4: {  	[tilespmem:s15+$0x10] =	vst v7  }
0x3f5: {  	v7 =	vld [tilespmem:s11+$0x20];
	_ =	sdelay $0x4  }
0x3f6: {  	[tilespmem:s15+$0x20] =	vst v7  }
0x3f7: {  	v7 =	vld [tilespmem:s11+$0x30];
	_ =	sdelay $0x4  }
0x3f8: {  	[tilespmem:s15+$0x30] =	vst v7  }
0x3f9: {  	v7 =	vld [tilespmem:s11+$0x40];
	_ =	sdelay $0x4  }
0x3fa: {  	[tilespmem:s15+$0x40] =	vst v7  }
0x3fb: {  	v7 =	vld [tilespmem:s11+$0x50];
	_ =	sdelay $0x4  }
0x3fc: {  	[tilespmem:s15+$0x50] =	vst v7  }
0x3fd: {  	v7 =	vld [tilespmem:s11+$0x60];
	_ =	sdelay $0x4  }
0x3fe: {  	[tilespmem:s15+$0x60] =	vst v7  }
0x3ff: {  	v7 =	vld [tilespmem:s11+$0x70];
	_ =	sdelay $0x4  }
0x400: {  	[tilespmem:s15+$0x70] =	vst v7  }
0x401: {  	v7 =	vld [tilespmem:s11+$0x80];
	_ =	sdelay $0x2  }
0x402: {  	s19 =	rddreg [dreg:$0xd]  }
0x403: {  	s6 =	sor.u32 s19, s22  }
0x404: {  	s6 =	sshrl.u32 s6, $0x3;
	[tilespmem:s15+$0x400] =	vst v7  }
0x405: {  	s13 =	simm.s32 $0x180;
	s10 =	sadd.s32 s1, s6;
	v7 =	vld [tilespmem:s11+$0x83]  }
.LBB2_26:
0x406: {  	_ =	sdelay $0x3  }
0x407: {  	p2 =	sne.s32 s13, $0x3F80;
	s12 =	sadd.s32 $0x200, s12;
	s11 =	sadd.s32 $0x140, s11;
	[tilespmem:s15+$0x403] =	vst v7  }
0x408: {  	s15 =	smov.u32 s13;
	s13 =	sadd.s32 $0x100, s13;
	v7 =	vld [tilespmem:s11+$0xFFFFFF60];
	_ =	sdelay $0x1  }
0x409: {  	s6 =	sand.u32 $0x7800, s12;
	s17 =	sadd.s32 $0xFFFFFF80, s15  }
0x40a: {  	s18 =	sand.u32 $0x300, s17;
	s17 =	sadd.s32 $0xD100, s6  }
0x40b: {  	s18 =	sadd.s32 s18, s17  }
0x40c: {  	[tilespmem:s18+$0x0] =	vst v7  }
0x40d: {  	v7 =	vld [tilespmem:s11+$0xFFFFFF70];
	_ =	sdelay $0x4  }
0x40e: {  	[tilespmem:s18+$0x10] =	vst v7  }
0x40f: {  	v7 =	vld [tilespmem:s11+$0xFFFFFF80];
	_ =	sdelay $0x4  }
0x410: {  	[tilespmem:s18+$0x20] =	vst v7  }
0x411: {  	v7 =	vld [tilespmem:s11+$0xFFFFFF90];
	_ =	sdelay $0x4  }
0x412: {  	[tilespmem:s18+$0x30] =	vst v7  }
0x413: {  	v7 =	vld [tilespmem:s11+$0xFFFFFFA0];
	_ =	sdelay $0x4  }
0x414: {  	[tilespmem:s18+$0x40] =	vst v7  }
0x415: {  	v7 =	vld [tilespmem:s11+$0xFFFFFFB0];
	_ =	sdelay $0x4  }
0x416: {  	[tilespmem:s18+$0x50] =	vst v7  }
0x417: {  	v7 =	vld [tilespmem:s11+$0xFFFFFFC0];
	_ =	sdelay $0x4  }
0x418: {  	[tilespmem:s18+$0x60] =	vst v7  }
0x419: {  	v7 =	vld [tilespmem:s11+$0xFFFFFFD0];
	_ =	sdelay $0x4  }
0x41a: {  	[tilespmem:s18+$0x70] =	vst v7  }
0x41b: {  	v7 =	vld [tilespmem:s11+$0xFFFFFFE0];
	_ =	sdelay $0x4  }
0x41c: {  	[tilespmem:s18+$0x400] =	vst v7  }
0x41d: {  	v7 =	vld [tilespmem:s11+$0xFFFFFFE3];
	_ =	sdelay $0x4  }
0x41e: {  	[tilespmem:s18+$0x403] =	vst v7  }
0x41f: {  	v7 =	vld [tilespmem:s11+$0x0];
	_ =	sdelay $0x2  }
0x420: {  	s6 =	sand.u32 $0x380, s15  }
0x421: {  	s15 =	sadd.s32 s6, s17  }
0x422: {  	[tilespmem:s15+$0x0] =	vst v7  }
0x423: {  	v7 =	vld [tilespmem:s11+$0x10];
	_ =	sdelay $0x4  }
0x424: {  	[tilespmem:s15+$0x10] =	vst v7  }
0x425: {  	v7 =	vld [tilespmem:s11+$0x20];
	_ =	sdelay $0x4  }
0x426: {  	[tilespmem:s15+$0x20] =	vst v7  }
0x427: {  	v7 =	vld [tilespmem:s11+$0x30];
	_ =	sdelay $0x4  }
0x428: {  	[tilespmem:s15+$0x30] =	vst v7  }
0x429: {  	v7 =	vld [tilespmem:s11+$0x40];
	_ =	sdelay $0x4  }
0x42a: {  	[tilespmem:s15+$0x40] =	vst v7  }
0x42b: {  	v7 =	vld [tilespmem:s11+$0x50];
	_ =	sdelay $0x4  }
0x42c: {  	[tilespmem:s15+$0x50] =	vst v7  }
0x42d: {  	v7 =	vld [tilespmem:s11+$0x60];
	_ =	sdelay $0x4  }
0x42e: {  	[tilespmem:s15+$0x60] =	vst v7  }
0x42f: {  	v7 =	vld [tilespmem:s11+$0x70];
	_ =	sdelay $0x4  }
0x430: {  	[tilespmem:s15+$0x70] =	vst v7  }
0x431: {  	v7 =	vld [tilespmem:s11+$0x80];
	_ =	sdelay $0x1  }
.Ltmp14:
0x432: {  	(pc) =	sbr.rel @p2 .LBB2_26-.Ltmp14, $3  }
0x433: {  	_ =	sdelay $0x1  }
0x434: {  	[tilespmem:s15+$0x400] =	vst v7  }
0x435: {  	v7 =	vld [tilespmem:s11+$0x83]  }
0x436: {  	_ =	sdelay $0x3  }
0x437: {  	s6 =	simm.s32 @!p1 $0x1;
	[tilespmem:s15+$0x403] =	vst v7  }
0x438: {  	_ =	swait.ge @!p1 [sflag:s6], $0x80  }
0x439: {  	s11 =	simm.s32 @!p1 $0x0;
	[sflag:s6] =	ssyncset.done @!p1 $0x0  }
0x43a: {  	s12 =	simm.s32 @!p1 $0x100;
	[sflag:s6] =	ssyncadd.s32 @!p1 $0xFFFFFF80;
	s6 =	simm.s32 @!p1 $0x80  }
0x43b: {  	[tilespmem:s12], [sflag:$0x5] =	stream.indirect.gather @!p1 [spmem:s2], $0xA0, s11, s6, $0xb8;
	[tilespmem:$0x1C650] =	vst v63  }
0x43c: {  	v7 =	vld [tilespmem:$0x1C4D0];
	_ =	sdelay $0x3  }
0x43d: {  	s17 =	simm.s32 $0x0  }
0x43e: {  	v8 =	vmov s17;
	v7 =	vmul.u32 $0x88, v7  }
0x43f: {  	v14 =	vand.u32 $0x78, v8;
	v9 =	vld [tilespmem:$0x1C4E0]  }
0x440: {  	v15 =	vand.u32 $0x6, v8;
	v8 =	vadd.s32 v7, v14  }
0x441: {  	v10 =	vor.u32 v15, v8;
	_ =	sdelay $0x2  }
0x442: {  	v8 =	vmul.u32 $0x88, v9  }
0x443: {  	v9 =	vld [tilespmem:$0x1C4F0]  }
0x444: {  	s11 =	simm.s32 $0x0;
	v11 =	vadd.s32 v8, v14;
	v10 =	vld.idx.msk [tilespmem:v10+s31+$0x0], $0xffff  }
0x445: {  	s18 =	sand.u32 $0x1E000, s11;
	v11 =	vor.u32 v15, v11  }
0x446: {  	s19 =	simm.s32 $0x0;
	v12 =	vld [tilespmem:$0x1C500];
	s6 =	sshrl.u32 s18, $0x2  }
0x447: {  	s12 =	sand.u32 $0x300, s19;
	v13 =	vld [tilespmem:$0x1C510];
	s6 =	sadd.s32 $0xD100, s6  }
0x448: {  	v16 =	vld [tilespmem:$0x1C520];
	s12 =	sadd.s32 s12, s6;
	v9 =	vmul.u32 $0x88, v9  }
0x449: {  	v17 =	vld [tilespmem:$0x1C530];
	[tilespmem:s12+$0x413] =	vst v10  }
0x44a: {  	v10 =	vadd.s32 v9, v14;
	v11 =	vld.idx.msk [tilespmem:v11+s31+$0x0], $0xffff  }
0x44b: {  	v18 =	vor.u32 v15, v10;
	_ =	sdelay $0x2  }
0x44c: {  	v10 =	vmul.u32 $0x88, v12  }
0x44d: {  	[tilespmem:s12+$0x423] =	vst v11  }
0x44e: {  	v11 =	vadd.s32 v10, v14;
	v12 =	vld.idx.msk [tilespmem:v18+s31+$0x0], $0xffff  }
0x44f: {  	v61 =	vor.u32 v15, v11;
	_ =	sdelay $0x2  }
0x450: {  	v11 =	vmul.u32 $0x88, v13  }
0x451: {  	[tilespmem:s12+$0x433] =	vst v12  }
0x452: {  	v12 =	vadd.s32 v11, v14;
	v13 =	vld.idx.msk [tilespmem:v61+s31+$0x0], $0xffff  }
0x453: {  	v62 =	vor.u32 v15, v12;
	_ =	sdelay $0x2  }
0x454: {  	v12 =	vmul.u32 $0x88, v16  }
0x455: {  	[tilespmem:s12+$0x443] =	vst v13  }
0x456: {  	v13 =	vadd.s32 v12, v14;
	v16 =	vld.idx.msk [tilespmem:v62+s31+$0x0], $0xffff  }
0x457: {  	v63 =	vor.u32 v15, v13;
	_ =	sdelay $0x2  }
0x458: {  	v13 =	vmul.u32 $0x88, v17  }
0x459: {  	[tilespmem:s12+$0x453] =	vst v16  }
0x45a: {  	v14 =	vadd.s32 v13, v14;
	v16 =	vld.idx.msk [tilespmem:v63+s31+$0x0], $0xffff  }
0x45b: {  	v14 =	vor.u32 v15, v14;
	_ =	sdelay $0x1  }
0x45c: {  	s13 =	simm.s32 $0x1  }
0x45d: {  	v15 =	vmov s13  }
0x45e: {  	[tilespmem:s12+$0x463] =	vst v16;
	v16 =	vand.u32 $0x78, v15  }
0x45f: {  	v15 =	vand.u32 $0x7, v15;
	v14 =	vld.idx.msk [tilespmem:v14+s31+$0x0], $0xffff;
	v17 =	vadd.s32 v7, v16  }
0x460: {  	v17 =	vor.u32 v15, v17;
	_ =	sdelay $0x3  }
0x461: {  	[tilespmem:s12+$0x470] =	vst v14  }
0x462: {  	v14 =	vld.idx.msk [tilespmem:v17+s31+$0x0], $0xffff;
	v17 =	vadd.s32 v8, v16  }
0x463: {  	v17 =	vor.u32 v15, v17  }
0x464: {  	s13 =	simm.s32 $0x80  }
0x465: {  	s22 =	sand.u32 $0x380, s13  }
0x466: {  	s17 =	sadd.s32 s22, s6  }
0x467: {  	[tilespmem:s17+$0x413] =	vst v14  }
0x468: {  	v14 =	vld.idx.msk [tilespmem:v17+s31+$0x0], $0xffff;
	v17 =	vadd.s32 v9, v16  }
0x469: {  	v17 =	vor.u32 v15, v17;
	_ =	sdelay $0x3  }
0x46a: {  	[tilespmem:s17+$0x423] =	vst v14  }
0x46b: {  	v14 =	vld.idx.msk [tilespmem:v17+s31+$0x0], $0xffff;
	v17 =	vadd.s32 v10, v16  }
0x46c: {  	v17 =	vor.u32 v15, v17;
	_ =	sdelay $0x3  }
0x46d: {  	[tilespmem:s17+$0x433] =	vst v14  }
0x46e: {  	v14 =	vld.idx.msk [tilespmem:v17+s31+$0x0], $0xffff;
	v17 =	vadd.s32 v11, v16  }
0x46f: {  	v17 =	vor.u32 v15, v17;
	_ =	sdelay $0x3  }
0x470: {  	[tilespmem:s17+$0x443] =	vst v14  }
0x471: {  	v14 =	vld.idx.msk [tilespmem:v17+s31+$0x0], $0xffff;
	v17 =	vadd.s32 v12, v16  }
0x472: {  	v17 =	vor.u32 v15, v17;
	_ =	sdelay $0x3  }
0x473: {  	[tilespmem:s17+$0x453] =	vst v14  }
0x474: {  	v16 =	vadd.s32 v13, v16;
	v14 =	vld.idx.msk [tilespmem:v17+s31+$0x0], $0xffff  }
0x475: {  	v15 =	vor.u32 v15, v16;
	_ =	sdelay $0x2  }
0x476: {  	s15 =	simm.s32 $0x5;
	s18 =	simm.s32 $0x2;
	s12 =	simm.s32 $0x3  }
.LBB2_28:
0x477: {  	p2 =	sne.s32 s15, $0x7F;
	v16 =	vmov s18;
	[tilespmem:s17+$0x463] =	vst v14  }
0x478: {  	v14 =	vand.u32 $0x78, v16;
	v15 =	vld.idx.msk [tilespmem:v15+s31+$0x0], $0xffff  }
0x479: {  	v16 =	vand.u32 $0x6, v16;
	v17 =	vadd.s32 v7, v14  }
0x47a: {  	v17 =	vor.u32 v16, v17;
	_ =	sdelay $0x3  }
0x47b: {  	[tilespmem:s17+$0x470] =	vst v15  }
0x47c: {  	v15 =	vld.idx.msk [tilespmem:v17+s31+$0x0], $0xffff  }
0x47d: {  	s11 =	sadd.s32 $0x800, s11;
	v17 =	vadd.s32 v8, v14  }
0x47e: {  	s13 =	sadd.s32 $0x100, s13;
	s6 =	sand.u32 $0x1E000, s11;
	v17 =	vor.u32 v16, v17  }
0x47f: {  	s6 =	sshrl.u32 s6, $0x2;
	s17 =	sadd.s32 $0xFFFFFF80, s13  }
0x480: {  	s18 =	sand.u32 $0x300, s17;
	s17 =	sadd.s32 $0xD100, s6  }
0x481: {  	s18 =	sadd.s32 s18, s17  }
0x482: {  	[tilespmem:s18+$0x413] =	vst v15  }
0x483: {  	v15 =	vld.idx.msk [tilespmem:v17+s31+$0x0], $0xffff  }
0x484: {  	v17 =	vadd.s32 v9, v14  }
0x485: {  	v17 =	vor.u32 v16, v17;
	_ =	sdelay $0x3  }
0x486: {  	[tilespmem:s18+$0x423] =	vst v15  }
0x487: {  	v15 =	vld.idx.msk [tilespmem:v17+s31+$0x0], $0xffff  }
0x488: {  	v17 =	vadd.s32 v10, v14  }
0x489: {  	v17 =	vor.u32 v16, v17;
	_ =	sdelay $0x3  }
0x48a: {  	[tilespmem:s18+$0x433] =	vst v15  }
0x48b: {  	v15 =	vld.idx.msk [tilespmem:v17+s31+$0x0], $0xffff  }
0x48c: {  	v17 =	vadd.s32 v11, v14  }
0x48d: {  	v17 =	vor.u32 v16, v17;
	_ =	sdelay $0x3  }
0x48e: {  	[tilespmem:s18+$0x443] =	vst v15  }
0x48f: {  	v15 =	vld.idx.msk [tilespmem:v17+s31+$0x0], $0xffff  }
0x490: {  	v17 =	vadd.s32 v12, v14  }
0x491: {  	v17 =	vor.u32 v16, v17;
	_ =	sdelay $0x3  }
0x492: {  	[tilespmem:s18+$0x453] =	vst v15  }
0x493: {  	v15 =	vld.idx.msk [tilespmem:v17+s31+$0x0], $0xffff  }
0x494: {  	v14 =	vadd.s32 v13, v14  }
0x495: {  	v14 =	vor.u32 v16, v14;
	_ =	sdelay $0x3  }
0x496: {  	[tilespmem:s18+$0x463] =	vst v15;
	v15 =	vmov s12;
	s12 =	smov.u32 s15  }
0x497: {  	v14 =	vld.idx.msk [tilespmem:v14+s31+$0x0], $0xffff;
	v16 =	vand.u32 $0x78, v15  }
0x498: {  	v15 =	vand.u32 $0x7, v15;
	v17 =	vadd.s32 v7, v16  }
0x499: {  	v17 =	vor.u32 v15, v17;
	_ =	sdelay $0x3  }
0x49a: {  	[tilespmem:s18+$0x470] =	vst v14  }
0x49b: {  	v14 =	vld.idx.msk [tilespmem:v17+s31+$0x0], $0xffff  }
0x49c: {  	v17 =	vadd.s32 v8, v16  }
0x49d: {  	v17 =	vor.u32 v15, v17;
	_ =	sdelay $0x1  }
0x49e: {  	s6 =	sand.u32 $0x380, s13  }
0x49f: {  	s17 =	sadd.s32 s6, s17  }
0x4a0: {  	[tilespmem:s17+$0x413] =	vst v14  }
0x4a1: {  	v14 =	vld.idx.msk [tilespmem:v17+s31+$0x0], $0xffff  }
0x4a2: {  	v17 =	vadd.s32 v9, v16  }
0x4a3: {  	v17 =	vor.u32 v15, v17;
	_ =	sdelay $0x3  }
0x4a4: {  	[tilespmem:s17+$0x423] =	vst v14  }
0x4a5: {  	v14 =	vld.idx.msk [tilespmem:v17+s31+$0x0], $0xffff  }
0x4a6: {  	v17 =	vadd.s32 v10, v16  }
0x4a7: {  	v17 =	vor.u32 v15, v17;
	_ =	sdelay $0x3  }
0x4a8: {  	[tilespmem:s17+$0x433] =	vst v14  }
0x4a9: {  	v14 =	vld.idx.msk [tilespmem:v17+s31+$0x0], $0xffff  }
0x4aa: {  	v17 =	vadd.s32 v11, v16  }
0x4ab: {  	v17 =	vor.u32 v15, v17;
	_ =	sdelay $0x3  }
0x4ac: {  	[tilespmem:s17+$0x443] =	vst v14  }
0x4ad: {  	v14 =	vld.idx.msk [tilespmem:v17+s31+$0x0], $0xffff  }
0x4ae: {  	v17 =	vadd.s32 v12, v16  }
0x4af: {  	v17 =	vor.u32 v15, v17;
	_ =	sdelay $0x3  }
0x4b0: {  	[tilespmem:s17+$0x453] =	vst v14  }
0x4b1: {  	v14 =	vld.idx.msk [tilespmem:v17+s31+$0x0], $0xffff  }
.Ltmp15:
0x4b2: {  	v16 =	vadd.s32 v13, v16;
	(pc) =	sbr.rel @p2 .LBB2_28-.Ltmp15, $2  }
0x4b3: {  	v15 =	vor.u32 v15, v16;
	_ =	sdelay $0x2  }
0x4b4: {  	s15 =	sadd.s32 $0x2, s15;
	s18 =	sadd.s32 $0xFFFFFFFF, s12  }
0x4b5: {  	_ =	sdelay $0x1  }
0x4b6: {  	v16 =	vmov s18  }
0x4b7: {  	[tilespmem:s17+$0x463] =	vst v14;
	v56 =	vand.u32 $0x78, v16  }
0x4b8: {  	v15 =	vld.idx.msk [tilespmem:v15+s31+$0x0], $0xffff;
	v16 =	vand.u32 $0x6, v16;
	v17 =	vadd.s32 v7, v56  }
0x4b9: {  	v17 =	vor.u32 v16, v17;
	_ =	sdelay $0x3  }
0x4ba: {  	[tilespmem:s17+$0x470] =	vst v15  }
0x4bb: {  	s6 =	sadd.s32 $0x800, s11;
	v57 =	vadd.s32 v8, v56;
	v15 =	vld.idx.msk [tilespmem:v17+s31+$0x0], $0xffff  }
0x4bc: {  	s22 =	sadd.s32 $0x100, s13;
	s6 =	sand.u32 $0x1E000, s6;
	v17 =	vor.u32 v16, v57  }
0x4bd: {  	s13 =	sadd.s32 $0xFFFFFF80, s22;
	s6 =	sshrl.u32 s6, $0x2  }
0x4be: {  	s13 =	sand.u32 $0x300, s13;
	s6 =	sadd.s32 $0xD100, s6  }
0x4bf: {  	s13 =	sadd.s32 s13, s6  }
0x4c0: {  	[tilespmem:s13+$0x413] =	vst v15  }
0x4c1: {  	v58 =	vadd.s32 v9, v56;
	v15 =	vld.idx.msk [tilespmem:v17+s31+$0x0], $0xffff  }
0x4c2: {  	v17 =	vor.u32 v16, v58;
	_ =	sdelay $0x3  }
0x4c3: {  	[tilespmem:s13+$0x423] =	vst v15  }
0x4c4: {  	v59 =	vadd.s32 v10, v56;
	v15 =	vld.idx.msk [tilespmem:v17+s31+$0x0], $0xffff  }
0x4c5: {  	v17 =	vor.u32 v16, v59;
	_ =	sdelay $0x3  }
0x4c6: {  	[tilespmem:s13+$0x433] =	vst v15  }
0x4c7: {  	v60 =	vadd.s32 v11, v56;
	v15 =	vld.idx.msk [tilespmem:v17+s31+$0x0], $0xffff  }
0x4c8: {  	v17 =	vor.u32 v16, v60;
	_ =	sdelay $0x3  }
0x4c9: {  	[tilespmem:s13+$0x443] =	vst v15  }
0x4ca: {  	v61 =	vadd.s32 v12, v56;
	v15 =	vld.idx.msk [tilespmem:v17+s31+$0x0], $0xffff  }
0x4cb: {  	v17 =	vor.u32 v16, v61;
	_ =	sdelay $0x3  }
0x4cc: {  	[tilespmem:s13+$0x453] =	vst v15  }
0x4cd: {  	v14 =	vadd.s32 v13, v56;
	v15 =	vld.idx.msk [tilespmem:v17+s31+$0x0], $0xffff  }
0x4ce: {  	v14 =	vor.u32 v16, v14;
	_ =	sdelay $0x2  }
0x4cf: {  	v62 =	vmov s12  }
0x4d0: {  	v63 =	vand.u32 $0x78, v62;
	[tilespmem:s13+$0x463] =	vst v15  }
0x4d1: {  	v7 =	vadd.s32 v7, v63;
	v16 =	vand.u32 $0x7, v62;
	v14 =	vld.idx.msk [tilespmem:v14+s31+$0x0], $0xffff  }
0x4d2: {  	v7 =	vor.u32 v16, v7;
	_ =	sdelay $0x3  }
0x4d3: {  	[tilespmem:s13+$0x470] =	vst v14  }
0x4d4: {  	v8 =	vadd.s32 v8, v63;
	v7 =	vld.idx.msk [tilespmem:v7+s31+$0x0], $0xffff  }
0x4d5: {  	v8 =	vor.u32 v16, v8;
	_ =	sdelay $0x1  }
0x4d6: {  	s11 =	sand.u32 $0x380, s22  }
0x4d7: {  	s6 =	sadd.s32 s11, s6  }
0x4d8: {  	[tilespmem:s6+$0x413] =	vst v7  }
0x4d9: {  	v7 =	vld.idx.msk [tilespmem:v8+s31+$0x0], $0xffff;
	v8 =	vadd.s32 v9, v63  }
0x4da: {  	v8 =	vor.u32 v16, v8;
	_ =	sdelay $0x3  }
0x4db: {  	[tilespmem:s6+$0x423] =	vst v7  }
0x4dc: {  	v7 =	vld.idx.msk [tilespmem:v8+s31+$0x0], $0xffff;
	v8 =	vadd.s32 v10, v63  }
0x4dd: {  	v8 =	vor.u32 v16, v8;
	_ =	sdelay $0x3  }
0x4de: {  	[tilespmem:s6+$0x433] =	vst v7  }
0x4df: {  	v7 =	vld.idx.msk [tilespmem:v8+s31+$0x0], $0xffff;
	v8 =	vadd.s32 v11, v63  }
0x4e0: {  	v8 =	vor.u32 v16, v8;
	_ =	sdelay $0x3  }
0x4e1: {  	[tilespmem:s6+$0x443] =	vst v7  }
0x4e2: {  	v7 =	vld.idx.msk [tilespmem:v8+s31+$0x0], $0xffff;
	v8 =	vadd.s32 v12, v63  }
0x4e3: {  	v8 =	vor.u32 v16, v8;
	_ =	sdelay $0x3  }
0x4e4: {  	[tilespmem:s6+$0x453] =	vst v7  }
0x4e5: {  	v7 =	vld.idx.msk [tilespmem:v8+s31+$0x0], $0xffff;
	v8 =	vadd.s32 v13, v63  }
0x4e6: {  	v8 =	vor.u32 v16, v8;
	_ =	sdelay $0x3  }
0x4e7: {  	[tilespmem:s6+$0x463] =	vst v7  }
0x4e8: {  	v7 =	vld.idx.msk [tilespmem:v8+s31+$0x0], $0xffff;
	_ =	sdelay $0x1  }
.Ltmp16:
0x4e9: {  	_ = 	snop;
	(pc) =	sbr.rel @p1 .LBB2_33-.Ltmp16, $3  }
0x4ea: {  	_ =	sdelay $0x1  }
0x4eb: {  	[tilespmem:s6+$0x470] =	vst v7  }
0x4ec: {  	[hbm4b:s10+s3] =	stream.linear.scatter [tilespmem:s0], [sflag:$0x7], $0x8000, $0x38;
	[tilespmem:$0x1C650] =	vst v63  }
0x4ed: {  	s6 =	sshll.u32 s20, $0xE  }
0x4ee: {  	s11 =	smul.u32 $0x1B4000, s20;
	s6 =	sor.u32 s8, s6  }
0x4ef: {  	s6 =	sshrl.u32 s6, $0x3  }
0x4f0: {  	s10 =	simm.s32 $0x0;
	s19 =	sor.u32 s8, s11;
	s6 =	sadd.s32 s4, s6  }
0x4f1: {  	[tilespmem:s21], [sflag:$0x2] =	stream.linear.gather [hbm4b:s6+s10], $0x80, $0x38;
	[tilespmem:$0x1C650] =	vst v63  }
0x4f2: {  	s6 =	sshrl.u32 s19, $0x3  }
0x4f3: {  	s22 =	simm.s32 $0x18AE8;
	s11 =	simm.s32 $0x220;
	s10 =	sadd.s32 s5, s6  }
0x4f4: {  	[tilespmem:s22], [sflag:$0x4] =	stream.linear.gather [hbm4b:s10+s3], $0x80, $0x38;
	[tilespmem:$0x1C650] =	vst v63  }
.LBB2_31:
0x4f5: {  	p1 =	sne.s32 s11, $0xE580  }
.Ltmp17:
0x4f6: {  	_ = 	snop;
	(pc) =	sbr.rel @p1 .LBB2_31-.Ltmp17, $4  }
0x4f7: {  	_ = 	snop  }
0x4f8: {  	s6 =	sshra.s32 s11, $0x2;
	s11 =	sadd.s32 $0x220, s11  }
0x4f9: {  	s10 =	sadd.s32 $0x800, s10;
	s6 =	sadd.s32 $0x18AE8, s6  }
0x4fa: {  	[tilespmem:s6], [sflag:$0x4] =	stream.linear.gather [hbm4b:s10+s3], $0x80, $0x38;
	[tilespmem:$0x1C650] =	vst v63  }
0x4fb: {  	p1 =	sne.s32 s20, $0x32  }
.Ltmp18:
0x4fc: {  	_ = 	snop;
	(pc) =	sbr.rel @p1 .LBB2_6-.Ltmp18, $4  }
.Ltmp19:
0x4fd: {  	_ = 	snop;
	(pc) =	sbr.rel @!p1 .LBB2_33-.Ltmp19, $4  }
0x4fe: {  	_ = 	snop  }
0x4ff: {  	_ = 	snop  }
0x500: {  	_ = 	snop  }
0x501: {  	_ = 	snop  }
.LBB2_34:
0x502: {  	_ =	sfence.sel $0x180000  }
0x503: {  	[bflag:$0x0] =	sbarrier.arrive $0xFFFF  }
0x504: {  	_ =	strace $0x90000047  }
0x505: {  	[bflag:$0x2] =	sbarrier.arrive $0xFFFF  }
0x506: {  	s0 =	rddreg [dreg:$0x3]  }
0x507: {  	s0 =	sadd.s32 @!p0 $0x100000, s0  }
0x508: {  	[sflag:s0] =	ssyncadd.tile.s32 @!p0 $0x1;
	_ =	shalt  }
.Lfunc_end2:
_tile_overlayer_lowered:
.L_overlay_start_2:
0x509: {  	(tag) =	ssettag $0x2  }
0x50a: {  	s0 =	rddreg [dreg:$0x0];
	s2 =	stileid.u32  }
0x50b: {  	s1 =	rddreg [dreg:$0x1];
	p0 =	sne.s32 s2, $0x0  }
0x50c: {  	s3 =	rddreg [dreg:$0x2];
	[bflag:$0x3] =	sbarrier.arrive $0xFFFF;
	s2 =	simm.s32 @!p0 $0x1C08  }
0x50d: {  	[timem:s3], [sflag:s2] =	dma.local @!p0 [hbm:s0], s1  }
0x50e: {  	s0 =	simm.s32 @!p0 $0x8  }
0x50f: {  	_ =	swait.ge @!p0 [sflag:s0], s1  }
0x510: {  	s1 =	ssub.s32 @!p0 $0x0, s1;
	[sflag:s0] =	ssyncset.done @!p0 $0x0  }
0x511: {  	[sflag:s0] =	ssyncadd.s32 @!p0 s1  }
0x512: {  	[bflag:$0x3] =	sbarrier.arrive $0xFFFF  }
0x513: {  	_ =	shalt  }

</sc_bundles>
